<compile_context>
chip_gen: v7x
topology: tpu7x:2x2x1
jax: 0.10.2.dev20260603
libtpu: 0.0.44.dev20260713+nightly
codegen_flags: <defaults>
</compile_context>

<pallas_src>
import jax
import jax.numpy as jnp
from jax import lax
from jax.experimental import pallas as pl
from jax.experimental.pallas import tpu as pltpu
from jax.experimental.pallas import tpu_sc as plsc

_BATCH = 16384
_VOCAB = 1024
_D = 2048
_NC = 2
_NS = 16
_NW = _NC * _NS
_BPW = _BATCH // _NW
_G = 8
_NG = _BPW // _G
_RNE = 8388608.0


def _quant(a, b):
    ra = ((a * float(_VOCAB)) + _RNE) - _RNE
    rb = ((b * float(_VOCAB)) + _RNE) - _RNE
    s = (ra.astype(jnp.int32) + rb.astype(jnp.int32)) >> 1
    return jnp.minimum(s, _VOCAB - 1)


def _sc_body(pp_hbm, row_hbm, col_hbm, out_hbm,
             pp_v, idx_r, idx_c, row0, col0, row1, col1, row2, col2,
             ob0, ob1, ob2, sem0, sem1, sem2, ssem0, ssem1, ssem2):
    wid = lax.axis_index("s") * _NC + lax.axis_index("c")
    base = wid * _BPW
    for comp in range(4):
        pltpu.sync_copy(pp_hbm.at[comp, pl.ds(base, _BPW)], pp_v.at[comp])

    def idx_body(i, c):
        sl = pl.ds(i * 16, 16)
        idx_r[sl] = _quant(pp_v[0, sl], pp_v[1, sl])
        idx_c[sl] = _quant(pp_v[2, sl], pp_v[3, sl])
        return c
    lax.fori_loop(0, _BPW // 16, idx_body, 0)

    gbufs = ((row0, col0, sem0), (row1, col1, sem1), (row2, col2, sem2))
    obufs = ((ob0, ssem0), (ob1, ssem1), (ob2, ssem2))

    def fire(g, slot):
        rb, cb, sem = gbufs[slot]
        isl = pl.ds(g * _G, _G)
        pltpu.async_copy(row_hbm.at[idx_r.at[isl]], rb, sem)
        pltpu.async_copy(col_hbm.at[idx_c.at[isl]], cb, sem)

    def drain(slot):
        rb, cb, sem = gbufs[slot]
        dsl = pl.ds(0, _G)
        pltpu.make_async_copy(row_hbm.at[idx_r.at[dsl]], rb, sem).wait()
        pltpu.make_async_copy(col_hbm.at[idx_c.at[dsl]], cb, sem).wait()

    def drain_store(slot):
        ob, ssem = obufs[slot]
        pltpu.make_async_copy(out_hbm.at[pl.ds(0, _G)], ob, ssem).wait()

    def add(slot):
        rb, cb, _ = gbufs[slot]
        ob, _ = obufs[slot]
        for i in range(_G):
            @plsc.parallel_loop(0, _D // 32, unroll=4)
            def add_row(j, i=i, rb=rb, cb=cb, ob=ob):
                sl = pl.ds(j * 16, 16)
                r = plsc.bitcast(rb[i, sl], jnp.bfloat16)
                c = plsc.bitcast(cb[i, sl], jnp.bfloat16)
                s = r + c
                v = plsc.bitcast(s, jnp.int32)
                lo = plsc.bitcast(v << 16, jnp.float32)
                hi = plsc.bitcast(v & jnp.int32(-65536), jnp.float32)
                ob[i, pl.ds(j * 32, 16)] = lo
                ob[i, pl.ds(j * 32 + 16, 16)] = hi

    def store(g, slot):
        ob, ssem = obufs[slot]
        pltpu.async_copy(ob, out_hbm.at[pl.ds(base + g * _G, _G)], ssem)

    fire(0, 0)
    fire(1, 1)

    def pipe_body(it, c):
        g0 = it * 3
        for k in range(3):
            g = g0 + k

            @pl.when(g < _NG)
            def _(g=g, k=k):
                @pl.when(g + 2 < _NG)
                def _():
                    fire(g + 2, (k + 2) % 3)
                drain(k)

                @pl.when(g >= 3)
                def _():
                    drain_store(k)
                add(k)
                store(g, k)
        return c
    lax.fori_loop(0, (_NG + 2) // 3, pipe_body, 0)

    drain_store(0)
    drain_store(1)
    drain_store(2)


@jax.jit
def _run(pp4, row_bf, col_bf):
    mesh = plsc.VectorSubcoreMesh(core_axis_name="c", subcore_axis_name="s")
    f = pl.kernel(
        _sc_body,
        mesh=mesh,
        compiler_params=pltpu.CompilerParams(needs_layout_passes=False),
        out_type=jax.ShapeDtypeStruct((_BATCH, _D), jnp.float32),
        scratch_types=[
            pltpu.VMEM((4, _BPW), jnp.float32),
            pltpu.VMEM((_BPW,), jnp.int32),
            pltpu.VMEM((_BPW,), jnp.int32),
            pltpu.VMEM((_G, _D // 2), jnp.int32),
            pltpu.VMEM((_G, _D // 2), jnp.int32),
            pltpu.VMEM((_G, _D // 2), jnp.int32),
            pltpu.VMEM((_G, _D // 2), jnp.int32),
            pltpu.VMEM((_G, _D // 2), jnp.int32),
            pltpu.VMEM((_G, _D // 2), jnp.int32),
            pltpu.VMEM((_G, _D), jnp.float32),
            pltpu.VMEM((_G, _D), jnp.float32),
            pltpu.VMEM((_G, _D), jnp.float32),
            pltpu.SemaphoreType.DMA,
            pltpu.SemaphoreType.DMA,
            pltpu.SemaphoreType.DMA,
            pltpu.SemaphoreType.DMA,
            pltpu.SemaphoreType.DMA,
            pltpu.SemaphoreType.DMA,
        ],
    )
    return f(pp4, row_bf, col_bf)


def _prep_table(t):
    b = lax.bitcast_convert_type(t.astype(jnp.bfloat16), jnp.uint16)
    b = b.reshape(_VOCAB, _D // 32, 2, 16).astype(jnp.uint32)
    words = b[:, :, 0, :] | (b[:, :, 1, :] << 16)
    return lax.bitcast_convert_type(words.reshape(_VOCAB, _D // 2), jnp.int32)


def kernel(patch_pos, row_embedding, column_embedding, eval=1):
    del eval
    pp4 = jnp.transpose(patch_pos, (2, 1, 0)).reshape(4, _BATCH)
    return _run(pp4, _prep_table(row_embedding), _prep_table(column_embedding))

# --- scband reference (transcript-rebuilt; emitter-appended) ---
"""Pipeline reference for scband-embeddings-34402688041025 (READ-ONLY COPY).

The authoritative reference and input builder live on the scoring server;
editing this copy changes nothing except your own understanding.
"""

import jax, jax.numpy as jnp
import numpy as np

BATCH = 16384
VOCAB_SIZE = 1024
EMBED_DIM = 2048


def setup_inputs(seed: int = 0) -> dict:
    key = jax.random.key(seed)
    k1, k2, k3 = jax.random.split(key, 3)
    # patch_pos: (B, 2, 2) with intervals [[x_min, y_min], [x_max, y_max]] in [0, 1)
    patch_pos = jax.random.uniform(k1, (BATCH, 2, 2), dtype=jnp.float32)
    # Learned embedding tables (nn.Embedding default init ~ N(0, 1))
    row_embedding = jax.random.normal(k2, (VOCAB_SIZE, EMBED_DIM), dtype=jnp.float32)
    column_embedding = jax.random.normal(k3, (VOCAB_SIZE, EMBED_DIM), dtype=jnp.float32)
    return {
        "patch_pos": patch_pos,
        "row_embedding": row_embedding,
        "column_embedding": column_embedding,
        "eval": 1,
    }


def reference(patch_pos, row_embedding, column_embedding, eval=1):
    vocab_size = row_embedding.shape[0]
    # Quantize the normalized patch-position intervals
    quant_row_intervals = jnp.round(patch_pos[..., 0] * vocab_size).astype(jnp.int32)
    quant_col_intervals = jnp.round(patch_pos[..., 1] * vocab_size).astype(jnp.int32)
    # eval=True path: deterministic midpoint of the quantized interval
    sampled_row_idx = (quant_row_intervals[..., 0] + quant_row_intervals[..., 1]) // 2
    sampled_col_idx = (quant_col_intervals[..., 0] + quant_col_intervals[..., 1]) // 2
    sampled_row_idx = jnp.clip(sampled_row_idx, 0, vocab_size - 1)
    sampled_col_idx = jnp.clip(sampled_col_idx, 0, vocab_size - 1)
    # Embedding lookups (gather)
    row_pos_encodings = jnp.take(row_embedding, sampled_row_idx, axis=0)
    col_pos_encodings = jnp.take(column_embedding, sampled_col_idx, axis=0)
    return row_pos_encodings + col_pos_encodings

if __name__ == "__main__":
    import jax
    _d = setup_inputs()
    print(jax.jit(kernel)(*tuple(_d.values())))

</pallas_src>

<mosaic_0001>
#map = affine_map<(d0, d1) -> (0, 0)>
module attributes {stable_mosaic.version = 14 : i64} {
  func.func @_sc_body(%arg0: i32, %arg1: i32, %arg2: memref<4x16384xf32, #tpu.memory_space<hbm>>, %arg3: memref<1024x1024xi32, #tpu.memory_space<hbm>>, %arg4: memref<1024x1024xi32, #tpu.memory_space<hbm>>, %arg5: memref<16384x2048xf32, #tpu.memory_space<hbm>>, %arg6: memref<4x512xf32, #tpu.memory_space<vmem>>, %arg7: memref<512xi32, #tpu.memory_space<vmem>>, %arg8: memref<512xi32, #tpu.memory_space<vmem>>, %arg9: memref<8x1024xi32, #tpu.memory_space<vmem>>, %arg10: memref<8x1024xi32, #tpu.memory_space<vmem>>, %arg11: memref<8x1024xi32, #tpu.memory_space<vmem>>, %arg12: memref<8x1024xi32, #tpu.memory_space<vmem>>, %arg13: memref<8x1024xi32, #tpu.memory_space<vmem>>, %arg14: memref<8x1024xi32, #tpu.memory_space<vmem>>, %arg15: memref<8x2048xf32, #tpu.memory_space<vmem>>, %arg16: memref<8x2048xf32, #tpu.memory_space<vmem>>, %arg17: memref<8x2048xf32, #tpu.memory_space<vmem>>, %arg18: memref<!tpu.dma_semaphore, #tpu.memory_space<semaphore_mem>>, %arg19: memref<!tpu.dma_semaphore, #tpu.memory_space<semaphore_mem>>, %arg20: memref<!tpu.dma_semaphore, #tpu.memory_space<semaphore_mem>>, %arg21: memref<!tpu.dma_semaphore, #tpu.memory_space<semaphore_mem>>, %arg22: memref<!tpu.dma_semaphore, #tpu.memory_space<semaphore_mem>>, %arg23: memref<!tpu.dma_semaphore, #tpu.memory_space<semaphore_mem>>) attributes {dimension_semantics = [#tpu.dimension_semantics<core_parallel>, #tpu.dimension_semantics<subcore_parallel>], iteration_bounds = array<i64: 2, 16>, scalar_prefetch = 0 : i64, scratch_operands = 18 : i64, tpu.core_type = #tpu.core_type<sc_vector_subcore>, window_params = [{transform_indices = #map}, {transform_indices = #map}, {transform_indices = #map}, {transform_indices = #map}]} {
    %mul3A = arith.constant 2 : i32
    %mul3A_0 = arith.muli %arg1, %mul3A : i32
    %add3A = arith.addi %mul3A_0, %arg0 : i32
    %mul3A_1 = arith.constant 512 : i32
    %mul3A_2 = arith.muli %add3A, %mul3A_1 : i32
    %run_scoped3A = arith.constant 0 : i32
    %run_scoped3A_3 = arith.constant 0 : i32
    "tpu.region"() ({
      %run_scoped3A_57 = tpu.sem_alloc : memref<!tpu.dma_semaphore, #tpu.memory_space<semaphore_mem>>
      %dma_start3A_58 = arith.constant 0 : i32
      %dma_start3A_59 = tpu.memref_slice %arg6[%run_scoped3A_3, %dma_start3A_58] : memref<4x512xf32, #tpu.memory_space<vmem>> -> memref<1x512xf32, #tpu.memory_space<vmem>>
      %dma_start3A_60 = tpu.memref_squeeze %dma_start3A_59 : memref<1x512xf32, #tpu.memory_space<vmem>> -> memref<512xf32, #tpu.memory_space<vmem>>
      %dma_start3A_61 = tpu.memref_slice %arg2[%run_scoped3A, %mul3A_2] : memref<4x16384xf32, #tpu.memory_space<hbm>> -> memref<1x512xf32, #tpu.memory_space<hbm>>
      %dma_start3A_62 = tpu.memref_squeeze %dma_start3A_61 : memref<1x512xf32, #tpu.memory_space<hbm>> -> memref<512xf32, #tpu.memory_space<hbm>>
      %dma_start3A_63 = arith.constant 0 : i32
      %dma_start3A_64 = tpu.memref_slice %arg6[%run_scoped3A_3, %dma_start3A_63] : memref<4x512xf32, #tpu.memory_space<vmem>> -> memref<1x512xf32, #tpu.memory_space<vmem>>
      %dma_start3A_65 = tpu.memref_squeeze %dma_start3A_64 : memref<1x512xf32, #tpu.memory_space<vmem>> -> memref<512xf32, #tpu.memory_space<vmem>>
      %dma_start3A_66 = tpu.memref_slice %arg2[%run_scoped3A, %mul3A_2] : memref<4x16384xf32, #tpu.memory_space<hbm>> -> memref<1x512xf32, #tpu.memory_space<hbm>>
      %dma_start3A_67 = tpu.memref_squeeze %dma_start3A_66 : memref<1x512xf32, #tpu.memory_space<hbm>> -> memref<512xf32, #tpu.memory_space<hbm>>
      tpu.enqueue_dma source(%dma_start3A_67 : memref<512xf32, #tpu.memory_space<hbm>>) target(%dma_start3A_65 : memref<512xf32, #tpu.memory_space<vmem>>) target_semaphore(%run_scoped3A_57 : memref<!tpu.dma_semaphore, #tpu.memory_space<semaphore_mem>>)
      %dma_wait3A_68 = arith.constant 0 : i32
      %dma_wait3A_69 = tpu.memref_slice %arg6[%run_scoped3A_3, %dma_wait3A_68] : memref<4x512xf32, #tpu.memory_space<vmem>> -> memref<1x512xf32, #tpu.memory_space<vmem>>
      %dma_wait3A_70 = tpu.memref_squeeze %dma_wait3A_69 : memref<1x512xf32, #tpu.memory_space<vmem>> -> memref<512xf32, #tpu.memory_space<vmem>>
      %dma_wait3A_71 = tpu.memref_slice %arg2[%run_scoped3A, %mul3A_2] : memref<4x16384xf32, #tpu.memory_space<hbm>> -> memref<1x512xf32, #tpu.memory_space<hbm>>
      %dma_wait3A_72 = tpu.memref_squeeze %dma_wait3A_71 : memref<1x512xf32, #tpu.memory_space<hbm>> -> memref<512xf32, #tpu.memory_space<hbm>>
      %dma_wait3A_73 = arith.constant 0 : i32
      %dma_wait3A_74 = tpu.memref_slice %arg6[%run_scoped3A_3, %dma_wait3A_73] : memref<4x512xf32, #tpu.memory_space<vmem>> -> memref<1x512xf32, #tpu.memory_space<vmem>>
      %dma_wait3A_75 = tpu.memref_squeeze %dma_wait3A_74 : memref<1x512xf32, #tpu.memory_space<vmem>> -> memref<512xf32, #tpu.memory_space<vmem>>
      %dma_wait3A_76 = tpu.memref_slice %arg2[%run_scoped3A, %mul3A_2] : memref<4x16384xf32, #tpu.memory_space<hbm>> -> memref<1x512xf32, #tpu.memory_space<hbm>>
      %dma_wait3A_77 = tpu.memref_squeeze %dma_wait3A_76 : memref<1x512xf32, #tpu.memory_space<hbm>> -> memref<512xf32, #tpu.memory_space<hbm>>
      tpu.wait_dma2 semaphore(%run_scoped3A_57 : memref<!tpu.dma_semaphore, #tpu.memory_space<semaphore_mem>>) src(%dma_wait3A_77 : memref<512xf32, #tpu.memory_space<hbm>>) dst(%dma_wait3A_75 : memref<512xf32, #tpu.memory_space<vmem>>)
      tpu.yield
    }) : () -> ()
    %run_scoped3A_4 = arith.constant 1 : i32
    %run_scoped3A_5 = arith.constant 1 : i32
    "tpu.region"() ({
      %run_scoped3A_57 = tpu.sem_alloc : memref<!tpu.dma_semaphore, #tpu.memory_space<semaphore_mem>>
      %dma_start3A_58 = arith.constant 0 : i32
      %dma_start3A_59 = tpu.memref_slice %arg6[%run_scoped3A_5, %dma_start3A_58] : memref<4x512xf32, #tpu.memory_space<vmem>> -> memref<1x512xf32, #tpu.memory_space<vmem>>
      %dma_start3A_60 = tpu.memref_squeeze %dma_start3A_59 : memref<1x512xf32, #tpu.memory_space<vmem>> -> memref<512xf32, #tpu.memory_space<vmem>>
      %dma_start3A_61 = tpu.memref_slice %arg2[%run_scoped3A_4, %mul3A_2] : memref<4x16384xf32, #tpu.memory_space<hbm>> -> memref<1x512xf32, #tpu.memory_space<hbm>>
      %dma_start3A_62 = tpu.memref_squeeze %dma_start3A_61 : memref<1x512xf32, #tpu.memory_space<hbm>> -> memref<512xf32, #tpu.memory_space<hbm>>
      %dma_start3A_63 = arith.constant 0 : i32
      %dma_start3A_64 = tpu.memref_slice %arg6[%run_scoped3A_5, %dma_start3A_63] : memref<4x512xf32, #tpu.memory_space<vmem>> -> memref<1x512xf32, #tpu.memory_space<vmem>>
      %dma_start3A_65 = tpu.memref_squeeze %dma_start3A_64 : memref<1x512xf32, #tpu.memory_space<vmem>> -> memref<512xf32, #tpu.memory_space<vmem>>
      %dma_start3A_66 = tpu.memref_slice %arg2[%run_scoped3A_4, %mul3A_2] : memref<4x16384xf32, #tpu.memory_space<hbm>> -> memref<1x512xf32, #tpu.memory_space<hbm>>
      %dma_start3A_67 = tpu.memref_squeeze %dma_start3A_66 : memref<1x512xf32, #tpu.memory_space<hbm>> -> memref<512xf32, #tpu.memory_space<hbm>>
      tpu.enqueue_dma source(%dma_start3A_67 : memref<512xf32, #tpu.memory_space<hbm>>) target(%dma_start3A_65 : memref<512xf32, #tpu.memory_space<vmem>>) target_semaphore(%run_scoped3A_57 : memref<!tpu.dma_semaphore, #tpu.memory_space<semaphore_mem>>)
      %dma_wait3A_68 = arith.constant 0 : i32
      %dma_wait3A_69 = tpu.memref_slice %arg6[%run_scoped3A_5, %dma_wait3A_68] : memref<4x512xf32, #tpu.memory_space<vmem>> -> memref<1x512xf32, #tpu.memory_space<vmem>>
      %dma_wait3A_70 = tpu.memref_squeeze %dma_wait3A_69 : memref<1x512xf32, #tpu.memory_space<vmem>> -> memref<512xf32, #tpu.memory_space<vmem>>
      %dma_wait3A_71 = tpu.memref_slice %arg2[%run_scoped3A_4, %mul3A_2] : memref<4x16384xf32, #tpu.memory_space<hbm>> -> memref<1x512xf32, #tpu.memory_space<hbm>>
      %dma_wait3A_72 = tpu.memref_squeeze %dma_wait3A_71 : memref<1x512xf32, #tpu.memory_space<hbm>> -> memref<512xf32, #tpu.memory_space<hbm>>
      %dma_wait3A_73 = arith.constant 0 : i32
      %dma_wait3A_74 = tpu.memref_slice %arg6[%run_scoped3A_5, %dma_wait3A_73] : memref<4x512xf32, #tpu.memory_space<vmem>> -> memref<1x512xf32, #tpu.memory_space<vmem>>
      %dma_wait3A_75 = tpu.memref_squeeze %dma_wait3A_74 : memref<1x512xf32, #tpu.memory_space<vmem>> -> memref<512xf32, #tpu.memory_space<vmem>>
      %dma_wait3A_76 = tpu.memref_slice %arg2[%run_scoped3A_4, %mul3A_2] : memref<4x16384xf32, #tpu.memory_space<hbm>> -> memref<1x512xf32, #tpu.memory_space<hbm>>
      %dma_wait3A_77 = tpu.memref_squeeze %dma_wait3A_76 : memref<1x512xf32, #tpu.memory_space<hbm>> -> memref<512xf32, #tpu.memory_space<hbm>>
      tpu.wait_dma2 semaphore(%run_scoped3A_57 : memref<!tpu.dma_semaphore, #tpu.memory_space<semaphore_mem>>) src(%dma_wait3A_77 : memref<512xf32, #tpu.memory_space<hbm>>) dst(%dma_wait3A_75 : memref<512xf32, #tpu.memory_space<vmem>>)
      tpu.yield
    }) : () -> ()
    %run_scoped3A_6 = arith.constant 2 : i32
    %run_scoped3A_7 = arith.constant 2 : i32
    "tpu.region"() ({
      %run_scoped3A_57 = tpu.sem_alloc : memref<!tpu.dma_semaphore, #tpu.memory_space<semaphore_mem>>
      %dma_start3A_58 = arith.constant 0 : i32
      %dma_start3A_59 = tpu.memref_slice %arg6[%run_scoped3A_7, %dma_start3A_58] : memref<4x512xf32, #tpu.memory_space<vmem>> -> memref<1x512xf32, #tpu.memory_space<vmem>>
      %dma_start3A_60 = tpu.memref_squeeze %dma_start3A_59 : memref<1x512xf32, #tpu.memory_space<vmem>> -> memref<512xf32, #tpu.memory_space<vmem>>
      %dma_start3A_61 = tpu.memref_slice %arg2[%run_scoped3A_6, %mul3A_2] : memref<4x16384xf32, #tpu.memory_space<hbm>> -> memref<1x512xf32, #tpu.memory_space<hbm>>
      %dma_start3A_62 = tpu.memref_squeeze %dma_start3A_61 : memref<1x512xf32, #tpu.memory_space<hbm>> -> memref<512xf32, #tpu.memory_space<hbm>>
      %dma_start3A_63 = arith.constant 0 : i32
      %dma_start3A_64 = tpu.memref_slice %arg6[%run_scoped3A_7, %dma_start3A_63] : memref<4x512xf32, #tpu.memory_space<vmem>> -> memref<1x512xf32, #tpu.memory_space<vmem>>
      %dma_start3A_65 = tpu.memref_squeeze %dma_start3A_64 : memref<1x512xf32, #tpu.memory_space<vmem>> -> memref<512xf32, #tpu.memory_space<vmem>>
      %dma_start3A_66 = tpu.memref_slice %arg2[%run_scoped3A_6, %mul3A_2] : memref<4x16384xf32, #tpu.memory_space<hbm>> -> memref<1x512xf32, #tpu.memory_space<hbm>>
      %dma_start3A_67 = tpu.memref_squeeze %dma_start3A_66 : memref<1x512xf32, #tpu.memory_space<hbm>> -> memref<512xf32, #tpu.memory_space<hbm>>
      tpu.enqueue_dma source(%dma_start3A_67 : memref<512xf32, #tpu.memory_space<hbm>>) target(%dma_start3A_65 : memref<512xf32, #tpu.memory_space<vmem>>) target_semaphore(%run_scoped3A_57 : memref<!tpu.dma_semaphore, #tpu.memory_space<semaphore_mem>>)
      %dma_wait3A_68 = arith.constant 0 : i32
      %dma_wait3A_69 = tpu.memref_slice %arg6[%run_scoped3A_7, %dma_wait3A_68] : memref<4x512xf32, #tpu.memory_space<vmem>> -> memref<1x512xf32, #tpu.memory_space<vmem>>
      %dma_wait3A_70 = tpu.memref_squeeze %dma_wait3A_69 : memref<1x512xf32, #tpu.memory_space<vmem>> -> memref<512xf32, #tpu.memory_space<vmem>>
      %dma_wait3A_71 = tpu.memref_slice %arg2[%run_scoped3A_6, %mul3A_2] : memref<4x16384xf32, #tpu.memory_space<hbm>> -> memref<1x512xf32, #tpu.memory_space<hbm>>
      %dma_wait3A_72 = tpu.memref_squeeze %dma_wait3A_71 : memref<1x512xf32, #tpu.memory_space<hbm>> -> memref<512xf32, #tpu.memory_space<hbm>>
      %dma_wait3A_73 = arith.constant 0 : i32
      %dma_wait3A_74 = tpu.memref_slice %arg6[%run_scoped3A_7, %dma_wait3A_73] : memref<4x512xf32, #tpu.memory_space<vmem>> -> memref<1x512xf32, #tpu.memory_space<vmem>>
      %dma_wait3A_75 = tpu.memref_squeeze %dma_wait3A_74 : memref<1x512xf32, #tpu.memory_space<vmem>> -> memref<512xf32, #tpu.memory_space<vmem>>
      %dma_wait3A_76 = tpu.memref_slice %arg2[%run_scoped3A_6, %mul3A_2] : memref<4x16384xf32, #tpu.memory_space<hbm>> -> memref<1x512xf32, #tpu.memory_space<hbm>>
      %dma_wait3A_77 = tpu.memref_squeeze %dma_wait3A_76 : memref<1x512xf32, #tpu.memory_space<hbm>> -> memref<512xf32, #tpu.memory_space<hbm>>
      tpu.wait_dma2 semaphore(%run_scoped3A_57 : memref<!tpu.dma_semaphore, #tpu.memory_space<semaphore_mem>>) src(%dma_wait3A_77 : memref<512xf32, #tpu.memory_space<hbm>>) dst(%dma_wait3A_75 : memref<512xf32, #tpu.memory_space<vmem>>)
      tpu.yield
    }) : () -> ()
    %run_scoped3A_8 = arith.constant 3 : i32
    %run_scoped3A_9 = arith.constant 3 : i32
    "tpu.region"() ({
      %run_scoped3A_57 = tpu.sem_alloc : memref<!tpu.dma_semaphore, #tpu.memory_space<semaphore_mem>>
      %dma_start3A_58 = arith.constant 0 : i32
      %dma_start3A_59 = tpu.memref_slice %arg6[%run_scoped3A_9, %dma_start3A_58] : memref<4x512xf32, #tpu.memory_space<vmem>> -> memref<1x512xf32, #tpu.memory_space<vmem>>
      %dma_start3A_60 = tpu.memref_squeeze %dma_start3A_59 : memref<1x512xf32, #tpu.memory_space<vmem>> -> memref<512xf32, #tpu.memory_space<vmem>>
      %dma_start3A_61 = tpu.memref_slice %arg2[%run_scoped3A_8, %mul3A_2] : memref<4x16384xf32, #tpu.memory_space<hbm>> -> memref<1x512xf32, #tpu.memory_space<hbm>>
      %dma_start3A_62 = tpu.memref_squeeze %dma_start3A_61 : memref<1x512xf32, #tpu.memory_space<hbm>> -> memref<512xf32, #tpu.memory_space<hbm>>
      %dma_start3A_63 = arith.constant 0 : i32
      %dma_start3A_64 = tpu.memref_slice %arg6[%run_scoped3A_9, %dma_start3A_63] : memref<4x512xf32, #tpu.memory_space<vmem>> -> memref<1x512xf32, #tpu.memory_space<vmem>>
      %dma_start3A_65 = tpu.memref_squeeze %dma_start3A_64 : memref<1x512xf32, #tpu.memory_space<vmem>> -> memref<512xf32, #tpu.memory_space<vmem>>
      %dma_start3A_66 = tpu.memref_slice %arg2[%run_scoped3A_8, %mul3A_2] : memref<4x16384xf32, #tpu.memory_space<hbm>> -> memref<1x512xf32, #tpu.memory_space<hbm>>
      %dma_start3A_67 = tpu.memref_squeeze %dma_start3A_66 : memref<1x512xf32, #tpu.memory_space<hbm>> -> memref<512xf32, #tpu.memory_space<hbm>>
      tpu.enqueue_dma source(%dma_start3A_67 : memref<512xf32, #tpu.memory_space<hbm>>) target(%dma_start3A_65 : memref<512xf32, #tpu.memory_space<vmem>>) target_semaphore(%run_scoped3A_57 : memref<!tpu.dma_semaphore, #tpu.memory_space<semaphore_mem>>)
      %dma_wait3A_68 = arith.constant 0 : i32
      %dma_wait3A_69 = tpu.memref_slice %arg6[%run_scoped3A_9, %dma_wait3A_68] : memref<4x512xf32, #tpu.memory_space<vmem>> -> memref<1x512xf32, #tpu.memory_space<vmem>>
      %dma_wait3A_70 = tpu.memref_squeeze %dma_wait3A_69 : memref<1x512xf32, #tpu.memory_space<vmem>> -> memref<512xf32, #tpu.memory_space<vmem>>
      %dma_wait3A_71 = tpu.memref_slice %arg2[%run_scoped3A_8, %mul3A_2] : memref<4x16384xf32, #tpu.memory_space<hbm>> -> memref<1x512xf32, #tpu.memory_space<hbm>>
      %dma_wait3A_72 = tpu.memref_squeeze %dma_wait3A_71 : memref<1x512xf32, #tpu.memory_space<hbm>> -> memref<512xf32, #tpu.memory_space<hbm>>
      %dma_wait3A_73 = arith.constant 0 : i32
      %dma_wait3A_74 = tpu.memref_slice %arg6[%run_scoped3A_9, %dma_wait3A_73] : memref<4x512xf32, #tpu.memory_space<vmem>> -> memref<1x512xf32, #tpu.memory_space<vmem>>
      %dma_wait3A_75 = tpu.memref_squeeze %dma_wait3A_74 : memref<1x512xf32, #tpu.memory_space<vmem>> -> memref<512xf32, #tpu.memory_space<vmem>>
      %dma_wait3A_76 = tpu.memref_slice %arg2[%run_scoped3A_8, %mul3A_2] : memref<4x16384xf32, #tpu.memory_space<hbm>> -> memref<1x512xf32, #tpu.memory_space<hbm>>
      %dma_wait3A_77 = tpu.memref_squeeze %dma_wait3A_76 : memref<1x512xf32, #tpu.memory_space<hbm>> -> memref<512xf32, #tpu.memory_space<hbm>>
      tpu.wait_dma2 semaphore(%run_scoped3A_57 : memref<!tpu.dma_semaphore, #tpu.memory_space<semaphore_mem>>) src(%dma_wait3A_77 : memref<512xf32, #tpu.memory_space<hbm>>) dst(%dma_wait3A_75 : memref<512xf32, #tpu.memory_space<vmem>>)
      tpu.yield
    }) : () -> ()
    %scan3A = arith.constant 0 : i32
    %scan3A_10 = arith.constant 0 : i32
    %scan3A_11 = arith.constant 32 : i32
    %scan3A_12 = arith.addi %scan3A_10, %scan3A_11 : i32
    %scan3A_13 = arith.constant 1 : i32
    scf.for %scan3A_57 = %scan3A_10 to %scan3A_12 step %scan3A_13  : i32 {
      %mul3A_58 = arith.constant 16 : i32
      %mul3A_59 = arith.muli %scan3A_57, %mul3A_58 : i32
      %get3A = arith.constant 0 : i32
      %get3A_60 = arith.index_cast %get3A : i32 to index
      %get3A_61 = arith.index_cast %mul3A_59 : i32 to index
      %get3A_62 = tpu.vector_load %arg6[%get3A_60, %get3A_61] {strides = array<i32>} : memref<4x512xf32, #tpu.memory_space<vmem>>, vector<16xf32>,
      %get3A_63 = arith.constant 1 : i32
      %get3A_64 = arith.index_cast %get3A_63 : i32 to index
      %get3A_65 = arith.index_cast %mul3A_59 : i32 to index
      %get3A_66 = tpu.vector_load %arg6[%get3A_64, %get3A_65] {strides = array<i32>} : memref<4x512xf32, #tpu.memory_space<vmem>>, vector<16xf32>,
      %mul3A_67 = arith.constant 1.024000e+03 : f32
      %mul3A_68 = vector.broadcast %mul3A_67 : f32 to vector<16xf32>
      %mul3A_69 = arith.mulf %get3A_62, %mul3A_68 : vector<16xf32>
      %add3A_70 = arith.constant 0x4B000000 : f32
      %add3A_71 = vector.broadcast %add3A_70 : f32 to vector<16xf32>
      %add3A_72 = arith.addf %mul3A_69, %add3A_71 : vector<16xf32>
      %sub3A = arith.constant 0x4B000000 : f32
      %sub3A_73 = vector.broadcast %sub3A : f32 to vector<16xf32>
      %sub3A_74 = arith.subf %add3A_72, %sub3A_73 : vector<16xf32>
      %mul3A_75 = arith.constant 1.024000e+03 : f32
      %mul3A_76 = vector.broadcast %mul3A_75 : f32 to vector<16xf32>
      %mul3A_77 = arith.mulf %get3A_66, %mul3A_76 : vector<16xf32>
      %add3A_78 = arith.constant 0x4B000000 : f32
      %add3A_79 = vector.broadcast %add3A_78 : f32 to vector<16xf32>
      %add3A_80 = arith.addf %mul3A_77, %add3A_79 : vector<16xf32>
      %sub3A_81 = arith.constant 0x4B000000 : f32
      %sub3A_82 = vector.broadcast %sub3A_81 : f32 to vector<16xf32>
      %sub3A_83 = arith.subf %add3A_80, %sub3A_82 : vector<16xf32>
      %convert_element_type3A = arith.fptosi %sub3A_74 : vector<16xf32> to vector<16xi32>
      %convert_element_type3A_84 = arith.fptosi %sub3A_83 : vector<16xf32> to vector<16xi32>
      %add3A_85 = arith.addi %convert_element_type3A, %convert_element_type3A_84 : vector<16xi32>
      %shift_right_arithmetic3A = arith.constant 1 : i32
      %shift_right_arithmetic3A_86 = vector.broadcast %shift_right_arithmetic3A : i32 to vector<16xi32>
      %shift_right_arithmetic3A_87 = arith.shrsi %add3A_85, %shift_right_arithmetic3A_86 : vector<16xi32>
      %min3A = arith.constant 1023 : i32
      %min3A_88 = vector.broadcast %min3A : i32 to vector<16xi32>
      %min3A_89 = arith.minsi %shift_right_arithmetic3A_87, %min3A_88 : vector<16xi32>
      %swap3A = arith.index_cast %mul3A_59 : i32 to index
      %swap3A_90 = tpu.vector_load %arg7[%swap3A] {strides = array<i32>} : memref<512xi32, #tpu.memory_space<vmem>>, vector<16xi32>,
      tpu.vector_store %arg7[%swap3A], %min3A_89 {strides = array<i32>} : memref<512xi32, #tpu.memory_space<vmem>>, vector<16xi32>,
      %get3A_91 = arith.constant 2 : i32
      %get3A_92 = arith.index_cast %get3A_91 : i32 to index
      %get3A_93 = arith.index_cast %mul3A_59 : i32 to index
      %get3A_94 = tpu.vector_load %arg6[%get3A_92, %get3A_93] {strides = array<i32>} : memref<4x512xf32, #tpu.memory_space<vmem>>, vector<16xf32>,
      %get3A_95 = arith.constant 3 : i32
      %get3A_96 = arith.index_cast %get3A_95 : i32 to index
      %get3A_97 = arith.index_cast %mul3A_59 : i32 to index
      %get3A_98 = tpu.vector_load %arg6[%get3A_96, %get3A_97] {strides = array<i32>} : memref<4x512xf32, #tpu.memory_space<vmem>>, vector<16xf32>,
      %mul3A_99 = arith.constant 1.024000e+03 : f32
      %mul3A_100 = vector.broadcast %mul3A_99 : f32 to vector<16xf32>
      %mul3A_101 = arith.mulf %get3A_94, %mul3A_100 : vector<16xf32>
      %add3A_102 = arith.constant 0x4B000000 : f32
      %add3A_103 = vector.broadcast %add3A_102 : f32 to vector<16xf32>
      %add3A_104 = arith.addf %mul3A_101, %add3A_103 : vector<16xf32>
      %sub3A_105 = arith.constant 0x4B000000 : f32
      %sub3A_106 = vector.broadcast %sub3A_105 : f32 to vector<16xf32>
      %sub3A_107 = arith.subf %add3A_104, %sub3A_106 : vector<16xf32>
      %mul3A_108 = arith.constant 1.024000e+03 : f32
      %mul3A_109 = vector.broadcast %mul3A_108 : f32 to vector<16xf32>
      %mul3A_110 = arith.mulf %get3A_98, %mul3A_109 : vector<16xf32>
      %add3A_111 = arith.constant 0x4B000000 : f32
      %add3A_112 = vector.broadcast %add3A_111 : f32 to vector<16xf32>
      %add3A_113 = arith.addf %mul3A_110, %add3A_112 : vector<16xf32>
      %sub3A_114 = arith.constant 0x4B000000 : f32
      %sub3A_115 = vector.broadcast %sub3A_114 : f32 to vector<16xf32>
      %sub3A_116 = arith.subf %add3A_113, %sub3A_115 : vector<16xf32>
      %convert_element_type3A_117 = arith.fptosi %sub3A_107 : vector<16xf32> to vector<16xi32>
      %convert_element_type3A_118 = arith.fptosi %sub3A_116 : vector<16xf32> to vector<16xi32>
      %add3A_119 = arith.addi %convert_element_type3A_117, %convert_element_type3A_118 : vector<16xi32>
      %shift_right_arithmetic3A_120 = arith.constant 1 : i32
      %shift_right_arithmetic3A_121 = vector.broadcast %shift_right_arithmetic3A_120 : i32 to vector<16xi32>
      %shift_right_arithmetic3A_122 = arith.shrsi %add3A_119, %shift_right_arithmetic3A_121 : vector<16xi32>
      %min3A_123 = arith.constant 1023 : i32
      %min3A_124 = vector.broadcast %min3A_123 : i32 to vector<16xi32>
      %min3A_125 = arith.minsi %shift_right_arithmetic3A_122, %min3A_124 : vector<16xi32>
      %swap3A_126 = arith.index_cast %mul3A_59 : i32 to index
      %swap3A_127 = tpu.vector_load %arg8[%swap3A_126] {strides = array<i32>} : memref<512xi32, #tpu.memory_space<vmem>>, vector<16xi32>,
      tpu.vector_store %arg8[%swap3A_126], %min3A_125 {strides = array<i32>} : memref<512xi32, #tpu.memory_space<vmem>>, vector<16xi32>,
    }
    %scan3A_14 = arith.constant 32 : i32
    %dma_start3A = arith.constant 0 : i32
    %dma_start3A_15 = tpu.memref_slice %arg7[%dma_start3A] : memref<512xi32, #tpu.memory_space<vmem>> -> memref<8xi32, #tpu.memory_space<vmem>>
    %dma_start3A_16 = arith.constant 0 : i32
    %dma_start3A_17 = arith.constant 0 : i32
    %dma_start3A_18 = tpu.memref_slice %arg3[%dma_start3A_16, %dma_start3A_17] : memref<1024x1024xi32, #tpu.memory_space<hbm>> -> memref<1024x1024xi32, #tpu.memory_space<hbm>>
    tpu.enqueue_indirect_dma source(%dma_start3A_18 : memref<1024x1024xi32, #tpu.memory_space<hbm>>) target(%arg9 : memref<8x1024xi32, #tpu.memory_space<vmem>>) offsets(%dma_start3A_15 : memref<8xi32, #tpu.memory_space<vmem>>) semaphore(%arg18 : memref<!tpu.dma_semaphore, #tpu.memory_space<semaphore_mem>>)
    %dma_start3A_19 = arith.constant 0 : i32
    %dma_start3A_20 = tpu.memref_slice %arg8[%dma_start3A_19] : memref<512xi32, #tpu.memory_space<vmem>> -> memref<8xi32, #tpu.memory_space<vmem>>
    %dma_start3A_21 = arith.constant 0 : i32
    %dma_start3A_22 = arith.constant 0 : i32
    %dma_start3A_23 = tpu.memref_slice %arg4[%dma_start3A_21, %dma_start3A_22] : memref<1024x1024xi32, #tpu.memory_space<hbm>> -> memref<1024x1024xi32, #tpu.memory_space<hbm>>
    tpu.enqueue_indirect_dma source(%dma_start3A_23 : memref<1024x1024xi32, #tpu.memory_space<hbm>>) target(%arg10 : memref<8x1024xi32, #tpu.memory_space<vmem>>) offsets(%dma_start3A_20 : memref<8xi32, #tpu.memory_space<vmem>>) semaphore(%arg18 : memref<!tpu.dma_semaphore, #tpu.memory_space<semaphore_mem>>)
    %dma_start3A_24 = arith.constant 8 : i32
    %dma_start3A_25 = tpu.memref_slice %arg7[%dma_start3A_24] : memref<512xi32, #tpu.memory_space<vmem>> -> memref<8xi32, #tpu.memory_space<vmem>>
    %dma_start3A_26 = arith.constant 0 : i32
    %dma_start3A_27 = arith.constant 0 : i32
    %dma_start3A_28 = tpu.memref_slice %arg3[%dma_start3A_26, %dma_start3A_27] : memref<1024x1024xi32, #tpu.memory_space<hbm>> -> memref<1024x1024xi32, #tpu.memory_space<hbm>>
    tpu.enqueue_indirect_dma source(%dma_start3A_28 : memref<1024x1024xi32, #tpu.memory_space<hbm>>) target(%arg11 : memref<8x1024xi32, #tpu.memory_space<vmem>>) offsets(%dma_start3A_25 : memref<8xi32, #tpu.memory_space<vmem>>) semaphore(%arg19 : memref<!tpu.dma_semaphore, #tpu.memory_space<semaphore_mem>>)
    %dma_start3A_29 = arith.constant 8 : i32
    %dma_start3A_30 = tpu.memref_slice %arg8[%dma_start3A_29] : memref<512xi32, #tpu.memory_space<vmem>> -> memref<8xi32, #tpu.memory_space<vmem>>
    %dma_start3A_31 = arith.constant 0 : i32
    %dma_start3A_32 = arith.constant 0 : i32
    %dma_start3A_33 = tpu.memref_slice %arg4[%dma_start3A_31, %dma_start3A_32] : memref<1024x1024xi32, #tpu.memory_space<hbm>> -> memref<1024x1024xi32, #tpu.memory_space<hbm>>
    tpu.enqueue_indirect_dma source(%dma_start3A_33 : memref<1024x1024xi32, #tpu.memory_space<hbm>>) target(%arg12 : memref<8x1024xi32, #tpu.memory_space<vmem>>) offsets(%dma_start3A_30 : memref<8xi32, #tpu.memory_space<vmem>>) semaphore(%arg19 : memref<!tpu.dma_semaphore, #tpu.memory_space<semaphore_mem>>)
    %scan3A_34 = arith.constant 0 : i32
    %scan3A_35 = arith.constant 0 : i32
    %scan3A_36 = arith.constant 22 : i32
    %scan3A_37 = arith.addi %scan3A_35, %scan3A_36 : i32
    %scan3A_38 = arith.constant 1 : i32
    scf.for %scan3A_57 = %scan3A_35 to %scan3A_37 step %scan3A_38  : i32 {
      %mul3A_58 = arith.constant 3 : i32
      %mul3A_59 = arith.muli %scan3A_57, %mul3A_58 : i32
      %add3A_60 = arith.constant 0 : i32
      %add3A_61 = arith.addi %mul3A_59, %add3A_60 : i32
      %lt3A = arith.constant 64 : i32
      %lt3A_62 = arith.cmpi slt, %add3A_61, %lt3A : i32
      %convert_element_type3A = arith.extui %lt3A_62 : i1 to i32
      %cond3A = arith.constant 0 : i32
      %cond3A_63 = arith.cmpi ne, %convert_element_type3A, %cond3A : i32
      scf.if %cond3A_63 {
        %add3A_78 = arith.constant 2 : i32
        %add3A_79 = arith.addi %add3A_61, %add3A_78 : i32
        %lt3A_80 = arith.constant 64 : i32
        %lt3A_81 = arith.cmpi slt, %add3A_79, %lt3A_80 : i32
        %convert_element_type3A_82 = arith.extui %lt3A_81 : i1 to i32
        %cond3A_83 = arith.constant 0 : i32
        %cond3A_84 = arith.cmpi ne, %convert_element_type3A_82, %cond3A_83 : i32
        scf.if %cond3A_84 {
          %add3A_129 = arith.constant 2 : i32
          %add3A_130 = arith.addi %add3A_61, %add3A_129 : i32
          %mul3A_131 = arith.constant 8 : i32
          %mul3A_132 = arith.muli %add3A_130, %mul3A_131 : i32
          %dma_start3A_133 = tpu.memref_slice %arg7[%mul3A_132] : memref<512xi32, #tpu.memory_space<vmem>> -> memref<8xi32, #tpu.memory_space<vmem>>
          %dma_start3A_134 = arith.constant 0 : i32
          %dma_start3A_135 = arith.constant 0 : i32
          %dma_start3A_136 = tpu.memref_slice %arg3[%dma_start3A_134, %dma_start3A_135] : memref<1024x1024xi32, #tpu.memory_space<hbm>> -> memref<1024x1024xi32, #tpu.memory_space<hbm>>
          tpu.enqueue_indirect_dma source(%dma_start3A_136 : memref<1024x1024xi32, #tpu.memory_space<hbm>>) target(%arg13 : memref<8x1024xi32, #tpu.memory_space<vmem>>) offsets(%dma_start3A_133 : memref<8xi32, #tpu.memory_space<vmem>>) semaphore(%arg20 : memref<!tpu.dma_semaphore, #tpu.memory_space<semaphore_mem>>)
          %dma_start3A_137 = tpu.memref_slice %arg8[%mul3A_132] : memref<512xi32, #tpu.memory_space<vmem>> -> memref<8xi32, #tpu.memory_space<vmem>>
          %dma_start3A_138 = arith.constant 0 : i32
          %dma_start3A_139 = arith.constant 0 : i32
          %dma_start3A_140 = tpu.memref_slice %arg4[%dma_start3A_138, %dma_start3A_139] : memref<1024x1024xi32, #tpu.memory_space<hbm>> -> memref<1024x1024xi32, #tpu.memory_space<hbm>>
          tpu.enqueue_indirect_dma source(%dma_start3A_140 : memref<1024x1024xi32, #tpu.memory_space<hbm>>) target(%arg14 : memref<8x1024xi32, #tpu.memory_space<vmem>>) offsets(%dma_start3A_137 : memref<8xi32, #tpu.memory_space<vmem>>) semaphore(%arg20 : memref<!tpu.dma_semaphore, #tpu.memory_space<semaphore_mem>>)
        } else {
        }
        %dma_wait3A_85 = arith.constant 0 : i32
        %dma_wait3A_86 = tpu.memref_slice %arg7[%dma_wait3A_85] : memref<512xi32, #tpu.memory_space<vmem>> -> memref<8xi32, #tpu.memory_space<vmem>>
        %dma_wait3A_87 = arith.constant 0 : i32
        %dma_wait3A_88 = arith.constant 0 : i32
        %dma_wait3A_89 = tpu.memref_slice %arg3[%dma_wait3A_87, %dma_wait3A_88] : memref<1024x1024xi32, #tpu.memory_space<hbm>> -> memref<1024x1024xi32, #tpu.memory_space<hbm>>
        tpu.wait_indirect_dma semaphore(%arg18 : memref<!tpu.dma_semaphore, #tpu.memory_space<semaphore_mem>>) src(%dma_wait3A_89 : memref<1024x1024xi32, #tpu.memory_space<hbm>>) dst(%arg9 : memref<8x1024xi32, #tpu.memory_space<vmem>>)
        %dma_wait3A_90 = arith.constant 0 : i32
        %dma_wait3A_91 = tpu.memref_slice %arg8[%dma_wait3A_90] : memref<512xi32, #tpu.memory_space<vmem>> -> memref<8xi32, #tpu.memory_space<vmem>>
        %dma_wait3A_92 = arith.constant 0 : i32
        %dma_wait3A_93 = arith.constant 0 : i32
        %dma_wait3A_94 = tpu.memref_slice %arg4[%dma_wait3A_92, %dma_wait3A_93] : memref<1024x1024xi32, #tpu.memory_space<hbm>> -> memref<1024x1024xi32, #tpu.memory_space<hbm>>
        tpu.wait_indirect_dma semaphore(%arg18 : memref<!tpu.dma_semaphore, #tpu.memory_space<semaphore_mem>>) src(%dma_wait3A_94 : memref<1024x1024xi32, #tpu.memory_space<hbm>>) dst(%arg10 : memref<8x1024xi32, #tpu.memory_space<vmem>>)
        %ge3A = arith.constant 3 : i32
        %ge3A_95 = arith.cmpi sge, %add3A_61, %ge3A : i32
        %convert_element_type3A_96 = arith.extui %ge3A_95 : i1 to i32
        %cond3A_97 = arith.constant 0 : i32
        %cond3A_98 = arith.cmpi ne, %convert_element_type3A_96, %cond3A_97 : i32
        scf.if %cond3A_98 {
          %dma_wait3A_129 = arith.constant 0 : i32
          %dma_wait3A_130 = arith.constant 0 : i32
          %dma_wait3A_131 = tpu.memref_slice %arg5[%dma_wait3A_129, %dma_wait3A_130] : memref<16384x2048xf32, #tpu.memory_space<hbm>> -> memref<8x2048xf32, #tpu.memory_space<hbm>>
          %dma_wait3A_132 = arith.constant 0 : i32
          %dma_wait3A_133 = arith.constant 0 : i32
          %dma_wait3A_134 = tpu.memref_slice %arg5[%dma_wait3A_132, %dma_wait3A_133] : memref<16384x2048xf32, #tpu.memory_space<hbm>> -> memref<8x2048xf32, #tpu.memory_space<hbm>>
          tpu.wait_dma2 semaphore(%arg21 : memref<!tpu.dma_semaphore, #tpu.memory_space<semaphore_mem>>) src(%dma_wait3A_134 : memref<8x2048xf32, #tpu.memory_space<hbm>>) dst(%arg15 : memref<8x2048xf32, #tpu.memory_space<vmem>>)
        } else {
        }
        %parallel_loop3A = arith.constant 0 : i32
        %parallel_loop3A_99 = arith.constant 64 : i32
        %parallel_loop3A_100 = arith.constant 1 : i32
        scf.for %parallel_loop3A_129 = %parallel_loop3A to %parallel_loop3A_99 step %parallel_loop3A_100  : i32 {
          %parallel_loop3A_130 = arith.constant 16 : i32
          %parallel_loop3A_131 = arith.muli %parallel_loop3A_129, %parallel_loop3A_130 : i32
          %parallel_loop3A_132 = arith.constant 0 : i32
          %parallel_loop3A_133 = arith.index_cast %parallel_loop3A_132 : i32 to index
          %parallel_loop3A_134 = arith.index_cast %parallel_loop3A_131 : i32 to index
          %parallel_loop3A_135 = tpu.vector_load %arg9[%parallel_loop3A_133, %parallel_loop3A_134] {strides = array<i32>} : memref<8x1024xi32, #tpu.memory_space<vmem>>, vector<16xi32>,
          %parallel_loop3A_136 = vector.bitcast %parallel_loop3A_135 : vector<16xi32> to vector<32xbf16>
          %parallel_loop3A_137 = arith.constant 0 : i32
          %parallel_loop3A_138 = arith.index_cast %parallel_loop3A_137 : i32 to index
          %parallel_loop3A_139 = arith.index_cast %parallel_loop3A_131 : i32 to index
          %parallel_loop3A_140 = tpu.vector_load %arg10[%parallel_loop3A_138, %parallel_loop3A_139] {strides = array<i32>} : memref<8x1024xi32, #tpu.memory_space<vmem>>, vector<16xi32>,
          %parallel_loop3A_141 = vector.bitcast %parallel_loop3A_140 : vector<16xi32> to vector<32xbf16>
          %parallel_loop3A_142 = arith.addf %parallel_loop3A_136, %parallel_loop3A_141 : vector<32xbf16>
          %parallel_loop3A_143 = vector.bitcast %parallel_loop3A_142 : vector<32xbf16> to vector<16xi32>
          %parallel_loop3A_144 = arith.constant 16 : i32
          %parallel_loop3A_145 = vector.broadcast %parallel_loop3A_144 : i32 to vector<16xi32>
          %parallel_loop3A_146 = arith.shli %parallel_loop3A_143, %parallel_loop3A_145 : vector<16xi32>
          %parallel_loop3A_147 = vector.bitcast %parallel_loop3A_146 : vector<16xi32> to vector<16xf32>
          %parallel_loop3A_148 = arith.constant -65536 : i32
          %parallel_loop3A_149 = vector.broadcast %parallel_loop3A_148 : i32 to vector<16xi32>
          %parallel_loop3A_150 = arith.andi %parallel_loop3A_143, %parallel_loop3A_149 : vector<16xi32>
          %parallel_loop3A_151 = vector.bitcast %parallel_loop3A_150 : vector<16xi32> to vector<16xf32>
          %parallel_loop3A_152 = arith.constant 32 : i32
          %parallel_loop3A_153 = arith.muli %parallel_loop3A_129, %parallel_loop3A_152 : i32
          %parallel_loop3A_154 = arith.constant 0 : i32
          %parallel_loop3A_155 = arith.index_cast %parallel_loop3A_154 : i32 to index
          %parallel_loop3A_156 = arith.index_cast %parallel_loop3A_153 : i32 to index
          %parallel_loop3A_157 = tpu.vector_load %arg15[%parallel_loop3A_155, %parallel_loop3A_156] {strides = array<i32>} : memref<8x2048xf32, #tpu.memory_space<vmem>>, vector<16xf32>,
          tpu.vector_store %arg15[%parallel_loop3A_155, %parallel_loop3A_156], %parallel_loop3A_147 {strides = array<i32>} : memref<8x2048xf32, #tpu.memory_space<vmem>>, vector<16xf32>,
          %parallel_loop3A_158 = arith.constant 32 : i32
          %parallel_loop3A_159 = arith.muli %parallel_loop3A_129, %parallel_loop3A_158 : i32
          %parallel_loop3A_160 = arith.constant 16 : i32
          %parallel_loop3A_161 = arith.addi %parallel_loop3A_159, %parallel_loop3A_160 : i32
          %parallel_loop3A_162 = arith.constant 0 : i32
          %parallel_loop3A_163 = arith.index_cast %parallel_loop3A_162 : i32 to index
          %parallel_loop3A_164 = arith.index_cast %parallel_loop3A_161 : i32 to index
          %parallel_loop3A_165 = tpu.vector_load %arg15[%parallel_loop3A_163, %parallel_loop3A_164] {strides = array<i32>} : memref<8x2048xf32, #tpu.memory_space<vmem>>, vector<16xf32>,
          tpu.vector_store %arg15[%parallel_loop3A_163, %parallel_loop3A_164], %parallel_loop3A_151 {strides = array<i32>} : memref<8x2048xf32, #tpu.memory_space<vmem>>, vector<16xf32>,
        } {sc.loop_unroll_factor = 4 : i64, sc.parallel_access}
        %parallel_loop3A_101 = arith.constant 0 : i32
        %parallel_loop3A_102 = arith.constant 64 : i32
        %parallel_loop3A_103 = arith.constant 1 : i32
        scf.for %parallel_loop3A_129 = %parallel_loop3A_101 to %parallel_loop3A_102 step %parallel_loop3A_103  : i32 {
          %parallel_loop3A_130 = arith.constant 16 : i32
          %parallel_loop3A_131 = arith.muli %parallel_loop3A_129, %parallel_loop3A_130 : i32
          %parallel_loop3A_132 = arith.constant 1 : i32
          %parallel_loop3A_133 = arith.index_cast %parallel_loop3A_132 : i32 to index
          %parallel_loop3A_134 = arith.index_cast %parallel_loop3A_131 : i32 to index
          %parallel_loop3A_135 = tpu.vector_load %arg9[%parallel_loop3A_133, %parallel_loop3A_134] {strides = array<i32>} : memref<8x1024xi32, #tpu.memory_space<vmem>>, vector<16xi32>,
          %parallel_loop3A_136 = vector.bitcast %parallel_loop3A_135 : vector<16xi32> to vector<32xbf16>
          %parallel_loop3A_137 = arith.constant 1 : i32
          %parallel_loop3A_138 = arith.index_cast %parallel_loop3A_137 : i32 to index
          %parallel_loop3A_139 = arith.index_cast %parallel_loop3A_131 : i32 to index
          %parallel_loop3A_140 = tpu.vector_load %arg10[%parallel_loop3A_138, %parallel_loop3A_139] {strides = array<i32>} : memref<8x1024xi32, #tpu.memory_space<vmem>>, vector<16xi32>,
          %parallel_loop3A_141 = vector.bitcast %parallel_loop3A_140 : vector<16xi32> to vector<32xbf16>
          %parallel_loop3A_142 = arith.addf %parallel_loop3A_136, %parallel_loop3A_141 : vector<32xbf16>
          %parallel_loop3A_143 = vector.bitcast %parallel_loop3A_142 : vector<32xbf16> to vector<16xi32>
          %parallel_loop3A_144 = arith.constant 16 : i32
          %parallel_loop3A_145 = vector.broadcast %parallel_loop3A_144 : i32 to vector<16xi32>
          %parallel_loop3A_146 = arith.shli %parallel_loop3A_143, %parallel_loop3A_145 : vector<16xi32>
          %parallel_loop3A_147 = vector.bitcast %parallel_loop3A_146 : vector<16xi32> to vector<16xf32>
          %parallel_loop3A_148 = arith.constant -65536 : i32
          %parallel_loop3A_149 = vector.broadcast %parallel_loop3A_148 : i32 to vector<16xi32>
          %parallel_loop3A_150 = arith.andi %parallel_loop3A_143, %parallel_loop3A_149 : vector<16xi32>
          %parallel_loop3A_151 = vector.bitcast %parallel_loop3A_150 : vector<16xi32> to vector<16xf32>
          %parallel_loop3A_152 = arith.constant 32 : i32
          %parallel_loop3A_153 = arith.muli %parallel_loop3A_129, %parallel_loop3A_152 : i32
          %parallel_loop3A_154 = arith.constant 1 : i32
          %parallel_loop3A_155 = arith.index_cast %parallel_loop3A_154 : i32 to index
          %parallel_loop3A_156 = arith.index_cast %parallel_loop3A_153 : i32 to index
          %parallel_loop3A_157 = tpu.vector_load %arg15[%parallel_loop3A_155, %parallel_loop3A_156] {strides = array<i32>} : memref<8x2048xf32, #tpu.memory_space<vmem>>, vector<16xf32>,
          tpu.vector_store %arg15[%parallel_loop3A_155, %parallel_loop3A_156], %parallel_loop3A_147 {strides = array<i32>} : memref<8x2048xf32, #tpu.memory_space<vmem>>, vector<16xf32>,
          %parallel_loop3A_158 = arith.constant 32 : i32
          %parallel_loop3A_159 = arith.muli %parallel_loop3A_129, %parallel_loop3A_158 : i32
          %parallel_loop3A_160 = arith.constant 16 : i32
          %parallel_loop3A_161 = arith.addi %parallel_loop3A_159, %parallel_loop3A_160 : i32
          %parallel_loop3A_162 = arith.constant 1 : i32
          %parallel_loop3A_163 = arith.index_cast %parallel_loop3A_162 : i32 to index
          %parallel_loop3A_164 = arith.index_cast %parallel_loop3A_161 : i32 to index
          %parallel_loop3A_165 = tpu.vector_load %arg15[%parallel_loop3A_163, %parallel_loop3A_164] {strides = array<i32>} : memref<8x2048xf32, #tpu.memory_space<vmem>>, vector<16xf32>,
          tpu.vector_store %arg15[%parallel_loop3A_163, %parallel_loop3A_164], %parallel_loop3A_151 {strides = array<i32>} : memref<8x2048xf32, #tpu.memory_space<vmem>>, vector<16xf32>,
        } {sc.loop_unroll_factor = 4 : i64, sc.parallel_access}
        %parallel_loop3A_104 = arith.constant 0 : i32
        %parallel_loop3A_105 = arith.constant 64 : i32
        %parallel_loop3A_106 = arith.constant 1 : i32
        scf.for %parallel_loop3A_129 = %parallel_loop3A_104 to %parallel_loop3A_105 step %parallel_loop3A_106  : i32 {
          %parallel_loop3A_130 = arith.constant 16 : i32
          %parallel_loop3A_131 = arith.muli %parallel_loop3A_129, %parallel_loop3A_130 : i32
          %parallel_loop3A_132 = arith.constant 2 : i32
          %parallel_loop3A_133 = arith.index_cast %parallel_loop3A_132 : i32 to index
          %parallel_loop3A_134 = arith.index_cast %parallel_loop3A_131 : i32 to index
          %parallel_loop3A_135 = tpu.vector_load %arg9[%parallel_loop3A_133, %parallel_loop3A_134] {strides = array<i32>} : memref<8x1024xi32, #tpu.memory_space<vmem>>, vector<16xi32>,
          %parallel_loop3A_136 = vector.bitcast %parallel_loop3A_135 : vector<16xi32> to vector<32xbf16>
          %parallel_loop3A_137 = arith.constant 2 : i32
          %parallel_loop3A_138 = arith.index_cast %parallel_loop3A_137 : i32 to index
          %parallel_loop3A_139 = arith.index_cast %parallel_loop3A_131 : i32 to index
          %parallel_loop3A_140 = tpu.vector_load %arg10[%parallel_loop3A_138, %parallel_loop3A_139] {strides = array<i32>} : memref<8x1024xi32, #tpu.memory_space<vmem>>, vector<16xi32>,
          %parallel_loop3A_141 = vector.bitcast %parallel_loop3A_140 : vector<16xi32> to vector<32xbf16>
          %parallel_loop3A_142 = arith.addf %parallel_loop3A_136, %parallel_loop3A_141 : vector<32xbf16>
          %parallel_loop3A_143 = vector.bitcast %parallel_loop3A_142 : vector<32xbf16> to vector<16xi32>
          %parallel_loop3A_144 = arith.constant 16 : i32
          %parallel_loop3A_145 = vector.broadcast %parallel_loop3A_144 : i32 to vector<16xi32>
          %parallel_loop3A_146 = arith.shli %parallel_loop3A_143, %parallel_loop3A_145 : vector<16xi32>
          %parallel_loop3A_147 = vector.bitcast %parallel_loop3A_146 : vector<16xi32> to vector<16xf32>
          %parallel_loop3A_148 = arith.constant -65536 : i32
          %parallel_loop3A_149 = vector.broadcast %parallel_loop3A_148 : i32 to vector<16xi32>
          %parallel_loop3A_150 = arith.andi %parallel_loop3A_143, %parallel_loop3A_149 : vector<16xi32>
          %parallel_loop3A_151 = vector.bitcast %parallel_loop3A_150 : vector<16xi32> to vector<16xf32>
          %parallel_loop3A_152 = arith.constant 32 : i32
          %parallel_loop3A_153 = arith.muli %parallel_loop3A_129, %parallel_loop3A_152 : i32
          %parallel_loop3A_154 = arith.constant 2 : i32
          %parallel_loop3A_155 = arith.index_cast %parallel_loop3A_154 : i32 to index
          %parallel_loop3A_156 = arith.index_cast %parallel_loop3A_153 : i32 to index
          %parallel_loop3A_157 = tpu.vector_load %arg15[%parallel_loop3A_155, %parallel_loop3A_156] {strides = array<i32>} : memref<8x2048xf32, #tpu.memory_space<vmem>>, vector<16xf32>,
          tpu.vector_store %arg15[%parallel_loop3A_155, %parallel_loop3A_156], %parallel_loop3A_147 {strides = array<i32>} : memref<8x2048xf32, #tpu.memory_space<vmem>>, vector<16xf32>,
          %parallel_loop3A_158 = arith.constant 32 : i32
          %parallel_loop3A_159 = arith.muli %parallel_loop3A_129, %parallel_loop3A_158 : i32
          %parallel_loop3A_160 = arith.constant 16 : i32
          %parallel_loop3A_161 = arith.addi %parallel_loop3A_159, %parallel_loop3A_160 : i32
          %parallel_loop3A_162 = arith.constant 2 : i32
          %parallel_loop3A_163 = arith.index_cast %parallel_loop3A_162 : i32 to index
          %parallel_loop3A_164 = arith.index_cast %parallel_loop3A_161 : i32 to index
          %parallel_loop3A_165 = tpu.vector_load %arg15[%parallel_loop3A_163, %parallel_loop3A_164] {strides = array<i32>} : memref<8x2048xf32, #tpu.memory_space<vmem>>, vector<16xf32>,
          tpu.vector_store %arg15[%parallel_loop3A_163, %parallel_loop3A_164], %parallel_loop3A_151 {strides = array<i32>} : memref<8x2048xf32, #tpu.memory_space<vmem>>, vector<16xf32>,
        } {sc.loop_unroll_factor = 4 : i64, sc.parallel_access}
        %parallel_loop3A_107 = arith.constant 0 : i32
        %parallel_loop3A_108 = arith.constant 64 : i32
        %parallel_loop3A_109 = arith.constant 1 : i32
        scf.for %parallel_loop3A_129 = %parallel_loop3A_107 to %parallel_loop3A_108 step %parallel_loop3A_109  : i32 {
          %parallel_loop3A_130 = arith.constant 16 : i32
          %parallel_loop3A_131 = arith.muli %parallel_loop3A_129, %parallel_loop3A_130 : i32
          %parallel_loop3A_132 = arith.constant 3 : i32
          %parallel_loop3A_133 = arith.index_cast %parallel_loop3A_132 : i32 to index
          %parallel_loop3A_134 = arith.index_cast %parallel_loop3A_131 : i32 to index
          %parallel_loop3A_135 = tpu.vector_load %arg9[%parallel_loop3A_133, %parallel_loop3A_134] {strides = array<i32>} : memref<8x1024xi32, #tpu.memory_space<vmem>>, vector<16xi32>,
          %parallel_loop3A_136 = vector.bitcast %parallel_loop3A_135 : vector<16xi32> to vector<32xbf16>
          %parallel_loop3A_137 = arith.constant 3 : i32
          %parallel_loop3A_138 = arith.index_cast %parallel_loop3A_137 : i32 to index
          %parallel_loop3A_139 = arith.index_cast %parallel_loop3A_131 : i32 to index
          %parallel_loop3A_140 = tpu.vector_load %arg10[%parallel_loop3A_138, %parallel_loop3A_139] {strides = array<i32>} : memref<8x1024xi32, #tpu.memory_space<vmem>>, vector<16xi32>,
          %parallel_loop3A_141 = vector.bitcast %parallel_loop3A_140 : vector<16xi32> to vector<32xbf16>
          %parallel_loop3A_142 = arith.addf %parallel_loop3A_136, %parallel_loop3A_141 : vector<32xbf16>
          %parallel_loop3A_143 = vector.bitcast %parallel_loop3A_142 : vector<32xbf16> to vector<16xi32>
          %parallel_loop3A_144 = arith.constant 16 : i32
          %parallel_loop3A_145 = vector.broadcast %parallel_loop3A_144 : i32 to vector<16xi32>
          %parallel_loop3A_146 = arith.shli %parallel_loop3A_143, %parallel_loop3A_145 : vector<16xi32>
          %parallel_loop3A_147 = vector.bitcast %parallel_loop3A_146 : vector<16xi32> to vector<16xf32>
          %parallel_loop3A_148 = arith.constant -65536 : i32
          %parallel_loop3A_149 = vector.broadcast %parallel_loop3A_148 : i32 to vector<16xi32>
          %parallel_loop3A_150 = arith.andi %parallel_loop3A_143, %parallel_loop3A_149 : vector<16xi32>
          %parallel_loop3A_151 = vector.bitcast %parallel_loop3A_150 : vector<16xi32> to vector<16xf32>
          %parallel_loop3A_152 = arith.constant 32 : i32
          %parallel_loop3A_153 = arith.muli %parallel_loop3A_129, %parallel_loop3A_152 : i32
          %parallel_loop3A_154 = arith.constant 3 : i32
          %parallel_loop3A_155 = arith.index_cast %parallel_loop3A_154 : i32 to index
          %parallel_loop3A_156 = arith.index_cast %parallel_loop3A_153 : i32 to index
          %parallel_loop3A_157 = tpu.vector_load %arg15[%parallel_loop3A_155, %parallel_loop3A_156] {strides = array<i32>} : memref<8x2048xf32, #tpu.memory_space<vmem>>, vector<16xf32>,
          tpu.vector_store %arg15[%parallel_loop3A_155, %parallel_loop3A_156], %parallel_loop3A_147 {strides = array<i32>} : memref<8x2048xf32, #tpu.memory_space<vmem>>, vector<16xf32>,
          %parallel_loop3A_158 = arith.constant 32 : i32
          %parallel_loop3A_159 = arith.muli %parallel_loop3A_129, %parallel_loop3A_158 : i32
          %parallel_loop3A_160 = arith.constant 16 : i32
          %parallel_loop3A_161 = arith.addi %parallel_loop3A_159, %parallel_loop3A_160 : i32
          %parallel_loop3A_162 = arith.constant 3 : i32
          %parallel_loop3A_163 = arith.index_cast %parallel_loop3A_162 : i32 to index
          %parallel_loop3A_164 = arith.index_cast %parallel_loop3A_161 : i32 to index
          %parallel_loop3A_165 = tpu.vector_load %arg15[%parallel_loop3A_163, %parallel_loop3A_164] {strides = array<i32>} : memref<8x2048xf32, #tpu.memory_space<vmem>>, vector<16xf32>,
          tpu.vector_store %arg15[%parallel_loop3A_163, %parallel_loop3A_164], %parallel_loop3A_151 {strides = array<i32>} : memref<8x2048xf32, #tpu.memory_space<vmem>>, vector<16xf32>,
        } {sc.loop_unroll_factor = 4 : i64, sc.parallel_access}
        %parallel_loop3A_110 = arith.constant 0 : i32
        %parallel_loop3A_111 = arith.constant 64 : i32
        %parallel_loop3A_112 = arith.constant 1 : i32
        scf.for %parallel_loop3A_129 = %parallel_loop3A_110 to %parallel_loop3A_111 step %parallel_loop3A_112  : i32 {
          %parallel_loop3A_130 = arith.constant 16 : i32
          %parallel_loop3A_131 = arith.muli %parallel_loop3A_129, %parallel_loop3A_130 : i32
          %parallel_loop3A_132 = arith.constant 4 : i32
          %parallel_loop3A_133 = arith.index_cast %parallel_loop3A_132 : i32 to index
          %parallel_loop3A_134 = arith.index_cast %parallel_loop3A_131 : i32 to index
          %parallel_loop3A_135 = tpu.vector_load %arg9[%parallel_loop3A_133, %parallel_loop3A_134] {strides = array<i32>} : memref<8x1024xi32, #tpu.memory_space<vmem>>, vector<16xi32>,
          %parallel_loop3A_136 = vector.bitcast %parallel_loop3A_135 : vector<16xi32> to vector<32xbf16>
          %parallel_loop3A_137 = arith.constant 4 : i32
          %parallel_loop3A_138 = arith.index_cast %parallel_loop3A_137 : i32 to index
          %parallel_loop3A_139 = arith.index_cast %parallel_loop3A_131 : i32 to index
          %parallel_loop3A_140 = tpu.vector_load %arg10[%parallel_loop3A_138, %parallel_loop3A_139] {strides = array<i32>} : memref<8x1024xi32, #tpu.memory_space<vmem>>, vector<16xi32>,
          %parallel_loop3A_141 = vector.bitcast %parallel_loop3A_140 : vector<16xi32> to vector<32xbf16>
          %parallel_loop3A_142 = arith.addf %parallel_loop3A_136, %parallel_loop3A_141 : vector<32xbf16>
          %parallel_loop3A_143 = vector.bitcast %parallel_loop3A_142 : vector<32xbf16> to vector<16xi32>
          %parallel_loop3A_144 = arith.constant 16 : i32
          %parallel_loop3A_145 = vector.broadcast %parallel_loop3A_144 : i32 to vector<16xi32>
          %parallel_loop3A_146 = arith.shli %parallel_loop3A_143, %parallel_loop3A_145 : vector<16xi32>
          %parallel_loop3A_147 = vector.bitcast %parallel_loop3A_146 : vector<16xi32> to vector<16xf32>
          %parallel_loop3A_148 = arith.constant -65536 : i32
          %parallel_loop3A_149 = vector.broadcast %parallel_loop3A_148 : i32 to vector<16xi32>
          %parallel_loop3A_150 = arith.andi %parallel_loop3A_143, %parallel_loop3A_149 : vector<16xi32>
          %parallel_loop3A_151 = vector.bitcast %parallel_loop3A_150 : vector<16xi32> to vector<16xf32>
          %parallel_loop3A_152 = arith.constant 32 : i32
          %parallel_loop3A_153 = arith.muli %parallel_loop3A_129, %parallel_loop3A_152 : i32
          %parallel_loop3A_154 = arith.constant 4 : i32
          %parallel_loop3A_155 = arith.index_cast %parallel_loop3A_154 : i32 to index
          %parallel_loop3A_156 = arith.index_cast %parallel_loop3A_153 : i32 to index
          %parallel_loop3A_157 = tpu.vector_load %arg15[%parallel_loop3A_155, %parallel_loop3A_156] {strides = array<i32>} : memref<8x2048xf32, #tpu.memory_space<vmem>>, vector<16xf32>,
          tpu.vector_store %arg15[%parallel_loop3A_155, %parallel_loop3A_156], %parallel_loop3A_147 {strides = array<i32>} : memref<8x2048xf32, #tpu.memory_space<vmem>>, vector<16xf32>,
          %parallel_loop3A_158 = arith.constant 32 : i32
          %parallel_loop3A_159 = arith.muli %parallel_loop3A_129, %parallel_loop3A_158 : i32
          %parallel_loop3A_160 = arith.constant 16 : i32
          %parallel_loop3A_161 = arith.addi %parallel_loop3A_159, %parallel_loop3A_160 : i32
          %parallel_loop3A_162 = arith.constant 4 : i32
          %parallel_loop3A_163 = arith.index_cast %parallel_loop3A_162 : i32 to index
          %parallel_loop3A_164 = arith.index_cast %parallel_loop3A_161 : i32 to index
          %parallel_loop3A_165 = tpu.vector_load %arg15[%parallel_loop3A_163, %parallel_loop3A_164] {strides = array<i32>} : memref<8x2048xf32, #tpu.memory_space<vmem>>, vector<16xf32>,
          tpu.vector_store %arg15[%parallel_loop3A_163, %parallel_loop3A_164], %parallel_loop3A_151 {strides = array<i32>} : memref<8x2048xf32, #tpu.memory_space<vmem>>, vector<16xf32>,
        } {sc.loop_unroll_factor = 4 : i64, sc.parallel_access}
        %parallel_loop3A_113 = arith.constant 0 : i32
        %parallel_loop3A_114 = arith.constant 64 : i32
        %parallel_loop3A_115 = arith.constant 1 : i32
        scf.for %parallel_loop3A_129 = %parallel_loop3A_113 to %parallel_loop3A_114 step %parallel_loop3A_115  : i32 {
          %parallel_loop3A_130 = arith.constant 16 : i32
          %parallel_loop3A_131 = arith.muli %parallel_loop3A_129, %parallel_loop3A_130 : i32
          %parallel_loop3A_132 = arith.constant 5 : i32
          %parallel_loop3A_133 = arith.index_cast %parallel_loop3A_132 : i32 to index
          %parallel_loop3A_134 = arith.index_cast %parallel_loop3A_131 : i32 to index
          %parallel_loop3A_135 = tpu.vector_load %arg9[%parallel_loop3A_133, %parallel_loop3A_134] {strides = array<i32>} : memref<8x1024xi32, #tpu.memory_space<vmem>>, vector<16xi32>,
          %parallel_loop3A_136 = vector.bitcast %parallel_loop3A_135 : vector<16xi32> to vector<32xbf16>
          %parallel_loop3A_137 = arith.constant 5 : i32
          %parallel_loop3A_138 = arith.index_cast %parallel_loop3A_137 : i32 to index
          %parallel_loop3A_139 = arith.index_cast %parallel_loop3A_131 : i32 to index
          %parallel_loop3A_140 = tpu.vector_load %arg10[%parallel_loop3A_138, %parallel_loop3A_139] {strides = array<i32>} : memref<8x1024xi32, #tpu.memory_space<vmem>>, vector<16xi32>,
          %parallel_loop3A_141 = vector.bitcast %parallel_loop3A_140 : vector<16xi32> to vector<32xbf16>
          %parallel_loop3A_142 = arith.addf %parallel_loop3A_136, %parallel_loop3A_141 : vector<32xbf16>
          %parallel_loop3A_143 = vector.bitcast %parallel_loop3A_142 : vector<32xbf16> to vector<16xi32>
          %parallel_loop3A_144 = arith.constant 16 : i32
          %parallel_loop3A_145 = vector.broadcast %parallel_loop3A_144 : i32 to vector<16xi32>
          %parallel_loop3A_146 = arith.shli %parallel_loop3A_143, %parallel_loop3A_145 : vector<16xi32>
          %parallel_loop3A_147 = vector.bitcast %parallel_loop3A_146 : vector<16xi32> to vector<16xf32>
          %parallel_loop3A_148 = arith.constant -65536 : i32
          %parallel_loop3A_149 = vector.broadcast %parallel_loop3A_148 : i32 to vector<16xi32>
          %parallel_loop3A_150 = arith.andi %parallel_loop3A_143, %parallel_loop3A_149 : vector<16xi32>
          %parallel_loop3A_151 = vector.bitcast %parallel_loop3A_150 : vector<16xi32> to vector<16xf32>
          %parallel_loop3A_152 = arith.constant 32 : i32
          %parallel_loop3A_153 = arith.muli %parallel_loop3A_129, %parallel_loop3A_152 : i32
          %parallel_loop3A_154 = arith.constant 5 : i32
          %parallel_loop3A_155 = arith.index_cast %parallel_loop3A_154 : i32 to index
          %parallel_loop3A_156 = arith.index_cast %parallel_loop3A_153 : i32 to index
          %parallel_loop3A_157 = tpu.vector_load %arg15[%parallel_loop3A_155, %parallel_loop3A_156] {strides = array<i32>} : memref<8x2048xf32, #tpu.memory_space<vmem>>, vector<16xf32>,
          tpu.vector_store %arg15[%parallel_loop3A_155, %parallel_loop3A_156], %parallel_loop3A_147 {strides = array<i32>} : memref<8x2048xf32, #tpu.memory_space<vmem>>, vector<16xf32>,
          %parallel_loop3A_158 = arith.constant 32 : i32
          %parallel_loop3A_159 = arith.muli %parallel_loop3A_129, %parallel_loop3A_158 : i32
          %parallel_loop3A_160 = arith.constant 16 : i32
          %parallel_loop3A_161 = arith.addi %parallel_loop3A_159, %parallel_loop3A_160 : i32
          %parallel_loop3A_162 = arith.constant 5 : i32
          %parallel_loop3A_163 = arith.index_cast %parallel_loop3A_162 : i32 to index
          %parallel_loop3A_164 = arith.index_cast %parallel_loop3A_161 : i32 to index
          %parallel_loop3A_165 = tpu.vector_load %arg15[%parallel_loop3A_163, %parallel_loop3A_164] {strides = array<i32>} : memref<8x2048xf32, #tpu.memory_space<vmem>>, vector<16xf32>,
          tpu.vector_store %arg15[%parallel_loop3A_163, %parallel_loop3A_164], %parallel_loop3A_151 {strides = array<i32>} : memref<8x2048xf32, #tpu.memory_space<vmem>>, vector<16xf32>,
        } {sc.loop_unroll_factor = 4 : i64, sc.parallel_access}
        %parallel_loop3A_116 = arith.constant 0 : i32
        %parallel_loop3A_117 = arith.constant 64 : i32
        %parallel_loop3A_118 = arith.constant 1 : i32
        scf.for %parallel_loop3A_129 = %parallel_loop3A_116 to %parallel_loop3A_117 step %parallel_loop3A_118  : i32 {
          %parallel_loop3A_130 = arith.constant 16 : i32
          %parallel_loop3A_131 = arith.muli %parallel_loop3A_129, %parallel_loop3A_130 : i32
          %parallel_loop3A_132 = arith.constant 6 : i32
          %parallel_loop3A_133 = arith.index_cast %parallel_loop3A_132 : i32 to index
          %parallel_loop3A_134 = arith.index_cast %parallel_loop3A_131 : i32 to index
          %parallel_loop3A_135 = tpu.vector_load %arg9[%parallel_loop3A_133, %parallel_loop3A_134] {strides = array<i32>} : memref<8x1024xi32, #tpu.memory_space<vmem>>, vector<16xi32>,
          %parallel_loop3A_136 = vector.bitcast %parallel_loop3A_135 : vector<16xi32> to vector<32xbf16>
          %parallel_loop3A_137 = arith.constant 6 : i32
          %parallel_loop3A_138 = arith.index_cast %parallel_loop3A_137 : i32 to index
          %parallel_loop3A_139 = arith.index_cast %parallel_loop3A_131 : i32 to index
          %parallel_loop3A_140 = tpu.vector_load %arg10[%parallel_loop3A_138, %parallel_loop3A_139] {strides = array<i32>} : memref<8x1024xi32, #tpu.memory_space<vmem>>, vector<16xi32>,
          %parallel_loop3A_141 = vector.bitcast %parallel_loop3A_140 : vector<16xi32> to vector<32xbf16>
          %parallel_loop3A_142 = arith.addf %parallel_loop3A_136, %parallel_loop3A_141 : vector<32xbf16>
          %parallel_loop3A_143 = vector.bitcast %parallel_loop3A_142 : vector<32xbf16> to vector<16xi32>
          %parallel_loop3A_144 = arith.constant 16 : i32
          %parallel_loop3A_145 = vector.broadcast %parallel_loop3A_144 : i32 to vector<16xi32>
          %parallel_loop3A_146 = arith.shli %parallel_loop3A_143, %parallel_loop3A_145 : vector<16xi32>
          %parallel_loop3A_147 = vector.bitcast %parallel_loop3A_146 : vector<16xi32> to vector<16xf32>
          %parallel_loop3A_148 = arith.constant -65536 : i32
          %parallel_loop3A_149 = vector.broadcast %parallel_loop3A_148 : i32 to vector<16xi32>
          %parallel_loop3A_150 = arith.andi %parallel_loop3A_143, %parallel_loop3A_149 : vector<16xi32>
          %parallel_loop3A_151 = vector.bitcast %parallel_loop3A_150 : vector<16xi32> to vector<16xf32>
          %parallel_loop3A_152 = arith.constant 32 : i32
          %parallel_loop3A_153 = arith.muli %parallel_loop3A_129, %parallel_loop3A_152 : i32
          %parallel_loop3A_154 = arith.constant 6 : i32
          %parallel_loop3A_155 = arith.index_cast %parallel_loop3A_154 : i32 to index
          %parallel_loop3A_156 = arith.index_cast %parallel_loop3A_153 : i32 to index
          %parallel_loop3A_157 = tpu.vector_load %arg15[%parallel_loop3A_155, %parallel_loop3A_156] {strides = array<i32>} : memref<8x2048xf32, #tpu.memory_space<vmem>>, vector<16xf32>,
          tpu.vector_store %arg15[%parallel_loop3A_155, %parallel_loop3A_156], %parallel_loop3A_147 {strides = array<i32>} : memref<8x2048xf32, #tpu.memory_space<vmem>>, vector<16xf32>,
          %parallel_loop3A_158 = arith.constant 32 : i32
          %parallel_loop3A_159 = arith.muli %parallel_loop3A_129, %parallel_loop3A_158 : i32
          %parallel_loop3A_160 = arith.constant 16 : i32
          %parallel_loop3A_161 = arith.addi %parallel_loop3A_159, %parallel_loop3A_160 : i32
          %parallel_loop3A_162 = arith.constant 6 : i32
          %parallel_loop3A_163 = arith.index_cast %parallel_loop3A_162 : i32 to index
          %parallel_loop3A_164 = arith.index_cast %parallel_loop3A_161 : i32 to index
          %parallel_loop3A_165 = tpu.vector_load %arg15[%parallel_loop3A_163, %parallel_loop3A_164] {strides = array<i32>} : memref<8x2048xf32, #tpu.memory_space<vmem>>, vector<16xf32>,
          tpu.vector_store %arg15[%parallel_loop3A_163, %parallel_loop3A_164], %parallel_loop3A_151 {strides = array<i32>} : memref<8x2048xf32, #tpu.memory_space<vmem>>, vector<16xf32>,
        } {sc.loop_unroll_factor = 4 : i64, sc.parallel_access}
        %parallel_loop3A_119 = arith.constant 0 : i32
        %parallel_loop3A_120 = arith.constant 64 : i32
        %parallel_loop3A_121 = arith.constant 1 : i32
        scf.for %parallel_loop3A_129 = %parallel_loop3A_119 to %parallel_loop3A_120 step %parallel_loop3A_121  : i32 {
          %parallel_loop3A_130 = arith.constant 16 : i32
          %parallel_loop3A_131 = arith.muli %parallel_loop3A_129, %parallel_loop3A_130 : i32
          %parallel_loop3A_132 = arith.constant 7 : i32
          %parallel_loop3A_133 = arith.index_cast %parallel_loop3A_132 : i32 to index
          %parallel_loop3A_134 = arith.index_cast %parallel_loop3A_131 : i32 to index
          %parallel_loop3A_135 = tpu.vector_load %arg9[%parallel_loop3A_133, %parallel_loop3A_134] {strides = array<i32>} : memref<8x1024xi32, #tpu.memory_space<vmem>>, vector<16xi32>,
          %parallel_loop3A_136 = vector.bitcast %parallel_loop3A_135 : vector<16xi32> to vector<32xbf16>
          %parallel_loop3A_137 = arith.constant 7 : i32
          %parallel_loop3A_138 = arith.index_cast %parallel_loop3A_137 : i32 to index
          %parallel_loop3A_139 = arith.index_cast %parallel_loop3A_131 : i32 to index
          %parallel_loop3A_140 = tpu.vector_load %arg10[%parallel_loop3A_138, %parallel_loop3A_139] {strides = array<i32>} : memref<8x1024xi32, #tpu.memory_space<vmem>>, vector<16xi32>,
          %parallel_loop3A_141 = vector.bitcast %parallel_loop3A_140 : vector<16xi32> to vector<32xbf16>
          %parallel_loop3A_142 = arith.addf %parallel_loop3A_136, %parallel_loop3A_141 : vector<32xbf16>
          %parallel_loop3A_143 = vector.bitcast %parallel_loop3A_142 : vector<32xbf16> to vector<16xi32>
          %parallel_loop3A_144 = arith.constant 16 : i32
          %parallel_loop3A_145 = vector.broadcast %parallel_loop3A_144 : i32 to vector<16xi32>
          %parallel_loop3A_146 = arith.shli %parallel_loop3A_143, %parallel_loop3A_145 : vector<16xi32>
          %parallel_loop3A_147 = vector.bitcast %parallel_loop3A_146 : vector<16xi32> to vector<16xf32>
          %parallel_loop3A_148 = arith.constant -65536 : i32
          %parallel_loop3A_149 = vector.broadcast %parallel_loop3A_148 : i32 to vector<16xi32>
          %parallel_loop3A_150 = arith.andi %parallel_loop3A_143, %parallel_loop3A_149 : vector<16xi32>
          %parallel_loop3A_151 = vector.bitcast %parallel_loop3A_150 : vector<16xi32> to vector<16xf32>
          %parallel_loop3A_152 = arith.constant 32 : i32
          %parallel_loop3A_153 = arith.muli %parallel_loop3A_129, %parallel_loop3A_152 : i32
          %parallel_loop3A_154 = arith.constant 7 : i32
          %parallel_loop3A_155 = arith.index_cast %parallel_loop3A_154 : i32 to index
          %parallel_loop3A_156 = arith.index_cast %parallel_loop3A_153 : i32 to index
          %parallel_loop3A_157 = tpu.vector_load %arg15[%parallel_loop3A_155, %parallel_loop3A_156] {strides = array<i32>} : memref<8x2048xf32, #tpu.memory_space<vmem>>, vector<16xf32>,
          tpu.vector_store %arg15[%parallel_loop3A_155, %parallel_loop3A_156], %parallel_loop3A_147 {strides = array<i32>} : memref<8x2048xf32, #tpu.memory_space<vmem>>, vector<16xf32>,
          %parallel_loop3A_158 = arith.constant 32 : i32
          %parallel_loop3A_159 = arith.muli %parallel_loop3A_129, %parallel_loop3A_158 : i32
          %parallel_loop3A_160 = arith.constant 16 : i32
          %parallel_loop3A_161 = arith.addi %parallel_loop3A_159, %parallel_loop3A_160 : i32
          %parallel_loop3A_162 = arith.constant 7 : i32
          %parallel_loop3A_163 = arith.index_cast %parallel_loop3A_162 : i32 to index
          %parallel_loop3A_164 = arith.index_cast %parallel_loop3A_161 : i32 to index
          %parallel_loop3A_165 = tpu.vector_load %arg15[%parallel_loop3A_163, %parallel_loop3A_164] {strides = array<i32>} : memref<8x2048xf32, #tpu.memory_space<vmem>>, vector<16xf32>,
          tpu.vector_store %arg15[%parallel_loop3A_163, %parallel_loop3A_164], %parallel_loop3A_151 {strides = array<i32>} : memref<8x2048xf32, #tpu.memory_space<vmem>>, vector<16xf32>,
        } {sc.loop_unroll_factor = 4 : i64, sc.parallel_access}
        %mul3A_122 = arith.constant 8 : i32
        %mul3A_123 = arith.muli %add3A_61, %mul3A_122 : i32
        %add3A_124 = arith.addi %mul3A_2, %mul3A_123 : i32
        %dma_start3A_125 = arith.constant 0 : i32
        %dma_start3A_126 = tpu.memref_slice %arg5[%add3A_124, %dma_start3A_125] : memref<16384x2048xf32, #tpu.memory_space<hbm>> -> memref<8x2048xf32, #tpu.memory_space<hbm>>
        %dma_start3A_127 = arith.constant 0 : i32
        %dma_start3A_128 = tpu.memref_slice %arg5[%add3A_124, %dma_start3A_127] : memref<16384x2048xf32, #tpu.memory_space<hbm>> -> memref<8x2048xf32, #tpu.memory_space<hbm>>
        tpu.enqueue_dma source(%arg15 : memref<8x2048xf32, #tpu.memory_space<vmem>>) target(%dma_start3A_128 : memref<8x2048xf32, #tpu.memory_space<hbm>>) target_semaphore(%arg21 : memref<!tpu.dma_semaphore, #tpu.memory_space<semaphore_mem>>)
      } else {
      }
      %add3A_64 = arith.constant 1 : i32
      %add3A_65 = arith.addi %mul3A_59, %add3A_64 : i32
      %lt3A_66 = arith.constant 64 : i32
      %lt3A_67 = arith.cmpi slt, %add3A_65, %lt3A_66 : i32
      %convert_element_type3A_68 = arith.extui %lt3A_67 : i1 to i32
      %cond3A_69 = arith.constant 0 : i32
      %cond3A_70 = arith.cmpi ne, %convert_element_type3A_68, %cond3A_69 : i32
      scf.if %cond3A_70 {
        %add3A_78 = arith.constant 2 : i32
        %add3A_79 = arith.addi %add3A_65, %add3A_78 : i32
        %lt3A_80 = arith.constant 64 : i32
        %lt3A_81 = arith.cmpi slt, %add3A_79, %lt3A_80 : i32
        %convert_element_type3A_82 = arith.extui %lt3A_81 : i1 to i32
        %cond3A_83 = arith.constant 0 : i32
        %cond3A_84 = arith.cmpi ne, %convert_element_type3A_82, %cond3A_83 : i32
        scf.if %cond3A_84 {
          %add3A_129 = arith.constant 2 : i32
          %add3A_130 = arith.addi %add3A_65, %add3A_129 : i32
          %mul3A_131 = arith.constant 8 : i32
          %mul3A_132 = arith.muli %add3A_130, %mul3A_131 : i32
          %dma_start3A_133 = tpu.memref_slice %arg7[%mul3A_132] : memref<512xi32, #tpu.memory_space<vmem>> -> memref<8xi32, #tpu.memory_space<vmem>>
          %dma_start3A_134 = arith.constant 0 : i32
          %dma_start3A_135 = arith.constant 0 : i32
          %dma_start3A_136 = tpu.memref_slice %arg3[%dma_start3A_134, %dma_start3A_135] : memref<1024x1024xi32, #tpu.memory_space<hbm>> -> memref<1024x1024xi32, #tpu.memory_space<hbm>>
          tpu.enqueue_indirect_dma source(%dma_start3A_136 : memref<1024x1024xi32, #tpu.memory_space<hbm>>) target(%arg9 : memref<8x1024xi32, #tpu.memory_space<vmem>>) offsets(%dma_start3A_133 : memref<8xi32, #tpu.memory_space<vmem>>) semaphore(%arg18 : memref<!tpu.dma_semaphore, #tpu.memory_space<semaphore_mem>>)
          %dma_start3A_137 = tpu.memref_slice %arg8[%mul3A_132] : memref<512xi32, #tpu.memory_space<vmem>> -> memref<8xi32, #tpu.memory_space<vmem>>
          %dma_start3A_138 = arith.constant 0 : i32
          %dma_start3A_139 = arith.constant 0 : i32
          %dma_start3A_140 = tpu.memref_slice %arg4[%dma_start3A_138, %dma_start3A_139] : memref<1024x1024xi32, #tpu.memory_space<hbm>> -> memref<1024x1024xi32, #tpu.memory_space<hbm>>
          tpu.enqueue_indirect_dma source(%dma_start3A_140 : memref<1024x1024xi32, #tpu.memory_space<hbm>>) target(%arg10 : memref<8x1024xi32, #tpu.memory_space<vmem>>) offsets(%dma_start3A_137 : memref<8xi32, #tpu.memory_space<vmem>>) semaphore(%arg18 : memref<!tpu.dma_semaphore, #tpu.memory_space<semaphore_mem>>)
        } else {
        }
        %dma_wait3A_85 = arith.constant 0 : i32
        %dma_wait3A_86 = tpu.memref_slice %arg7[%dma_wait3A_85] : memref<512xi32, #tpu.memory_space<vmem>> -> memref<8xi32, #tpu.memory_space<vmem>>
        %dma_wait3A_87 = arith.constant 0 : i32
        %dma_wait3A_88 = arith.constant 0 : i32
        %dma_wait3A_89 = tpu.memref_slice %arg3[%dma_wait3A_87, %dma_wait3A_88] : memref<1024x1024xi32, #tpu.memory_space<hbm>> -> memref<1024x1024xi32, #tpu.memory_space<hbm>>
        tpu.wait_indirect_dma semaphore(%arg19 : memref<!tpu.dma_semaphore, #tpu.memory_space<semaphore_mem>>) src(%dma_wait3A_89 : memref<1024x1024xi32, #tpu.memory_space<hbm>>) dst(%arg11 : memref<8x1024xi32, #tpu.memory_space<vmem>>)
        %dma_wait3A_90 = arith.constant 0 : i32
        %dma_wait3A_91 = tpu.memref_slice %arg8[%dma_wait3A_90] : memref<512xi32, #tpu.memory_space<vmem>> -> memref<8xi32, #tpu.memory_space<vmem>>
        %dma_wait3A_92 = arith.constant 0 : i32
        %dma_wait3A_93 = arith.constant 0 : i32
        %dma_wait3A_94 = tpu.memref_slice %arg4[%dma_wait3A_92, %dma_wait3A_93] : memref<1024x1024xi32, #tpu.memory_space<hbm>> -> memref<1024x1024xi32, #tpu.memory_space<hbm>>
        tpu.wait_indirect_dma semaphore(%arg19 : memref<!tpu.dma_semaphore, #tpu.memory_space<semaphore_mem>>) src(%dma_wait3A_94 : memref<1024x1024xi32, #tpu.memory_space<hbm>>) dst(%arg12 : memref<8x1024xi32, #tpu.memory_space<vmem>>)
        %ge3A = arith.constant 3 : i32
        %ge3A_95 = arith.cmpi sge, %add3A_65, %ge3A : i32
        %convert_element_type3A_96 = arith.extui %ge3A_95 : i1 to i32
        %cond3A_97 = arith.constant 0 : i32
        %cond3A_98 = arith.cmpi ne, %convert_element_type3A_96, %cond3A_97 : i32
        scf.if %cond3A_98 {
          %dma_wait3A_129 = arith.constant 0 : i32
          %dma_wait3A_130 = arith.constant 0 : i32
          %dma_wait3A_131 = tpu.memref_slice %arg5[%dma_wait3A_129, %dma_wait3A_130] : memref<16384x2048xf32, #tpu.memory_space<hbm>> -> memref<8x2048xf32, #tpu.memory_space<hbm>>
          %dma_wait3A_132 = arith.constant 0 : i32
          %dma_wait3A_133 = arith.constant 0 : i32
          %dma_wait3A_134 = tpu.memref_slice %arg5[%dma_wait3A_132, %dma_wait3A_133] : memref<16384x2048xf32, #tpu.memory_space<hbm>> -> memref<8x2048xf32, #tpu.memory_space<hbm>>
          tpu.wait_dma2 semaphore(%arg22 : memref<!tpu.dma_semaphore, #tpu.memory_space<semaphore_mem>>) src(%dma_wait3A_134 : memref<8x2048xf32, #tpu.memory_space<hbm>>) dst(%arg16 : memref<8x2048xf32, #tpu.memory_space<vmem>>)
        } else {
        }
        %parallel_loop3A = arith.constant 0 : i32
        %parallel_loop3A_99 = arith.constant 64 : i32
        %parallel_loop3A_100 = arith.constant 1 : i32
        scf.for %parallel_loop3A_129 = %parallel_loop3A to %parallel_loop3A_99 step %parallel_loop3A_100  : i32 {
          %parallel_loop3A_130 = arith.constant 16 : i32
          %parallel_loop3A_131 = arith.muli %parallel_loop3A_129, %parallel_loop3A_130 : i32
          %parallel_loop3A_132 = arith.constant 0 : i32
          %parallel_loop3A_133 = arith.index_cast %parallel_loop3A_132 : i32 to index
          %parallel_loop3A_134 = arith.index_cast %parallel_loop3A_131 : i32 to index
          %parallel_loop3A_135 = tpu.vector_load %arg11[%parallel_loop3A_133, %parallel_loop3A_134] {strides = array<i32>} : memref<8x1024xi32, #tpu.memory_space<vmem>>, vector<16xi32>,
          %parallel_loop3A_136 = vector.bitcast %parallel_loop3A_135 : vector<16xi32> to vector<32xbf16>
          %parallel_loop3A_137 = arith.constant 0 : i32
          %parallel_loop3A_138 = arith.index_cast %parallel_loop3A_137 : i32 to index
          %parallel_loop3A_139 = arith.index_cast %parallel_loop3A_131 : i32 to index
          %parallel_loop3A_140 = tpu.vector_load %arg12[%parallel_loop3A_138, %parallel_loop3A_139] {strides = array<i32>} : memref<8x1024xi32, #tpu.memory_space<vmem>>, vector<16xi32>,
          %parallel_loop3A_141 = vector.bitcast %parallel_loop3A_140 : vector<16xi32> to vector<32xbf16>
          %parallel_loop3A_142 = arith.addf %parallel_loop3A_136, %parallel_loop3A_141 : vector<32xbf16>
          %parallel_loop3A_143 = vector.bitcast %parallel_loop3A_142 : vector<32xbf16> to vector<16xi32>
          %parallel_loop3A_144 = arith.constant 16 : i32
          %parallel_loop3A_145 = vector.broadcast %parallel_loop3A_144 : i32 to vector<16xi32>
          %parallel_loop3A_146 = arith.shli %parallel_loop3A_143, %parallel_loop3A_145 : vector<16xi32>
          %parallel_loop3A_147 = vector.bitcast %parallel_loop3A_146 : vector<16xi32> to vector<16xf32>
          %parallel_loop3A_148 = arith.constant -65536 : i32
          %parallel_loop3A_149 = vector.broadcast %parallel_loop3A_148 : i32 to vector<16xi32>
          %parallel_loop3A_150 = arith.andi %parallel_loop3A_143, %parallel_loop3A_149 : vector<16xi32>
          %parallel_loop3A_151 = vector.bitcast %parallel_loop3A_150 : vector<16xi32> to vector<16xf32>
          %parallel_loop3A_152 = arith.constant 32 : i32
          %parallel_loop3A_153 = arith.muli %parallel_loop3A_129, %parallel_loop3A_152 : i32
          %parallel_loop3A_154 = arith.constant 0 : i32
          %parallel_loop3A_155 = arith.index_cast %parallel_loop3A_154 : i32 to index
          %parallel_loop3A_156 = arith.index_cast %parallel_loop3A_153 : i32 to index
          %parallel_loop3A_157 = tpu.vector_load %arg16[%parallel_loop3A_155, %parallel_loop3A_156] {strides = array<i32>} : memref<8x2048xf32, #tpu.memory_space<vmem>>, vector<16xf32>,
          tpu.vector_store %arg16[%parallel_loop3A_155, %parallel_loop3A_156], %parallel_loop3A_147 {strides = array<i32>} : memref<8x2048xf32, #tpu.memory_space<vmem>>, vector<16xf32>,
          %parallel_loop3A_158 = arith.constant 32 : i32
          %parallel_loop3A_159 = arith.muli %parallel_loop3A_129, %parallel_loop3A_158 : i32
          %parallel_loop3A_160 = arith.constant 16 : i32
          %parallel_loop3A_161 = arith.addi %parallel_loop3A_159, %parallel_loop3A_160 : i32
          %parallel_loop3A_162 = arith.constant 0 : i32
          %parallel_loop3A_163 = arith.index_cast %parallel_loop3A_162 : i32 to index
          %parallel_loop3A_164 = arith.index_cast %parallel_loop3A_161 : i32 to index
          %parallel_loop3A_165 = tpu.vector_load %arg16[%parallel_loop3A_163, %parallel_loop3A_164] {strides = array<i32>} : memref<8x2048xf32, #tpu.memory_space<vmem>>, vector<16xf32>,
          tpu.vector_store %arg16[%parallel_loop3A_163, %parallel_loop3A_164], %parallel_loop3A_151 {strides = array<i32>} : memref<8x2048xf32, #tpu.memory_space<vmem>>, vector<16xf32>,
        } {sc.loop_unroll_factor = 4 : i64, sc.parallel_access}
        %parallel_loop3A_101 = arith.constant 0 : i32
        %parallel_loop3A_102 = arith.constant 64 : i32
        %parallel_loop3A_103 = arith.constant 1 : i32
        scf.for %parallel_loop3A_129 = %parallel_loop3A_101 to %parallel_loop3A_102 step %parallel_loop3A_103  : i32 {
          %parallel_loop3A_130 = arith.constant 16 : i32
          %parallel_loop3A_131 = arith.muli %parallel_loop3A_129, %parallel_loop3A_130 : i32
          %parallel_loop3A_132 = arith.constant 1 : i32
          %parallel_loop3A_133 = arith.index_cast %parallel_loop3A_132 : i32 to index
          %parallel_loop3A_134 = arith.index_cast %parallel_loop3A_131 : i32 to index
          %parallel_loop3A_135 = tpu.vector_load %arg11[%parallel_loop3A_133, %parallel_loop3A_134] {strides = array<i32>} : memref<8x1024xi32, #tpu.memory_space<vmem>>, vector<16xi32>,
          %parallel_loop3A_136 = vector.bitcast %parallel_loop3A_135 : vector<16xi32> to vector<32xbf16>
          %parallel_loop3A_137 = arith.constant 1 : i32
          %parallel_loop3A_138 = arith.index_cast %parallel_loop3A_137 : i32 to index
          %parallel_loop3A_139 = arith.index_cast %parallel_loop3A_131 : i32 to index
          %parallel_loop3A_140 = tpu.vector_load %arg12[%parallel_loop3A_138, %parallel_loop3A_139] {strides = array<i32>} : memref<8x1024xi32, #tpu.memory_space<vmem>>, vector<16xi32>,
          %parallel_loop3A_141 = vector.bitcast %parallel_loop3A_140 : vector<16xi32> to vector<32xbf16>
          %parallel_loop3A_142 = arith.addf %parallel_loop3A_136, %parallel_loop3A_141 : vector<32xbf16>
          %parallel_loop3A_143 = vector.bitcast %parallel_loop3A_142 : vector<32xbf16> to vector<16xi32>
          %parallel_loop3A_144 = arith.constant 16 : i32
          %parallel_loop3A_145 = vector.broadcast %parallel_loop3A_144 : i32 to vector<16xi32>
          %parallel_loop3A_146 = arith.shli %parallel_loop3A_143, %parallel_loop3A_145 : vector<16xi32>
          %parallel_loop3A_147 = vector.bitcast %parallel_loop3A_146 : vector<16xi32> to vector<16xf32>
          %parallel_loop3A_148 = arith.constant -65536 : i32
          %parallel_loop3A_149 = vector.broadcast %parallel_loop3A_148 : i32 to vector<16xi32>
          %parallel_loop3A_150 = arith.andi %parallel_loop3A_143, %parallel_loop3A_149 : vector<16xi32>
          %parallel_loop3A_151 = vector.bitcast %parallel_loop3A_150 : vector<16xi32> to vector<16xf32>
          %parallel_loop3A_152 = arith.constant 32 : i32
          %parallel_loop3A_153 = arith.muli %parallel_loop3A_129, %parallel_loop3A_152 : i32
          %parallel_loop3A_154 = arith.constant 1 : i32
          %parallel_loop3A_155 = arith.index_cast %parallel_loop3A_154 : i32 to index
          %parallel_loop3A_156 = arith.index_cast %parallel_loop3A_153 : i32 to index
          %parallel_loop3A_157 = tpu.vector_load %arg16[%parallel_loop3A_155, %parallel_loop3A_156] {strides = array<i32>} : memref<8x2048xf32, #tpu.memory_space<vmem>>, vector<16xf32>,
          tpu.vector_store %arg16[%parallel_loop3A_155, %parallel_loop3A_156], %parallel_loop3A_147 {strides = array<i32>} : memref<8x2048xf32, #tpu.memory_space<vmem>>, vector<16xf32>,
          %parallel_loop3A_158 = arith.constant 32 : i32
          %parallel_loop3A_159 = arith.muli %parallel_loop3A_129, %parallel_loop3A_158 : i32
          %parallel_loop3A_160 = arith.constant 16 : i32
          %parallel_loop3A_161 = arith.addi %parallel_loop3A_159, %parallel_loop3A_160 : i32
          %parallel_loop3A_162 = arith.constant 1 : i32
          %parallel_loop3A_163 = arith.index_cast %parallel_loop3A_162 : i32 to index
          %parallel_loop3A_164 = arith.index_cast %parallel_loop3A_161 : i32 to index
          %parallel_loop3A_165 = tpu.vector_load %arg16[%parallel_loop3A_163, %parallel_loop3A_164] {strides = array<i32>} : memref<8x2048xf32, #tpu.memory_space<vmem>>, vector<16xf32>,
          tpu.vector_store %arg16[%parallel_loop3A_163, %parallel_loop3A_164], %parallel_loop3A_151 {strides = array<i32>} : memref<8x2048xf32, #tpu.memory_space<vmem>>, vector<16xf32>,
        } {sc.loop_unroll_factor = 4 : i64, sc.parallel_access}
        %parallel_loop3A_104 = arith.constant 0 : i32
        %parallel_loop3A_105 = arith.constant 64 : i32
        %parallel_loop3A_106 = arith.constant 1 : i32
        scf.for %parallel_loop3A_129 = %parallel_loop3A_104 to %parallel_loop3A_105 step %parallel_loop3A_106  : i32 {
          %parallel_loop3A_130 = arith.constant 16 : i32
          %parallel_loop3A_131 = arith.muli %parallel_loop3A_129, %parallel_loop3A_130 : i32
          %parallel_loop3A_132 = arith.constant 2 : i32
          %parallel_loop3A_133 = arith.index_cast %parallel_loop3A_132 : i32 to index
          %parallel_loop3A_134 = arith.index_cast %parallel_loop3A_131 : i32 to index
          %parallel_loop3A_135 = tpu.vector_load %arg11[%parallel_loop3A_133, %parallel_loop3A_134] {strides = array<i32>} : memref<8x1024xi32, #tpu.memory_space<vmem>>, vector<16xi32>,
          %parallel_loop3A_136 = vector.bitcast %parallel_loop3A_135 : vector<16xi32> to vector<32xbf16>
          %parallel_loop3A_137 = arith.constant 2 : i32
          %parallel_loop3A_138 = arith.index_cast %parallel_loop3A_137 : i32 to index
          %parallel_loop3A_139 = arith.index_cast %parallel_loop3A_131 : i32 to index
          %parallel_loop3A_140 = tpu.vector_load %arg12[%parallel_loop3A_138, %parallel_loop3A_139] {strides = array<i32>} : memref<8x1024xi32, #tpu.memory_space<vmem>>, vector<16xi32>,
          %parallel_loop3A_141 = vector.bitcast %parallel_loop3A_140 : vector<16xi32> to vector<32xbf16>
          %parallel_loop3A_142 = arith.addf %parallel_loop3A_136, %parallel_loop3A_141 : vector<32xbf16>
          %parallel_loop3A_143 = vector.bitcast %parallel_loop3A_142 : vector<32xbf16> to vector<16xi32>
          %parallel_loop3A_144 = arith.constant 16 : i32
          %parallel_loop3A_145 = vector.broadcast %parallel_loop3A_144 : i32 to vector<16xi32>
          %parallel_loop3A_146 = arith.shli %parallel_loop3A_143, %parallel_loop3A_145 : vector<16xi32>
          %parallel_loop3A_147 = vector.bitcast %parallel_loop3A_146 : vector<16xi32> to vector<16xf32>
          %parallel_loop3A_148 = arith.constant -65536 : i32
          %parallel_loop3A_149 = vector.broadcast %parallel_loop3A_148 : i32 to vector<16xi32>
          %parallel_loop3A_150 = arith.andi %parallel_loop3A_143, %parallel_loop3A_149 : vector<16xi32>
          %parallel_loop3A_151 = vector.bitcast %parallel_loop3A_150 : vector<16xi32> to vector<16xf32>
          %parallel_loop3A_152 = arith.constant 32 : i32
          %parallel_loop3A_153 = arith.muli %parallel_loop3A_129, %parallel_loop3A_152 : i32
          %parallel_loop3A_154 = arith.constant 2 : i32
          %parallel_loop3A_155 = arith.index_cast %parallel_loop3A_154 : i32 to index
          %parallel_loop3A_156 = arith.index_cast %parallel_loop3A_153 : i32 to index
          %parallel_loop3A_157 = tpu.vector_load %arg16[%parallel_loop3A_155, %parallel_loop3A_156] {strides = array<i32>} : memref<8x2048xf32, #tpu.memory_space<vmem>>, vector<16xf32>,
          tpu.vector_store %arg16[%parallel_loop3A_155, %parallel_loop3A_156], %parallel_loop3A_147 {strides = array<i32>} : memref<8x2048xf32, #tpu.memory_space<vmem>>, vector<16xf32>,
          %parallel_loop3A_158 = arith.constant 32 : i32
          %parallel_loop3A_159 = arith.muli %parallel_loop3A_129, %parallel_loop3A_158 : i32
          %parallel_loop3A_160 = arith.constant 16 : i32
          %parallel_loop3A_161 = arith.addi %parallel_loop3A_159, %parallel_loop3A_160 : i32
          %parallel_loop3A_162 = arith.constant 2 : i32
          %parallel_loop3A_163 = arith.index_cast %parallel_loop3A_162 : i32 to index
          %parallel_loop3A_164 = arith.index_cast %parallel_loop3A_161 : i32 to index
          %parallel_loop3A_165 = tpu.vector_load %arg16[%parallel_loop3A_163, %parallel_loop3A_164] {strides = array<i32>} : memref<8x2048xf32, #tpu.memory_space<vmem>>, vector<16xf32>,
          tpu.vector_store %arg16[%parallel_loop3A_163, %parallel_loop3A_164], %parallel_loop3A_151 {strides = array<i32>} : memref<8x2048xf32, #tpu.memory_space<vmem>>, vector<16xf32>,
        } {sc.loop_unroll_factor = 4 : i64, sc.parallel_access}
        %parallel_loop3A_107 = arith.constant 0 : i32
        %parallel_loop3A_108 = arith.constant 64 : i32
        %parallel_loop3A_109 = arith.constant 1 : i32
        scf.for %parallel_loop3A_129 = %parallel_loop3A_107 to %parallel_loop3A_108 step %parallel_loop3A_109  : i32 {
          %parallel_loop3A_130 = arith.constant 16 : i32
          %parallel_loop3A_131 = arith.muli %parallel_loop3A_129, %parallel_loop3A_130 : i32
          %parallel_loop3A_132 = arith.constant 3 : i32
          %parallel_loop3A_133 = arith.index_cast %parallel_loop3A_132 : i32 to index
          %parallel_loop3A_134 = arith.index_cast %parallel_loop3A_131 : i32 to index
          %parallel_loop3A_135 = tpu.vector_load %arg11[%parallel_loop3A_133, %parallel_loop3A_134] {strides = array<i32>} : memref<8x1024xi32, #tpu.memory_space<vmem>>, vector<16xi32>,
          %parallel_loop3A_136 = vector.bitcast %parallel_loop3A_135 : vector<16xi32> to vector<32xbf16>
          %parallel_loop3A_137 = arith.constant 3 : i32
          %parallel_loop3A_138 = arith.index_cast %parallel_loop3A_137 : i32 to index
          %parallel_loop3A_139 = arith.index_cast %parallel_loop3A_131 : i32 to index
          %parallel_loop3A_140 = tpu.vector_load %arg12[%parallel_loop3A_138, %parallel_loop3A_139] {strides = array<i32>} : memref<8x1024xi32, #tpu.memory_space<vmem>>, vector<16xi32>,
          %parallel_loop3A_141 = vector.bitcast %parallel_loop3A_140 : vector<16xi32> to vector<32xbf16>
          %parallel_loop3A_142 = arith.addf %parallel_loop3A_136, %parallel_loop3A_141 : vector<32xbf16>
          %parallel_loop3A_143 = vector.bitcast %parallel_loop3A_142 : vector<32xbf16> to vector<16xi32>
          %parallel_loop3A_144 = arith.constant 16 : i32
          %parallel_loop3A_145 = vector.broadcast %parallel_loop3A_144 : i32 to vector<16xi32>
          %parallel_loop3A_146 = arith.shli %parallel_loop3A_143, %parallel_loop3A_145 : vector<16xi32>
          %parallel_loop3A_147 = vector.bitcast %parallel_loop3A_146 : vector<16xi32> to vector<16xf32>
          %parallel_loop3A_148 = arith.constant -65536 : i32
          %parallel_loop3A_149 = vector.broadcast %parallel_loop3A_148 : i32 to vector<16xi32>
          %parallel_loop3A_150 = arith.andi %parallel_loop3A_143, %parallel_loop3A_149 : vector<16xi32>
          %parallel_loop3A_151 = vector.bitcast %parallel_loop3A_150 : vector<16xi32> to vector<16xf32>
          %parallel_loop3A_152 = arith.constant 32 : i32
          %parallel_loop3A_153 = arith.muli %parallel_loop3A_129, %parallel_loop3A_152 : i32
          %parallel_loop3A_154 = arith.constant 3 : i32
          %parallel_loop3A_155 = arith.index_cast %parallel_loop3A_154 : i32 to index
          %parallel_loop3A_156 = arith.index_cast %parallel_loop3A_153 : i32 to index
          %parallel_loop3A_157 = tpu.vector_load %arg16[%parallel_loop3A_155, %parallel_loop3A_156] {strides = array<i32>} : memref<8x2048xf32, #tpu.memory_space<vmem>>, vector<16xf32>,
          tpu.vector_store %arg16[%parallel_loop3A_155, %parallel_loop3A_156], %parallel_loop3A_147 {strides = array<i32>} : memref<8x2048xf32, #tpu.memory_space<vmem>>, vector<16xf32>,
          %parallel_loop3A_158 = arith.constant 32 : i32
          %parallel_loop3A_159 = arith.muli %parallel_loop3A_129, %parallel_loop3A_158 : i32
          %parallel_loop3A_160 = arith.constant 16 : i32
          %parallel_loop3A_161 = arith.addi %parallel_loop3A_159, %parallel_loop3A_160 : i32
          %parallel_loop3A_162 = arith.constant 3 : i32
          %parallel_loop3A_163 = arith.index_cast %parallel_loop3A_162 : i32 to index
          %parallel_loop3A_164 = arith.index_cast %parallel_loop3A_161 : i32 to index
          %parallel_loop3A_165 = tpu.vector_load %arg16[%parallel_loop3A_163, %parallel_loop3A_164] {strides = array<i32>} : memref<8x2048xf32, #tpu.memory_space<vmem>>, vector<16xf32>,
          tpu.vector_store %arg16[%parallel_loop3A_163, %parallel_loop3A_164], %parallel_loop3A_151 {strides = array<i32>} : memref<8x2048xf32, #tpu.memory_space<vmem>>, vector<16xf32>,
        } {sc.loop_unroll_factor = 4 : i64, sc.parallel_access}
        %parallel_loop3A_110 = arith.constant 0 : i32
        %parallel_loop3A_111 = arith.constant 64 : i32
        %parallel_loop3A_112 = arith.constant 1 : i32
        scf.for %parallel_loop3A_129 = %parallel_loop3A_110 to %parallel_loop3A_111 step %parallel_loop3A_112  : i32 {
          %parallel_loop3A_130 = arith.constant 16 : i32
          %parallel_loop3A_131 = arith.muli %parallel_loop3A_129, %parallel_loop3A_130 : i32
          %parallel_loop3A_132 = arith.constant 4 : i32
          %parallel_loop3A_133 = arith.index_cast %parallel_loop3A_132 : i32 to index
          %parallel_loop3A_134 = arith.index_cast %parallel_loop3A_131 : i32 to index
          %parallel_loop3A_135 = tpu.vector_load %arg11[%parallel_loop3A_133, %parallel_loop3A_134] {strides = array<i32>} : memref<8x1024xi32, #tpu.memory_space<vmem>>, vector<16xi32>,
          %parallel_loop3A_136 = vector.bitcast %parallel_loop3A_135 : vector<16xi32> to vector<32xbf16>
          %parallel_loop3A_137 = arith.constant 4 : i32
          %parallel_loop3A_138 = arith.index_cast %parallel_loop3A_137 : i32 to index
          %parallel_loop3A_139 = arith.index_cast %parallel_loop3A_131 : i32 to index
          %parallel_loop3A_140 = tpu.vector_load %arg12[%parallel_loop3A_138, %parallel_loop3A_139] {strides = array<i32>} : memref<8x1024xi32, #tpu.memory_space<vmem>>, vector<16xi32>,
          %parallel_loop3A_141 = vector.bitcast %parallel_loop3A_140 : vector<16xi32> to vector<32xbf16>
          %parallel_loop3A_142 = arith.addf %parallel_loop3A_136, %parallel_loop3A_141 : vector<32xbf16>
          %parallel_loop3A_143 = vector.bitcast %parallel_loop3A_142 : vector<32xbf16> to vector<16xi32>
          %parallel_loop3A_144 = arith.constant 16 : i32
          %parallel_loop3A_145 = vector.broadcast %parallel_loop3A_144 : i32 to vector<16xi32>
          %parallel_loop3A_146 = arith.shli %parallel_loop3A_143, %parallel_loop3A_145 : vector<16xi32>
          %parallel_loop3A_147 = vector.bitcast %parallel_loop3A_146 : vector<16xi32> to vector<16xf32>
          %parallel_loop3A_148 = arith.constant -65536 : i32
          %parallel_loop3A_149 = vector.broadcast %parallel_loop3A_148 : i32 to vector<16xi32>
          %parallel_loop3A_150 = arith.andi %parallel_loop3A_143, %parallel_loop3A_149 : vector<16xi32>
          %parallel_loop3A_151 = vector.bitcast %parallel_loop3A_150 : vector<16xi32> to vector<16xf32>
          %parallel_loop3A_152 = arith.constant 32 : i32
          %parallel_loop3A_153 = arith.muli %parallel_loop3A_129, %parallel_loop3A_152 : i32
          %parallel_loop3A_154 = arith.constant 4 : i32
          %parallel_loop3A_155 = arith.index_cast %parallel_loop3A_154 : i32 to index
          %parallel_loop3A_156 = arith.index_cast %parallel_loop3A_153 : i32 to index
          %parallel_loop3A_157 = tpu.vector_load %arg16[%parallel_loop3A_155, %parallel_loop3A_156] {strides = array<i32>} : memref<8x2048xf32, #tpu.memory_space<vmem>>, vector<16xf32>,
          tpu.vector_store %arg16[%parallel_loop3A_155, %parallel_loop3A_156], %parallel_loop3A_147 {strides = array<i32>} : memref<8x2048xf32, #tpu.memory_space<vmem>>, vector<16xf32>,
          %parallel_loop3A_158 = arith.constant 32 : i32
          %parallel_loop3A_159 = arith.muli %parallel_loop3A_129, %parallel_loop3A_158 : i32
          %parallel_loop3A_160 = arith.constant 16 : i32
          %parallel_loop3A_161 = arith.addi %parallel_loop3A_159, %parallel_loop3A_160 : i32
          %parallel_loop3A_162 = arith.constant 4 : i32
          %parallel_loop3A_163 = arith.index_cast %parallel_loop3A_162 : i32 to index
          %parallel_loop3A_164 = arith.index_cast %parallel_loop3A_161 : i32 to index
          %parallel_loop3A_165 = tpu.vector_load %arg16[%parallel_loop3A_163, %parallel_loop3A_164] {strides = array<i32>} : memref<8x2048xf32, #tpu.memory_space<vmem>>, vector<16xf32>,
          tpu.vector_store %arg16[%parallel_loop3A_163, %parallel_loop3A_164], %parallel_loop3A_151 {strides = array<i32>} : memref<8x2048xf32, #tpu.memory_space<vmem>>, vector<16xf32>,
        } {sc.loop_unroll_factor = 4 : i64, sc.parallel_access}
        %parallel_loop3A_113 = arith.constant 0 : i32
        %parallel_loop3A_114 = arith.constant 64 : i32
        %parallel_loop3A_115 = arith.constant 1 : i32
        scf.for %parallel_loop3A_129 = %parallel_loop3A_113 to %parallel_loop3A_114 step %parallel_loop3A_115  : i32 {
          %parallel_loop3A_130 = arith.constant 16 : i32
          %parallel_loop3A_131 = arith.muli %parallel_loop3A_129, %parallel_loop3A_130 : i32
          %parallel_loop3A_132 = arith.constant 5 : i32
          %parallel_loop3A_133 = arith.index_cast %parallel_loop3A_132 : i32 to index
          %parallel_loop3A_134 = arith.index_cast %parallel_loop3A_131 : i32 to index
          %parallel_loop3A_135 = tpu.vector_load %arg11[%parallel_loop3A_133, %parallel_loop3A_134] {strides = array<i32>} : memref<8x1024xi32, #tpu.memory_space<vmem>>, vector<16xi32>,
          %parallel_loop3A_136 = vector.bitcast %parallel_loop3A_135 : vector<16xi32> to vector<32xbf16>
          %parallel_loop3A_137 = arith.constant 5 : i32
          %parallel_loop3A_138 = arith.index_cast %parallel_loop3A_137 : i32 to index
          %parallel_loop3A_139 = arith.index_cast %parallel_loop3A_131 : i32 to index
          %parallel_loop3A_140 = tpu.vector_load %arg12[%parallel_loop3A_138, %parallel_loop3A_139] {strides = array<i32>} : memref<8x1024xi32, #tpu.memory_space<vmem>>, vector<16xi32>,
          %parallel_loop3A_141 = vector.bitcast %parallel_loop3A_140 : vector<16xi32> to vector<32xbf16>
          %parallel_loop3A_142 = arith.addf %parallel_loop3A_136, %parallel_loop3A_141 : vector<32xbf16>
          %parallel_loop3A_143 = vector.bitcast %parallel_loop3A_142 : vector<32xbf16> to vector<16xi32>
          %parallel_loop3A_144 = arith.constant 16 : i32
          %parallel_loop3A_145 = vector.broadcast %parallel_loop3A_144 : i32 to vector<16xi32>
          %parallel_loop3A_146 = arith.shli %parallel_loop3A_143, %parallel_loop3A_145 : vector<16xi32>
          %parallel_loop3A_147 = vector.bitcast %parallel_loop3A_146 : vector<16xi32> to vector<16xf32>
          %parallel_loop3A_148 = arith.constant -65536 : i32
          %parallel_loop3A_149 = vector.broadcast %parallel_loop3A_148 : i32 to vector<16xi32>
          %parallel_loop3A_150 = arith.andi %parallel_loop3A_143, %parallel_loop3A_149 : vector<16xi32>
          %parallel_loop3A_151 = vector.bitcast %parallel_loop3A_150 : vector<16xi32> to vector<16xf32>
          %parallel_loop3A_152 = arith.constant 32 : i32
          %parallel_loop3A_153 = arith.muli %parallel_loop3A_129, %parallel_loop3A_152 : i32
          %parallel_loop3A_154 = arith.constant 5 : i32
          %parallel_loop3A_155 = arith.index_cast %parallel_loop3A_154 : i32 to index
          %parallel_loop3A_156 = arith.index_cast %parallel_loop3A_153 : i32 to index
          %parallel_loop3A_157 = tpu.vector_load %arg16[%parallel_loop3A_155, %parallel_loop3A_156] {strides = array<i32>} : memref<8x2048xf32, #tpu.memory_space<vmem>>, vector<16xf32>,
          tpu.vector_store %arg16[%parallel_loop3A_155, %parallel_loop3A_156], %parallel_loop3A_147 {strides = array<i32>} : memref<8x2048xf32, #tpu.memory_space<vmem>>, vector<16xf32>,
          %parallel_loop3A_158 = arith.constant 32 : i32
          %parallel_loop3A_159 = arith.muli %parallel_loop3A_129, %parallel_loop3A_158 : i32
          %parallel_loop3A_160 = arith.constant 16 : i32
          %parallel_loop3A_161 = arith.addi %parallel_loop3A_159, %parallel_loop3A_160 : i32
          %parallel_loop3A_162 = arith.constant 5 : i32
          %parallel_loop3A_163 = arith.index_cast %parallel_loop3A_162 : i32 to index
          %parallel_loop3A_164 = arith.index_cast %parallel_loop3A_161 : i32 to index
          %parallel_loop3A_165 = tpu.vector_load %arg16[%parallel_loop3A_163, %parallel_loop3A_164] {strides = array<i32>} : memref<8x2048xf32, #tpu.memory_space<vmem>>, vector<16xf32>,
          tpu.vector_store %arg16[%parallel_loop3A_163, %parallel_loop3A_164], %parallel_loop3A_151 {strides = array<i32>} : memref<8x2048xf32, #tpu.memory_space<vmem>>, vector<16xf32>,
        } {sc.loop_unroll_factor = 4 : i64, sc.parallel_access}
        %parallel_loop3A_116 = arith.constant 0 : i32
        %parallel_loop3A_117 = arith.constant 64 : i32
        %parallel_loop3A_118 = arith.constant 1 : i32
        scf.for %parallel_loop3A_129 = %parallel_loop3A_116 to %parallel_loop3A_117 step %parallel_loop3A_118  : i32 {
          %parallel_loop3A_130 = arith.constant 16 : i32
          %parallel_loop3A_131 = arith.muli %parallel_loop3A_129, %parallel_loop3A_130 : i32
          %parallel_loop3A_132 = arith.constant 6 : i32
          %parallel_loop3A_133 = arith.index_cast %parallel_loop3A_132 : i32 to index
          %parallel_loop3A_134 = arith.index_cast %parallel_loop3A_131 : i32 to index
          %parallel_loop3A_135 = tpu.vector_load %arg11[%parallel_loop3A_133, %parallel_loop3A_134] {strides = array<i32>} : memref<8x1024xi32, #tpu.memory_space<vmem>>, vector<16xi32>,
          %parallel_loop3A_136 = vector.bitcast %parallel_loop3A_135 : vector<16xi32> to vector<32xbf16>
          %parallel_loop3A_137 = arith.constant 6 : i32
          %parallel_loop3A_138 = arith.index_cast %parallel_loop3A_137 : i32 to index
          %parallel_loop3A_139 = arith.index_cast %parallel_loop3A_131 : i32 to index
          %parallel_loop3A_140 = tpu.vector_load %arg12[%parallel_loop3A_138, %parallel_loop3A_139] {strides = array<i32>} : memref<8x1024xi32, #tpu.memory_space<vmem>>, vector<16xi32>,
          %parallel_loop3A_141 = vector.bitcast %parallel_loop3A_140 : vector<16xi32> to vector<32xbf16>
          %parallel_loop3A_142 = arith.addf %parallel_loop3A_136, %parallel_loop3A_141 : vector<32xbf16>
          %parallel_loop3A_143 = vector.bitcast %parallel_loop3A_142 : vector<32xbf16> to vector<16xi32>
          %parallel_loop3A_144 = arith.constant 16 : i32
          %parallel_loop3A_145 = vector.broadcast %parallel_loop3A_144 : i32 to vector<16xi32>
          %parallel_loop3A_146 = arith.shli %parallel_loop3A_143, %parallel_loop3A_145 : vector<16xi32>
          %parallel_loop3A_147 = vector.bitcast %parallel_loop3A_146 : vector<16xi32> to vector<16xf32>
          %parallel_loop3A_148 = arith.constant -65536 : i32
          %parallel_loop3A_149 = vector.broadcast %parallel_loop3A_148 : i32 to vector<16xi32>
          %parallel_loop3A_150 = arith.andi %parallel_loop3A_143, %parallel_loop3A_149 : vector<16xi32>
          %parallel_loop3A_151 = vector.bitcast %parallel_loop3A_150 : vector<16xi32> to vector<16xf32>
          %parallel_loop3A_152 = arith.constant 32 : i32
          %parallel_loop3A_153 = arith.muli %parallel_loop3A_129, %parallel_loop3A_152 : i32
          %parallel_loop3A_154 = arith.constant 6 : i32
          %parallel_loop3A_155 = arith.index_cast %parallel_loop3A_154 : i32 to index
          %parallel_loop3A_156 = arith.index_cast %parallel_loop3A_153 : i32 to index
          %parallel_loop3A_157 = tpu.vector_load %arg16[%parallel_loop3A_155, %parallel_loop3A_156] {strides = array<i32>} : memref<8x2048xf32, #tpu.memory_space<vmem>>, vector<16xf32>,
          tpu.vector_store %arg16[%parallel_loop3A_155, %parallel_loop3A_156], %parallel_loop3A_147 {strides = array<i32>} : memref<8x2048xf32, #tpu.memory_space<vmem>>, vector<16xf32>,
          %parallel_loop3A_158 = arith.constant 32 : i32
          %parallel_loop3A_159 = arith.muli %parallel_loop3A_129, %parallel_loop3A_158 : i32
          %parallel_loop3A_160 = arith.constant 16 : i32
          %parallel_loop3A_161 = arith.addi %parallel_loop3A_159, %parallel_loop3A_160 : i32
          %parallel_loop3A_162 = arith.constant 6 : i32
          %parallel_loop3A_163 = arith.index_cast %parallel_loop3A_162 : i32 to index
          %parallel_loop3A_164 = arith.index_cast %parallel_loop3A_161 : i32 to index
          %parallel_loop3A_165 = tpu.vector_load %arg16[%parallel_loop3A_163, %parallel_loop3A_164] {strides = array<i32>} : memref<8x2048xf32, #tpu.memory_space<vmem>>, vector<16xf32>,
          tpu.vector_store %arg16[%parallel_loop3A_163, %parallel_loop3A_164], %parallel_loop3A_151 {strides = array<i32>} : memref<8x2048xf32, #tpu.memory_space<vmem>>, vector<16xf32>,
        } {sc.loop_unroll_factor = 4 : i64, sc.parallel_access}
        %parallel_loop3A_119 = arith.constant 0 : i32
        %parallel_loop3A_120 = arith.constant 64 : i32
        %parallel_loop3A_121 = arith.constant 1 : i32
        scf.for %parallel_loop3A_129 = %parallel_loop3A_119 to %parallel_loop3A_120 step %parallel_loop3A_121  : i32 {
          %parallel_loop3A_130 = arith.constant 16 : i32
          %parallel_loop3A_131 = arith.muli %parallel_loop3A_129, %parallel_loop3A_130 : i32
          %parallel_loop3A_132 = arith.constant 7 : i32
          %parallel_loop3A_133 = arith.index_cast %parallel_loop3A_132 : i32 to index
          %parallel_loop3A_134 = arith.index_cast %parallel_loop3A_131 : i32 to index
          %parallel_loop3A_135 = tpu.vector_load %arg11[%parallel_loop3A_133, %parallel_loop3A_134] {strides = array<i32>} : memref<8x1024xi32, #tpu.memory_space<vmem>>, vector<16xi32>,
          %parallel_loop3A_136 = vector.bitcast %parallel_loop3A_135 : vector<16xi32> to vector<32xbf16>
          %parallel_loop3A_137 = arith.constant 7 : i32
          %parallel_loop3A_138 = arith.index_cast %parallel_loop3A_137 : i32 to index
          %parallel_loop3A_139 = arith.index_cast %parallel_loop3A_131 : i32 to index
          %parallel_loop3A_140 = tpu.vector_load %arg12[%parallel_loop3A_138, %parallel_loop3A_139] {strides = array<i32>} : memref<8x1024xi32, #tpu.memory_space<vmem>>, vector<16xi32>,
          %parallel_loop3A_141 = vector.bitcast %parallel_loop3A_140 : vector<16xi32> to vector<32xbf16>
          %parallel_loop3A_142 = arith.addf %parallel_loop3A_136, %parallel_loop3A_141 : vector<32xbf16>
          %parallel_loop3A_143 = vector.bitcast %parallel_loop3A_142 : vector<32xbf16> to vector<16xi32>
          %parallel_loop3A_144 = arith.constant 16 : i32
          %parallel_loop3A_145 = vector.broadcast %parallel_loop3A_144 : i32 to vector<16xi32>
          %parallel_loop3A_146 = arith.shli %parallel_loop3A_143, %parallel_loop3A_145 : vector<16xi32>
          %parallel_loop3A_147 = vector.bitcast %parallel_loop3A_146 : vector<16xi32> to vector<16xf32>
          %parallel_loop3A_148 = arith.constant -65536 : i32
          %parallel_loop3A_149 = vector.broadcast %parallel_loop3A_148 : i32 to vector<16xi32>
          %parallel_loop3A_150 = arith.andi %parallel_loop3A_143, %parallel_loop3A_149 : vector<16xi32>
          %parallel_loop3A_151 = vector.bitcast %parallel_loop3A_150 : vector<16xi32> to vector<16xf32>
          %parallel_loop3A_152 = arith.constant 32 : i32
          %parallel_loop3A_153 = arith.muli %parallel_loop3A_129, %parallel_loop3A_152 : i32
          %parallel_loop3A_154 = arith.constant 7 : i32
          %parallel_loop3A_155 = arith.index_cast %parallel_loop3A_154 : i32 to index
          %parallel_loop3A_156 = arith.index_cast %parallel_loop3A_153 : i32 to index
          %parallel_loop3A_157 = tpu.vector_load %arg16[%parallel_loop3A_155, %parallel_loop3A_156] {strides = array<i32>} : memref<8x2048xf32, #tpu.memory_space<vmem>>, vector<16xf32>,
          tpu.vector_store %arg16[%parallel_loop3A_155, %parallel_loop3A_156], %parallel_loop3A_147 {strides = array<i32>} : memref<8x2048xf32, #tpu.memory_space<vmem>>, vector<16xf32>,
          %parallel_loop3A_158 = arith.constant 32 : i32
          %parallel_loop3A_159 = arith.muli %parallel_loop3A_129, %parallel_loop3A_158 : i32
          %parallel_loop3A_160 = arith.constant 16 : i32
          %parallel_loop3A_161 = arith.addi %parallel_loop3A_159, %parallel_loop3A_160 : i32
          %parallel_loop3A_162 = arith.constant 7 : i32
          %parallel_loop3A_163 = arith.index_cast %parallel_loop3A_162 : i32 to index
          %parallel_loop3A_164 = arith.index_cast %parallel_loop3A_161 : i32 to index
          %parallel_loop3A_165 = tpu.vector_load %arg16[%parallel_loop3A_163, %parallel_loop3A_164] {strides = array<i32>} : memref<8x2048xf32, #tpu.memory_space<vmem>>, vector<16xf32>,
          tpu.vector_store %arg16[%parallel_loop3A_163, %parallel_loop3A_164], %parallel_loop3A_151 {strides = array<i32>} : memref<8x2048xf32, #tpu.memory_space<vmem>>, vector<16xf32>,
        } {sc.loop_unroll_factor = 4 : i64, sc.parallel_access}
        %mul3A_122 = arith.constant 8 : i32
        %mul3A_123 = arith.muli %add3A_65, %mul3A_122 : i32
        %add3A_124 = arith.addi %mul3A_2, %mul3A_123 : i32
        %dma_start3A_125 = arith.constant 0 : i32
        %dma_start3A_126 = tpu.memref_slice %arg5[%add3A_124, %dma_start3A_125] : memref<16384x2048xf32, #tpu.memory_space<hbm>> -> memref<8x2048xf32, #tpu.memory_space<hbm>>
        %dma_start3A_127 = arith.constant 0 : i32
        %dma_start3A_128 = tpu.memref_slice %arg5[%add3A_124, %dma_start3A_127] : memref<16384x2048xf32, #tpu.memory_space<hbm>> -> memref<8x2048xf32, #tpu.memory_space<hbm>>
        tpu.enqueue_dma source(%arg16 : memref<8x2048xf32, #tpu.memory_space<vmem>>) target(%dma_start3A_128 : memref<8x2048xf32, #tpu.memory_space<hbm>>) target_semaphore(%arg22 : memref<!tpu.dma_semaphore, #tpu.memory_space<semaphore_mem>>)
      } else {
      }
      %add3A_71 = arith.constant 2 : i32
      %add3A_72 = arith.addi %mul3A_59, %add3A_71 : i32
      %lt3A_73 = arith.constant 64 : i32
      %lt3A_74 = arith.cmpi slt, %add3A_72, %lt3A_73 : i32
      %convert_element_type3A_75 = arith.extui %lt3A_74 : i1 to i32
      %cond3A_76 = arith.constant 0 : i32
      %cond3A_77 = arith.cmpi ne, %convert_element_type3A_75, %cond3A_76 : i32
      scf.if %cond3A_77 {
        %add3A_78 = arith.constant 2 : i32
        %add3A_79 = arith.addi %add3A_72, %add3A_78 : i32
        %lt3A_80 = arith.constant 64 : i32
        %lt3A_81 = arith.cmpi slt, %add3A_79, %lt3A_80 : i32
        %convert_element_type3A_82 = arith.extui %lt3A_81 : i1 to i32
        %cond3A_83 = arith.constant 0 : i32
        %cond3A_84 = arith.cmpi ne, %convert_element_type3A_82, %cond3A_83 : i32
        scf.if %cond3A_84 {
          %add3A_129 = arith.constant 2 : i32
          %add3A_130 = arith.addi %add3A_72, %add3A_129 : i32
          %mul3A_131 = arith.constant 8 : i32
          %mul3A_132 = arith.muli %add3A_130, %mul3A_131 : i32
          %dma_start3A_133 = tpu.memref_slice %arg7[%mul3A_132] : memref<512xi32, #tpu.memory_space<vmem>> -> memref<8xi32, #tpu.memory_space<vmem>>
          %dma_start3A_134 = arith.constant 0 : i32
          %dma_start3A_135 = arith.constant 0 : i32
          %dma_start3A_136 = tpu.memref_slice %arg3[%dma_start3A_134, %dma_start3A_135] : memref<1024x1024xi32, #tpu.memory_space<hbm>> -> memref<1024x1024xi32, #tpu.memory_space<hbm>>
          tpu.enqueue_indirect_dma source(%dma_start3A_136 : memref<1024x1024xi32, #tpu.memory_space<hbm>>) target(%arg11 : memref<8x1024xi32, #tpu.memory_space<vmem>>) offsets(%dma_start3A_133 : memref<8xi32, #tpu.memory_space<vmem>>) semaphore(%arg19 : memref<!tpu.dma_semaphore, #tpu.memory_space<semaphore_mem>>)
          %dma_start3A_137 = tpu.memref_slice %arg8[%mul3A_132] : memref<512xi32, #tpu.memory_space<vmem>> -> memref<8xi32, #tpu.memory_space<vmem>>
          %dma_start3A_138 = arith.constant 0 : i32
          %dma_start3A_139 = arith.constant 0 : i32
          %dma_start3A_140 = tpu.memref_slice %arg4[%dma_start3A_138, %dma_start3A_139] : memref<1024x1024xi32, #tpu.memory_space<hbm>> -> memref<1024x1024xi32, #tpu.memory_space<hbm>>
          tpu.enqueue_indirect_dma source(%dma_start3A_140 : memref<1024x1024xi32, #tpu.memory_space<hbm>>) target(%arg12 : memref<8x1024xi32, #tpu.memory_space<vmem>>) offsets(%dma_start3A_137 : memref<8xi32, #tpu.memory_space<vmem>>) semaphore(%arg19 : memref<!tpu.dma_semaphore, #tpu.memory_space<semaphore_mem>>)
        } else {
        }
        %dma_wait3A_85 = arith.constant 0 : i32
        %dma_wait3A_86 = tpu.memref_slice %arg7[%dma_wait3A_85] : memref<512xi32, #tpu.memory_space<vmem>> -> memref<8xi32, #tpu.memory_space<vmem>>
        %dma_wait3A_87 = arith.constant 0 : i32
        %dma_wait3A_88 = arith.constant 0 : i32
        %dma_wait3A_89 = tpu.memref_slice %arg3[%dma_wait3A_87, %dma_wait3A_88] : memref<1024x1024xi32, #tpu.memory_space<hbm>> -> memref<1024x1024xi32, #tpu.memory_space<hbm>>
        tpu.wait_indirect_dma semaphore(%arg20 : memref<!tpu.dma_semaphore, #tpu.memory_space<semaphore_mem>>) src(%dma_wait3A_89 : memref<1024x1024xi32, #tpu.memory_space<hbm>>) dst(%arg13 : memref<8x1024xi32, #tpu.memory_space<vmem>>)
        %dma_wait3A_90 = arith.constant 0 : i32
        %dma_wait3A_91 = tpu.memref_slice %arg8[%dma_wait3A_90] : memref<512xi32, #tpu.memory_space<vmem>> -> memref<8xi32, #tpu.memory_space<vmem>>
        %dma_wait3A_92 = arith.constant 0 : i32
        %dma_wait3A_93 = arith.constant 0 : i32
        %dma_wait3A_94 = tpu.memref_slice %arg4[%dma_wait3A_92, %dma_wait3A_93] : memref<1024x1024xi32, #tpu.memory_space<hbm>> -> memref<1024x1024xi32, #tpu.memory_space<hbm>>
        tpu.wait_indirect_dma semaphore(%arg20 : memref<!tpu.dma_semaphore, #tpu.memory_space<semaphore_mem>>) src(%dma_wait3A_94 : memref<1024x1024xi32, #tpu.memory_space<hbm>>) dst(%arg14 : memref<8x1024xi32, #tpu.memory_space<vmem>>)
        %ge3A = arith.constant 3 : i32
        %ge3A_95 = arith.cmpi sge, %add3A_72, %ge3A : i32
        %convert_element_type3A_96 = arith.extui %ge3A_95 : i1 to i32
        %cond3A_97 = arith.constant 0 : i32
        %cond3A_98 = arith.cmpi ne, %convert_element_type3A_96, %cond3A_97 : i32
        scf.if %cond3A_98 {
          %dma_wait3A_129 = arith.constant 0 : i32
          %dma_wait3A_130 = arith.constant 0 : i32
          %dma_wait3A_131 = tpu.memref_slice %arg5[%dma_wait3A_129, %dma_wait3A_130] : memref<16384x2048xf32, #tpu.memory_space<hbm>> -> memref<8x2048xf32, #tpu.memory_space<hbm>>
          %dma_wait3A_132 = arith.constant 0 : i32
          %dma_wait3A_133 = arith.constant 0 : i32
          %dma_wait3A_134 = tpu.memref_slice %arg5[%dma_wait3A_132, %dma_wait3A_133] : memref<16384x2048xf32, #tpu.memory_space<hbm>> -> memref<8x2048xf32, #tpu.memory_space<hbm>>
          tpu.wait_dma2 semaphore(%arg23 : memref<!tpu.dma_semaphore, #tpu.memory_space<semaphore_mem>>) src(%dma_wait3A_134 : memref<8x2048xf32, #tpu.memory_space<hbm>>) dst(%arg17 : memref<8x2048xf32, #tpu.memory_space<vmem>>)
        } else {
        }
        %parallel_loop3A = arith.constant 0 : i32
        %parallel_loop3A_99 = arith.constant 64 : i32
        %parallel_loop3A_100 = arith.constant 1 : i32
        scf.for %parallel_loop3A_129 = %parallel_loop3A to %parallel_loop3A_99 step %parallel_loop3A_100  : i32 {
          %parallel_loop3A_130 = arith.constant 16 : i32
          %parallel_loop3A_131 = arith.muli %parallel_loop3A_129, %parallel_loop3A_130 : i32
          %parallel_loop3A_132 = arith.constant 0 : i32
          %parallel_loop3A_133 = arith.index_cast %parallel_loop3A_132 : i32 to index
          %parallel_loop3A_134 = arith.index_cast %parallel_loop3A_131 : i32 to index
          %parallel_loop3A_135 = tpu.vector_load %arg13[%parallel_loop3A_133, %parallel_loop3A_134] {strides = array<i32>} : memref<8x1024xi32, #tpu.memory_space<vmem>>, vector<16xi32>,
          %parallel_loop3A_136 = vector.bitcast %parallel_loop3A_135 : vector<16xi32> to vector<32xbf16>
          %parallel_loop3A_137 = arith.constant 0 : i32
          %parallel_loop3A_138 = arith.index_cast %parallel_loop3A_137 : i32 to index
          %parallel_loop3A_139 = arith.index_cast %parallel_loop3A_131 : i32 to index
          %parallel_loop3A_140 = tpu.vector_load %arg14[%parallel_loop3A_138, %parallel_loop3A_139] {strides = array<i32>} : memref<8x1024xi32, #tpu.memory_space<vmem>>, vector<16xi32>,
          %parallel_loop3A_141 = vector.bitcast %parallel_loop3A_140 : vector<16xi32> to vector<32xbf16>
          %parallel_loop3A_142 = arith.addf %parallel_loop3A_136, %parallel_loop3A_141 : vector<32xbf16>
          %parallel_loop3A_143 = vector.bitcast %parallel_loop3A_142 : vector<32xbf16> to vector<16xi32>
          %parallel_loop3A_144 = arith.constant 16 : i32
          %parallel_loop3A_145 = vector.broadcast %parallel_loop3A_144 : i32 to vector<16xi32>
          %parallel_loop3A_146 = arith.shli %parallel_loop3A_143, %parallel_loop3A_145 : vector<16xi32>
          %parallel_loop3A_147 = vector.bitcast %parallel_loop3A_146 : vector<16xi32> to vector<16xf32>
          %parallel_loop3A_148 = arith.constant -65536 : i32
          %parallel_loop3A_149 = vector.broadcast %parallel_loop3A_148 : i32 to vector<16xi32>
          %parallel_loop3A_150 = arith.andi %parallel_loop3A_143, %parallel_loop3A_149 : vector<16xi32>
          %parallel_loop3A_151 = vector.bitcast %parallel_loop3A_150 : vector<16xi32> to vector<16xf32>
          %parallel_loop3A_152 = arith.constant 32 : i32
          %parallel_loop3A_153 = arith.muli %parallel_loop3A_129, %parallel_loop3A_152 : i32
          %parallel_loop3A_154 = arith.constant 0 : i32
          %parallel_loop3A_155 = arith.index_cast %parallel_loop3A_154 : i32 to index
          %parallel_loop3A_156 = arith.index_cast %parallel_loop3A_153 : i32 to index
          %parallel_loop3A_157 = tpu.vector_load %arg17[%parallel_loop3A_155, %parallel_loop3A_156] {strides = array<i32>} : memref<8x2048xf32, #tpu.memory_space<vmem>>, vector<16xf32>,
          tpu.vector_store %arg17[%parallel_loop3A_155, %parallel_loop3A_156], %parallel_loop3A_147 {strides = array<i32>} : memref<8x2048xf32, #tpu.memory_space<vmem>>, vector<16xf32>,
          %parallel_loop3A_158 = arith.constant 32 : i32
          %parallel_loop3A_159 = arith.muli %parallel_loop3A_129, %parallel_loop3A_158 : i32
          %parallel_loop3A_160 = arith.constant 16 : i32
          %parallel_loop3A_161 = arith.addi %parallel_loop3A_159, %parallel_loop3A_160 : i32
          %parallel_loop3A_162 = arith.constant 0 : i32
          %parallel_loop3A_163 = arith.index_cast %parallel_loop3A_162 : i32 to index
          %parallel_loop3A_164 = arith.index_cast %parallel_loop3A_161 : i32 to index
          %parallel_loop3A_165 = tpu.vector_load %arg17[%parallel_loop3A_163, %parallel_loop3A_164] {strides = array<i32>} : memref<8x2048xf32, #tpu.memory_space<vmem>>, vector<16xf32>,
          tpu.vector_store %arg17[%parallel_loop3A_163, %parallel_loop3A_164], %parallel_loop3A_151 {strides = array<i32>} : memref<8x2048xf32, #tpu.memory_space<vmem>>, vector<16xf32>,
        } {sc.loop_unroll_factor = 4 : i64, sc.parallel_access}
        %parallel_loop3A_101 = arith.constant 0 : i32
        %parallel_loop3A_102 = arith.constant 64 : i32
        %parallel_loop3A_103 = arith.constant 1 : i32
        scf.for %parallel_loop3A_129 = %parallel_loop3A_101 to %parallel_loop3A_102 step %parallel_loop3A_103  : i32 {
          %parallel_loop3A_130 = arith.constant 16 : i32
          %parallel_loop3A_131 = arith.muli %parallel_loop3A_129, %parallel_loop3A_130 : i32
          %parallel_loop3A_132 = arith.constant 1 : i32
          %parallel_loop3A_133 = arith.index_cast %parallel_loop3A_132 : i32 to index
          %parallel_loop3A_134 = arith.index_cast %parallel_loop3A_131 : i32 to index
          %parallel_loop3A_135 = tpu.vector_load %arg13[%parallel_loop3A_133, %parallel_loop3A_134] {strides = array<i32>} : memref<8x1024xi32, #tpu.memory_space<vmem>>, vector<16xi32>,
          %parallel_loop3A_136 = vector.bitcast %parallel_loop3A_135 : vector<16xi32> to vector<32xbf16>
          %parallel_loop3A_137 = arith.constant 1 : i32
          %parallel_loop3A_138 = arith.index_cast %parallel_loop3A_137 : i32 to index
          %parallel_loop3A_139 = arith.index_cast %parallel_loop3A_131 : i32 to index
          %parallel_loop3A_140 = tpu.vector_load %arg14[%parallel_loop3A_138, %parallel_loop3A_139] {strides = array<i32>} : memref<8x1024xi32, #tpu.memory_space<vmem>>, vector<16xi32>,
          %parallel_loop3A_141 = vector.bitcast %parallel_loop3A_140 : vector<16xi32> to vector<32xbf16>
          %parallel_loop3A_142 = arith.addf %parallel_loop3A_136, %parallel_loop3A_141 : vector<32xbf16>
          %parallel_loop3A_143 = vector.bitcast %parallel_loop3A_142 : vector<32xbf16> to vector<16xi32>
          %parallel_loop3A_144 = arith.constant 16 : i32
          %parallel_loop3A_145 = vector.broadcast %parallel_loop3A_144 : i32 to vector<16xi32>
          %parallel_loop3A_146 = arith.shli %parallel_loop3A_143, %parallel_loop3A_145 : vector<16xi32>
          %parallel_loop3A_147 = vector.bitcast %parallel_loop3A_146 : vector<16xi32> to vector<16xf32>
          %parallel_loop3A_148 = arith.constant -65536 : i32
          %parallel_loop3A_149 = vector.broadcast %parallel_loop3A_148 : i32 to vector<16xi32>
          %parallel_loop3A_150 = arith.andi %parallel_loop3A_143, %parallel_loop3A_149 : vector<16xi32>
          %parallel_loop3A_151 = vector.bitcast %parallel_loop3A_150 : vector<16xi32> to vector<16xf32>
          %parallel_loop3A_152 = arith.constant 32 : i32
          %parallel_loop3A_153 = arith.muli %parallel_loop3A_129, %parallel_loop3A_152 : i32
          %parallel_loop3A_154 = arith.constant 1 : i32
          %parallel_loop3A_155 = arith.index_cast %parallel_loop3A_154 : i32 to index
          %parallel_loop3A_156 = arith.index_cast %parallel_loop3A_153 : i32 to index
          %parallel_loop3A_157 = tpu.vector_load %arg17[%parallel_loop3A_155, %parallel_loop3A_156] {strides = array<i32>} : memref<8x2048xf32, #tpu.memory_space<vmem>>, vector<16xf32>,
          tpu.vector_store %arg17[%parallel_loop3A_155, %parallel_loop3A_156], %parallel_loop3A_147 {strides = array<i32>} : memref<8x2048xf32, #tpu.memory_space<vmem>>, vector<16xf32>,
          %parallel_loop3A_158 = arith.constant 32 : i32
          %parallel_loop3A_159 = arith.muli %parallel_loop3A_129, %parallel_loop3A_158 : i32
          %parallel_loop3A_160 = arith.constant 16 : i32
          %parallel_loop3A_161 = arith.addi %parallel_loop3A_159, %parallel_loop3A_160 : i32
          %parallel_loop3A_162 = arith.constant 1 : i32
          %parallel_loop3A_163 = arith.index_cast %parallel_loop3A_162 : i32 to index
          %parallel_loop3A_164 = arith.index_cast %parallel_loop3A_161 : i32 to index
          %parallel_loop3A_165 = tpu.vector_load %arg17[%parallel_loop3A_163, %parallel_loop3A_164] {strides = array<i32>} : memref<8x2048xf32, #tpu.memory_space<vmem>>, vector<16xf32>,
          tpu.vector_store %arg17[%parallel_loop3A_163, %parallel_loop3A_164], %parallel_loop3A_151 {strides = array<i32>} : memref<8x2048xf32, #tpu.memory_space<vmem>>, vector<16xf32>,
        } {sc.loop_unroll_factor = 4 : i64, sc.parallel_access}
        %parallel_loop3A_104 = arith.constant 0 : i32
        %parallel_loop3A_105 = arith.constant 64 : i32
        %parallel_loop3A_106 = arith.constant 1 : i32
        scf.for %parallel_loop3A_129 = %parallel_loop3A_104 to %parallel_loop3A_105 step %parallel_loop3A_106  : i32 {
          %parallel_loop3A_130 = arith.constant 16 : i32
          %parallel_loop3A_131 = arith.muli %parallel_loop3A_129, %parallel_loop3A_130 : i32
          %parallel_loop3A_132 = arith.constant 2 : i32
          %parallel_loop3A_133 = arith.index_cast %parallel_loop3A_132 : i32 to index
          %parallel_loop3A_134 = arith.index_cast %parallel_loop3A_131 : i32 to index
          %parallel_loop3A_135 = tpu.vector_load %arg13[%parallel_loop3A_133, %parallel_loop3A_134] {strides = array<i32>} : memref<8x1024xi32, #tpu.memory_space<vmem>>, vector<16xi32>,
          %parallel_loop3A_136 = vector.bitcast %parallel_loop3A_135 : vector<16xi32> to vector<32xbf16>
          %parallel_loop3A_137 = arith.constant 2 : i32
          %parallel_loop3A_138 = arith.index_cast %parallel_loop3A_137 : i32 to index
          %parallel_loop3A_139 = arith.index_cast %parallel_loop3A_131 : i32 to index
          %parallel_loop3A_140 = tpu.vector_load %arg14[%parallel_loop3A_138, %parallel_loop3A_139] {strides = array<i32>} : memref<8x1024xi32, #tpu.memory_space<vmem>>, vector<16xi32>,
          %parallel_loop3A_141 = vector.bitcast %parallel_loop3A_140 : vector<16xi32> to vector<32xbf16>
          %parallel_loop3A_142 = arith.addf %parallel_loop3A_136, %parallel_loop3A_141 : vector<32xbf16>
          %parallel_loop3A_143 = vector.bitcast %parallel_loop3A_142 : vector<32xbf16> to vector<16xi32>
          %parallel_loop3A_144 = arith.constant 16 : i32
          %parallel_loop3A_145 = vector.broadcast %parallel_loop3A_144 : i32 to vector<16xi32>
          %parallel_loop3A_146 = arith.shli %parallel_loop3A_143, %parallel_loop3A_145 : vector<16xi32>
          %parallel_loop3A_147 = vector.bitcast %parallel_loop3A_146 : vector<16xi32> to vector<16xf32>
          %parallel_loop3A_148 = arith.constant -65536 : i32
          %parallel_loop3A_149 = vector.broadcast %parallel_loop3A_148 : i32 to vector<16xi32>
          %parallel_loop3A_150 = arith.andi %parallel_loop3A_143, %parallel_loop3A_149 : vector<16xi32>
          %parallel_loop3A_151 = vector.bitcast %parallel_loop3A_150 : vector<16xi32> to vector<16xf32>
          %parallel_loop3A_152 = arith.constant 32 : i32
          %parallel_loop3A_153 = arith.muli %parallel_loop3A_129, %parallel_loop3A_152 : i32
          %parallel_loop3A_154 = arith.constant 2 : i32
          %parallel_loop3A_155 = arith.index_cast %parallel_loop3A_154 : i32 to index
          %parallel_loop3A_156 = arith.index_cast %parallel_loop3A_153 : i32 to index
          %parallel_loop3A_157 = tpu.vector_load %arg17[%parallel_loop3A_155, %parallel_loop3A_156] {strides = array<i32>} : memref<8x2048xf32, #tpu.memory_space<vmem>>, vector<16xf32>,
          tpu.vector_store %arg17[%parallel_loop3A_155, %parallel_loop3A_156], %parallel_loop3A_147 {strides = array<i32>} : memref<8x2048xf32, #tpu.memory_space<vmem>>, vector<16xf32>,
          %parallel_loop3A_158 = arith.constant 32 : i32
          %parallel_loop3A_159 = arith.muli %parallel_loop3A_129, %parallel_loop3A_158 : i32
          %parallel_loop3A_160 = arith.constant 16 : i32
          %parallel_loop3A_161 = arith.addi %parallel_loop3A_159, %parallel_loop3A_160 : i32
          %parallel_loop3A_162 = arith.constant 2 : i32
          %parallel_loop3A_163 = arith.index_cast %parallel_loop3A_162 : i32 to index
          %parallel_loop3A_164 = arith.index_cast %parallel_loop3A_161 : i32 to index
          %parallel_loop3A_165 = tpu.vector_load %arg17[%parallel_loop3A_163, %parallel_loop3A_164] {strides = array<i32>} : memref<8x2048xf32, #tpu.memory_space<vmem>>, vector<16xf32>,
          tpu.vector_store %arg17[%parallel_loop3A_163, %parallel_loop3A_164], %parallel_loop3A_151 {strides = array<i32>} : memref<8x2048xf32, #tpu.memory_space<vmem>>, vector<16xf32>,
        } {sc.loop_unroll_factor = 4 : i64, sc.parallel_access}
        %parallel_loop3A_107 = arith.constant 0 : i32
        %parallel_loop3A_108 = arith.constant 64 : i32
        %parallel_loop3A_109 = arith.constant 1 : i32
        scf.for %parallel_loop3A_129 = %parallel_loop3A_107 to %parallel_loop3A_108 step %parallel_loop3A_109  : i32 {
          %parallel_loop3A_130 = arith.constant 16 : i32
          %parallel_loop3A_131 = arith.muli %parallel_loop3A_129, %parallel_loop3A_130 : i32
          %parallel_loop3A_132 = arith.constant 3 : i32
          %parallel_loop3A_133 = arith.index_cast %parallel_loop3A_132 : i32 to index
          %parallel_loop3A_134 = arith.index_cast %parallel_loop3A_131 : i32 to index
          %parallel_loop3A_135 = tpu.vector_load %arg13[%parallel_loop3A_133, %parallel_loop3A_134] {strides = array<i32>} : memref<8x1024xi32, #tpu.memory_space<vmem>>, vector<16xi32>,
          %parallel_loop3A_136 = vector.bitcast %parallel_loop3A_135 : vector<16xi32> to vector<32xbf16>
          %parallel_loop3A_137 = arith.constant 3 : i32
          %parallel_loop3A_138 = arith.index_cast %parallel_loop3A_137 : i32 to index
          %parallel_loop3A_139 = arith.index_cast %parallel_loop3A_131 : i32 to index
          %parallel_loop3A_140 = tpu.vector_load %arg14[%parallel_loop3A_138, %parallel_loop3A_139] {strides = array<i32>} : memref<8x1024xi32, #tpu.memory_space<vmem>>, vector<16xi32>,
          %parallel_loop3A_141 = vector.bitcast %parallel_loop3A_140 : vector<16xi32> to vector<32xbf16>
          %parallel_loop3A_142 = arith.addf %parallel_loop3A_136, %parallel_loop3A_141 : vector<32xbf16>
          %parallel_loop3A_143 = vector.bitcast %parallel_loop3A_142 : vector<32xbf16> to vector<16xi32>
          %parallel_loop3A_144 = arith.constant 16 : i32
          %parallel_loop3A_145 = vector.broadcast %parallel_loop3A_144 : i32 to vector<16xi32>
          %parallel_loop3A_146 = arith.shli %parallel_loop3A_143, %parallel_loop3A_145 : vector<16xi32>
          %parallel_loop3A_147 = vector.bitcast %parallel_loop3A_146 : vector<16xi32> to vector<16xf32>
          %parallel_loop3A_148 = arith.constant -65536 : i32
          %parallel_loop3A_149 = vector.broadcast %parallel_loop3A_148 : i32 to vector<16xi32>
          %parallel_loop3A_150 = arith.andi %parallel_loop3A_143, %parallel_loop3A_149 : vector<16xi32>
          %parallel_loop3A_151 = vector.bitcast %parallel_loop3A_150 : vector<16xi32> to vector<16xf32>
          %parallel_loop3A_152 = arith.constant 32 : i32
          %parallel_loop3A_153 = arith.muli %parallel_loop3A_129, %parallel_loop3A_152 : i32
          %parallel_loop3A_154 = arith.constant 3 : i32
          %parallel_loop3A_155 = arith.index_cast %parallel_loop3A_154 : i32 to index
          %parallel_loop3A_156 = arith.index_cast %parallel_loop3A_153 : i32 to index
          %parallel_loop3A_157 = tpu.vector_load %arg17[%parallel_loop3A_155, %parallel_loop3A_156] {strides = array<i32>} : memref<8x2048xf32, #tpu.memory_space<vmem>>, vector<16xf32>,
          tpu.vector_store %arg17[%parallel_loop3A_155, %parallel_loop3A_156], %parallel_loop3A_147 {strides = array<i32>} : memref<8x2048xf32, #tpu.memory_space<vmem>>, vector<16xf32>,
          %parallel_loop3A_158 = arith.constant 32 : i32
          %parallel_loop3A_159 = arith.muli %parallel_loop3A_129, %parallel_loop3A_158 : i32
          %parallel_loop3A_160 = arith.constant 16 : i32
          %parallel_loop3A_161 = arith.addi %parallel_loop3A_159, %parallel_loop3A_160 : i32
          %parallel_loop3A_162 = arith.constant 3 : i32
          %parallel_loop3A_163 = arith.index_cast %parallel_loop3A_162 : i32 to index
          %parallel_loop3A_164 = arith.index_cast %parallel_loop3A_161 : i32 to index
          %parallel_loop3A_165 = tpu.vector_load %arg17[%parallel_loop3A_163, %parallel_loop3A_164] {strides = array<i32>} : memref<8x2048xf32, #tpu.memory_space<vmem>>, vector<16xf32>,
          tpu.vector_store %arg17[%parallel_loop3A_163, %parallel_loop3A_164], %parallel_loop3A_151 {strides = array<i32>} : memref<8x2048xf32, #tpu.memory_space<vmem>>, vector<16xf32>,
        } {sc.loop_unroll_factor = 4 : i64, sc.parallel_access}
        %parallel_loop3A_110 = arith.constant 0 : i32
        %parallel_loop3A_111 = arith.constant 64 : i32
        %parallel_loop3A_112 = arith.constant 1 : i32
        scf.for %parallel_loop3A_129 = %parallel_loop3A_110 to %parallel_loop3A_111 step %parallel_loop3A_112  : i32 {
          %parallel_loop3A_130 = arith.constant 16 : i32
          %parallel_loop3A_131 = arith.muli %parallel_loop3A_129, %parallel_loop3A_130 : i32
          %parallel_loop3A_132 = arith.constant 4 : i32
          %parallel_loop3A_133 = arith.index_cast %parallel_loop3A_132 : i32 to index
          %parallel_loop3A_134 = arith.index_cast %parallel_loop3A_131 : i32 to index
          %parallel_loop3A_135 = tpu.vector_load %arg13[%parallel_loop3A_133, %parallel_loop3A_134] {strides = array<i32>} : memref<8x1024xi32, #tpu.memory_space<vmem>>, vector<16xi32>,
          %parallel_loop3A_136 = vector.bitcast %parallel_loop3A_135 : vector<16xi32> to vector<32xbf16>
          %parallel_loop3A_137 = arith.constant 4 : i32
          %parallel_loop3A_138 = arith.index_cast %parallel_loop3A_137 : i32 to index
          %parallel_loop3A_139 = arith.index_cast %parallel_loop3A_131 : i32 to index
          %parallel_loop3A_140 = tpu.vector_load %arg14[%parallel_loop3A_138, %parallel_loop3A_139] {strides = array<i32>} : memref<8x1024xi32, #tpu.memory_space<vmem>>, vector<16xi32>,
          %parallel_loop3A_141 = vector.bitcast %parallel_loop3A_140 : vector<16xi32> to vector<32xbf16>
          %parallel_loop3A_142 = arith.addf %parallel_loop3A_136, %parallel_loop3A_141 : vector<32xbf16>
          %parallel_loop3A_143 = vector.bitcast %parallel_loop3A_142 : vector<32xbf16> to vector<16xi32>
          %parallel_loop3A_144 = arith.constant 16 : i32
          %parallel_loop3A_145 = vector.broadcast %parallel_loop3A_144 : i32 to vector<16xi32>
          %parallel_loop3A_146 = arith.shli %parallel_loop3A_143, %parallel_loop3A_145 : vector<16xi32>
          %parallel_loop3A_147 = vector.bitcast %parallel_loop3A_146 : vector<16xi32> to vector<16xf32>
          %parallel_loop3A_148 = arith.constant -65536 : i32
          %parallel_loop3A_149 = vector.broadcast %parallel_loop3A_148 : i32 to vector<16xi32>
          %parallel_loop3A_150 = arith.andi %parallel_loop3A_143, %parallel_loop3A_149 : vector<16xi32>
          %parallel_loop3A_151 = vector.bitcast %parallel_loop3A_150 : vector<16xi32> to vector<16xf32>
          %parallel_loop3A_152 = arith.constant 32 : i32
          %parallel_loop3A_153 = arith.muli %parallel_loop3A_129, %parallel_loop3A_152 : i32
          %parallel_loop3A_154 = arith.constant 4 : i32
          %parallel_loop3A_155 = arith.index_cast %parallel_loop3A_154 : i32 to index
          %parallel_loop3A_156 = arith.index_cast %parallel_loop3A_153 : i32 to index
          %parallel_loop3A_157 = tpu.vector_load %arg17[%parallel_loop3A_155, %parallel_loop3A_156] {strides = array<i32>} : memref<8x2048xf32, #tpu.memory_space<vmem>>, vector<16xf32>,
          tpu.vector_store %arg17[%parallel_loop3A_155, %parallel_loop3A_156], %parallel_loop3A_147 {strides = array<i32>} : memref<8x2048xf32, #tpu.memory_space<vmem>>, vector<16xf32>,
          %parallel_loop3A_158 = arith.constant 32 : i32
          %parallel_loop3A_159 = arith.muli %parallel_loop3A_129, %parallel_loop3A_158 : i32
          %parallel_loop3A_160 = arith.constant 16 : i32
          %parallel_loop3A_161 = arith.addi %parallel_loop3A_159, %parallel_loop3A_160 : i32
          %parallel_loop3A_162 = arith.constant 4 : i32
          %parallel_loop3A_163 = arith.index_cast %parallel_loop3A_162 : i32 to index
          %parallel_loop3A_164 = arith.index_cast %parallel_loop3A_161 : i32 to index
          %parallel_loop3A_165 = tpu.vector_load %arg17[%parallel_loop3A_163, %parallel_loop3A_164] {strides = array<i32>} : memref<8x2048xf32, #tpu.memory_space<vmem>>, vector<16xf32>,
          tpu.vector_store %arg17[%parallel_loop3A_163, %parallel_loop3A_164], %parallel_loop3A_151 {strides = array<i32>} : memref<8x2048xf32, #tpu.memory_space<vmem>>, vector<16xf32>,
        } {sc.loop_unroll_factor = 4 : i64, sc.parallel_access}
        %parallel_loop3A_113 = arith.constant 0 : i32
        %parallel_loop3A_114 = arith.constant 64 : i32
        %parallel_loop3A_115 = arith.constant 1 : i32
        scf.for %parallel_loop3A_129 = %parallel_loop3A_113 to %parallel_loop3A_114 step %parallel_loop3A_115  : i32 {
          %parallel_loop3A_130 = arith.constant 16 : i32
          %parallel_loop3A_131 = arith.muli %parallel_loop3A_129, %parallel_loop3A_130 : i32
          %parallel_loop3A_132 = arith.constant 5 : i32
          %parallel_loop3A_133 = arith.index_cast %parallel_loop3A_132 : i32 to index
          %parallel_loop3A_134 = arith.index_cast %parallel_loop3A_131 : i32 to index
          %parallel_loop3A_135 = tpu.vector_load %arg13[%parallel_loop3A_133, %parallel_loop3A_134] {strides = array<i32>} : memref<8x1024xi32, #tpu.memory_space<vmem>>, vector<16xi32>,
          %parallel_loop3A_136 = vector.bitcast %parallel_loop3A_135 : vector<16xi32> to vector<32xbf16>
          %parallel_loop3A_137 = arith.constant 5 : i32
          %parallel_loop3A_138 = arith.index_cast %parallel_loop3A_137 : i32 to index
          %parallel_loop3A_139 = arith.index_cast %parallel_loop3A_131 : i32 to index
          %parallel_loop3A_140 = tpu.vector_load %arg14[%parallel_loop3A_138, %parallel_loop3A_139] {strides = array<i32>} : memref<8x1024xi32, #tpu.memory_space<vmem>>, vector<16xi32>,
          %parallel_loop3A_141 = vector.bitcast %parallel_loop3A_140 : vector<16xi32> to vector<32xbf16>
          %parallel_loop3A_142 = arith.addf %parallel_loop3A_136, %parallel_loop3A_141 : vector<32xbf16>
          %parallel_loop3A_143 = vector.bitcast %parallel_loop3A_142 : vector<32xbf16> to vector<16xi32>
          %parallel_loop3A_144 = arith.constant 16 : i32
          %parallel_loop3A_145 = vector.broadcast %parallel_loop3A_144 : i32 to vector<16xi32>
          %parallel_loop3A_146 = arith.shli %parallel_loop3A_143, %parallel_loop3A_145 : vector<16xi32>
          %parallel_loop3A_147 = vector.bitcast %parallel_loop3A_146 : vector<16xi32> to vector<16xf32>
          %parallel_loop3A_148 = arith.constant -65536 : i32
          %parallel_loop3A_149 = vector.broadcast %parallel_loop3A_148 : i32 to vector<16xi32>
          %parallel_loop3A_150 = arith.andi %parallel_loop3A_143, %parallel_loop3A_149 : vector<16xi32>
          %parallel_loop3A_151 = vector.bitcast %parallel_loop3A_150 : vector<16xi32> to vector<16xf32>
          %parallel_loop3A_152 = arith.constant 32 : i32
          %parallel_loop3A_153 = arith.muli %parallel_loop3A_129, %parallel_loop3A_152 : i32
          %parallel_loop3A_154 = arith.constant 5 : i32
          %parallel_loop3A_155 = arith.index_cast %parallel_loop3A_154 : i32 to index
          %parallel_loop3A_156 = arith.index_cast %parallel_loop3A_153 : i32 to index
          %parallel_loop3A_157 = tpu.vector_load %arg17[%parallel_loop3A_155, %parallel_loop3A_156] {strides = array<i32>} : memref<8x2048xf32, #tpu.memory_space<vmem>>, vector<16xf32>,
          tpu.vector_store %arg17[%parallel_loop3A_155, %parallel_loop3A_156], %parallel_loop3A_147 {strides = array<i32>} : memref<8x2048xf32, #tpu.memory_space<vmem>>, vector<16xf32>,
          %parallel_loop3A_158 = arith.constant 32 : i32
          %parallel_loop3A_159 = arith.muli %parallel_loop3A_129, %parallel_loop3A_158 : i32
          %parallel_loop3A_160 = arith.constant 16 : i32
          %parallel_loop3A_161 = arith.addi %parallel_loop3A_159, %parallel_loop3A_160 : i32
          %parallel_loop3A_162 = arith.constant 5 : i32
          %parallel_loop3A_163 = arith.index_cast %parallel_loop3A_162 : i32 to index
          %parallel_loop3A_164 = arith.index_cast %parallel_loop3A_161 : i32 to index
          %parallel_loop3A_165 = tpu.vector_load %arg17[%parallel_loop3A_163, %parallel_loop3A_164] {strides = array<i32>} : memref<8x2048xf32, #tpu.memory_space<vmem>>, vector<16xf32>,
          tpu.vector_store %arg17[%parallel_loop3A_163, %parallel_loop3A_164], %parallel_loop3A_151 {strides = array<i32>} : memref<8x2048xf32, #tpu.memory_space<vmem>>, vector<16xf32>,
        } {sc.loop_unroll_factor = 4 : i64, sc.parallel_access}
        %parallel_loop3A_116 = arith.constant 0 : i32
        %parallel_loop3A_117 = arith.constant 64 : i32
        %parallel_loop3A_118 = arith.constant 1 : i32
        scf.for %parallel_loop3A_129 = %parallel_loop3A_116 to %parallel_loop3A_117 step %parallel_loop3A_118  : i32 {
          %parallel_loop3A_130 = arith.constant 16 : i32
          %parallel_loop3A_131 = arith.muli %parallel_loop3A_129, %parallel_loop3A_130 : i32
          %parallel_loop3A_132 = arith.constant 6 : i32
          %parallel_loop3A_133 = arith.index_cast %parallel_loop3A_132 : i32 to index
          %parallel_loop3A_134 = arith.index_cast %parallel_loop3A_131 : i32 to index
          %parallel_loop3A_135 = tpu.vector_load %arg13[%parallel_loop3A_133, %parallel_loop3A_134] {strides = array<i32>} : memref<8x1024xi32, #tpu.memory_space<vmem>>, vector<16xi32>,
          %parallel_loop3A_136 = vector.bitcast %parallel_loop3A_135 : vector<16xi32> to vector<32xbf16>
          %parallel_loop3A_137 = arith.constant 6 : i32
          %parallel_loop3A_138 = arith.index_cast %parallel_loop3A_137 : i32 to index
          %parallel_loop3A_139 = arith.index_cast %parallel_loop3A_131 : i32 to index
          %parallel_loop3A_140 = tpu.vector_load %arg14[%parallel_loop3A_138, %parallel_loop3A_139] {strides = array<i32>} : memref<8x1024xi32, #tpu.memory_space<vmem>>, vector<16xi32>,
          %parallel_loop3A_141 = vector.bitcast %parallel_loop3A_140 : vector<16xi32> to vector<32xbf16>
          %parallel_loop3A_142 = arith.addf %parallel_loop3A_136, %parallel_loop3A_141 : vector<32xbf16>
          %parallel_loop3A_143 = vector.bitcast %parallel_loop3A_142 : vector<32xbf16> to vector<16xi32>
          %parallel_loop3A_144 = arith.constant 16 : i32
          %parallel_loop3A_145 = vector.broadcast %parallel_loop3A_144 : i32 to vector<16xi32>
          %parallel_loop3A_146 = arith.shli %parallel_loop3A_143, %parallel_loop3A_145 : vector<16xi32>
          %parallel_loop3A_147 = vector.bitcast %parallel_loop3A_146 : vector<16xi32> to vector<16xf32>
          %parallel_loop3A_148 = arith.constant -65536 : i32
          %parallel_loop3A_149 = vector.broadcast %parallel_loop3A_148 : i32 to vector<16xi32>
          %parallel_loop3A_150 = arith.andi %parallel_loop3A_143, %parallel_loop3A_149 : vector<16xi32>
          %parallel_loop3A_151 = vector.bitcast %parallel_loop3A_150 : vector<16xi32> to vector<16xf32>
          %parallel_loop3A_152 = arith.constant 32 : i32
          %parallel_loop3A_153 = arith.muli %parallel_loop3A_129, %parallel_loop3A_152 : i32
          %parallel_loop3A_154 = arith.constant 6 : i32
          %parallel_loop3A_155 = arith.index_cast %parallel_loop3A_154 : i32 to index
          %parallel_loop3A_156 = arith.index_cast %parallel_loop3A_153 : i32 to index
          %parallel_loop3A_157 = tpu.vector_load %arg17[%parallel_loop3A_155, %parallel_loop3A_156] {strides = array<i32>} : memref<8x2048xf32, #tpu.memory_space<vmem>>, vector<16xf32>,
          tpu.vector_store %arg17[%parallel_loop3A_155, %parallel_loop3A_156], %parallel_loop3A_147 {strides = array<i32>} : memref<8x2048xf32, #tpu.memory_space<vmem>>, vector<16xf32>,
          %parallel_loop3A_158 = arith.constant 32 : i32
          %parallel_loop3A_159 = arith.muli %parallel_loop3A_129, %parallel_loop3A_158 : i32
          %parallel_loop3A_160 = arith.constant 16 : i32
          %parallel_loop3A_161 = arith.addi %parallel_loop3A_159, %parallel_loop3A_160 : i32
          %parallel_loop3A_162 = arith.constant 6 : i32
          %parallel_loop3A_163 = arith.index_cast %parallel_loop3A_162 : i32 to index
          %parallel_loop3A_164 = arith.index_cast %parallel_loop3A_161 : i32 to index
          %parallel_loop3A_165 = tpu.vector_load %arg17[%parallel_loop3A_163, %parallel_loop3A_164] {strides = array<i32>} : memref<8x2048xf32, #tpu.memory_space<vmem>>, vector<16xf32>,
          tpu.vector_store %arg17[%parallel_loop3A_163, %parallel_loop3A_164], %parallel_loop3A_151 {strides = array<i32>} : memref<8x2048xf32, #tpu.memory_space<vmem>>, vector<16xf32>,
        } {sc.loop_unroll_factor = 4 : i64, sc.parallel_access}
        %parallel_loop3A_119 = arith.constant 0 : i32
        %parallel_loop3A_120 = arith.constant 64 : i32
        %parallel_loop3A_121 = arith.constant 1 : i32
        scf.for %parallel_loop3A_129 = %parallel_loop3A_119 to %parallel_loop3A_120 step %parallel_loop3A_121  : i32 {
          %parallel_loop3A_130 = arith.constant 16 : i32
          %parallel_loop3A_131 = arith.muli %parallel_loop3A_129, %parallel_loop3A_130 : i32
          %parallel_loop3A_132 = arith.constant 7 : i32
          %parallel_loop3A_133 = arith.index_cast %parallel_loop3A_132 : i32 to index
          %parallel_loop3A_134 = arith.index_cast %parallel_loop3A_131 : i32 to index
          %parallel_loop3A_135 = tpu.vector_load %arg13[%parallel_loop3A_133, %parallel_loop3A_134] {strides = array<i32>} : memref<8x1024xi32, #tpu.memory_space<vmem>>, vector<16xi32>,
          %parallel_loop3A_136 = vector.bitcast %parallel_loop3A_135 : vector<16xi32> to vector<32xbf16>
          %parallel_loop3A_137 = arith.constant 7 : i32
          %parallel_loop3A_138 = arith.index_cast %parallel_loop3A_137 : i32 to index
          %parallel_loop3A_139 = arith.index_cast %parallel_loop3A_131 : i32 to index
          %parallel_loop3A_140 = tpu.vector_load %arg14[%parallel_loop3A_138, %parallel_loop3A_139] {strides = array<i32>} : memref<8x1024xi32, #tpu.memory_space<vmem>>, vector<16xi32>,
          %parallel_loop3A_141 = vector.bitcast %parallel_loop3A_140 : vector<16xi32> to vector<32xbf16>
          %parallel_loop3A_142 = arith.addf %parallel_loop3A_136, %parallel_loop3A_141 : vector<32xbf16>
          %parallel_loop3A_143 = vector.bitcast %parallel_loop3A_142 : vector<32xbf16> to vector<16xi32>
          %parallel_loop3A_144 = arith.constant 16 : i32
          %parallel_loop3A_145 = vector.broadcast %parallel_loop3A_144 : i32 to vector<16xi32>
          %parallel_loop3A_146 = arith.shli %parallel_loop3A_143, %parallel_loop3A_145 : vector<16xi32>
          %parallel_loop3A_147 = vector.bitcast %parallel_loop3A_146 : vector<16xi32> to vector<16xf32>
          %parallel_loop3A_148 = arith.constant -65536 : i32
          %parallel_loop3A_149 = vector.broadcast %parallel_loop3A_148 : i32 to vector<16xi32>
          %parallel_loop3A_150 = arith.andi %parallel_loop3A_143, %parallel_loop3A_149 : vector<16xi32>
          %parallel_loop3A_151 = vector.bitcast %parallel_loop3A_150 : vector<16xi32> to vector<16xf32>
          %parallel_loop3A_152 = arith.constant 32 : i32
          %parallel_loop3A_153 = arith.muli %parallel_loop3A_129, %parallel_loop3A_152 : i32
          %parallel_loop3A_154 = arith.constant 7 : i32
          %parallel_loop3A_155 = arith.index_cast %parallel_loop3A_154 : i32 to index
          %parallel_loop3A_156 = arith.index_cast %parallel_loop3A_153 : i32 to index
          %parallel_loop3A_157 = tpu.vector_load %arg17[%parallel_loop3A_155, %parallel_loop3A_156] {strides = array<i32>} : memref<8x2048xf32, #tpu.memory_space<vmem>>, vector<16xf32>,
          tpu.vector_store %arg17[%parallel_loop3A_155, %parallel_loop3A_156], %parallel_loop3A_147 {strides = array<i32>} : memref<8x2048xf32, #tpu.memory_space<vmem>>, vector<16xf32>,
          %parallel_loop3A_158 = arith.constant 32 : i32
          %parallel_loop3A_159 = arith.muli %parallel_loop3A_129, %parallel_loop3A_158 : i32
          %parallel_loop3A_160 = arith.constant 16 : i32
          %parallel_loop3A_161 = arith.addi %parallel_loop3A_159, %parallel_loop3A_160 : i32
          %parallel_loop3A_162 = arith.constant 7 : i32
          %parallel_loop3A_163 = arith.index_cast %parallel_loop3A_162 : i32 to index
          %parallel_loop3A_164 = arith.index_cast %parallel_loop3A_161 : i32 to index
          %parallel_loop3A_165 = tpu.vector_load %arg17[%parallel_loop3A_163, %parallel_loop3A_164] {strides = array<i32>} : memref<8x2048xf32, #tpu.memory_space<vmem>>, vector<16xf32>,
          tpu.vector_store %arg17[%parallel_loop3A_163, %parallel_loop3A_164], %parallel_loop3A_151 {strides = array<i32>} : memref<8x2048xf32, #tpu.memory_space<vmem>>, vector<16xf32>,
        } {sc.loop_unroll_factor = 4 : i64, sc.parallel_access}
        %mul3A_122 = arith.constant 8 : i32
        %mul3A_123 = arith.muli %add3A_72, %mul3A_122 : i32
        %add3A_124 = arith.addi %mul3A_2, %mul3A_123 : i32
        %dma_start3A_125 = arith.constant 0 : i32
        %dma_start3A_126 = tpu.memref_slice %arg5[%add3A_124, %dma_start3A_125] : memref<16384x2048xf32, #tpu.memory_space<hbm>> -> memref<8x2048xf32, #tpu.memory_space<hbm>>
        %dma_start3A_127 = arith.constant 0 : i32
        %dma_start3A_128 = tpu.memref_slice %arg5[%add3A_124, %dma_start3A_127] : memref<16384x2048xf32, #tpu.memory_space<hbm>> -> memref<8x2048xf32, #tpu.memory_space<hbm>>
        tpu.enqueue_dma source(%arg17 : memref<8x2048xf32, #tpu.memory_space<vmem>>) target(%dma_start3A_128 : memref<8x2048xf32, #tpu.memory_space<hbm>>) target_semaphore(%arg23 : memref<!tpu.dma_semaphore, #tpu.memory_space<semaphore_mem>>)
      } else {
      }
    }
    %scan3A_39 = arith.constant 22 : i32
    %dma_wait3A = arith.constant 0 : i32
    %dma_wait3A_40 = arith.constant 0 : i32
    %dma_wait3A_41 = tpu.memref_slice %arg5[%dma_wait3A, %dma_wait3A_40] : memref<16384x2048xf32, #tpu.memory_space<hbm>> -> memref<8x2048xf32, #tpu.memory_space<hbm>>
    %dma_wait3A_42 = arith.constant 0 : i32
    %dma_wait3A_43 = arith.constant 0 : i32
    %dma_wait3A_44 = tpu.memref_slice %arg5[%dma_wait3A_42, %dma_wait3A_43] : memref<16384x2048xf32, #tpu.memory_space<hbm>> -> memref<8x2048xf32, #tpu.memory_space<hbm>>
    tpu.wait_dma2 semaphore(%arg21 : memref<!tpu.dma_semaphore, #tpu.memory_space<semaphore_mem>>) src(%dma_wait3A_44 : memref<8x2048xf32, #tpu.memory_space<hbm>>) dst(%arg15 : memref<8x2048xf32, #tpu.memory_space<vmem>>)
    %dma_wait3A_45 = arith.constant 0 : i32
    %dma_wait3A_46 = arith.constant 0 : i32
    %dma_wait3A_47 = tpu.memref_slice %arg5[%dma_wait3A_45, %dma_wait3A_46] : memref<16384x2048xf32, #tpu.memory_space<hbm>> -> memref<8x2048xf32, #tpu.memory_space<hbm>>
    %dma_wait3A_48 = arith.constant 0 : i32
    %dma_wait3A_49 = arith.constant 0 : i32
    %dma_wait3A_50 = tpu.memref_slice %arg5[%dma_wait3A_48, %dma_wait3A_49] : memref<16384x2048xf32, #tpu.memory_space<hbm>> -> memref<8x2048xf32, #tpu.memory_space<hbm>>
    tpu.wait_dma2 semaphore(%arg22 : memref<!tpu.dma_semaphore, #tpu.memory_space<semaphore_mem>>) src(%dma_wait3A_50 : memref<8x2048xf32, #tpu.memory_space<hbm>>) dst(%arg16 : memref<8x2048xf32, #tpu.memory_space<vmem>>)
    %dma_wait3A_51 = arith.constant 0 : i32
    %dma_wait3A_52 = arith.constant 0 : i32
    %dma_wait3A_53 = tpu.memref_slice %arg5[%dma_wait3A_51, %dma_wait3A_52] : memref<16384x2048xf32, #tpu.memory_space<hbm>> -> memref<8x2048xf32, #tpu.memory_space<hbm>>
    %dma_wait3A_54 = arith.constant 0 : i32
    %dma_wait3A_55 = arith.constant 0 : i32
    %dma_wait3A_56 = tpu.memref_slice %arg5[%dma_wait3A_54, %dma_wait3A_55] : memref<16384x2048xf32, #tpu.memory_space<hbm>> -> memref<8x2048xf32, #tpu.memory_space<hbm>>
    tpu.wait_dma2 semaphore(%arg23 : memref<!tpu.dma_semaphore, #tpu.memory_space<semaphore_mem>>) src(%dma_wait3A_56 : memref<8x2048xf32, #tpu.memory_space<hbm>>) dst(%arg17 : memref<8x2048xf32, #tpu.memory_space<vmem>>)
    return
  }
}

</mosaic_0001>

<sc_bundles>
// kernel: _run.3.cloned.1.call-start
scs
__scs_entry_jumppad:
0x0: {  	(pc) =	sbr.rel $0x88, $3  }
0x1: {  	(tag) =	ssettag $0x0;
	lr =	simm.s32 $0x1  }
0x2: {  	[smem:$0x3F9E] =	sst lr;
	_ =	strace $0xD0000000  }
0x3: {  	_ = 	snop  }
0x4: {  	_ = 	snop  }
0x5: {  	_ = 	snop  }
0x6: {  	_ = 	snop  }
0x7: {  	_ = 	snop  }
__scs_overlays_trampoline_lowered:
0x8: {  	[smem:$0x3FAD] =	sst s0  }
0x9: {  	[smem:$0x3FAE] =	sst s1  }
0xa: {  	[smem:$0x3FAF] =	sst s2  }
0xb: {  	[smem:$0x3FB0] =	sst s3  }
0xc: {  	[smem:$0x3FB1] =	sst s4  }
0xd: {  	[smem:$0x3FB2] =	sst s5  }
0xe: {  	[smem:$0x3FB3] =	sst s6  }
0xf: {  	[smem:$0x3FB4] =	sst s7  }
0x10: {  	[smem:$0x3FB5] =	sst s8  }
0x11: {  	[smem:$0x3FB6] =	sst s9;
	s0 =	simm.s32 @!p0 $0x0  }
0x12: {  	s1 =	sld [smem:$0x3F9C];
	s0 =	simm.s32 @p0 $0x1  }
0x13: {  	[smem:$0x3FB7] =	sst s0;
	s0 =	simm.s32 @!p1 $0x0  }
0x14: {  	s2 =	sld [smem:$0x3F9B];
	s0 =	simm.s32 @p1 $0x1  }
0x15: {  	[smem:$0x3FB8] =	sst s0;
	s0 =	simm.s32 @!p2 $0x0  }
0x16: {  	s3 =	sld [smem:$0x3FDB];
	s0 =	simm.s32 @p2 $0x1  }
0x17: {  	s4 =	simm.s32 $0x1BF5;
	[smem:$0x3FBA] =	sst s0  }
0x18: {  	s0 =	sld [smem:$0x3F9D];
	_ =	swait.ge [sflag:s4], $0x0  }
0x19: {  	s7 =	sld [smem:$0x3F9E]  }
0x1a: {  	s8 =	sadd.s32 $0xFFFFE003, lr  }
0x1b: {  	s9 =	sadd.s32 $0xFFFFFEF7, lr;
	s5 =	simm.s32 $0xFFFFFFFF;
	p2 =	slt.u32 s8, $0xFFFFF086  }
0x1c: {  	p1 =	slt.u32 s9, $0xF7A;
	s5 =	simm.s32 @!p2 $0x0  }
0x1d: {  	s5 =	simm.s32 @p1 $0x1;
	p0 =	seq.s32 s7, s2  }
0x1e: {  	s7 =	smul.u32 @!p0 $0xF7A, s2;
	p2 =	seq.s32 @!p0 s5, $0x0  }
0x1f: {  	s9 =	smul.u32 $0xF7A, s1;
	s8 =	simm.s32 @!p0 $0x1BF5;
	p2 =	por !p2, p0  }
0x20: {  	[sflag:s8] =	ssyncset.s32 @!p0 $0xFFFFF086;
	s6 =	sadd.s32 @!p0 s3, s7;
	s7 =	simm.s32 @!p0 $0x108  }
0x21: {  	s3 =	sadd.s32 s3, s9;
	s6 =	sadd.s32 @!p0 $0x88, s6;
	s7 =	simm.s32 @p2 $0x1082  }
0x22: {  	[simem:s7], [sflag:s8] =	dma.local @!p0 [hbm:s6], $0xF7A  }
0x23: {  	s9 =	sor.u32 $0xD0000000, s2;
	s6 =	simm.s32 $0x108;
	_ =	swait.ge @!p0 [sflag:s8], $0x0  }
0x24: {  	s3 =	sadd.s32 $0x88, s3;
	s6 =	simm.s32 @!p1 $0x1082;
	[sflag:s4] =	ssyncset.s32 $0xFFFFF086  }
0x25: {  	[simem:s6], [sflag:s4] =	dma.local [hbm:s3], $0xF7A  }
0x26: {  	[smem:$0x3F9E] =	sst s1;
	(tag) =	ssettag s2;
	_ =	strace s9  }
0x27: {  	s1 =	sld [smem:$0x3FAE]  }
0x28: {  	s2 =	sld [smem:$0x3FAF]  }
0x29: {  	s4 =	sld [smem:$0x3FB1]  }
0x2a: {  	p0 =	seq.s32 s5, $0x0;
	s5 =	sld [smem:$0x3FB2]  }
0x2b: {  	s6 =	sld [smem:$0x3FB3]  }
0x2c: {  	s7 =	sld [smem:$0x3FB4]  }
0x2d: {  	s3 =	simm.s32 $0x108;
	s8 =	sld [smem:$0x3FB5]  }
0x2e: {  	s3 =	simm.s32 @!p0 $0x1082;
	s9 =	sld [smem:$0x3FB6]  }
0x2f: {  	lr =	sadd.s32 s0, s3;
	s0 =	sld [smem:$0x3FAD]  }
0x30: {  	s3 =	sld [smem:$0x3FB0]  }
0x31: {  	[smem:$0x3FB9] =	sst s10  }
0x32: {  	s10 =	sld [smem:$0x3FB7];
	_ =	sdelay $0x3  }
0x33: {  	p0 =	seq.s32 s10, $0x1;
	s10 =	sld [smem:$0x3FB9];
	_ =	sdelay $0x3  }
0x34: {  	[smem:$0x3FB9] =	sst s10  }
0x35: {  	s10 =	sld [smem:$0x3FB8];
	_ =	sdelay $0x3  }
0x36: {  	p1 =	seq.s32 s10, $0x1;
	s10 =	sld [smem:$0x3FB9];
	_ =	sdelay $0x3  }
0x37: {  	[smem:$0x3FB9] =	sst s10  }
0x38: {  	s10 =	sld [smem:$0x3FBA]  }
0x39: {  	_ = 	snop;
	(pc) =	sbr.ind lr, $3  }
0x3a: {  	_ = 	snop  }
0x3b: {  	_ = 	snop  }
0x3c: {  	p2 =	seq.s32 s10, $0x1;
	s10 =	sld [smem:$0x3FB9]  }
0x3d: {  	_ =	shalt  }
0x3e: {  	_ =	shalt  }
0x3f: {  	_ =	shalt  }
0x40: {  	_ =	shalt  }
0x41: {  	_ =	shalt  }
0x42: {  	_ =	shalt  }
0x43: {  	_ =	shalt  }
0x44: {  	_ =	shalt  }
0x45: {  	_ =	shalt  }
0x46: {  	_ =	shalt  }
0x47: {  	_ =	shalt  }
0x48: {  	_ =	shalt  }
0x49: {  	_ =	shalt  }
0x4a: {  	_ =	shalt  }
0x4b: {  	_ =	shalt  }
0x4c: {  	_ =	shalt  }
0x4d: {  	_ =	shalt  }
0x4e: {  	_ =	shalt  }
0x4f: {  	_ =	shalt  }
0x50: {  	_ =	shalt  }
0x51: {  	_ =	shalt  }
0x52: {  	_ =	shalt  }
0x53: {  	_ =	shalt  }
0x54: {  	_ =	shalt  }
0x55: {  	_ =	shalt  }
0x56: {  	_ =	shalt  }
0x57: {  	_ =	shalt  }
0x58: {  	_ =	shalt  }
0x59: {  	_ =	shalt  }
0x5a: {  	_ =	shalt  }
0x5b: {  	_ =	shalt  }
0x5c: {  	_ =	shalt  }
0x5d: {  	_ =	shalt  }
0x5e: {  	_ =	shalt  }
0x5f: {  	_ =	shalt  }
0x60: {  	_ =	shalt  }
0x61: {  	_ =	shalt  }
0x62: {  	_ =	shalt  }
0x63: {  	_ =	shalt  }
0x64: {  	_ =	shalt  }
0x65: {  	_ =	shalt  }
0x66: {  	_ =	shalt  }
0x67: {  	_ =	shalt  }
0x68: {  	_ =	shalt  }
0x69: {  	_ =	shalt  }
0x6a: {  	_ =	shalt  }
0x6b: {  	_ =	shalt  }
0x6c: {  	_ =	shalt  }
0x6d: {  	_ =	shalt  }
0x6e: {  	_ =	shalt  }
0x6f: {  	_ =	shalt  }
0x70: {  	_ =	shalt  }
0x71: {  	_ =	shalt  }
0x72: {  	_ =	shalt  }
0x73: {  	_ =	shalt  }
0x74: {  	_ =	shalt  }
0x75: {  	_ =	shalt  }
0x76: {  	_ =	shalt  }
0x77: {  	_ =	shalt  }
0x78: {  	_ =	shalt  }
0x79: {  	_ =	shalt  }
0x7a: {  	_ =	shalt  }
0x7b: {  	_ =	shalt  }
0x7c: {  	_ =	shalt  }
0x7d: {  	_ =	shalt  }
0x7e: {  	_ =	shalt  }
0x7f: {  	_ =	shalt  }
0x80: {  	_ =	shalt  }
0x81: {  	_ =	shalt  }
0x82: {  	_ =	shalt  }
0x83: {  	_ =	shalt  }
0x84: {  	_ =	shalt  }
0x85: {  	_ =	shalt  }
0x86: {  	_ =	shalt  }
0x87: {  	_ =	shalt  }
.Lfunc_end0:
.L_simem_size_0:
called_computation_lowered:
.L_overlay_start_0:
0x88: {  	s2 =	sld [smem:$0x3FD9]  }
0x89: {  	s3 =	sld [smem:$0x3FFE];
	_ =	sdelay $0x1  }
0x8a: {  	s1 =	srdreg.scid  }
0x8b: {  	s0 =	sand.u32 $0x1, s1  }
0x8c: {  	s18 =	sshll.u32 s0, $0xA;
	s2 =	sadd.s32 s3, s2  }
0x8d: {  	s2 =	sadd.s32 s2, s18  }
0x8e: {  	[smem:$0x3FC5] =	sst s2  }
0x8f: {  	_ = 	snop  }
0x90: {  	s2 =	sld [smem:$0x3FC9]  }
0x91: {  	s19 =	sld [smem:$0x3FC8]  }
0x92: {  	s4 =	sld [smem:$0x3FC7]  }
0x93: {  	s5 =	sld [smem:$0x3FD0];
	(tm) =	ssettm $0x1  }
0x94: {  	s6 =	sld [smem:$0x3FFB];
	_ =	sdelay $0x3  }
0x95: {  	_ =	strace s6  }
0x96: {  	s6 =	sld [smem:$0x3FFC];
	_ =	sdelay $0x3  }
0x97: {  	_ =	strace s6  }
0x98: {  	s6 =	sld [smem:$0x3FFD];
	_ =	sdelay $0x3  }
0x99: {  	_ =	strace s6  }
0x9a: {  	_ =	strace $0x8FFFFFFF  }
0x9b: {  	s20 =	sld [smem:$0x3FDB];
	_ =	sdelay $0x1  }
0x9c: {  	s7 =	simm.s32 $_scs_section_size  }
0x9d: {  	s8 =	simm.s32 $_size__tile_overlayer_lowered;
	s9 =	simm.s32 $_tile_overlayer_lowered  }
0x9e: {  	s23 =	simm.s32 $0x1BFF;
	s22 =	sshll.u32 s9, $0x1;
	s6 =	sadd.s32 s7, s20  }
0x9f: {  	s10 =	simm.s32 $0x0;
	s21 =	sshll.u32 s8, $0x1;
	s8 =	sadd.s32 s22, s6  }
0xa0: {  	[timem:s10], [sflag:s23] =	dma.local [hbm:s8], s21  }
0xa1: {  	_ =	swait.ge [sflag:s23], s21  }
0xa2: {  	s7 =	ssub.s32 $0x0, s21;
	[sflag:s23] =	ssyncset.done $0x0  }
0xa3: {  	[sflag:s23] =	ssyncadd.s32 s7;
	_ =	sdelay $0x1  }
0xa4: {  	s24 =	simm.s32 $0x1B8B  }
0xa5: {  	_ =	swait.ge [sflag:s24], $0x1  }
0xa6: {  	[sflag:s24] =	ssyncset.done $0x0  }
0xa7: {  	s25 =	simm.s32 $0x1B8E;
	[sflag:s24] =	ssyncadd.s32 $0xFFFFFFFF  }
0xa8: {  	s26 =	simm.s32 $execute0_lowered;
	[smem:$0x3FD2] =	sst s25  }
0xa9: {  	s7 =	sshll.u32 s26, $0x1;
	_ =	strace $0x80000046;
	[dreg:$0x1] =	wrdreg $0xFFFFFFFF  }
0xaa: {  	s28 =	simm.s32 $_size_execute0_lowered;
	s6 =	sadd.s32 s6, s7;
	[dreg:$0x0] =	wrdreg $0x0  }
0xab: {  	s7 =	sshll.u32 s28, $0x1;
	[dreg:$0x2] =	wrdreg s6  }
0xac: {  	[dreg:$0x3] =	wrdreg s7  }
0xad: {  	[dreg:$0x4] =	wrdreg $0xC0  }
0xae: {  	_ =	task [dreg:s10], $0x5FFFF  }
0xaf: {  	[dreg:$0x1] =	wrdreg $0xFFFFFFFF  }
0xb0: {  	[dreg:$0x0] =	wrdreg $0x60  }
0xb1: {  	[dreg:$0x2] =	wrdreg s2  }
0xb2: {  	[dreg:$0x3] =	wrdreg s19  }
0xb3: {  	[dreg:$0x4] =	wrdreg s4  }
0xb4: {  	[dreg:$0x5] =	wrdreg s5  }
0xb5: {  	[dreg:$0x6] =	wrdreg $0x9  }
0xb6: {  	_ =	task.clear_ibuf [dreg:s10], $0x7FFFF;
	_ =	strace $0x90000046  }
0xb7: {  	s29 =	simm.s32 $0x9;
	_ =	strace $0x80000048  }
0xb8: {  	_ =	swait.ge [sflag:s29], $0x1  }
0xb9: {  	[sflag:s29] =	ssyncadd.s32 $0xFFFFFFFF  }
0xba: {  	_ =	strace $0x90000048  }
0xbb: {  	_ =	sfence  }
0xbc: {  	s30 =	sld [smem:$0x0];
	_ =	sdelay $0x2  }
0xbd: {  	s31 =	sshll.u32 s1, $0xD;
	s1 =	sshrl.u32 s1, $0x2  }
0xbe: {  	s3 =	sand.u32 $0x4000, s31;
	s1 =	sadd.s32 s1, s30  }
0xbf: {  	s0 =	sor.u32 s3, s0;
	s1 =	sshll.u32 s1, $0x11  }
0xc0: {  	s0 =	sor.u32 s1, s0  }
0xc1: {  	s0 =	sadd.s32 $0x8F2B, s0  }
0xc2: {  	[sflag:s0] =	ssyncadd.remote.s32 $0x1  }
0xc3: {  	_ =	sfence.sel $0xFFFF  }
0xc4: {  	[dreg:$0x0] =	wrdreg $0xFFFFFFFF;
	(pc) =	sbr.abs _section_cstart, $3  }
0xc5: {  	[dreg:$0x1] =	wrdreg $0xFFFFFFFF  }
0xc6: {  	_ =	task.clear_ibuf [dreg:s10], $0x2FFFF;
	_ =	strace $0x9FFFFFFF  }
0xc7: {  	(tm) =	ssettm $0x7FFFFFFF  }
tec
execute0_lowered:
.L_overlay_start_1:
0x0: {  	(tag) =	ssettag $0x1  }
0x1: {  	s0 =	rddreg [dreg:$0x0]  }
0x2: {  	s1 =	rddreg [dreg:$0x1];
	s2 =	srdreg.scid  }
0x3: {  	s3 =	rddreg [dreg:$0x2];
	s5 =	stileid.u32  }
0x4: {  	s4 =	rddreg [dreg:$0x3];
	s30 =	simm.s32 $0x1;
	s21 =	simm.s32 $0x3  }
0x5: {  	s2 =	sand.u32 $0x1, s2;
	s5 =	sshll.u32 s5, $0xA;
	s11 =	sadd.s32 $0x100, s1  }
0x6: {  	s12 =	sadd.s32 $0x200, s1;
	s6 =	sshll.u32 s2, $0x9;
	s2 =	ssub.s32 $0x2, s2  }
0x7: {  	s13 =	sadd.s32 $0x300, s1;
	s5 =	sor.u32 s6, s5;
	s8 =	sshrl.u32 s2, $0x1  }
0x8: {  	s6 =	simm.s32 $0x0;
	s7 =	sshrl.u32 s5, $0x1;
	s22 =	ssub.s32 s2, s8  }
0x9: {  	[smem:$0x7FF] =	sst s6;
	s7 =	sadd.s32 s0, s7;
	s0 =	smax.u32 s22, $0x1  }
0xa: {  	s14 =	sadd.s32 $0x100, s3;
	_ =	strace $0x80000047;
	[dreg:$0x9] =	wrdreg s0  }
0xb: {  	s15 =	sadd.s32 $0x200, s3;
	s23 =	sadd.s32 $0x10, s7;
	[dreg:$0x5] =	wrdreg s7  }
0xc: {  	s16 =	sadd.s32 $0x300, s3;
	s24 =	sadd.s32 $0x20, s7;
	[dreg:$0x6] =	wrdreg s23  }
.Ltmp0:
0xd: {  	s25 =	sadd.s32 $0x30, s7;
	[dreg:$0x7] =	wrdreg s24;
	(pc) =	sbr.rel .LBB2_1-.Ltmp0, $4  }
0xe: {  	s26 =	sshrl.u32 s5, $0x3;
	s28 =	sadd.s32 $0x40, s7;
	[dreg:$0x8] =	wrdreg s25  }
0xf: {  	v0 =	vlaneseq.u32;
	s8 =	simm.s32 $0x0;
	s29 =	sadd.s32 $0x80, s7;
	[dreg:$0xa] =	wrdreg s28  }
0x10: {  	v1 =	vshrl.u32 v0, $0x3;
	s17 =	sor.u32 $0x1, s26;
	s31 =	sadd.s32 $0xC0, s7;
	[dreg:$0xb] =	wrdreg s29  }
0x11: {  	vm0 =	vmmov $0xffff;
	v0 =	vand.u32 $0x7, v0;
	v1 =	vmul.u32 $0x8, v1;
	s18 =	sor.u32 $0x2, s26;
	s7 =	simm.s32 $0x2;
	[dreg:$0xc] =	wrdreg s31  }
.LBB2_115:
0x12: {  	s0 =	simm.s32 $0x4  }
0x13: {  	_ =	swait.ge [sflag:s0], $0x4000  }
0x14: {  	[sflag:s0] =	ssyncset.done $0x0  }
0x15: {  	s29 =	simm.s32 $0x5;
	[sflag:s0] =	ssyncadd.s32 $0xFFFFC000  }
0x16: {  	_ =	swait.ge [sflag:s29], $0x4000  }
0x17: {  	[sflag:s29] =	ssyncset.done $0x0  }
0x18: {  	s2 =	simm.s32 $0x6;
	[sflag:s29] =	ssyncadd.s32 $0xFFFFC000  }
0x19: {  	_ =	swait.ge [sflag:s2], $0x4000  }
0x1a: {  	s8 =	rddreg [dreg:$0xd]  }
0x1b: {  	s31 =	rddreg [dreg:$0x9];
	s8 =	sadd.s32 $0x1, s8  }
0x1c: {  	p0 =	sne.s32 s8, s31  }
.Ltmp1:
0x1d: {  	_ = 	snop;
	(pc) =	sbr.rel @!p0 .LBB2_116-.Ltmp1, $3  }
0x1e: {  	_ =	sdelay $0x1  }
0x1f: {  	[sflag:s2] =	ssyncset.done $0x0  }
0x20: {  	[sflag:s2] =	ssyncadd.s32 $0xFFFFC000  }
.LBB2_1:
0x21: {  	[dreg:$0xd] =	wrdreg s8  }
0x22: {  	s0 =	rddreg [dreg:$0x5]  }
0x23: {  	[tilespmem:s6], [sflag:$0x7] =	stream.linear.gather [hbm4b:s0+s6], $0x80, $0x38;
	[tilespmem:$0x18C00] =	vst v63  }
0x24: {  	s24 =	rddreg [dreg:$0xa];
	s2 =	simm.s32 $0x200  }
0x25: {  	[tilespmem:s2], [sflag:$0x7] =	stream.linear.gather [hbm4b:s24+s6], $0x80, $0x38;
	[tilespmem:$0x18C00] =	vst v63  }
0x26: {  	s25 =	rddreg [dreg:$0xb];
	s26 =	simm.s32 $0x400  }
0x27: {  	[tilespmem:s26], [sflag:$0x7] =	stream.linear.gather [hbm4b:s25+s6], $0x80, $0x38;
	[tilespmem:$0x18C00] =	vst v63  }
0x28: {  	s28 =	rddreg [dreg:$0xc];
	s29 =	simm.s32 $0x600;
	s8 =	simm.s32 $0x7  }
0x29: {  	[tilespmem:s29], [sflag:$0x7] =	stream.linear.gather [hbm4b:s28+s6], $0x80, $0x38;
	[tilespmem:$0x18C00] =	vst v63  }
0x2a: {  	_ =	swait.ge [sflag:s8], $0x200  }
0x2b: {  	[sflag:s8] =	ssyncset.done $0x0  }
0x2c: {  	s9 =	simm.s32 $0x80;
	s31 =	rddreg [dreg:$0x6];
	[sflag:s8] =	ssyncadd.s32 $0xFFFFFE00  }
0x2d: {  	[tilespmem:s9], [sflag:$0x7] =	stream.linear.gather [hbm4b:s31+s6], $0x80, $0x38;
	[tilespmem:$0x18C00] =	vst v63  }
0x2e: {  	s10 =	sadd.s32 $0x40, s31;
	s9 =	simm.s32 $0x280  }
0x2f: {  	[tilespmem:s9], [sflag:$0x7] =	stream.linear.gather [hbm4b:s10+s6], $0x80, $0x38;
	[tilespmem:$0x18C00] =	vst v63  }
0x30: {  	s20 =	simm.s32 $0x480;
	s19 =	sadd.s32 $0x80, s31  }
0x31: {  	[tilespmem:s20], [sflag:$0x7] =	stream.linear.gather [hbm4b:s19+s6], $0x80, $0x38;
	[tilespmem:$0x18C00] =	vst v63  }
0x32: {  	s23 =	simm.s32 $0x680;
	s22 =	sadd.s32 $0xC0, s31  }
0x33: {  	[tilespmem:s23], [sflag:$0x7] =	stream.linear.gather [hbm4b:s22+s6], $0x80, $0x38;
	[tilespmem:$0x18C00] =	vst v63  }
0x34: {  	_ =	swait.ge [sflag:s8], $0x200  }
0x35: {  	[sflag:s8] =	ssyncset.done $0x0  }
0x36: {  	s25 =	simm.s32 $0x100;
	s24 =	rddreg [dreg:$0x7];
	[sflag:s8] =	ssyncadd.s32 $0xFFFFFE00  }
0x37: {  	[tilespmem:s25], [sflag:$0x7] =	stream.linear.gather [hbm4b:s24+s6], $0x80, $0x38;
	[tilespmem:$0x18C00] =	vst v63  }
0x38: {  	s28 =	simm.s32 $0x300;
	s26 =	sadd.s32 $0x40, s24  }
0x39: {  	[tilespmem:s28], [sflag:$0x7] =	stream.linear.gather [hbm4b:s26+s6], $0x80, $0x38;
	[tilespmem:$0x18C00] =	vst v63  }
0x3a: {  	s31 =	simm.s32 $0x500;
	s29 =	sadd.s32 $0x80, s24  }
0x3b: {  	[tilespmem:s31], [sflag:$0x7] =	stream.linear.gather [hbm4b:s29+s6], $0x80, $0x38;
	[tilespmem:$0x18C00] =	vst v63  }
0x3c: {  	s10 =	simm.s32 $0x700;
	s9 =	sadd.s32 $0xC0, s24  }
0x3d: {  	[tilespmem:s10], [sflag:$0x7] =	stream.linear.gather [hbm4b:s9+s6], $0x80, $0x38;
	[tilespmem:$0x18C00] =	vst v63  }
0x3e: {  	_ =	swait.ge [sflag:s8], $0x200  }
0x3f: {  	[sflag:s8] =	ssyncset.done $0x0  }
0x40: {  	s20 =	simm.s32 $0x180;
	s19 =	rddreg [dreg:$0x8];
	[sflag:s8] =	ssyncadd.s32 $0xFFFFFE00  }
0x41: {  	[tilespmem:s20], [sflag:$0x7] =	stream.linear.gather [hbm4b:s19+s6], $0x80, $0x38;
	[tilespmem:$0x18C00] =	vst v63  }
0x42: {  	s23 =	simm.s32 $0x380;
	s22 =	sadd.s32 $0x40, s19  }
0x43: {  	[tilespmem:s23], [sflag:$0x7] =	stream.linear.gather [hbm4b:s22+s6], $0x80, $0x38;
	[tilespmem:$0x18C00] =	vst v63  }
0x44: {  	s25 =	simm.s32 $0x580;
	s24 =	sadd.s32 $0x80, s19  }
0x45: {  	[tilespmem:s25], [sflag:$0x7] =	stream.linear.gather [hbm4b:s24+s6], $0x80, $0x38;
	[tilespmem:$0x18C00] =	vst v63  }
0x46: {  	s28 =	simm.s32 $0x780;
	s26 =	sadd.s32 $0xC0, s19  }
0x47: {  	[tilespmem:s28], [sflag:$0x7] =	stream.linear.gather [hbm4b:s26+s6], $0x80, $0x38;
	[tilespmem:$0x18C00] =	vst v63  }
0x48: {  	_ =	swait.ge [sflag:s8], $0x200  }
0x49: {  	s29 =	sand.u32 $0x70, s6;
	s31 =	sand.u32 $0x600, s6;
	[sflag:s8] =	ssyncset.done $0x0  }
0x4a: {  	s2 =	sor.u32 s29, s31;
	[sflag:s8] =	ssyncadd.s32 $0xFFFFFE00  }
0x4b: {  	v2 =	vld [tilespmem:s2+$0x0]  }
0x4c: {  	v3 =	vld [tilespmem:s2+$0x80];
	_ =	sdelay $0x4  }
0x4d: {  	v2 =	vmul.f32 $1.024000000e+03, v2;
	v3 =	vmul.f32 $1.024000000e+03, v3;
	_ =	sdelay $0x1  }
0x4e: {  	v2 =	vadd.f32 $8.388608000e+06, v2;
	v3 =	vadd.f32 $8.388608000e+06, v3;
	_ =	sdelay $0x1  }
0x4f: {  	v2 =	vadd.f32 $-8.388608000e+06, v2;
	v3 =	vadd.f32 $-8.388608000e+06, v3;
	_ =	sdelay $0x1  }
0x50: {  	v2 =	vtrunc.f32 v2;
	v3 =	vtrunc.f32 v3  }
0x51: {  	v2 =	vcvt.f32.s32 v2;
	v3 =	vcvt.f32.s32 v3;
	_ =	sdelay $0x1  }
0x52: {  	v2 =	vadd.s32 v2, v3  }
0x53: {  	v2 =	vshra.s32 v2, $0x1  }
0x54: {  	vm1 =	vlt.s32 v2, $0x3FF  }
0x55: {  	s0 =	simm.s32 $0x0;
	v2 =	vnsel vm1, $0x3FF, v2  }
0x56: {  	[tilespmem:s0+$0x800] =	vst v2  }
0x57: {  	v2 =	vld [tilespmem:s2+$0x100]  }
0x58: {  	v3 =	vld [tilespmem:s2+$0x180];
	_ =	sdelay $0x4  }
0x59: {  	v2 =	vmul.f32 $1.024000000e+03, v2;
	v3 =	vmul.f32 $1.024000000e+03, v3;
	_ =	sdelay $0x1  }
0x5a: {  	v2 =	vadd.f32 $8.388608000e+06, v2;
	v3 =	vadd.f32 $8.388608000e+06, v3;
	_ =	sdelay $0x1  }
0x5b: {  	v2 =	vadd.f32 $-8.388608000e+06, v2;
	v3 =	vadd.f32 $-8.388608000e+06, v3;
	_ =	sdelay $0x1  }
0x5c: {  	v2 =	vtrunc.f32 v2;
	v3 =	vtrunc.f32 v3  }
0x5d: {  	v2 =	vcvt.f32.s32 v2;
	v3 =	vcvt.f32.s32 v3;
	_ =	sdelay $0x1  }
0x5e: {  	v2 =	vadd.s32 v2, v3  }
0x5f: {  	s8 =	simm.s32 $0x0;
	s2 =	simm.s32 $0x10;
	v2 =	vshra.s32 v2, $0x1  }
.LBB2_2:
0x60: {  	p0 =	sne.s32 s2, $0x1F0  }
0x61: {  	vm1 =	vlt.s32 v2, $0x3FF;
	s8 =	sadd.s32 $0x40, s8;
	s9 =	smov.u32 s2;
	s2 =	sadd.s32 $0x10, s2  }
0x62: {  	s9 =	sand.u32 $0x70, s9;
	s10 =	sand.u32 $0x600, s8;
	v2 =	vnsel vm1, $0x3FF, v2  }
0x63: {  	s9 =	sor.u32 s9, s10;
	[tilespmem:s0+$0xA00] =	vst v2  }
0x64: {  	v2 =	vld [tilespmem:s9+$0x0]  }
0x65: {  	v3 =	vld [tilespmem:s9+$0x80];
	_ =	sdelay $0x3  }
0x66: {  	v2 =	vmul.f32 $1.024000000e+03, v2  }
0x67: {  	v3 =	vmul.f32 $1.024000000e+03, v3  }
0x68: {  	v2 =	vadd.f32 $8.388608000e+06, v2  }
0x69: {  	v3 =	vadd.f32 $8.388608000e+06, v3  }
0x6a: {  	v2 =	vadd.f32 $-8.388608000e+06, v2  }
0x6b: {  	v3 =	vadd.f32 $-8.388608000e+06, v3  }
0x6c: {  	v2 =	vtrunc.f32 v2  }
0x6d: {  	v2 =	vcvt.f32.s32 v2;
	v3 =	vtrunc.f32 v3  }
0x6e: {  	v3 =	vcvt.f32.s32 v3;
	_ =	sdelay $0x1  }
0x6f: {  	v2 =	vadd.s32 v2, v3  }
0x70: {  	v2 =	vshra.s32 v2, $0x1  }
0x71: {  	s0 =	sshra.s32 s8, $0x2;
	vm1 =	vlt.s32 v2, $0x3FF  }
0x72: {  	v2 =	vnsel vm1, $0x3FF, v2  }
0x73: {  	[tilespmem:s0+$0x800] =	vst v2  }
0x74: {  	v2 =	vld [tilespmem:s9+$0x100]  }
0x75: {  	v3 =	vld [tilespmem:s9+$0x180];
	_ =	sdelay $0x3  }
0x76: {  	v2 =	vmul.f32 $1.024000000e+03, v2  }
0x77: {  	v3 =	vmul.f32 $1.024000000e+03, v3  }
0x78: {  	v2 =	vadd.f32 $8.388608000e+06, v2  }
0x79: {  	v3 =	vadd.f32 $8.388608000e+06, v3  }
0x7a: {  	v2 =	vadd.f32 $-8.388608000e+06, v2  }
0x7b: {  	v3 =	vadd.f32 $-8.388608000e+06, v3  }
0x7c: {  	v2 =	vtrunc.f32 v2  }
.Ltmp2:
0x7d: {  	v2 =	vcvt.f32.s32 v2;
	v3 =	vtrunc.f32 v3;
	(pc) =	sbr.rel @p0 .LBB2_2-.Ltmp2, $3  }
0x7e: {  	v3 =	vcvt.f32.s32 v3;
	_ =	sdelay $0x1  }
0x7f: {  	v2 =	vadd.s32 v2, v3  }
0x80: {  	v2 =	vshra.s32 v2, $0x1  }
0x81: {  	vm1 =	vlt.s32 v2, $0x3FF  }
0x82: {  	v2 =	vnsel vm1, $0x3FF, v2  }
0x83: {  	[tilespmem:s0+$0xA00] =	vst v2  }
0x84: {  	v2 =	vld.msk [tilespmem:$0x800], $0xff;
	_ =	sdelay $0x4  }
0x85: {  	v3 =	vshll.u32 v2, $0x3  }
0x86: {  	v2 =	vand.u32 $0x7, v2;
	v3 =	vand.u32 $0xFFFFFFC0, v3  }
0x87: {  	v2 =	vor.u32 v2, v3  }
0x88: {  	v2 =	vperm.xlane v2, v0;
	_ =	sdelay $0x1  }
0x89: {  	v2 =	vadd.s32 v1, v2;
	_ =	sdelay $0x3  }
0x8a: {  	s9 =	simm.s32 $0x0;
	s28 =	simm.s32 $0xC00  }
0x8b: {  	[tilespmem:s28], [sflag:$0x1] =	stream.indirect_vreg.gather [hbm4b:s1+s9], $0x80, v2, vm0, $0xb8;
	[tilespmem:$0x18C00] =	vst v63  }
0x8c: {  	s29 =	simm.s32 $0x1400  }
0x8d: {  	[tilespmem:s29], [sflag:$0x1] =	stream.indirect_vreg.gather [hbm4b:s11+s9], $0x80, v2, vm0, $0xb8;
	[tilespmem:$0x18C00] =	vst v63  }
0x8e: {  	s31 =	simm.s32 $0x1C00  }
0x8f: {  	[tilespmem:s31], [sflag:$0x1] =	stream.indirect_vreg.gather [hbm4b:s12+s9], $0x80, v2, vm0, $0xb8;
	[tilespmem:$0x18C00] =	vst v63  }
0x90: {  	s2 =	simm.s32 $0x2400  }
0x91: {  	[tilespmem:s2], [sflag:$0x1] =	stream.indirect_vreg.gather [hbm4b:s13+s9], $0x80, v2, vm0, $0xb8;
	[tilespmem:$0x18C00] =	vst v63  }
0x92: {  	v2 =	vld.msk [tilespmem:$0xA00], $0xff;
	_ =	sdelay $0x4  }
0x93: {  	v3 =	vshll.u32 v2, $0x3  }
0x94: {  	v2 =	vand.u32 $0x7, v2;
	v3 =	vand.u32 $0xFFFFFFC0, v3  }
0x95: {  	v2 =	vor.u32 v2, v3  }
0x96: {  	v2 =	vperm.xlane v2, v0;
	_ =	sdelay $0x1  }
0x97: {  	v2 =	vadd.s32 v1, v2;
	_ =	sdelay $0x3  }
0x98: {  	s8 =	simm.s32 $0x2C00  }
0x99: {  	[tilespmem:s8], [sflag:$0x1] =	stream.indirect_vreg.gather [hbm4b:s3+s9], $0x80, v2, vm0, $0xb8;
	[tilespmem:$0x18C00] =	vst v63  }
0x9a: {  	s10 =	simm.s32 $0x3400  }
0x9b: {  	[tilespmem:s10], [sflag:$0x1] =	stream.indirect_vreg.gather [hbm4b:s14+s9], $0x80, v2, vm0, $0xb8;
	[tilespmem:$0x18C00] =	vst v63  }
0x9c: {  	s19 =	simm.s32 $0x3C00  }
0x9d: {  	[tilespmem:s19], [sflag:$0x1] =	stream.indirect_vreg.gather [hbm4b:s15+s9], $0x80, v2, vm0, $0xb8;
	[tilespmem:$0x18C00] =	vst v63  }
0x9e: {  	s20 =	simm.s32 $0x4400  }
0x9f: {  	[tilespmem:s20], [sflag:$0x1] =	stream.indirect_vreg.gather [hbm4b:s16+s9], $0x80, v2, vm0, $0xb8;
	[tilespmem:$0x18C00] =	vst v63  }
0xa0: {  	v2 =	vld.msk [tilespmem:$0x808], $0xff;
	_ =	sdelay $0x4  }
0xa1: {  	v3 =	vshll.u32 v2, $0x3  }
0xa2: {  	v2 =	vand.u32 $0x7, v2;
	v3 =	vand.u32 $0xFFFFFFC0, v3  }
0xa3: {  	v2 =	vor.u32 v2, v3  }
0xa4: {  	v2 =	vperm.xlane v2, v0;
	_ =	sdelay $0x1  }
0xa5: {  	v2 =	vadd.s32 v1, v2;
	_ =	sdelay $0x3  }
0xa6: {  	s22 =	simm.s32 $0x4C00  }
0xa7: {  	[tilespmem:s22], [sflag:$0x2] =	stream.indirect_vreg.gather [hbm4b:s1+s9], $0x80, v2, vm0, $0xb8;
	[tilespmem:$0x18C00] =	vst v63  }
0xa8: {  	s23 =	simm.s32 $0x5400  }
0xa9: {  	[tilespmem:s23], [sflag:$0x2] =	stream.indirect_vreg.gather [hbm4b:s11+s9], $0x80, v2, vm0, $0xb8;
	[tilespmem:$0x18C00] =	vst v63  }
0xaa: {  	s24 =	simm.s32 $0x5C00  }
0xab: {  	[tilespmem:s24], [sflag:$0x2] =	stream.indirect_vreg.gather [hbm4b:s12+s9], $0x80, v2, vm0, $0xb8;
	[tilespmem:$0x18C00] =	vst v63  }
0xac: {  	s25 =	simm.s32 $0x6400  }
0xad: {  	[tilespmem:s25], [sflag:$0x2] =	stream.indirect_vreg.gather [hbm4b:s13+s9], $0x80, v2, vm0, $0xb8;
	[tilespmem:$0x18C00] =	vst v63  }
0xae: {  	v2 =	vld.msk [tilespmem:$0xA08], $0xff;
	_ =	sdelay $0x4  }
0xaf: {  	v3 =	vshll.u32 v2, $0x3  }
0xb0: {  	v2 =	vand.u32 $0x7, v2;
	v3 =	vand.u32 $0xFFFFFFC0, v3  }
0xb1: {  	v2 =	vor.u32 v2, v3  }
0xb2: {  	v2 =	vperm.xlane v2, v0;
	_ =	sdelay $0x1  }
0xb3: {  	v2 =	vadd.s32 v1, v2;
	_ =	sdelay $0x3  }
0xb4: {  	s26 =	simm.s32 $0x6C00  }
0xb5: {  	[tilespmem:s26], [sflag:$0x2] =	stream.indirect_vreg.gather [hbm4b:s3+s9], $0x80, v2, vm0, $0xb8;
	[tilespmem:$0x18C00] =	vst v63  }
0xb6: {  	s28 =	simm.s32 $0x7400  }
0xb7: {  	[tilespmem:s28], [sflag:$0x2] =	stream.indirect_vreg.gather [hbm4b:s14+s9], $0x80, v2, vm0, $0xb8;
	[tilespmem:$0x18C00] =	vst v63  }
0xb8: {  	s29 =	simm.s32 $0x7C00  }
0xb9: {  	[tilespmem:s29], [sflag:$0x2] =	stream.indirect_vreg.gather [hbm4b:s15+s9], $0x80, v2, vm0, $0xb8;
	[tilespmem:$0x18C00] =	vst v63  }
0xba: {  	s31 =	simm.s32 $0x8400;
	s10 =	simm.s32 $0x0  }
0xbb: {  	[tilespmem:s31], [sflag:$0x2] =	stream.indirect_vreg.gather [hbm4b:s16+s9], $0x80, v2, vm0, $0xb8;
	[tilespmem:$0x18C00] =	vst v63  }
.LBB2_4:
0xbc: {  	p1 =	seq.s32 s10, $0x15  }
0xbd: {  	s0 =	smul.u32 @!p1 $0x18, s10;
	_ =	sdelay $0x1  }
0xbe: {  	v2 =	vld.msk @!p1 [tilespmem:s0+$0x810], $0xff;
	_ =	sdelay $0x4  }
0xbf: {  	v3 =	vshll.u32 @!p1 v2, $0x3  }
0xc0: {  	v4 =	vlaneseq.u32 @!p1;
	v2 =	vand.u32 @!p1 $0x7, v2;
	v3 =	vand.u32 @!p1 $0xFFFFFFC0, v3  }
0xc1: {  	v2 =	vor.u32 @!p1 v2, v3;
	v3 =	vand.u32 @!p1 $0x7, v4;
	v4 =	vshrl.u32 @!p1 v4, $0x3  }
0xc2: {  	v2 =	vperm.xlane @!p1 v2, v3;
	v4 =	vmul.u32 @!p1 $0x8, v4;
	_ =	sdelay $0x1  }
0xc3: {  	v2 =	vadd.s32 @!p1 v4, v2;
	_ =	sdelay $0x3  }
0xc4: {  	vm1 =	vmmov @!p1 $0xffff;
	s2 =	simm.s32 @!p1 $0x0;
	s8 =	simm.s32 @!p1 $0x8C00  }
0xc5: {  	[tilespmem:s8], [sflag:$0x3] =	stream.indirect_vreg.gather @!p1 [hbm4b:s1+s2], $0x80, v2, vm1, $0xb8;
	[tilespmem:$0x18C00] =	vst v63  }
0xc6: {  	s8 =	simm.s32 @!p1 $0x9400  }
0xc7: {  	[tilespmem:s8], [sflag:$0x3] =	stream.indirect_vreg.gather @!p1 [hbm4b:s11+s2], $0x80, v2, vm1, $0xb8;
	[tilespmem:$0x18C00] =	vst v63  }
0xc8: {  	s8 =	simm.s32 @!p1 $0x9C00  }
0xc9: {  	[tilespmem:s8], [sflag:$0x3] =	stream.indirect_vreg.gather @!p1 [hbm4b:s12+s2], $0x80, v2, vm1, $0xb8;
	[tilespmem:$0x18C00] =	vst v63  }
0xca: {  	s8 =	simm.s32 @!p1 $0xA400  }
0xcb: {  	[tilespmem:s8], [sflag:$0x3] =	stream.indirect_vreg.gather @!p1 [hbm4b:s13+s2], $0x80, v2, vm1, $0xb8;
	[tilespmem:$0x18C00] =	vst v63  }
0xcc: {  	v2 =	vld.msk @!p1 [tilespmem:s0+$0xA10], $0xff;
	_ =	sdelay $0x4  }
0xcd: {  	v5 =	vshll.u32 @!p1 v2, $0x3  }
0xce: {  	v2 =	vand.u32 @!p1 $0x7, v2;
	v5 =	vand.u32 @!p1 $0xFFFFFFC0, v5  }
0xcf: {  	v2 =	vor.u32 @!p1 v2, v5  }
0xd0: {  	v2 =	vperm.xlane @!p1 v2, v3;
	_ =	sdelay $0x1  }
0xd1: {  	v2 =	vadd.s32 @!p1 v4, v2;
	_ =	sdelay $0x3  }
0xd2: {  	s0 =	simm.s32 @!p1 $0xAC00  }
0xd3: {  	[tilespmem:s0], [sflag:$0x3] =	stream.indirect_vreg.gather @!p1 [hbm4b:s3+s2], $0x80, v2, vm1, $0xb8;
	[tilespmem:$0x18C00] =	vst v63  }
0xd4: {  	s0 =	simm.s32 @!p1 $0xB400  }
0xd5: {  	[tilespmem:s0], [sflag:$0x3] =	stream.indirect_vreg.gather @!p1 [hbm4b:s14+s2], $0x80, v2, vm1, $0xb8;
	[tilespmem:$0x18C00] =	vst v63  }
0xd6: {  	s0 =	simm.s32 @!p1 $0xBC00  }
0xd7: {  	[tilespmem:s0], [sflag:$0x3] =	stream.indirect_vreg.gather @!p1 [hbm4b:s15+s2], $0x80, v2, vm1, $0xb8;
	[tilespmem:$0x18C00] =	vst v63  }
0xd8: {  	s0 =	simm.s32 @!p1 $0xC400  }
0xd9: {  	[tilespmem:s0], [sflag:$0x3] =	stream.indirect_vreg.gather @!p1 [hbm4b:s16+s2], $0x80, v2, vm1, $0xb8;
	[tilespmem:$0x18C00] =	vst v63  }
0xda: {  	_ =	swait.ge [sflag:s30], $0x2000  }
0xdb: {  	[sflag:s30] =	ssyncset.done $0x0  }
0xdc: {  	[sflag:s30] =	ssyncadd.s32 $0xFFFFE000  }
0xdd: {  	_ =	swait.ge [sflag:s30], $0x2000  }
0xde: {  	p0 =	seq.s32 s10, $0x0;
	[sflag:s30] =	ssyncset.done $0x0  }
0xdf: {  	s0 =	simm.s32 @!p0 $0x4;
	[sflag:s30] =	ssyncadd.s32 $0xFFFFE000  }
0xe0: {  	s25 =	sand.u32 $0x40, s9;
	s19 =	simm.s32 @!p0 $0x0;
	_ =	swait.ge @!p0 [sflag:s0], $0x4000  }
0xe1: {  	s26 =	sand.u32 $0x1C00, s9;
	s19 =	simm.s32 @p0 $0x1;
	[sflag:s0] =	ssyncset.done @!p0 $0x0  }
0xe2: {  	s28 =	sor.u32 s25, s26;
	[smem:$0x7FD] =	sst s19;
	[sflag:s0] =	ssyncadd.s32 @!p0 $0xFFFFC000  }
0xe3: {  	v2 =	vld [tilespmem:s28+$0xC30]  }
0xe4: {  	v3 =	vld [tilespmem:s28+$0x2C30]  }
0xe5: {  	v5 =	vld [tilespmem:s28+$0xC00]  }
0xe6: {  	v6 =	vld [tilespmem:s28+$0x2C00]  }
0xe7: {  	v8 =	vld [tilespmem:s28+$0xC10]  }
0xe8: {  	s29 =	simm.s32 $0x40;
	s31 =	simm.s32 $0x200;
	v9 =	vld [tilespmem:s28+$0x2C10]  }
0xe9: {  	s8 =	sand.u32 $0x1C00, s31;
	s2 =	sand.u32 $0x40, s29;
	v10 =	vld [tilespmem:s28+$0xC20];
	v2 =	vadd.bf16 v3, v2  }
0xea: {  	s8 =	sor.u32 s2, s8;
	v11 =	vld [tilespmem:s28+$0x2C20]  }
0xeb: {  	s2 =	simm.s32 $0xCC40;
	v4 =	vld [tilespmem:s8+$0xC30];
	v5 =	vadd.bf16 v6, v5;
	v3 =	vand.u32 $0xFFFF0000, v2  }
0xec: {  	v7 =	vld [tilespmem:s8+$0x2C30];
	v2 =	vshll.u32 v2, $0x10;
	[tilespmem:s2+$0x30] =	vst v3  }
0xed: {  	v8 =	vadd.bf16 v9, v8;
	v6 =	vld [tilespmem:s8+$0x2C00];
	v12 =	vshll.u32 v5, $0x10;
	[tilespmem:s2+$0x20] =	vst v2  }
0xee: {  	v5 =	vand.u32 $0xFFFF0000, v5;
	v3 =	vld [tilespmem:s8+$0xC00];
	[tilespmem:s2+$0xFFFFFFC0] =	vst v12  }
0xef: {  	s20 =	simm.s32 $0x400;
	v63 =	vshll.u32 v8, $0x10;
	v9 =	vand.u32 $0xFFFF0000, v8;
	v8 =	vadd.bf16 v11, v10;
	v2 =	vld [tilespmem:s8+$0xC10];
	[tilespmem:s2+$0xFFFFFFD0] =	vst v5  }
0xf0: {  	s26 =	smul.u32 $0x3, s10;
	s19 =	simm.s32 $0x80;
	s0 =	simm.s32 $0x4;
	v5 =	vld [tilespmem:s8+$0x2C10];
	[tilespmem:s2+$0xFFFFFFE0] =	vst v63  }
.LBB2_5:
0xf1: {  	s22 =	sand.u32 $0x40, s19;
	s23 =	sand.u32 $0x1C00, s20;
	v10 =	vld [tilespmem:s8+$0xC20];
	v7 =	vadd.bf16 v7, v4;
	[tilespmem:s2+$0xFFFFFFF0] =	vst v9;
	v4 =	vshll.u32 v8, $0x10;
	v8 =	vand.u32 $0xFFFF0000, v8  }
0xf2: {  	s0 =	sadd.s32 $0x4, s0;
	v11 =	vld [tilespmem:s8+$0x2C20];
	s8 =	sor.u32 s22, s23;
	[tilespmem:s2+$0x0] =	vst v4  }
0xf3: {  	p0 =	slt.u32 s0, $0x3C;
	v4 =	vld [tilespmem:s8+$0xC30];
	v6 =	vadd.bf16 v6, v3;
	v9 =	vshll.u32 v7, $0x10;
	v3 =	vand.u32 $0xFFFF0000, v7;
	[tilespmem:s2+$0x10] =	vst v8;
	s2 =	sadd.s32 $0x400, s2  }
.Ltmp3:
0xf4: {  	v7 =	vld [tilespmem:s8+$0x2C30];
	[tilespmem:s2+$0x30] =	vst v3;
	(pc) =	sbr.rel @p0 .LBB2_5-.Ltmp3, $4  }
0xf5: {  	v3 =	vld [tilespmem:s8+$0xC00];
	v8 =	vshll.u32 v6, $0x10;
	v12 =	vand.u32 $0xFFFF0000, v6;
	v5 =	vadd.bf16 v5, v2;
	[tilespmem:s2+$0x20] =	vst v9  }
0xf6: {  	v6 =	vld [tilespmem:s8+$0x2C00];
	[tilespmem:s2+$0xFFFFFFC0] =	vst v8  }
0xf7: {  	v2 =	vld [tilespmem:s8+$0xC10];
	[tilespmem:s2+$0xFFFFFFD0] =	vst v12;
	v12 =	vshll.u32 v5, $0x10;
	v9 =	vand.u32 $0xFFFF0000, v5;
	v8 =	vadd.bf16 v11, v10  }
0xf8: {  	s19 =	sadd.s32 $0x40, s19;
	s20 =	sadd.s32 $0x200, s20;
	v5 =	vld [tilespmem:s8+$0x2C10];
	[tilespmem:s2+$0xFFFFFFE0] =	vst v12  }
0xf9: {  	v10 =	vld [tilespmem:s8+$0xC20];
	v4 =	vadd.bf16 v7, v4;
	[tilespmem:s2+$0xFFFFFFF0] =	vst v9;
	v7 =	vshll.u32 v8, $0x10  }
0xfa: {  	v8 =	vand.u32 $0xFFFF0000, v8;
	v9 =	vld [tilespmem:s8+$0x2C20];
	[tilespmem:s2+$0x0] =	vst v7  }
0xfb: {  	s0 =	sadd.s32 $0x400, s2;
	[tilespmem:s2+$0x10] =	vst v8;
	v3 =	vadd.bf16 v6, v3;
	v6 =	vand.u32 $0xFFFF0000, v4  }
0xfc: {  	v4 =	vshll.u32 v4, $0x10;
	[tilespmem:s0+$0x30] =	vst v6  }
0xfd: {  	[tilespmem:s0+$0x20] =	vst v4;
	v6 =	vshll.u32 v3, $0x10;
	v2 =	vadd.bf16 v5, v2  }
0xfe: {  	v3 =	vand.u32 $0xFFFF0000, v3;
	[tilespmem:s0+$0xFFFFFFC0] =	vst v6  }
0xff: {  	[tilespmem:s0+$0xFFFFFFD0] =	vst v3;
	v4 =	vadd.bf16 v9, v10;
	v3 =	vshll.u32 v2, $0x10  }
0x100: {  	v2 =	vand.u32 $0xFFFF0000, v2;
	[tilespmem:s0+$0xFFFFFFE0] =	vst v3  }
0x101: {  	s25 =	simm.s32 $0x0;
	[tilespmem:s0+$0xFFFFFFF0] =	vst v2;
	v2 =	vshll.u32 v4, $0x10  }
0x102: {  	s28 =	sand.u32 $0x40, s25;
	s2 =	sand.u32 $0x1C00, s25;
	v3 =	vand.u32 $0xFFFF0000, v4;
	[tilespmem:s0+$0x0] =	vst v2  }
0x103: {  	s8 =	sor.u32 s2, s28;
	[tilespmem:s0+$0x10] =	vst v3  }
0x104: {  	v2 =	vld [tilespmem:s8+$0xCB0]  }
0x105: {  	v3 =	vld [tilespmem:s8+$0x2CB0]  }
0x106: {  	v5 =	vld [tilespmem:s8+$0xC80]  }
0x107: {  	v6 =	vld [tilespmem:s8+$0x2C80]  }
0x108: {  	v8 =	vld [tilespmem:s8+$0xC90]  }
0x109: {  	s29 =	simm.s32 $0x40;
	s31 =	simm.s32 $0x200;
	v9 =	vld [tilespmem:s8+$0x2C90]  }
0x10a: {  	s20 =	sand.u32 $0x40, s29;
	s22 =	sand.u32 $0x1C00, s31;
	v10 =	vld [tilespmem:s8+$0xCA0];
	v2 =	vadd.bf16 v3, v2  }
0x10b: {  	s19 =	sor.u32 s22, s20;
	v11 =	vld [tilespmem:s8+$0x2CA0]  }
0x10c: {  	s2 =	simm.s32 $0xCCF0;
	v4 =	vld [tilespmem:s19+$0xCB0];
	v5 =	vadd.bf16 v6, v5;
	v3 =	vand.u32 $0xFFFF0000, v2  }
0x10d: {  	v7 =	vld [tilespmem:s19+$0x2CB0];
	v2 =	vshll.u32 v2, $0x10;
	[tilespmem:s2+$0x0] =	vst v3  }
0x10e: {  	v8 =	vadd.bf16 v9, v8;
	v6 =	vld [tilespmem:s19+$0x2C80];
	v12 =	vshll.u32 v5, $0x10;
	[tilespmem:s2+$0xFFFFFFF0] =	vst v2  }
0x10f: {  	v5 =	vand.u32 $0xFFFF0000, v5;
	v3 =	vld [tilespmem:s19+$0xC80];
	[tilespmem:s2+$0xFFFFFF90] =	vst v12  }
0x110: {  	v63 =	vshll.u32 v8, $0x10;
	v9 =	vand.u32 $0xFFFF0000, v8;
	v8 =	vadd.bf16 v11, v10;
	v2 =	vld [tilespmem:s19+$0xC90];
	[tilespmem:s2+$0xFFFFFFA0] =	vst v5  }
0x111: {  	s23 =	simm.s32 $0x80;
	s24 =	simm.s32 $0x400;
	s0 =	simm.s32 $0x4;
	v5 =	vld [tilespmem:s19+$0x2C90];
	[tilespmem:s2+$0xFFFFFFB0] =	vst v63  }
.LBB2_7:
0x112: {  	s25 =	sand.u32 $0x40, s23;
	s31 =	sand.u32 $0x1C00, s24;
	v10 =	vld [tilespmem:s19+$0xCA0];
	v7 =	vadd.bf16 v7, v4;
	[tilespmem:s2+$0xFFFFFFC0] =	vst v9;
	v4 =	vshll.u32 v8, $0x10;
	v8 =	vand.u32 $0xFFFF0000, v8  }
0x113: {  	s0 =	sadd.s32 $0x4, s0;
	v11 =	vld [tilespmem:s19+$0x2CA0];
	s19 =	sor.u32 s31, s25;
	[tilespmem:s2+$0xFFFFFFD0] =	vst v4  }
0x114: {  	p0 =	slt.u32 s0, $0x3C;
	v4 =	vld [tilespmem:s19+$0xCB0];
	v6 =	vadd.bf16 v6, v3;
	v9 =	vshll.u32 v7, $0x10;
	v3 =	vand.u32 $0xFFFF0000, v7;
	[tilespmem:s2+$0xFFFFFFE0] =	vst v8;
	s2 =	sadd.s32 $0x400, s2  }
.Ltmp4:
0x115: {  	v7 =	vld [tilespmem:s19+$0x2CB0];
	[tilespmem:s2+$0x0] =	vst v3;
	(pc) =	sbr.rel @p0 .LBB2_7-.Ltmp4, $4  }
0x116: {  	v3 =	vld [tilespmem:s19+$0xC80];
	v8 =	vshll.u32 v6, $0x10;
	v12 =	vand.u32 $0xFFFF0000, v6;
	v5 =	vadd.bf16 v5, v2;
	[tilespmem:s2+$0xFFFFFFF0] =	vst v9  }
0x117: {  	v6 =	vld [tilespmem:s19+$0x2C80];
	[tilespmem:s2+$0xFFFFFF90] =	vst v8  }
0x118: {  	v2 =	vld [tilespmem:s19+$0xC90];
	[tilespmem:s2+$0xFFFFFFA0] =	vst v12;
	v12 =	vshll.u32 v5, $0x10;
	v9 =	vand.u32 $0xFFFF0000, v5;
	v8 =	vadd.bf16 v11, v10  }
0x119: {  	s23 =	sadd.s32 $0x40, s23;
	s24 =	sadd.s32 $0x200, s24;
	v5 =	vld [tilespmem:s19+$0x2C90];
	[tilespmem:s2+$0xFFFFFFB0] =	vst v12  }
0x11a: {  	v10 =	vld [tilespmem:s19+$0xCA0];
	v4 =	vadd.bf16 v7, v4;
	[tilespmem:s2+$0xFFFFFFC0] =	vst v9;
	v7 =	vshll.u32 v8, $0x10  }
0x11b: {  	v8 =	vand.u32 $0xFFFF0000, v8;
	v63 =	vld [tilespmem:s19+$0x2CA0];
	[tilespmem:s2+$0xFFFFFFD0] =	vst v7  }
0x11c: {  	s0 =	sadd.s32 $0x400, s2;
	[tilespmem:s2+$0xFFFFFFE0] =	vst v8;
	v3 =	vadd.bf16 v6, v3;
	v6 =	vand.u32 $0xFFFF0000, v4  }
0x11d: {  	v4 =	vshll.u32 v4, $0x10;
	[tilespmem:s0+$0x0] =	vst v6  }
0x11e: {  	[tilespmem:s0+$0xFFFFFFF0] =	vst v4;
	v6 =	vshll.u32 v3, $0x10;
	v2 =	vadd.bf16 v5, v2  }
0x11f: {  	v3 =	vand.u32 $0xFFFF0000, v3;
	[tilespmem:s0+$0xFFFFFF90] =	vst v6  }
0x120: {  	[tilespmem:s0+$0xFFFFFFA0] =	vst v3;
	v4 =	vadd.bf16 v63, v10;
	v3 =	vshll.u32 v2, $0x10  }
0x121: {  	v2 =	vand.u32 $0xFFFF0000, v2;
	[tilespmem:s0+$0xFFFFFFB0] =	vst v3  }
0x122: {  	[tilespmem:s0+$0xFFFFFFC0] =	vst v2;
	v2 =	vshll.u32 v4, $0x10  }
0x123: {  	v3 =	vand.u32 $0xFFFF0000, v4;
	[tilespmem:s0+$0xFFFFFFD0] =	vst v2  }
0x124: {  	[tilespmem:s0+$0xFFFFFFE0] =	vst v3  }
0x125: {  	p3 =	por $0x1, $0x1;
	v4 =	vld [tilespmem:s8+$0xD30]  }
.Ltmp5:
0x126: {  	v7 =	vld [tilespmem:s8+$0x2D30];
	(pc) =	sbr.rel @!p3 .LBB2_9-.Ltmp5, $4  }
0x127: {  	v3 =	vld [tilespmem:s8+$0xD00]  }
0x128: {  	v6 =	vld [tilespmem:s8+$0x2D00]  }
0x129: {  	v2 =	vld [tilespmem:s8+$0xD10]  }
0x12a: {  	s19 =	simm.s32 $0xCD70;
	p2 =	por $0x0, $0x0;
	v5 =	vld [tilespmem:s8+$0x2D10]  }
0x12b: {  	v9 =	vld [tilespmem:s8+$0xD20];
	v7 =	vadd.bf16 v7, v4  }
0x12c: {  	s0 =	sor.u32 s22, s20;
	v10 =	vld [tilespmem:s8+$0x2D20]  }
0x12d: {  	p0 =	por $0x1, $0x1;
	v4 =	vld [tilespmem:s0+$0xD30];
	v6 =	vadd.bf16 v6, v3;
	v3 =	vand.u32 $0xFFFF0000, v7  }
.Ltmp6:
0x12e: {  	v8 =	vshll.u32 v7, $0x10;
	v7 =	vld [tilespmem:s0+$0x2D30];
	[tilespmem:s19+$0x0] =	vst v3;
	(pc) =	sbr.rel @!p0 .LBB2_11-.Ltmp6, $4  }
0x12f: {  	v3 =	vld [tilespmem:s0+$0xD00];
	[tilespmem:s19+$0xFFFFFFF0] =	vst v8;
	v11 =	vshll.u32 v6, $0x10;
	v5 =	vadd.bf16 v5, v2  }
0x130: {  	v8 =	vand.u32 $0xFFFF0000, v6;
	v6 =	vld [tilespmem:s0+$0x2D00];
	[tilespmem:s19+$0xFFFFFF90] =	vst v11  }
0x131: {  	s8 =	simm.s32 $0x4;
	s20 =	simm.s32 $0x80;
	v2 =	vld [tilespmem:s0+$0xD10];
	[tilespmem:s19+$0xFFFFFFA0] =	vst v8;
	v9 =	vadd.bf16 v10, v9;
	v11 =	vshll.u32 v5, $0x10  }
0x132: {  	s22 =	simm.s32 $0x400;
	p4 =	por $0x1, $0x1;
	s2 =	simm.s32 $0xCD70;
	v8 =	vand.u32 $0xFFFF0000, v5;
	v5 =	vld [tilespmem:s0+$0x2D10];
	[tilespmem:s19+$0xFFFFFFB0] =	vst v11  }
.LBB2_12:
0x133: {  	s23 =	sand.u32 $0x40, s20;
	s24 =	sand.u32 $0x1C00, s22;
	v10 =	vld [tilespmem:s0+$0xD20];
	v7 =	vadd.bf16 v7, v4;
	[tilespmem:s2+$0xFFFFFFC0] =	vst v8;
	v4 =	vshll.u32 v9, $0x10;
	v8 =	vand.u32 $0xFFFF0000, v9  }
0x134: {  	s8 =	sadd.s32 $0x4, s8;
	v9 =	vld [tilespmem:s0+$0x2D20];
	s0 =	sor.u32 s24, s23;
	[tilespmem:s2+$0xFFFFFFD0] =	vst v4  }
0x135: {  	p0 =	slt.u32 s8, $0x3C;
	v4 =	vld [tilespmem:s0+$0xD30];
	v6 =	vadd.bf16 v6, v3;
	v11 =	vshll.u32 v7, $0x10;
	v3 =	vand.u32 $0xFFFF0000, v7;
	[tilespmem:s2+$0xFFFFFFE0] =	vst v8;
	s2 =	sadd.s32 $0x400, s2  }
.Ltmp7:
0x136: {  	v7 =	vld [tilespmem:s0+$0x2D30];
	[tilespmem:s2+$0x0] =	vst v3;
	(pc) =	sbr.rel @p0 .LBB2_12-.Ltmp7, $4  }
0x137: {  	v3 =	vld [tilespmem:s0+$0xD00];
	v8 =	vshll.u32 v6, $0x10;
	v12 =	vand.u32 $0xFFFF0000, v6;
	v5 =	vadd.bf16 v5, v2;
	[tilespmem:s2+$0xFFFFFFF0] =	vst v11  }
0x138: {  	v6 =	vld [tilespmem:s0+$0x2D00];
	[tilespmem:s2+$0xFFFFFF90] =	vst v8  }
0x139: {  	v2 =	vld [tilespmem:s0+$0xD10];
	[tilespmem:s2+$0xFFFFFFA0] =	vst v12;
	v11 =	vshll.u32 v5, $0x10;
	v8 =	vand.u32 $0xFFFF0000, v5;
	v9 =	vadd.bf16 v9, v10  }
0x13a: {  	s20 =	sadd.s32 $0x40, s20;
	s22 =	sadd.s32 $0x200, s22;
	v5 =	vld [tilespmem:s0+$0x2D10];
	[tilespmem:s2+$0xFFFFFFB0] =	vst v11  }
0x13b: {  	s8 =	smov.u32 s0  }
.LBB2_14:
0x13c: {  	v10 =	vld [tilespmem:s8+$0xD20];
	v4 =	vadd.bf16 v7, v4;
	[tilespmem:s2+$0xFFFFFFC0] =	vst @p4 v8;
	v7 =	vshll.u32 @p4 v9, $0x10  }
0x13d: {  	v8 =	vand.u32 @p4 $0xFFFF0000, v9;
	v63 =	vld [tilespmem:s8+$0x2D20];
	s0 =	sadd.s32 @p4 $0x400, s2;
	[tilespmem:s2+$0xFFFFFFD0] =	vst @p4 v7  }
0x13e: {  	v3 =	vadd.bf16 v6, v3;
	[tilespmem:s2+$0xFFFFFFE0] =	vst @p4 v8;
	s19 =	smov.u32 @p4 s0;
	v6 =	vand.u32 $0xFFFF0000, v4  }
0x13f: {  	v4 =	vshll.u32 v4, $0x10;
	[tilespmem:s19+$0x0] =	vst v6  }
0x140: {  	v6 =	vshll.u32 v3, $0x10;
	v2 =	vadd.bf16 v5, v2;
	[tilespmem:s19+$0xFFFFFFF0] =	vst v4  }
0x141: {  	v3 =	vand.u32 $0xFFFF0000, v3;
	[tilespmem:s19+$0xFFFFFF90] =	vst v6  }
0x142: {  	[tilespmem:s19+$0xFFFFFFA0] =	vst v3;
	v3 =	vshll.u32 v2, $0x10;
	v4 =	vadd.bf16 v63, v10  }
0x143: {  	v2 =	vand.u32 $0xFFFF0000, v2;
	[tilespmem:s19+$0xFFFFFFB0] =	vst v3  }
0x144: {  	s29 =	simm.s32 $0x0;
	[tilespmem:s19+$0xFFFFFFC0] =	vst v2;
	v2 =	vshll.u32 v4, $0x10  }
0x145: {  	s31 =	sand.u32 $0x40, s29;
	s0 =	sand.u32 $0x1C00, s29;
	v3 =	vand.u32 $0xFFFF0000, v4;
	[tilespmem:s19+$0xFFFFFFD0] =	vst v2  }
0x146: {  	s20 =	sor.u32 s0, s31;
	[tilespmem:s19+$0xFFFFFFE0] =	vst v3  }
0x147: {  	v4 =	vld [tilespmem:s20+$0xDB0]  }
.Ltmp8:
0x148: {  	v7 =	vld [tilespmem:s20+$0x2DB0];
	(pc) =	sbr.rel @!p3 .LBB2_15-.Ltmp8, $4  }
0x149: {  	v3 =	vld [tilespmem:s20+$0xD80]  }
0x14a: {  	v6 =	vld [tilespmem:s20+$0x2D80]  }
0x14b: {  	v2 =	vld [tilespmem:s20+$0xD90]  }
0x14c: {  	s8 =	simm.s32 $0x200;
	s0 =	simm.s32 $0x40;
	s19 =	simm.s32 $0xCDF0;
	v5 =	vld [tilespmem:s20+$0x2D90]  }
0x14d: {  	s0 =	sand.u32 $0x40, s0;
	s2 =	sand.u32 $0x1C00, s8;
	v9 =	vld [tilespmem:s20+$0xDA0];
	v7 =	vadd.bf16 v7, v4  }
0x14e: {  	v10 =	vld [tilespmem:s20+$0x2DA0];
	s0 =	sor.u32 s2, s0  }
0x14f: {  	p0 =	por $0x1, $0x1;
	v4 =	vld [tilespmem:s0+$0xDB0];
	v6 =	vadd.bf16 v6, v3;
	v3 =	vand.u32 $0xFFFF0000, v7  }
.Ltmp9:
0x150: {  	v8 =	vshll.u32 v7, $0x10;
	v7 =	vld [tilespmem:s0+$0x2DB0];
	[tilespmem:s19+$0x0] =	vst v3;
	(pc) =	sbr.rel @!p0 .LBB2_17-.Ltmp9, $4  }
0x151: {  	v3 =	vld [tilespmem:s0+$0xD80];
	[tilespmem:s19+$0xFFFFFFF0] =	vst v8;
	v11 =	vshll.u32 v6, $0x10;
	v5 =	vadd.bf16 v5, v2  }
0x152: {  	v8 =	vand.u32 $0xFFFF0000, v6;
	v6 =	vld [tilespmem:s0+$0x2D80];
	[tilespmem:s19+$0xFFFFFF90] =	vst v11  }
0x153: {  	s20 =	simm.s32 $0x4;
	s22 =	simm.s32 $0x80;
	v2 =	vld [tilespmem:s0+$0xD90];
	[tilespmem:s19+$0xFFFFFFA0] =	vst v8;
	v9 =	vadd.bf16 v10, v9;
	v11 =	vshll.u32 v5, $0x10  }
0x154: {  	s23 =	simm.s32 $0x400;
	p2 =	por $0x1, $0x1;
	s2 =	simm.s32 $0xCDF0;
	v8 =	vand.u32 $0xFFFF0000, v5;
	v5 =	vld [tilespmem:s0+$0x2D90];
	[tilespmem:s19+$0xFFFFFFB0] =	vst v11  }
.LBB2_18:
0x155: {  	s24 =	sand.u32 $0x40, s22;
	s25 =	sand.u32 $0x1C00, s23;
	v10 =	vld [tilespmem:s0+$0xDA0];
	v7 =	vadd.bf16 v7, v4;
	[tilespmem:s2+$0xFFFFFFC0] =	vst v8;
	v4 =	vshll.u32 v9, $0x10;
	v8 =	vand.u32 $0xFFFF0000, v9  }
0x156: {  	s20 =	sadd.s32 $0x4, s20;
	v9 =	vld [tilespmem:s0+$0x2DA0];
	s0 =	sor.u32 s25, s24;
	[tilespmem:s2+$0xFFFFFFD0] =	vst v4  }
0x157: {  	p0 =	slt.u32 s20, $0x3C;
	v4 =	vld [tilespmem:s0+$0xDB0];
	v6 =	vadd.bf16 v6, v3;
	v11 =	vshll.u32 v7, $0x10;
	v3 =	vand.u32 $0xFFFF0000, v7;
	[tilespmem:s2+$0xFFFFFFE0] =	vst v8;
	s2 =	sadd.s32 $0x400, s2  }
.Ltmp10:
0x158: {  	v7 =	vld [tilespmem:s0+$0x2DB0];
	[tilespmem:s2+$0x0] =	vst v3;
	(pc) =	sbr.rel @p0 .LBB2_18-.Ltmp10, $4  }
0x159: {  	v3 =	vld [tilespmem:s0+$0xD80];
	v8 =	vshll.u32 v6, $0x10;
	v12 =	vand.u32 $0xFFFF0000, v6;
	v5 =	vadd.bf16 v5, v2;
	[tilespmem:s2+$0xFFFFFFF0] =	vst v11  }
0x15a: {  	v6 =	vld [tilespmem:s0+$0x2D80];
	[tilespmem:s2+$0xFFFFFF90] =	vst v8  }
0x15b: {  	v2 =	vld [tilespmem:s0+$0xD90];
	[tilespmem:s2+$0xFFFFFFA0] =	vst v12;
	v11 =	vshll.u32 v5, $0x10;
	v8 =	vand.u32 $0xFFFF0000, v5;
	v9 =	vadd.bf16 v9, v10  }
0x15c: {  	s22 =	sadd.s32 $0x40, s22;
	s23 =	sadd.s32 $0x200, s23;
	v5 =	vld [tilespmem:s0+$0x2D90];
	[tilespmem:s2+$0xFFFFFFB0] =	vst v11  }
0x15d: {  	s20 =	smov.u32 s0  }
.LBB2_20:
0x15e: {  	v10 =	vld [tilespmem:s20+$0xDA0];
	v4 =	vadd.bf16 v7, v4;
	[tilespmem:s2+$0xFFFFFFC0] =	vst @p2 v8;
	v7 =	vshll.u32 @p2 v9, $0x10  }
0x15f: {  	v8 =	vand.u32 @p2 $0xFFFF0000, v9;
	v63 =	vld [tilespmem:s20+$0x2DA0];
	s0 =	sadd.s32 @p2 $0x400, s2;
	[tilespmem:s2+$0xFFFFFFD0] =	vst @p2 v7  }
0x160: {  	v3 =	vadd.bf16 v6, v3;
	[tilespmem:s2+$0xFFFFFFE0] =	vst @p2 v8;
	s19 =	smov.u32 @p2 s0;
	v6 =	vand.u32 $0xFFFF0000, v4  }
0x161: {  	v4 =	vshll.u32 v4, $0x10;
	[tilespmem:s19+$0x0] =	vst v6  }
0x162: {  	v6 =	vshll.u32 v3, $0x10;
	v2 =	vadd.bf16 v5, v2;
	[tilespmem:s19+$0xFFFFFFF0] =	vst v4  }
0x163: {  	v3 =	vand.u32 $0xFFFF0000, v3;
	[tilespmem:s19+$0xFFFFFF90] =	vst v6  }
0x164: {  	p2 =	por $0x0, $0x0;
	s0 =	simm.s32 $0x1;
	[tilespmem:s19+$0xFFFFFFA0] =	vst v3;
	v3 =	vshll.u32 v2, $0x10;
	v4 =	vadd.bf16 v63, v10  }
0x165: {  	s0 =	simm.s32 @!p2 $0x0;
	v2 =	vand.u32 $0xFFFF0000, v2;
	[tilespmem:s19+$0xFFFFFFB0] =	vst v3  }
0x166: {  	s20 =	sshll.u32 s0, $0x6;
	[tilespmem:s19+$0xFFFFFFC0] =	vst v2;
	v2 =	vshll.u32 v4, $0x10  }
0x167: {  	p4 =	por $0x1, $0x1;
	s0 =	sadd.s32 $0x0, s20;
	v3 =	vand.u32 $0xFFFF0000, v4;
	[tilespmem:s19+$0xFFFFFFD0] =	vst v2  }
.Ltmp11:
0x168: {  	s29 =	sor.u32 $0x230, s0;
	[tilespmem:s19+$0xFFFFFFE0] =	vst v3;
	(pc) =	sbr.rel @!p4 .LBB2_21-.Ltmp11, $4  }
0x169: {  	v2 =	vld [tilespmem:s29+$0xC00]  }
0x16a: {  	s23 =	sor.u32 $0x200, s0;
	v4 =	vld [tilespmem:s29+$0x2C00]  }
0x16b: {  	s22 =	simm.s32 $0xCE70;
	v3 =	vld [tilespmem:s23+$0xC00]  }
0x16c: {  	p3 =	por !p2, !p2;
	s31 =	sor.u32 $0x210, s0;
	s19 =	sor.u32 $0x220, s0;
	v5 =	vld [tilespmem:s23+$0x2C00]  }
0x16d: {  	s0 =	simm.s32 $0x1  }
0x16e: {  	v8 =	vld [tilespmem:s31+$0xC00];
	s0 =	simm.s32 @!p3 $0x0  }
0x16f: {  	v10 =	vld [tilespmem:s31+$0x2C00];
	s0 =	sshll.u32 s0, $0x6  }
0x170: {  	v6 =	vld [tilespmem:s19+$0xC00];
	p0 =	por $0x1, $0x1;
	v4 =	vadd.bf16 v4, v2;
	s2 =	sadd.s32 $0x200, s0  }
.Ltmp12:
0x171: {  	v7 =	vld [tilespmem:s19+$0x2C00];
	s23 =	sor.u32 $0x230, s2;
	(pc) =	sbr.rel @!p0 .LBB2_23-.Ltmp12, $4  }
0x172: {  	v5 =	vadd.bf16 v5, v3;
	v3 =	vand.u32 $0xFFFF0000, v4;
	v2 =	vld [tilespmem:s23+$0xC00]  }
0x173: {  	s24 =	sor.u32 $0x200, s2;
	v9 =	vshll.u32 v4, $0x10;
	v4 =	vld [tilespmem:s23+$0x2C00];
	[tilespmem:s22+$0x0] =	vst v3  }
0x174: {  	p6 =	por !p3, !p3;
	p5 =	por $0x1, $0x1;
	s0 =	simm.s32 $0x4;
	v3 =	vld [tilespmem:s24+$0xC00];
	[tilespmem:s22+$0xFFFFFFF0] =	vst v9;
	v11 =	vshll.u32 v5, $0x10  }
0x175: {  	s31 =	sor.u32 $0x210, s2;
	s19 =	sor.u32 $0x220, s2;
	s2 =	simm.s32 $0xCE70;
	v8 =	vadd.bf16 v10, v8;
	v9 =	vand.u32 $0xFFFF0000, v5;
	v5 =	vld [tilespmem:s24+$0x2C00];
	[tilespmem:s22+$0xFFFFFF90] =	vst v11  }
.LBB2_24:
0x176: {  	s23 =	simm.s32 $0x1  }
0x177: {  	s23 =	simm.s32 @!p6 $0x0  }
0x178: {  	v10 =	vld [tilespmem:s31+$0xC00];
	[tilespmem:s2+$0xFFFFFFA0] =	vst v9;
	v9 =	vshll.u32 v8, $0x10;
	v8 =	vand.u32 $0xFFFF0000, v8;
	v7 =	vadd.bf16 v7, v6;
	s8 =	sadd.s32 $0x200, s8;
	s23 =	sshll.u32 s23, $0x6  }
0x179: {  	s0 =	sadd.s32 $0x4, s0;
	v11 =	vld [tilespmem:s31+$0x2C00];
	[tilespmem:s2+$0xFFFFFFB0] =	vst v9;
	s23 =	sadd.s32 s23, s8  }
0x17a: {  	p0 =	slt.u32 s0, $0x3C;
	v4 =	vadd.bf16 v4, v2;
	v2 =	vshll.u32 v7, $0x10;
	v6 =	vld [tilespmem:s19+$0xC00];
	[tilespmem:s2+$0xFFFFFFC0] =	vst v8;
	v8 =	vand.u32 $0xFFFF0000, v7;
	s24 =	sor.u32 $0x200, s23  }
.Ltmp13:
0x17b: {  	s31 =	sor.u32 $0x210, s23;
	s25 =	sor.u32 $0x230, s23;
	v7 =	vld [tilespmem:s19+$0x2C00];
	[tilespmem:s2+$0xFFFFFFD0] =	vst v2;
	(pc) =	sbr.rel @p0 .LBB2_24-.Ltmp13, $4  }
0x17c: {  	s19 =	sor.u32 $0x220, s23;
	v5 =	vadd.bf16 v5, v3;
	v12 =	vshll.u32 v4, $0x10;
	v3 =	vand.u32 $0xFFFF0000, v4;
	v2 =	vld [tilespmem:s25+$0xC00];
	[tilespmem:s2+$0xFFFFFFE0] =	vst v8;
	s2 =	sadd.s32 $0x400, s2  }
0x17d: {  	v4 =	vld [tilespmem:s25+$0x2C00];
	[tilespmem:s2+$0x0] =	vst v3  }
0x17e: {  	v13 =	vshll.u32 v5, $0x10;
	v9 =	vand.u32 $0xFFFF0000, v5;
	v3 =	vld [tilespmem:s24+$0xC00];
	v8 =	vadd.bf16 v11, v10;
	[tilespmem:s2+$0xFFFFFFF0] =	vst v12  }
0x17f: {  	p6 =	por !p6, !p6;
	v5 =	vld [tilespmem:s24+$0x2C00];
	[tilespmem:s2+$0xFFFFFF90] =	vst v13  }
.LBB2_25:
0x180: {  	v10 =	vld [tilespmem:s31+$0xC00];
	[tilespmem:s2+$0xFFFFFFA0] =	vst @p5 v9;
	v9 =	vshll.u32 @p5 v8, $0x10;
	v6 =	vadd.bf16 @p5 v7, v6  }
0x181: {  	v7 =	vand.u32 @p5 $0xFFFF0000, v8;
	v62 =	vld [tilespmem:s31+$0x2C00];
	[tilespmem:s2+$0xFFFFFFB0] =	vst @p5 v9  }
0x182: {  	v63 =	vld [tilespmem:s19+$0xC00];
	[tilespmem:s2+$0xFFFFFFC0] =	vst @p5 v7;
	v2 =	vadd.bf16 v4, v2;
	v4 =	vshll.u32 @p5 v6, $0x10  }
0x183: {  	s0 =	sadd.s32 @p5 $0x400, s2;
	v7 =	vld [tilespmem:s19+$0x2C00];
	v6 =	vand.u32 @p5 $0xFFFF0000, v6;
	[tilespmem:s2+$0xFFFFFFD0] =	vst @p5 v4  }
0x184: {  	s22 =	smov.u32 @p5 s0;
	[tilespmem:s2+$0xFFFFFFE0] =	vst @p5 v6;
	v3 =	vadd.bf16 v5, v3;
	v4 =	vand.u32 $0xFFFF0000, v2  }
0x185: {  	v2 =	vshll.u32 v2, $0x10;
	[tilespmem:s22+$0x0] =	vst v4  }
0x186: {  	v5 =	vadd.bf16 v62, v10;
	[tilespmem:s22+$0xFFFFFFF0] =	vst v2;
	v4 =	vshll.u32 v3, $0x10  }
0x187: {  	v2 =	vand.u32 $0xFFFF0000, v3;
	[tilespmem:s22+$0xFFFFFF90] =	vst v4  }
0x188: {  	v3 =	vadd.bf16 v7, v63;
	[tilespmem:s22+$0xFFFFFFA0] =	vst v2;
	v2 =	vshll.u32 v5, $0x10  }
0x189: {  	v4 =	vand.u32 $0xFFFF0000, v5;
	[tilespmem:s22+$0xFFFFFFB0] =	vst v2  }
0x18a: {  	[tilespmem:s22+$0xFFFFFFC0] =	vst v4;
	v2 =	vshll.u32 v3, $0x10  }
0x18b: {  	s29 =	sadd.s32 $0x0, s20;
	v3 =	vand.u32 $0xFFFF0000, v3;
	[tilespmem:s22+$0xFFFFFFD0] =	vst v2  }
.Ltmp14:
0x18c: {  	s31 =	sor.u32 $0x2B0, s29;
	[tilespmem:s22+$0xFFFFFFE0] =	vst v3;
	(pc) =	sbr.rel @!p4 .LBB2_26-.Ltmp14, $4  }
0x18d: {  	v2 =	vld [tilespmem:s31+$0xC00]  }
0x18e: {  	s20 =	sor.u32 $0x280, s29;
	v4 =	vld [tilespmem:s31+$0x2C00]  }
0x18f: {  	v3 =	vld [tilespmem:s20+$0xC00]  }
0x190: {  	s8 =	simm.s32 $0xCEF0;
	s0 =	sor.u32 $0x290, s29;
	s19 =	sor.u32 $0x2A0, s29;
	v5 =	vld [tilespmem:s20+$0x2C00]  }
0x191: {  	s2 =	simm.s32 $0x1  }
0x192: {  	v8 =	vld [tilespmem:s0+$0xC00];
	s2 =	simm.s32 @!p3 $0x0  }
0x193: {  	v10 =	vld [tilespmem:s0+$0x2C00];
	s2 =	sshll.u32 s2, $0x6  }
0x194: {  	v6 =	vld [tilespmem:s19+$0xC00];
	p0 =	por $0x1, $0x1;
	v4 =	vadd.bf16 v4, v2;
	s2 =	sadd.s32 $0x200, s2  }
.Ltmp15:
0x195: {  	v7 =	vld [tilespmem:s19+$0x2C00];
	s31 =	sor.u32 $0x2B0, s2;
	(pc) =	sbr.rel @!p0 .LBB2_28-.Ltmp15, $4  }
0x196: {  	v5 =	vadd.bf16 v5, v3;
	v3 =	vand.u32 $0xFFFF0000, v4;
	v2 =	vld [tilespmem:s31+$0xC00]  }
0x197: {  	s20 =	simm.s32 $0x4;
	s23 =	sor.u32 $0x280, s2;
	v9 =	vshll.u32 v4, $0x10;
	v4 =	vld [tilespmem:s31+$0x2C00];
	[tilespmem:s8+$0x0] =	vst v3  }
0x198: {  	s22 =	simm.s32 $0x200;
	p2 =	por $0x1, $0x1;
	p3 =	por !p3, !p3;
	v3 =	vld [tilespmem:s23+$0xC00];
	[tilespmem:s8+$0xFFFFFFF0] =	vst v9;
	v11 =	vshll.u32 v5, $0x10  }
0x199: {  	s0 =	sor.u32 $0x290, s2;
	s19 =	sor.u32 $0x2A0, s2;
	s2 =	simm.s32 $0xCEF0;
	v8 =	vadd.bf16 v10, v8;
	v9 =	vand.u32 $0xFFFF0000, v5;
	v5 =	vld [tilespmem:s23+$0x2C00];
	[tilespmem:s8+$0xFFFFFF90] =	vst v11  }
.LBB2_29:
0x19a: {  	s23 =	simm.s32 $0x1  }
0x19b: {  	s23 =	simm.s32 @!p3 $0x0  }
0x19c: {  	v10 =	vld [tilespmem:s0+$0xC00];
	[tilespmem:s2+$0xFFFFFFA0] =	vst v9;
	v9 =	vshll.u32 v8, $0x10;
	v8 =	vand.u32 $0xFFFF0000, v8;
	v7 =	vadd.bf16 v7, v6;
	s22 =	sadd.s32 $0x200, s22;
	s23 =	sshll.u32 s23, $0x6  }
0x19d: {  	s20 =	sadd.s32 $0x4, s20;
	v11 =	vld [tilespmem:s0+$0x2C00];
	[tilespmem:s2+$0xFFFFFFB0] =	vst v9;
	s23 =	sadd.s32 s23, s22  }
0x19e: {  	p0 =	slt.u32 s20, $0x3C;
	v4 =	vadd.bf16 v4, v2;
	v2 =	vshll.u32 v7, $0x10;
	v6 =	vld [tilespmem:s19+$0xC00];
	[tilespmem:s2+$0xFFFFFFC0] =	vst v8;
	v8 =	vand.u32 $0xFFFF0000, v7;
	s24 =	sor.u32 $0x280, s23  }
.Ltmp16:
0x19f: {  	s0 =	sor.u32 $0x290, s23;
	s25 =	sor.u32 $0x2B0, s23;
	v7 =	vld [tilespmem:s19+$0x2C00];
	[tilespmem:s2+$0xFFFFFFD0] =	vst v2;
	(pc) =	sbr.rel @p0 .LBB2_29-.Ltmp16, $4  }
0x1a0: {  	s19 =	sor.u32 $0x2A0, s23;
	v5 =	vadd.bf16 v5, v3;
	v12 =	vshll.u32 v4, $0x10;
	v3 =	vand.u32 $0xFFFF0000, v4;
	v2 =	vld [tilespmem:s25+$0xC00];
	[tilespmem:s2+$0xFFFFFFE0] =	vst v8;
	s2 =	sadd.s32 $0x400, s2  }
0x1a1: {  	v4 =	vld [tilespmem:s25+$0x2C00];
	[tilespmem:s2+$0x0] =	vst v3  }
0x1a2: {  	v13 =	vshll.u32 v5, $0x10;
	v9 =	vand.u32 $0xFFFF0000, v5;
	v3 =	vld [tilespmem:s24+$0xC00];
	v8 =	vadd.bf16 v11, v10;
	[tilespmem:s2+$0xFFFFFFF0] =	vst v12  }
0x1a3: {  	p3 =	por !p3, !p3;
	v5 =	vld [tilespmem:s24+$0x2C00];
	[tilespmem:s2+$0xFFFFFF90] =	vst v13  }
.LBB2_30:
0x1a4: {  	v10 =	vld [tilespmem:s0+$0xC00];
	[tilespmem:s2+$0xFFFFFFA0] =	vst @p2 v9;
	v9 =	vshll.u32 @p2 v8, $0x10;
	v6 =	vadd.bf16 @p2 v7, v6  }
0x1a5: {  	v7 =	vand.u32 @p2 $0xFFFF0000, v8;
	v62 =	vld [tilespmem:s0+$0x2C00];
	[tilespmem:s2+$0xFFFFFFB0] =	vst @p2 v9  }
0x1a6: {  	v63 =	vld [tilespmem:s19+$0xC00];
	[tilespmem:s2+$0xFFFFFFC0] =	vst @p2 v7;
	v2 =	vadd.bf16 v4, v2;
	v4 =	vshll.u32 @p2 v6, $0x10  }
0x1a7: {  	s0 =	sadd.s32 @p2 $0x400, s2;
	v7 =	vld [tilespmem:s19+$0x2C00];
	v6 =	vand.u32 @p2 $0xFFFF0000, v6;
	[tilespmem:s2+$0xFFFFFFD0] =	vst @p2 v4  }
0x1a8: {  	s8 =	smov.u32 @p2 s0;
	[tilespmem:s2+$0xFFFFFFE0] =	vst @p2 v6;
	v3 =	vadd.bf16 v5, v3;
	v4 =	vand.u32 $0xFFFF0000, v2  }
0x1a9: {  	v2 =	vshll.u32 v2, $0x10;
	[tilespmem:s8+$0x0] =	vst v4  }
0x1aa: {  	v5 =	vadd.bf16 v62, v10;
	[tilespmem:s8+$0xFFFFFFF0] =	vst v2;
	v4 =	vshll.u32 v3, $0x10  }
0x1ab: {  	v2 =	vand.u32 $0xFFFF0000, v3;
	[tilespmem:s8+$0xFFFFFF90] =	vst v4  }
0x1ac: {  	s0 =	simm.s32 $0x1;
	p2 =	por $0x0, $0x0;
	v3 =	vadd.bf16 v7, v63;
	[tilespmem:s8+$0xFFFFFFA0] =	vst v2;
	v2 =	vshll.u32 v5, $0x10  }
0x1ad: {  	s0 =	simm.s32 @!p2 $0x0;
	v4 =	vand.u32 $0xFFFF0000, v5;
	[tilespmem:s8+$0xFFFFFFB0] =	vst v2  }
0x1ae: {  	s0 =	sshll.u32 s0, $0x6;
	[tilespmem:s8+$0xFFFFFFC0] =	vst v4;
	v2 =	vshll.u32 v3, $0x10  }
0x1af: {  	p3 =	por $0x1, $0x1;
	s0 =	sadd.s32 $0x0, s0;
	v3 =	vand.u32 $0xFFFF0000, v3;
	[tilespmem:s8+$0xFFFFFFD0] =	vst v2  }
.Ltmp17:
0x1b0: {  	s31 =	sor.u32 $0x330, s0;
	[tilespmem:s8+$0xFFFFFFE0] =	vst v3;
	(pc) =	sbr.rel @!p3 .LBB2_31-.Ltmp17, $4  }
0x1b1: {  	v2 =	vld [tilespmem:s31+$0xC00]  }
0x1b2: {  	s22 =	sor.u32 $0x300, s0;
	v4 =	vld [tilespmem:s31+$0x2C00]  }
0x1b3: {  	p0 =	por !p2, !p2;
	v3 =	vld [tilespmem:s22+$0xC00]  }
0x1b4: {  	s20 =	sor.u32 $0x310, s0;
	s19 =	sor.u32 $0x320, s0;
	s8 =	simm.s32 $0xCF70;
	v5 =	vld [tilespmem:s22+$0x2C00]  }
0x1b5: {  	s0 =	simm.s32 $0x1  }
0x1b6: {  	v8 =	vld [tilespmem:s20+$0xC00];
	s0 =	simm.s32 @!p0 $0x0  }
0x1b7: {  	v10 =	vld [tilespmem:s20+$0x2C00];
	s0 =	sshll.u32 s0, $0x6  }
0x1b8: {  	v6 =	vld [tilespmem:s19+$0xC00];
	p6 =	por $0x1, $0x1;
	v4 =	vadd.bf16 v4, v2;
	s2 =	sadd.s32 $0x200, s0  }
.Ltmp18:
0x1b9: {  	v7 =	vld [tilespmem:s19+$0x2C00];
	s31 =	sor.u32 $0x330, s2;
	(pc) =	sbr.rel @!p6 .LBB2_33-.Ltmp18, $4  }
0x1ba: {  	v5 =	vadd.bf16 v5, v3;
	v3 =	vand.u32 $0xFFFF0000, v4;
	v2 =	vld [tilespmem:s31+$0xC00]  }
0x1bb: {  	s22 =	simm.s32 $0x200;
	s23 =	sor.u32 $0x300, s2;
	v9 =	vshll.u32 v4, $0x10;
	v4 =	vld [tilespmem:s31+$0x2C00];
	[tilespmem:s8+$0x0] =	vst v3  }
0x1bc: {  	p5 =	por !p0, !p0;
	p4 =	por $0x1, $0x1;
	s0 =	simm.s32 $0x4;
	v3 =	vld [tilespmem:s23+$0xC00];
	[tilespmem:s8+$0xFFFFFFF0] =	vst v9;
	v11 =	vshll.u32 v5, $0x10  }
0x1bd: {  	s20 =	sor.u32 $0x310, s2;
	s19 =	sor.u32 $0x320, s2;
	s2 =	simm.s32 $0xCF70;
	v8 =	vadd.bf16 v10, v8;
	v9 =	vand.u32 $0xFFFF0000, v5;
	v5 =	vld [tilespmem:s23+$0x2C00];
	[tilespmem:s8+$0xFFFFFF90] =	vst v11  }
.LBB2_34:
0x1be: {  	s23 =	simm.s32 $0x1  }
0x1bf: {  	s23 =	simm.s32 @!p5 $0x0  }
0x1c0: {  	v10 =	vld [tilespmem:s20+$0xC00];
	[tilespmem:s2+$0xFFFFFFA0] =	vst v9;
	v9 =	vshll.u32 v8, $0x10;
	v8 =	vand.u32 $0xFFFF0000, v8;
	v7 =	vadd.bf16 v7, v6;
	s22 =	sadd.s32 $0x200, s22;
	s23 =	sshll.u32 s23, $0x6  }
0x1c1: {  	s0 =	sadd.s32 $0x4, s0;
	v11 =	vld [tilespmem:s20+$0x2C00];
	[tilespmem:s2+$0xFFFFFFB0] =	vst v9;
	s23 =	sadd.s32 s23, s22  }
0x1c2: {  	p0 =	slt.u32 s0, $0x3C;
	v4 =	vadd.bf16 v4, v2;
	v2 =	vshll.u32 v7, $0x10;
	v6 =	vld [tilespmem:s19+$0xC00];
	[tilespmem:s2+$0xFFFFFFC0] =	vst v8;
	v8 =	vand.u32 $0xFFFF0000, v7;
	s24 =	sor.u32 $0x300, s23  }
.Ltmp19:
0x1c3: {  	s20 =	sor.u32 $0x310, s23;
	s25 =	sor.u32 $0x330, s23;
	v7 =	vld [tilespmem:s19+$0x2C00];
	[tilespmem:s2+$0xFFFFFFD0] =	vst v2;
	(pc) =	sbr.rel @p0 .LBB2_34-.Ltmp19, $4  }
0x1c4: {  	s19 =	sor.u32 $0x320, s23;
	v5 =	vadd.bf16 v5, v3;
	v12 =	vshll.u32 v4, $0x10;
	v3 =	vand.u32 $0xFFFF0000, v4;
	v2 =	vld [tilespmem:s25+$0xC00];
	[tilespmem:s2+$0xFFFFFFE0] =	vst v8;
	s2 =	sadd.s32 $0x400, s2  }
0x1c5: {  	v4 =	vld [tilespmem:s25+$0x2C00];
	[tilespmem:s2+$0x0] =	vst v3  }
0x1c6: {  	v13 =	vshll.u32 v5, $0x10;
	v9 =	vand.u32 $0xFFFF0000, v5;
	v3 =	vld [tilespmem:s24+$0xC00];
	v8 =	vadd.bf16 v11, v10;
	[tilespmem:s2+$0xFFFFFFF0] =	vst v12  }
0x1c7: {  	p5 =	por !p5, !p5;
	v5 =	vld [tilespmem:s24+$0x2C00];
	[tilespmem:s2+$0xFFFFFF90] =	vst v13  }
.LBB2_35:
0x1c8: {  	v10 =	vld [tilespmem:s20+$0xC00];
	[tilespmem:s2+$0xFFFFFFA0] =	vst @p4 v9;
	v9 =	vshll.u32 @p4 v8, $0x10;
	v6 =	vadd.bf16 @p4 v7, v6  }
0x1c9: {  	v7 =	vand.u32 @p4 $0xFFFF0000, v8;
	v8 =	vld [tilespmem:s20+$0x2C00];
	[tilespmem:s2+$0xFFFFFFB0] =	vst @p4 v9  }
0x1ca: {  	v63 =	vld [tilespmem:s19+$0xC00];
	[tilespmem:s2+$0xFFFFFFC0] =	vst @p4 v7;
	v2 =	vadd.bf16 v4, v2;
	v4 =	vshll.u32 @p4 v6, $0x10  }
0x1cb: {  	s0 =	sadd.s32 @p4 $0x400, s2;
	v7 =	vld [tilespmem:s19+$0x2C00];
	v6 =	vand.u32 @p4 $0xFFFF0000, v6;
	[tilespmem:s2+$0xFFFFFFD0] =	vst @p4 v4  }
0x1cc: {  	s8 =	smov.u32 @p4 s0;
	[tilespmem:s2+$0xFFFFFFE0] =	vst @p4 v6;
	v3 =	vadd.bf16 v5, v3;
	v4 =	vand.u32 $0xFFFF0000, v2  }
0x1cd: {  	v2 =	vshll.u32 v2, $0x10;
	[tilespmem:s8+$0x0] =	vst v4  }
0x1ce: {  	v5 =	vadd.bf16 v8, v10;
	[tilespmem:s8+$0xFFFFFFF0] =	vst v2;
	v4 =	vshll.u32 v3, $0x10  }
0x1cf: {  	v2 =	vand.u32 $0xFFFF0000, v3;
	[tilespmem:s8+$0xFFFFFF90] =	vst v4  }
0x1d0: {  	v3 =	vadd.bf16 v7, v63;
	[tilespmem:s8+$0xFFFFFFA0] =	vst v2;
	v2 =	vshll.u32 v5, $0x10  }
0x1d1: {  	v4 =	vand.u32 $0xFFFF0000, v5;
	[tilespmem:s8+$0xFFFFFFB0] =	vst v2  }
0x1d2: {  	s28 =	simm.s32 $0x0;
	[tilespmem:s8+$0xFFFFFFC0] =	vst v4;
	v2 =	vshll.u32 v3, $0x10  }
0x1d3: {  	s0 =	sor.u32 s28, s28;
	v3 =	vand.u32 $0xFFFF0000, v3;
	[tilespmem:s8+$0xFFFFFFD0] =	vst v2  }
0x1d4: {  	s22 =	sor.u32 $0x3B0, s0;
	[tilespmem:s8+$0xFFFFFFE0] =	vst v3  }
0x1d5: {  	s29 =	sor.u32 $0x3A0, s0;
	v7 =	vld [tilespmem:s22+$0xC00]  }
.Ltmp20:
0x1d6: {  	v13 =	vld [tilespmem:s29+$0x2C00];
	(pc) =	sbr.rel @!p3 .LBB2_36-.Ltmp20, $4  }
0x1d7: {  	s31 =	sor.u32 $0x380, s0;
	v14 =	vld [tilespmem:s29+$0xC00]  }
0x1d8: {  	v2 =	vld [tilespmem:s31+$0x2C00]  }
0x1d9: {  	s19 =	sor.u32 $0x390, s0;
	v4 =	vld [tilespmem:s31+$0xC00]  }
0x1da: {  	s20 =	simm.s32 $0xCFF0;
	s0 =	simm.s32 $0x40;
	s2 =	simm.s32 $0x200;
	v3 =	vld [tilespmem:s19+$0x2C00]  }
0x1db: {  	s0 =	sor.u32 s2, s0;
	v8 =	vld [tilespmem:s19+$0xC00]  }
0x1dc: {  	v15 =	vld [tilespmem:s22+$0x2C00];
	s2 =	sor.u32 $0x3B0, s0  }
0x1dd: {  	p0 =	por $0x1, $0x1;
	s8 =	sor.u32 $0x3A0, s0;
	v5 =	vld [tilespmem:s2+$0xC00]  }
.Ltmp21:
0x1de: {  	v9 =	vld [tilespmem:s8+$0x2C00];
	v4 =	vadd.bf16 v2, v4;
	(pc) =	sbr.rel @!p0 .LBB2_38-.Ltmp21, $4  }
0x1df: {  	s23 =	sor.u32 $0x380, s0;
	v6 =	vld [tilespmem:s8+$0xC00]  }
0x1e0: {  	s22 =	simm.s32 $0x4;
	v10 =	vadd.bf16 v13, v14;
	v2 =	vld [tilespmem:s23+$0x2C00];
	v11 =	vshll.u32 v4, $0x10;
	v12 =	vadd.bf16 v3, v8  }
0x1e1: {  	s31 =	simm.s32 $0x400;
	p2 =	por $0x1, $0x1;
	s19 =	sor.u32 $0x390, s0;
	v13 =	vand.u32 $0xFFFF0000, v4;
	v4 =	vld [tilespmem:s23+$0xC00];
	v8 =	vadd.bf16 v15, v7;
	[tilespmem:s20+$0xFFFFFF90] =	vst v11  }
0x1e2: {  	s0 =	simm.s32 $0xCFF0;
	s8 =	simm.s32 $0xCFF0;
	s23 =	simm.s32 $0x80;
	v3 =	vld [tilespmem:s19+$0x2C00];
	v11 =	vshll.u32 v10, $0x10;
	v10 =	vand.u32 $0xFFFF0000, v10;
	[tilespmem:s20+$0xFFFFFFA0] =	vst v13;
	v15 =	vshll.u32 v12, $0x10  }
.LBB2_39:
0x1e3: {  	s24 =	sor.u32 s31, s23;
	s22 =	sadd.s32 $0x4, s22;
	v7 =	vld [tilespmem:s19+$0xC00];
	v12 =	vand.u32 $0xFFFF0000, v12;
	[tilespmem:s8+$0xFFFFFFB0] =	vst v15;
	s0 =	sadd.s32 $0x400, s0;
	v13 =	vmov v9  }
0x1e4: {  	v15 =	vshll.u32 v8, $0x10;
	s25 =	sor.u32 $0x380, s24;
	s28 =	sor.u32 $0x3A0, s24;
	v14 =	vld [tilespmem:s2+$0x2C00];
	s2 =	sor.u32 $0x3B0, s24;
	[tilespmem:s8+$0xFFFFFFC0] =	vst v12  }
0x1e5: {  	p0 =	slt.u32 s22, $0x3C;
	v16 =	vld [tilespmem:s2+$0xC00];
	[tilespmem:s8+$0xFFFFFFD0] =	vst v11  }
.Ltmp22:
0x1e6: {  	s19 =	sor.u32 $0x390, s24;
	v9 =	vld [tilespmem:s28+$0x2C00];
	v4 =	vadd.bf16 v2, v4;
	[tilespmem:s8+$0xFFFFFFE0] =	vst v10;
	v2 =	vand.u32 $0xFFFF0000, v8;
	(pc) =	sbr.rel @p0 .LBB2_39-.Ltmp22, $4  }
0x1e7: {  	v8 =	vadd.bf16 v13, v6;
	v6 =	vld [tilespmem:s28+$0xC00];
	[tilespmem:s8+$0x0] =	vst v2  }
0x1e8: {  	v2 =	vld [tilespmem:s25+$0x2C00];
	v10 =	vshll.u32 v4, $0x10;
	v13 =	vand.u32 $0xFFFF0000, v4;
	v12 =	vadd.bf16 v3, v7;
	[tilespmem:s8+$0xFFFFFFF0] =	vst v15;
	s8 =	smov.u32 s0  }
0x1e9: {  	v11 =	vshll.u32 v8, $0x10;
	v4 =	vld [tilespmem:s25+$0xC00];
	[tilespmem:s0+$0xFFFFFF90] =	vst v10;
	v10 =	vand.u32 $0xFFFF0000, v8;
	v8 =	vadd.bf16 v14, v5  }
0x1ea: {  	s23 =	sadd.s32 $0x40, s23;
	s31 =	sadd.s32 $0x200, s31;
	v3 =	vld [tilespmem:s19+$0x2C00];
	[tilespmem:s0+$0xFFFFFFA0] =	vst v13;
	v15 =	vshll.u32 v12, $0x10;
	v5 =	vmov v16  }
0x1eb: {  	_ = 	snop  }
0x1ec: {  	v13 =	vmov v9;
	s22 =	smov.u32 s2;
	v7 =	vmov v5;
	v14 =	vmov v6  }
.LBB2_41:
0x1ed: {  	v5 =	vld [tilespmem:s19+$0xC00];
	[tilespmem:s8+$0xFFFFFFB0] =	vst @p2 v15  }
0x1ee: {  	[tilespmem:s8+$0xFFFFFFD0] =	vst @p2 v11  }
0x1ef: {  	v6 =	vand.u32 @p2 $0xFFFF0000, v12;
	[tilespmem:s8+$0xFFFFFFE0] =	vst @p2 v10  }
0x1f0: {  	[tilespmem:s8+$0xFFFFFFC0] =	vst @p2 v6;
	v2 =	vadd.bf16 v2, v4;
	v4 =	vand.u32 @p2 $0xFFFF0000, v8  }
0x1f1: {  	s0 =	sadd.s32 @p2 $0x400, s0;
	v60 =	vld [tilespmem:s22+$0x2C00];
	v8 =	vshll.u32 @p2 v8, $0x10;
	[tilespmem:s8+$0x0] =	vst @p2 v4  }
0x1f2: {  	s20 =	smov.u32 @p2 s0;
	[tilespmem:s8+$0xFFFFFFF0] =	vst @p2 v8;
	v61 =	vshll.u32 v2, $0x10;
	v3 =	vadd.bf16 v3, v5  }
0x1f3: {  	v2 =	vand.u32 $0xFFFF0000, v2;
	[tilespmem:s20+$0xFFFFFF90] =	vst v61  }
0x1f4: {  	v62 =	vadd.bf16 v13, v14;
	[tilespmem:s20+$0xFFFFFFA0] =	vst v2;
	v2 =	vshll.u32 v3, $0x10  }
0x1f5: {  	v3 =	vand.u32 $0xFFFF0000, v3;
	[tilespmem:s20+$0xFFFFFFB0] =	vst v2  }
0x1f6: {  	s8 =	smul.u32 $0x18, s10;
	v63 =	vadd.bf16 v60, v7;
	v2 =	vshll.u32 v62, $0x10;
	[tilespmem:s20+$0xFFFFFFC0] =	vst v3  }
.Ltmp23:
0x1f7: {  	v3 =	vand.u32 $0xFFFF0000, v62;
	[tilespmem:s20+$0xFFFFFFD0] =	vst v2;
	(pc) =	sbr.rel @p1 .LBB2_115-.Ltmp23, $4  }
0x1f8: {  	s31 =	sadd.s32 s5, s8;
	[tilespmem:s20+$0xFFFFFFE0] =	vst v3;
	v2 =	vand.u32 $0xFFFF0000, v63  }
0x1f9: {  	s0 =	sshll.u32 s31, $0x8;
	v3 =	vshll.u32 v63, $0x10;
	[tilespmem:s20+$0x0] =	vst v2  }
0x1fa: {  	s2 =	simm.s32 $0xCC00;
	s0 =	sadd.s32 s4, s0;
	[tilespmem:s20+$0xFFFFFFF0] =	vst v3  }
0x1fb: {  	[hbm4b:s0+s6] =	stream.linear.scatter [tilespmem:s2], [sflag:$0x4], $0x4000, $0x38;
	[tilespmem:$0x18C00] =	vst v63  }
0x1fc: {  	v2 =	vld.msk [tilespmem:s8+$0x818], $0xff;
	_ =	sdelay $0x4  }
0x1fd: {  	v3 =	vshll.u32 v2, $0x3  }
0x1fe: {  	v2 =	vand.u32 $0x7, v2;
	v3 =	vand.u32 $0xFFFFFFC0, v3  }
0x1ff: {  	v2 =	vor.u32 v2, v3  }
0x200: {  	v2 =	vperm.xlane v2, v0;
	_ =	sdelay $0x1  }
0x201: {  	v2 =	vadd.s32 v1, v2;
	_ =	sdelay $0x3  }
0x202: {  	s0 =	simm.s32 $0xC00  }
0x203: {  	[tilespmem:s0], [sflag:$0x1] =	stream.indirect_vreg.gather [hbm4b:s1+s6], $0x80, v2, vm0, $0xb8;
	[tilespmem:$0x18C00] =	vst v63  }
0x204: {  	s2 =	simm.s32 $0x1400  }
0x205: {  	[tilespmem:s2], [sflag:$0x1] =	stream.indirect_vreg.gather [hbm4b:s11+s6], $0x80, v2, vm0, $0xb8;
	[tilespmem:$0x18C00] =	vst v63  }
0x206: {  	s19 =	simm.s32 $0x1C00  }
0x207: {  	[tilespmem:s19], [sflag:$0x1] =	stream.indirect_vreg.gather [hbm4b:s12+s6], $0x80, v2, vm0, $0xb8;
	[tilespmem:$0x18C00] =	vst v63  }
0x208: {  	s20 =	simm.s32 $0x2400  }
0x209: {  	[tilespmem:s20], [sflag:$0x1] =	stream.indirect_vreg.gather [hbm4b:s13+s6], $0x80, v2, vm0, $0xb8;
	[tilespmem:$0x18C00] =	vst v63  }
0x20a: {  	v2 =	vld.msk [tilespmem:s8+$0xA18], $0xff;
	_ =	sdelay $0x4  }
0x20b: {  	v3 =	vshll.u32 v2, $0x3  }
0x20c: {  	v2 =	vand.u32 $0x7, v2;
	v3 =	vand.u32 $0xFFFFFFC0, v3  }
0x20d: {  	v2 =	vor.u32 v2, v3  }
0x20e: {  	v2 =	vperm.xlane v2, v0;
	_ =	sdelay $0x1  }
0x20f: {  	v2 =	vadd.s32 v1, v2;
	_ =	sdelay $0x3  }
0x210: {  	s22 =	simm.s32 $0x2C00  }
0x211: {  	[tilespmem:s22], [sflag:$0x1] =	stream.indirect_vreg.gather [hbm4b:s3+s6], $0x80, v2, vm0, $0xb8;
	[tilespmem:$0x18C00] =	vst v63  }
0x212: {  	s23 =	simm.s32 $0x3400  }
0x213: {  	[tilespmem:s23], [sflag:$0x1] =	stream.indirect_vreg.gather [hbm4b:s14+s6], $0x80, v2, vm0, $0xb8;
	[tilespmem:$0x18C00] =	vst v63  }
0x214: {  	s24 =	simm.s32 $0x3C00  }
0x215: {  	[tilespmem:s24], [sflag:$0x1] =	stream.indirect_vreg.gather [hbm4b:s15+s6], $0x80, v2, vm0, $0xb8;
	[tilespmem:$0x18C00] =	vst v63  }
0x216: {  	s25 =	simm.s32 $0x4400  }
0x217: {  	[tilespmem:s25], [sflag:$0x1] =	stream.indirect_vreg.gather [hbm4b:s16+s6], $0x80, v2, vm0, $0xb8;
	[tilespmem:$0x18C00] =	vst v63  }
0x218: {  	_ =	swait.ge [sflag:s7], $0x2000  }
0x219: {  	[sflag:s7] =	ssyncset.done $0x0  }
0x21a: {  	[sflag:s7] =	ssyncadd.s32 $0xFFFFE000  }
0x21b: {  	_ =	swait.ge [sflag:s7], $0x2000  }
0x21c: {  	s28 =	sld [smem:$0x7FD];
	_ =	sdelay $0x2  }
0x21d: {  	[sflag:s7] =	ssyncset.done $0x0;
	p0 =	seq.s32 s28, $0x1  }
0x21e: {  	[sflag:s7] =	ssyncadd.s32 $0xFFFFE000;
	s0 =	simm.s32 @!p0 $0x5  }
0x21f: {  	s2 =	simm.s32 $0x0;
	_ =	swait.ge @!p0 [sflag:s0], $0x4000  }
0x220: {  	s19 =	sand.u32 $0x40, s2;
	s20 =	sand.u32 $0x1C00, s2;
	[sflag:s0] =	ssyncset.done @!p0 $0x0  }
0x221: {  	s2 =	sor.u32 s19, s20;
	[sflag:s0] =	ssyncadd.s32 @!p0 $0xFFFFC000  }
0x222: {  	v2 =	vld [tilespmem:s2+$0x4C30]  }
0x223: {  	v3 =	vld [tilespmem:s2+$0x6C30]  }
0x224: {  	v5 =	vld [tilespmem:s2+$0x4C00]  }
0x225: {  	v6 =	vld [tilespmem:s2+$0x6C00]  }
0x226: {  	v8 =	vld [tilespmem:s2+$0x4C10]  }
0x227: {  	s29 =	simm.s32 $0x40;
	s23 =	simm.s32 $0x200;
	v9 =	vld [tilespmem:s2+$0x6C10]  }
0x228: {  	s22 =	sand.u32 $0x40, s29;
	s31 =	sand.u32 $0x1C00, s23;
	v10 =	vld [tilespmem:s2+$0x4C20];
	v2 =	vadd.bf16 v3, v2  }
0x229: {  	s0 =	sor.u32 s22, s31;
	v11 =	vld [tilespmem:s2+$0x6C20]  }
0x22a: {  	s2 =	simm.s32 $0x10C40;
	v4 =	vld [tilespmem:s0+$0x4C30];
	v5 =	vadd.bf16 v6, v5;
	v3 =	vand.u32 $0xFFFF0000, v2  }
0x22b: {  	v7 =	vld [tilespmem:s0+$0x6C30];
	v2 =	vshll.u32 v2, $0x10;
	[tilespmem:s2+$0x30] =	vst v3  }
0x22c: {  	v8 =	vadd.bf16 v9, v8;
	v6 =	vld [tilespmem:s0+$0x6C00];
	v12 =	vshll.u32 v5, $0x10;
	[tilespmem:s2+$0x20] =	vst v2  }
0x22d: {  	v5 =	vand.u32 $0xFFFF0000, v5;
	v3 =	vld [tilespmem:s0+$0x4C00];
	[tilespmem:s2+$0xFFFFFFC0] =	vst v12  }
0x22e: {  	v63 =	vshll.u32 v8, $0x10;
	v9 =	vand.u32 $0xFFFF0000, v8;
	v8 =	vadd.bf16 v11, v10;
	v2 =	vld [tilespmem:s0+$0x4C10];
	[tilespmem:s2+$0xFFFFFFD0] =	vst v5  }
0x22f: {  	s23 =	simm.s32 $0x4;
	s24 =	simm.s32 $0x80;
	s25 =	simm.s32 $0x400;
	v5 =	vld [tilespmem:s0+$0x6C10];
	[tilespmem:s2+$0xFFFFFFE0] =	vst v63  }
.LBB2_43:
0x230: {  	s28 =	sand.u32 $0x40, s24;
	s29 =	sand.u32 $0x1C00, s25;
	v10 =	vld [tilespmem:s0+$0x4C20];
	v7 =	vadd.bf16 v7, v4;
	[tilespmem:s2+$0xFFFFFFF0] =	vst v9;
	v4 =	vshll.u32 v8, $0x10;
	v8 =	vand.u32 $0xFFFF0000, v8  }
0x231: {  	s23 =	sadd.s32 $0x4, s23;
	v11 =	vld [tilespmem:s0+$0x6C20];
	s0 =	sor.u32 s28, s29;
	[tilespmem:s2+$0x0] =	vst v4  }
0x232: {  	p0 =	slt.u32 s23, $0x3C;
	v4 =	vld [tilespmem:s0+$0x4C30];
	v6 =	vadd.bf16 v6, v3;
	v9 =	vshll.u32 v7, $0x10;
	v3 =	vand.u32 $0xFFFF0000, v7;
	[tilespmem:s2+$0x10] =	vst v8;
	s2 =	sadd.s32 $0x400, s2  }
.Ltmp24:
0x233: {  	v7 =	vld [tilespmem:s0+$0x6C30];
	[tilespmem:s2+$0x30] =	vst v3;
	(pc) =	sbr.rel @p0 .LBB2_43-.Ltmp24, $4  }
0x234: {  	v3 =	vld [tilespmem:s0+$0x4C00];
	v8 =	vshll.u32 v6, $0x10;
	v12 =	vand.u32 $0xFFFF0000, v6;
	v5 =	vadd.bf16 v5, v2;
	[tilespmem:s2+$0x20] =	vst v9  }
0x235: {  	v6 =	vld [tilespmem:s0+$0x6C00];
	[tilespmem:s2+$0xFFFFFFC0] =	vst v8  }
0x236: {  	v2 =	vld [tilespmem:s0+$0x4C10];
	[tilespmem:s2+$0xFFFFFFD0] =	vst v12;
	v12 =	vshll.u32 v5, $0x10;
	v9 =	vand.u32 $0xFFFF0000, v5;
	v8 =	vadd.bf16 v11, v10  }
0x237: {  	s24 =	sadd.s32 $0x40, s24;
	s25 =	sadd.s32 $0x200, s25;
	v5 =	vld [tilespmem:s0+$0x6C10];
	[tilespmem:s2+$0xFFFFFFE0] =	vst v12  }
0x238: {  	v10 =	vld [tilespmem:s0+$0x4C20];
	v4 =	vadd.bf16 v7, v4;
	[tilespmem:s2+$0xFFFFFFF0] =	vst v9;
	v7 =	vshll.u32 v8, $0x10  }
0x239: {  	v8 =	vand.u32 $0xFFFF0000, v8;
	v9 =	vld [tilespmem:s0+$0x6C20];
	[tilespmem:s2+$0x0] =	vst v7  }
0x23a: {  	s28 =	sadd.s32 $0x400, s2;
	[tilespmem:s2+$0x10] =	vst v8;
	v3 =	vadd.bf16 v6, v3;
	v6 =	vand.u32 $0xFFFF0000, v4  }
0x23b: {  	v4 =	vshll.u32 v4, $0x10;
	[tilespmem:s28+$0x30] =	vst v6  }
0x23c: {  	[tilespmem:s28+$0x20] =	vst v4;
	v6 =	vshll.u32 v3, $0x10;
	v2 =	vadd.bf16 v5, v2  }
0x23d: {  	v3 =	vand.u32 $0xFFFF0000, v3;
	[tilespmem:s28+$0xFFFFFFC0] =	vst v6  }
0x23e: {  	[tilespmem:s28+$0xFFFFFFD0] =	vst v3;
	v4 =	vadd.bf16 v9, v10;
	v3 =	vshll.u32 v2, $0x10  }
0x23f: {  	v2 =	vand.u32 $0xFFFF0000, v2;
	[tilespmem:s28+$0xFFFFFFE0] =	vst v3  }
0x240: {  	[tilespmem:s28+$0xFFFFFFF0] =	vst v2;
	v2 =	vshll.u32 v4, $0x10  }
0x241: {  	v3 =	vand.u32 $0xFFFF0000, v4;
	[tilespmem:s28+$0x0] =	vst v2  }
0x242: {  	s29 =	sor.u32 s20, s19;
	[tilespmem:s28+$0x10] =	vst v3  }
0x243: {  	v2 =	vld [tilespmem:s29+$0x4CB0]  }
0x244: {  	v3 =	vld [tilespmem:s29+$0x6CB0]  }
0x245: {  	v5 =	vld [tilespmem:s29+$0x4C80]  }
0x246: {  	v6 =	vld [tilespmem:s29+$0x6C80]  }
0x247: {  	v8 =	vld [tilespmem:s29+$0x4C90]  }
0x248: {  	v9 =	vld [tilespmem:s29+$0x6C90]  }
0x249: {  	v10 =	vld [tilespmem:s29+$0x4CA0];
	v2 =	vadd.bf16 v3, v2  }
0x24a: {  	s0 =	sor.u32 s31, s22;
	v11 =	vld [tilespmem:s29+$0x6CA0]  }
0x24b: {  	s2 =	simm.s32 $0x10CF0;
	v4 =	vld [tilespmem:s0+$0x4CB0];
	v5 =	vadd.bf16 v6, v5;
	v3 =	vand.u32 $0xFFFF0000, v2  }
0x24c: {  	v7 =	vld [tilespmem:s0+$0x6CB0];
	v2 =	vshll.u32 v2, $0x10;
	[tilespmem:s2+$0x0] =	vst v3  }
0x24d: {  	v8 =	vadd.bf16 v9, v8;
	v6 =	vld [tilespmem:s0+$0x6C80];
	v12 =	vshll.u32 v5, $0x10;
	[tilespmem:s2+$0xFFFFFFF0] =	vst v2  }
0x24e: {  	v5 =	vand.u32 $0xFFFF0000, v5;
	v3 =	vld [tilespmem:s0+$0x4C80];
	[tilespmem:s2+$0xFFFFFF90] =	vst v12  }
0x24f: {  	v63 =	vshll.u32 v8, $0x10;
	v9 =	vand.u32 $0xFFFF0000, v8;
	v8 =	vadd.bf16 v11, v10;
	v2 =	vld [tilespmem:s0+$0x4C90];
	[tilespmem:s2+$0xFFFFFFA0] =	vst v5  }
0x250: {  	s19 =	simm.s32 $0x4;
	s20 =	simm.s32 $0x80;
	s22 =	simm.s32 $0x400;
	v5 =	vld [tilespmem:s0+$0x6C90];
	[tilespmem:s2+$0xFFFFFFB0] =	vst v63  }
.LBB2_45:
0x251: {  	s23 =	sand.u32 $0x40, s20;
	s24 =	sand.u32 $0x1C00, s22;
	v10 =	vld [tilespmem:s0+$0x4CA0];
	v7 =	vadd.bf16 v7, v4;
	[tilespmem:s2+$0xFFFFFFC0] =	vst v9;
	v4 =	vshll.u32 v8, $0x10;
	v8 =	vand.u32 $0xFFFF0000, v8  }
0x252: {  	s19 =	sadd.s32 $0x4, s19;
	v11 =	vld [tilespmem:s0+$0x6CA0];
	s0 =	sor.u32 s24, s23;
	[tilespmem:s2+$0xFFFFFFD0] =	vst v4  }
0x253: {  	p0 =	slt.u32 s19, $0x3C;
	v4 =	vld [tilespmem:s0+$0x4CB0];
	v6 =	vadd.bf16 v6, v3;
	v9 =	vshll.u32 v7, $0x10;
	v3 =	vand.u32 $0xFFFF0000, v7;
	[tilespmem:s2+$0xFFFFFFE0] =	vst v8;
	s2 =	sadd.s32 $0x400, s2  }
.Ltmp25:
0x254: {  	v7 =	vld [tilespmem:s0+$0x6CB0];
	[tilespmem:s2+$0x0] =	vst v3;
	(pc) =	sbr.rel @p0 .LBB2_45-.Ltmp25, $4  }
0x255: {  	v3 =	vld [tilespmem:s0+$0x4C80];
	v8 =	vshll.u32 v6, $0x10;
	v12 =	vand.u32 $0xFFFF0000, v6;
	v5 =	vadd.bf16 v5, v2;
	[tilespmem:s2+$0xFFFFFFF0] =	vst v9  }
0x256: {  	v6 =	vld [tilespmem:s0+$0x6C80];
	[tilespmem:s2+$0xFFFFFF90] =	vst v8  }
0x257: {  	v2 =	vld [tilespmem:s0+$0x4C90];
	[tilespmem:s2+$0xFFFFFFA0] =	vst v12;
	v12 =	vshll.u32 v5, $0x10;
	v9 =	vand.u32 $0xFFFF0000, v5;
	v8 =	vadd.bf16 v11, v10  }
0x258: {  	s20 =	sadd.s32 $0x40, s20;
	s22 =	sadd.s32 $0x200, s22;
	v5 =	vld [tilespmem:s0+$0x6C90];
	[tilespmem:s2+$0xFFFFFFB0] =	vst v12  }
0x259: {  	v10 =	vld [tilespmem:s0+$0x4CA0];
	v4 =	vadd.bf16 v7, v4;
	[tilespmem:s2+$0xFFFFFFC0] =	vst v9;
	v7 =	vshll.u32 v8, $0x10  }
0x25a: {  	v8 =	vand.u32 $0xFFFF0000, v8;
	v63 =	vld [tilespmem:s0+$0x6CA0];
	[tilespmem:s2+$0xFFFFFFD0] =	vst v7  }
0x25b: {  	s28 =	sadd.s32 $0x400, s2;
	[tilespmem:s2+$0xFFFFFFE0] =	vst v8;
	v3 =	vadd.bf16 v6, v3;
	v6 =	vand.u32 $0xFFFF0000, v4  }
0x25c: {  	v4 =	vshll.u32 v4, $0x10;
	[tilespmem:s28+$0x0] =	vst v6  }
0x25d: {  	[tilespmem:s28+$0xFFFFFFF0] =	vst v4;
	v6 =	vshll.u32 v3, $0x10;
	v2 =	vadd.bf16 v5, v2  }
0x25e: {  	v3 =	vand.u32 $0xFFFF0000, v3;
	[tilespmem:s28+$0xFFFFFF90] =	vst v6  }
0x25f: {  	[tilespmem:s28+$0xFFFFFFA0] =	vst v3;
	v4 =	vadd.bf16 v63, v10;
	v3 =	vshll.u32 v2, $0x10  }
0x260: {  	v2 =	vand.u32 $0xFFFF0000, v2;
	[tilespmem:s28+$0xFFFFFFB0] =	vst v3  }
0x261: {  	s29 =	simm.s32 $0x0;
	[tilespmem:s28+$0xFFFFFFC0] =	vst v2;
	v2 =	vshll.u32 v4, $0x10  }
0x262: {  	s19 =	sand.u32 $0x40, s29;
	s2 =	sand.u32 $0x1C00, s29;
	v3 =	vand.u32 $0xFFFF0000, v4;
	[tilespmem:s28+$0xFFFFFFD0] =	vst v2  }
0x263: {  	s2 =	sor.u32 s2, s19;
	[tilespmem:s28+$0xFFFFFFE0] =	vst v3  }
0x264: {  	p2 =	por $0x1, $0x1;
	v4 =	vld [tilespmem:s2+$0x4D30]  }
.Ltmp26:
0x265: {  	v7 =	vld [tilespmem:s2+$0x6D30];
	(pc) =	sbr.rel @!p2 .LBB2_47-.Ltmp26, $4  }
0x266: {  	v3 =	vld [tilespmem:s2+$0x4D00]  }
0x267: {  	v6 =	vld [tilespmem:s2+$0x6D00]  }
0x268: {  	s31 =	simm.s32 $0x10D70;
	v2 =	vld [tilespmem:s2+$0x4D10]  }
0x269: {  	s22 =	simm.s32 $0x40;
	p1 =	por $0x0, $0x0;
	s19 =	simm.s32 $0x200;
	v5 =	vld [tilespmem:s2+$0x6D10]  }
0x26a: {  	s0 =	sand.u32 $0x40, s22;
	s20 =	sand.u32 $0x1C00, s19;
	v9 =	vld [tilespmem:s2+$0x4D20];
	v7 =	vadd.bf16 v7, v4  }
0x26b: {  	v10 =	vld [tilespmem:s2+$0x6D20];
	s20 =	sor.u32 s20, s0  }
0x26c: {  	p0 =	por $0x1, $0x1;
	v4 =	vld [tilespmem:s20+$0x4D30];
	v6 =	vadd.bf16 v6, v3;
	v3 =	vand.u32 $0xFFFF0000, v7  }
.Ltmp27:
0x26d: {  	v8 =	vshll.u32 v7, $0x10;
	v7 =	vld [tilespmem:s20+$0x6D30];
	[tilespmem:s31+$0x0] =	vst v3;
	(pc) =	sbr.rel @!p0 .LBB2_49-.Ltmp27, $4  }
0x26e: {  	v3 =	vld [tilespmem:s20+$0x4D00];
	[tilespmem:s31+$0xFFFFFFF0] =	vst v8;
	v11 =	vshll.u32 v6, $0x10;
	v5 =	vadd.bf16 v5, v2  }
0x26f: {  	v8 =	vand.u32 $0xFFFF0000, v6;
	v6 =	vld [tilespmem:s20+$0x6D00];
	[tilespmem:s31+$0xFFFFFF90] =	vst v11  }
0x270: {  	s23 =	simm.s32 $0x4;
	s24 =	simm.s32 $0x80;
	v2 =	vld [tilespmem:s20+$0x4D10];
	[tilespmem:s31+$0xFFFFFFA0] =	vst v8;
	v9 =	vadd.bf16 v10, v9;
	v11 =	vshll.u32 v5, $0x10  }
0x271: {  	s25 =	simm.s32 $0x400;
	p3 =	por $0x1, $0x1;
	s0 =	simm.s32 $0x10D70;
	v8 =	vand.u32 $0xFFFF0000, v5;
	v5 =	vld [tilespmem:s20+$0x6D10];
	[tilespmem:s31+$0xFFFFFFB0] =	vst v11  }
.LBB2_50:
0x272: {  	s28 =	sand.u32 $0x40, s24;
	s29 =	sand.u32 $0x1C00, s25;
	v10 =	vld [tilespmem:s20+$0x4D20];
	v7 =	vadd.bf16 v7, v4;
	[tilespmem:s0+$0xFFFFFFC0] =	vst v8;
	v4 =	vshll.u32 v9, $0x10;
	v8 =	vand.u32 $0xFFFF0000, v9  }
0x273: {  	s23 =	sadd.s32 $0x4, s23;
	v9 =	vld [tilespmem:s20+$0x6D20];
	s20 =	sor.u32 s29, s28;
	[tilespmem:s0+$0xFFFFFFD0] =	vst v4  }
0x274: {  	p0 =	slt.u32 s23, $0x3C;
	v4 =	vld [tilespmem:s20+$0x4D30];
	v6 =	vadd.bf16 v6, v3;
	v11 =	vshll.u32 v7, $0x10;
	v3 =	vand.u32 $0xFFFF0000, v7;
	[tilespmem:s0+$0xFFFFFFE0] =	vst v8;
	s0 =	sadd.s32 $0x400, s0  }
.Ltmp28:
0x275: {  	v7 =	vld [tilespmem:s20+$0x6D30];
	[tilespmem:s0+$0x0] =	vst v3;
	(pc) =	sbr.rel @p0 .LBB2_50-.Ltmp28, $4  }
0x276: {  	v3 =	vld [tilespmem:s20+$0x4D00];
	v8 =	vshll.u32 v6, $0x10;
	v12 =	vand.u32 $0xFFFF0000, v6;
	v5 =	vadd.bf16 v5, v2;
	[tilespmem:s0+$0xFFFFFFF0] =	vst v11  }
0x277: {  	v6 =	vld [tilespmem:s20+$0x6D00];
	[tilespmem:s0+$0xFFFFFF90] =	vst v8  }
0x278: {  	v2 =	vld [tilespmem:s20+$0x4D10];
	[tilespmem:s0+$0xFFFFFFA0] =	vst v12;
	v11 =	vshll.u32 v5, $0x10;
	v8 =	vand.u32 $0xFFFF0000, v5;
	v9 =	vadd.bf16 v9, v10  }
0x279: {  	s24 =	sadd.s32 $0x40, s24;
	s25 =	sadd.s32 $0x200, s25;
	v5 =	vld [tilespmem:s20+$0x6D10];
	[tilespmem:s0+$0xFFFFFFB0] =	vst v11  }
.LBB2_51:
0x27a: {  	v10 =	vld [tilespmem:s20+$0x4D20];
	v4 =	vadd.bf16 v7, v4;
	[tilespmem:s0+$0xFFFFFFC0] =	vst @p3 v8;
	v7 =	vshll.u32 @p3 v9, $0x10  }
0x27b: {  	v8 =	vand.u32 @p3 $0xFFFF0000, v9;
	v63 =	vld [tilespmem:s20+$0x6D20];
	s20 =	sadd.s32 @p3 $0x400, s0;
	[tilespmem:s0+$0xFFFFFFD0] =	vst @p3 v7  }
0x27c: {  	[tilespmem:s0+$0xFFFFFFE0] =	vst @p3 v8;
	s31 =	smov.u32 @p3 s20;
	v3 =	vadd.bf16 v6, v3;
	v6 =	vand.u32 $0xFFFF0000, v4  }
0x27d: {  	v4 =	vshll.u32 v4, $0x10;
	[tilespmem:s31+$0x0] =	vst v6  }
0x27e: {  	[tilespmem:s31+$0xFFFFFFF0] =	vst v4;
	v6 =	vshll.u32 v3, $0x10;
	v2 =	vadd.bf16 v5, v2  }
0x27f: {  	v3 =	vand.u32 $0xFFFF0000, v3;
	[tilespmem:s31+$0xFFFFFF90] =	vst v6  }
0x280: {  	[tilespmem:s31+$0xFFFFFFA0] =	vst v3;
	v4 =	vadd.bf16 v63, v10;
	v3 =	vshll.u32 v2, $0x10  }
0x281: {  	v2 =	vand.u32 $0xFFFF0000, v2;
	[tilespmem:s31+$0xFFFFFFB0] =	vst v3  }
0x282: {  	[tilespmem:s31+$0xFFFFFFC0] =	vst v2;
	v2 =	vshll.u32 v4, $0x10  }
0x283: {  	v3 =	vand.u32 $0xFFFF0000, v4;
	[tilespmem:s31+$0xFFFFFFD0] =	vst v2  }
0x284: {  	[tilespmem:s31+$0xFFFFFFE0] =	vst v3  }
0x285: {  	v4 =	vld [tilespmem:s2+$0x4DB0]  }
.Ltmp29:
0x286: {  	v7 =	vld [tilespmem:s2+$0x6DB0];
	(pc) =	sbr.rel @!p2 .LBB2_52-.Ltmp29, $4  }
0x287: {  	v3 =	vld [tilespmem:s2+$0x4D80]  }
0x288: {  	v6 =	vld [tilespmem:s2+$0x6D80]  }
0x289: {  	v2 =	vld [tilespmem:s2+$0x4D90]  }
0x28a: {  	s31 =	simm.s32 $0x10DF0;
	v5 =	vld [tilespmem:s2+$0x6D90]  }
0x28b: {  	s0 =	sand.u32 $0x40, s22;
	s19 =	sand.u32 $0x1C00, s19;
	v9 =	vld [tilespmem:s2+$0x4DA0];
	v7 =	vadd.bf16 v7, v4  }
0x28c: {  	v10 =	vld [tilespmem:s2+$0x6DA0];
	s0 =	sor.u32 s19, s0  }
0x28d: {  	p0 =	por $0x1, $0x1;
	v4 =	vld [tilespmem:s0+$0x4DB0];
	v6 =	vadd.bf16 v6, v3;
	v3 =	vand.u32 $0xFFFF0000, v7  }
.Ltmp30:
0x28e: {  	v8 =	vshll.u32 v7, $0x10;
	v7 =	vld [tilespmem:s0+$0x6DB0];
	[tilespmem:s31+$0x0] =	vst v3;
	(pc) =	sbr.rel @!p0 .LBB2_54-.Ltmp30, $4  }
0x28f: {  	v3 =	vld [tilespmem:s0+$0x4D80];
	[tilespmem:s31+$0xFFFFFFF0] =	vst v8;
	v11 =	vshll.u32 v6, $0x10;
	v5 =	vadd.bf16 v5, v2  }
0x290: {  	v8 =	vand.u32 $0xFFFF0000, v6;
	v6 =	vld [tilespmem:s0+$0x6D80];
	[tilespmem:s31+$0xFFFFFF90] =	vst v11  }
0x291: {  	s2 =	simm.s32 $0x4;
	s20 =	simm.s32 $0x80;
	v2 =	vld [tilespmem:s0+$0x4D90];
	[tilespmem:s31+$0xFFFFFFA0] =	vst v8;
	v9 =	vadd.bf16 v10, v9;
	v11 =	vshll.u32 v5, $0x10  }
0x292: {  	s22 =	simm.s32 $0x400;
	p1 =	por $0x1, $0x1;
	s19 =	simm.s32 $0x10DF0;
	v8 =	vand.u32 $0xFFFF0000, v5;
	v5 =	vld [tilespmem:s0+$0x6D90];
	[tilespmem:s31+$0xFFFFFFB0] =	vst v11  }
.LBB2_55:
0x293: {  	s23 =	sand.u32 $0x40, s20;
	s24 =	sand.u32 $0x1C00, s22;
	v10 =	vld [tilespmem:s0+$0x4DA0];
	v7 =	vadd.bf16 v7, v4;
	[tilespmem:s19+$0xFFFFFFC0] =	vst v8;
	v4 =	vshll.u32 v9, $0x10;
	v8 =	vand.u32 $0xFFFF0000, v9  }
0x294: {  	s2 =	sadd.s32 $0x4, s2;
	v9 =	vld [tilespmem:s0+$0x6DA0];
	s0 =	sor.u32 s24, s23;
	[tilespmem:s19+$0xFFFFFFD0] =	vst v4  }
0x295: {  	p0 =	slt.u32 s2, $0x3C;
	v4 =	vld [tilespmem:s0+$0x4DB0];
	v6 =	vadd.bf16 v6, v3;
	v11 =	vshll.u32 v7, $0x10;
	v3 =	vand.u32 $0xFFFF0000, v7;
	[tilespmem:s19+$0xFFFFFFE0] =	vst v8;
	s19 =	sadd.s32 $0x400, s19  }
.Ltmp31:
0x296: {  	v7 =	vld [tilespmem:s0+$0x6DB0];
	[tilespmem:s19+$0x0] =	vst v3;
	(pc) =	sbr.rel @p0 .LBB2_55-.Ltmp31, $4  }
0x297: {  	v3 =	vld [tilespmem:s0+$0x4D80];
	v8 =	vshll.u32 v6, $0x10;
	v12 =	vand.u32 $0xFFFF0000, v6;
	v5 =	vadd.bf16 v5, v2;
	[tilespmem:s19+$0xFFFFFFF0] =	vst v11  }
0x298: {  	v6 =	vld [tilespmem:s0+$0x6D80];
	[tilespmem:s19+$0xFFFFFF90] =	vst v8  }
0x299: {  	v2 =	vld [tilespmem:s0+$0x4D90];
	[tilespmem:s19+$0xFFFFFFA0] =	vst v12;
	v11 =	vshll.u32 v5, $0x10;
	v8 =	vand.u32 $0xFFFF0000, v5;
	v9 =	vadd.bf16 v9, v10  }
0x29a: {  	s20 =	sadd.s32 $0x40, s20;
	s22 =	sadd.s32 $0x200, s22;
	v5 =	vld [tilespmem:s0+$0x6D90];
	[tilespmem:s19+$0xFFFFFFB0] =	vst v11  }
0x29b: {  	s2 =	smov.u32 s0  }
.LBB2_57:
0x29c: {  	v10 =	vld [tilespmem:s2+$0x4DA0];
	v4 =	vadd.bf16 v7, v4;
	[tilespmem:s19+$0xFFFFFFC0] =	vst @p1 v8;
	v7 =	vshll.u32 @p1 v9, $0x10  }
0x29d: {  	v8 =	vand.u32 @p1 $0xFFFF0000, v9;
	v63 =	vld [tilespmem:s2+$0x6DA0];
	s0 =	sadd.s32 @p1 $0x400, s19;
	[tilespmem:s19+$0xFFFFFFD0] =	vst @p1 v7  }
0x29e: {  	v3 =	vadd.bf16 v6, v3;
	[tilespmem:s19+$0xFFFFFFE0] =	vst @p1 v8;
	s31 =	smov.u32 @p1 s0;
	v6 =	vand.u32 $0xFFFF0000, v4  }
0x29f: {  	v4 =	vshll.u32 v4, $0x10;
	[tilespmem:s31+$0x0] =	vst v6  }
0x2a0: {  	v6 =	vshll.u32 v3, $0x10;
	v2 =	vadd.bf16 v5, v2;
	[tilespmem:s31+$0xFFFFFFF0] =	vst v4  }
0x2a1: {  	v3 =	vand.u32 $0xFFFF0000, v3;
	[tilespmem:s31+$0xFFFFFF90] =	vst v6  }
0x2a2: {  	p1 =	por $0x0, $0x0;
	s0 =	simm.s32 $0x1;
	[tilespmem:s31+$0xFFFFFFA0] =	vst v3;
	v3 =	vshll.u32 v2, $0x10;
	v4 =	vadd.bf16 v63, v10  }
0x2a3: {  	s0 =	simm.s32 @!p1 $0x0;
	v2 =	vand.u32 $0xFFFF0000, v2;
	[tilespmem:s31+$0xFFFFFFB0] =	vst v3  }
0x2a4: {  	s0 =	sshll.u32 s0, $0x6;
	[tilespmem:s31+$0xFFFFFFC0] =	vst v2;
	v2 =	vshll.u32 v4, $0x10  }
0x2a5: {  	p3 =	por $0x1, $0x1;
	s20 =	sadd.s32 $0x0, s0;
	v3 =	vand.u32 $0xFFFF0000, v4;
	[tilespmem:s31+$0xFFFFFFD0] =	vst v2  }
.Ltmp32:
0x2a6: {  	s0 =	sor.u32 $0x230, s20;
	[tilespmem:s31+$0xFFFFFFE0] =	vst v3;
	(pc) =	sbr.rel @!p3 .LBB2_58-.Ltmp32, $4  }
0x2a7: {  	v2 =	vld [tilespmem:s0+$0x4C00]  }
0x2a8: {  	s29 =	sor.u32 $0x200, s20;
	v4 =	vld [tilespmem:s0+$0x6C00]  }
0x2a9: {  	s22 =	simm.s32 $0x10E70;
	v3 =	vld [tilespmem:s29+$0x4C00]  }
0x2aa: {  	p2 =	por !p1, !p1;
	s19 =	sor.u32 $0x220, s20;
	s31 =	sor.u32 $0x210, s20;
	v5 =	vld [tilespmem:s29+$0x6C00]  }
0x2ab: {  	s0 =	simm.s32 $0x1  }
0x2ac: {  	v8 =	vld [tilespmem:s31+$0x4C00];
	s0 =	simm.s32 @!p2 $0x0  }
0x2ad: {  	v10 =	vld [tilespmem:s31+$0x6C00];
	s0 =	sshll.u32 s0, $0x6  }
0x2ae: {  	v6 =	vld [tilespmem:s19+$0x4C00];
	p0 =	por $0x1, $0x1;
	v4 =	vadd.bf16 v4, v2;
	s2 =	sadd.s32 $0x200, s0  }
.Ltmp33:
0x2af: {  	v7 =	vld [tilespmem:s19+$0x6C00];
	s24 =	sor.u32 $0x230, s2;
	(pc) =	sbr.rel @!p0 .LBB2_60-.Ltmp33, $4  }
0x2b0: {  	v5 =	vadd.bf16 v5, v3;
	v3 =	vand.u32 $0xFFFF0000, v4;
	v2 =	vld [tilespmem:s24+$0x4C00]  }
0x2b1: {  	s23 =	simm.s32 $0x200;
	s25 =	sor.u32 $0x200, s2;
	v9 =	vshll.u32 v4, $0x10;
	v4 =	vld [tilespmem:s24+$0x6C00];
	[tilespmem:s22+$0x0] =	vst v3  }
0x2b2: {  	p5 =	por !p2, !p2;
	p4 =	por $0x1, $0x1;
	s0 =	simm.s32 $0x4;
	v3 =	vld [tilespmem:s25+$0x4C00];
	[tilespmem:s22+$0xFFFFFFF0] =	vst v9;
	v11 =	vshll.u32 v5, $0x10  }
0x2b3: {  	s31 =	sor.u32 $0x210, s2;
	s19 =	sor.u32 $0x220, s2;
	s2 =	simm.s32 $0x10E70;
	v8 =	vadd.bf16 v10, v8;
	v9 =	vand.u32 $0xFFFF0000, v5;
	v5 =	vld [tilespmem:s25+$0x6C00];
	[tilespmem:s22+$0xFFFFFF90] =	vst v11  }
.LBB2_61:
0x2b4: {  	s24 =	simm.s32 $0x1  }
0x2b5: {  	s24 =	simm.s32 @!p5 $0x0  }
0x2b6: {  	v10 =	vld [tilespmem:s31+$0x4C00];
	[tilespmem:s2+$0xFFFFFFA0] =	vst v9;
	v9 =	vshll.u32 v8, $0x10;
	v8 =	vand.u32 $0xFFFF0000, v8;
	v7 =	vadd.bf16 v7, v6;
	s23 =	sadd.s32 $0x200, s23;
	s24 =	sshll.u32 s24, $0x6  }
0x2b7: {  	s0 =	sadd.s32 $0x4, s0;
	v11 =	vld [tilespmem:s31+$0x6C00];
	[tilespmem:s2+$0xFFFFFFB0] =	vst v9;
	s24 =	sadd.s32 s24, s23  }
0x2b8: {  	p0 =	slt.u32 s0, $0x3C;
	v4 =	vadd.bf16 v4, v2;
	v2 =	vshll.u32 v7, $0x10;
	v6 =	vld [tilespmem:s19+$0x4C00];
	[tilespmem:s2+$0xFFFFFFC0] =	vst v8;
	v8 =	vand.u32 $0xFFFF0000, v7;
	s25 =	sor.u32 $0x200, s24  }
.Ltmp34:
0x2b9: {  	s31 =	sor.u32 $0x210, s24;
	s28 =	sor.u32 $0x230, s24;
	v7 =	vld [tilespmem:s19+$0x6C00];
	[tilespmem:s2+$0xFFFFFFD0] =	vst v2;
	(pc) =	sbr.rel @p0 .LBB2_61-.Ltmp34, $4  }
0x2ba: {  	s19 =	sor.u32 $0x220, s24;
	v5 =	vadd.bf16 v5, v3;
	v12 =	vshll.u32 v4, $0x10;
	v3 =	vand.u32 $0xFFFF0000, v4;
	v2 =	vld [tilespmem:s28+$0x4C00];
	[tilespmem:s2+$0xFFFFFFE0] =	vst v8;
	s2 =	sadd.s32 $0x400, s2  }
0x2bb: {  	v4 =	vld [tilespmem:s28+$0x6C00];
	[tilespmem:s2+$0x0] =	vst v3  }
0x2bc: {  	v13 =	vshll.u32 v5, $0x10;
	v9 =	vand.u32 $0xFFFF0000, v5;
	v3 =	vld [tilespmem:s25+$0x4C00];
	v8 =	vadd.bf16 v11, v10;
	[tilespmem:s2+$0xFFFFFFF0] =	vst v12  }
0x2bd: {  	p5 =	por !p5, !p5;
	v5 =	vld [tilespmem:s25+$0x6C00];
	[tilespmem:s2+$0xFFFFFF90] =	vst v13  }
.LBB2_62:
0x2be: {  	v10 =	vld [tilespmem:s31+$0x4C00];
	[tilespmem:s2+$0xFFFFFFA0] =	vst @p4 v9;
	v9 =	vshll.u32 @p4 v8, $0x10;
	v6 =	vadd.bf16 @p4 v7, v6  }
0x2bf: {  	v7 =	vand.u32 @p4 $0xFFFF0000, v8;
	v62 =	vld [tilespmem:s31+$0x6C00];
	[tilespmem:s2+$0xFFFFFFB0] =	vst @p4 v9  }
0x2c0: {  	v63 =	vld [tilespmem:s19+$0x4C00];
	[tilespmem:s2+$0xFFFFFFC0] =	vst @p4 v7;
	v2 =	vadd.bf16 v4, v2;
	v4 =	vshll.u32 @p4 v6, $0x10  }
0x2c1: {  	s0 =	sadd.s32 @p4 $0x400, s2;
	v7 =	vld [tilespmem:s19+$0x6C00];
	v6 =	vand.u32 @p4 $0xFFFF0000, v6;
	[tilespmem:s2+$0xFFFFFFD0] =	vst @p4 v4  }
0x2c2: {  	s22 =	smov.u32 @p4 s0;
	[tilespmem:s2+$0xFFFFFFE0] =	vst @p4 v6;
	v3 =	vadd.bf16 v5, v3;
	v4 =	vand.u32 $0xFFFF0000, v2  }
0x2c3: {  	v2 =	vshll.u32 v2, $0x10;
	[tilespmem:s22+$0x0] =	vst v4  }
0x2c4: {  	v5 =	vadd.bf16 v62, v10;
	[tilespmem:s22+$0xFFFFFFF0] =	vst v2;
	v4 =	vshll.u32 v3, $0x10  }
0x2c5: {  	v2 =	vand.u32 $0xFFFF0000, v3;
	[tilespmem:s22+$0xFFFFFF90] =	vst v4  }
0x2c6: {  	v3 =	vadd.bf16 v7, v63;
	[tilespmem:s22+$0xFFFFFFA0] =	vst v2;
	v2 =	vshll.u32 v5, $0x10  }
0x2c7: {  	v4 =	vand.u32 $0xFFFF0000, v5;
	[tilespmem:s22+$0xFFFFFFB0] =	vst v2  }
0x2c8: {  	[tilespmem:s22+$0xFFFFFFC0] =	vst v4;
	v2 =	vshll.u32 v3, $0x10  }
0x2c9: {  	v3 =	vand.u32 $0xFFFF0000, v3;
	[tilespmem:s22+$0xFFFFFFD0] =	vst v2  }
.Ltmp35:
0x2ca: {  	s29 =	sor.u32 $0x2B0, s20;
	[tilespmem:s22+$0xFFFFFFE0] =	vst v3;
	(pc) =	sbr.rel @!p3 .LBB2_63-.Ltmp35, $4  }
0x2cb: {  	v2 =	vld [tilespmem:s29+$0x4C00]  }
0x2cc: {  	s31 =	sor.u32 $0x280, s20;
	v4 =	vld [tilespmem:s29+$0x6C00]  }
0x2cd: {  	v3 =	vld [tilespmem:s31+$0x4C00]  }
0x2ce: {  	s0 =	sor.u32 $0x290, s20;
	s19 =	sor.u32 $0x2A0, s20;
	s22 =	simm.s32 $0x10EF0;
	v5 =	vld [tilespmem:s31+$0x6C00]  }
0x2cf: {  	s2 =	simm.s32 $0x1  }
0x2d0: {  	v8 =	vld [tilespmem:s0+$0x4C00];
	s2 =	simm.s32 @!p2 $0x0  }
0x2d1: {  	v10 =	vld [tilespmem:s0+$0x6C00];
	s2 =	sshll.u32 s2, $0x6  }
0x2d2: {  	v6 =	vld [tilespmem:s19+$0x4C00];
	p0 =	por $0x1, $0x1;
	v4 =	vadd.bf16 v4, v2;
	s2 =	sadd.s32 $0x200, s2  }
.Ltmp36:
0x2d3: {  	v7 =	vld [tilespmem:s19+$0x6C00];
	s31 =	sor.u32 $0x2B0, s2;
	(pc) =	sbr.rel @!p0 .LBB2_65-.Ltmp36, $4  }
0x2d4: {  	v5 =	vadd.bf16 v5, v3;
	v3 =	vand.u32 $0xFFFF0000, v4;
	v2 =	vld [tilespmem:s31+$0x4C00]  }
0x2d5: {  	s20 =	simm.s32 $0x4;
	s24 =	sor.u32 $0x280, s2;
	v9 =	vshll.u32 v4, $0x10;
	v4 =	vld [tilespmem:s31+$0x6C00];
	[tilespmem:s22+$0x0] =	vst v3  }
0x2d6: {  	s23 =	simm.s32 $0x200;
	p1 =	por $0x1, $0x1;
	p2 =	por !p2, !p2;
	v3 =	vld [tilespmem:s24+$0x4C00];
	[tilespmem:s22+$0xFFFFFFF0] =	vst v9;
	v11 =	vshll.u32 v5, $0x10  }
0x2d7: {  	s0 =	sor.u32 $0x290, s2;
	s19 =	sor.u32 $0x2A0, s2;
	s2 =	simm.s32 $0x10EF0;
	v8 =	vadd.bf16 v10, v8;
	v9 =	vand.u32 $0xFFFF0000, v5;
	v5 =	vld [tilespmem:s24+$0x6C00];
	[tilespmem:s22+$0xFFFFFF90] =	vst v11  }
.LBB2_66:
0x2d8: {  	s24 =	simm.s32 $0x1  }
0x2d9: {  	s24 =	simm.s32 @!p2 $0x0  }
0x2da: {  	v10 =	vld [tilespmem:s0+$0x4C00];
	[tilespmem:s2+$0xFFFFFFA0] =	vst v9;
	v9 =	vshll.u32 v8, $0x10;
	v8 =	vand.u32 $0xFFFF0000, v8;
	v7 =	vadd.bf16 v7, v6;
	s23 =	sadd.s32 $0x200, s23;
	s24 =	sshll.u32 s24, $0x6  }
0x2db: {  	s20 =	sadd.s32 $0x4, s20;
	v11 =	vld [tilespmem:s0+$0x6C00];
	[tilespmem:s2+$0xFFFFFFB0] =	vst v9;
	s24 =	sadd.s32 s24, s23  }
0x2dc: {  	p0 =	slt.u32 s20, $0x3C;
	v4 =	vadd.bf16 v4, v2;
	v2 =	vshll.u32 v7, $0x10;
	v6 =	vld [tilespmem:s19+$0x4C00];
	[tilespmem:s2+$0xFFFFFFC0] =	vst v8;
	v8 =	vand.u32 $0xFFFF0000, v7;
	s25 =	sor.u32 $0x280, s24  }
.Ltmp37:
0x2dd: {  	s0 =	sor.u32 $0x290, s24;
	s28 =	sor.u32 $0x2B0, s24;
	v7 =	vld [tilespmem:s19+$0x6C00];
	[tilespmem:s2+$0xFFFFFFD0] =	vst v2;
	(pc) =	sbr.rel @p0 .LBB2_66-.Ltmp37, $4  }
0x2de: {  	s19 =	sor.u32 $0x2A0, s24;
	v5 =	vadd.bf16 v5, v3;
	v12 =	vshll.u32 v4, $0x10;
	v3 =	vand.u32 $0xFFFF0000, v4;
	v2 =	vld [tilespmem:s28+$0x4C00];
	[tilespmem:s2+$0xFFFFFFE0] =	vst v8;
	s2 =	sadd.s32 $0x400, s2  }
0x2df: {  	v4 =	vld [tilespmem:s28+$0x6C00];
	[tilespmem:s2+$0x0] =	vst v3  }
0x2e0: {  	v13 =	vshll.u32 v5, $0x10;
	v9 =	vand.u32 $0xFFFF0000, v5;
	v3 =	vld [tilespmem:s25+$0x4C00];
	v8 =	vadd.bf16 v11, v10;
	[tilespmem:s2+$0xFFFFFFF0] =	vst v12  }
0x2e1: {  	p2 =	por !p2, !p2;
	v5 =	vld [tilespmem:s25+$0x6C00];
	[tilespmem:s2+$0xFFFFFF90] =	vst v13  }
.LBB2_67:
0x2e2: {  	v10 =	vld [tilespmem:s0+$0x4C00];
	[tilespmem:s2+$0xFFFFFFA0] =	vst @p1 v9;
	v9 =	vshll.u32 @p1 v8, $0x10;
	v6 =	vadd.bf16 @p1 v7, v6  }
0x2e3: {  	v7 =	vand.u32 @p1 $0xFFFF0000, v8;
	v62 =	vld [tilespmem:s0+$0x6C00];
	[tilespmem:s2+$0xFFFFFFB0] =	vst @p1 v9  }
0x2e4: {  	v63 =	vld [tilespmem:s19+$0x4C00];
	[tilespmem:s2+$0xFFFFFFC0] =	vst @p1 v7;
	v2 =	vadd.bf16 v4, v2;
	v4 =	vshll.u32 @p1 v6, $0x10  }
0x2e5: {  	s0 =	sadd.s32 @p1 $0x400, s2;
	v7 =	vld [tilespmem:s19+$0x6C00];
	v6 =	vand.u32 @p1 $0xFFFF0000, v6;
	[tilespmem:s2+$0xFFFFFFD0] =	vst @p1 v4  }
0x2e6: {  	s22 =	smov.u32 @p1 s0;
	[tilespmem:s2+$0xFFFFFFE0] =	vst @p1 v6;
	v3 =	vadd.bf16 v5, v3;
	v4 =	vand.u32 $0xFFFF0000, v2  }
0x2e7: {  	v2 =	vshll.u32 v2, $0x10;
	[tilespmem:s22+$0x0] =	vst v4  }
0x2e8: {  	v5 =	vadd.bf16 v62, v10;
	[tilespmem:s22+$0xFFFFFFF0] =	vst v2;
	v4 =	vshll.u32 v3, $0x10  }
0x2e9: {  	v2 =	vand.u32 $0xFFFF0000, v3;
	[tilespmem:s22+$0xFFFFFF90] =	vst v4  }
0x2ea: {  	s0 =	simm.s32 $0x1;
	p1 =	por $0x0, $0x0;
	v3 =	vadd.bf16 v7, v63;
	[tilespmem:s22+$0xFFFFFFA0] =	vst v2;
	v2 =	vshll.u32 v5, $0x10  }
0x2eb: {  	s0 =	simm.s32 @!p1 $0x0;
	v4 =	vand.u32 $0xFFFF0000, v5;
	[tilespmem:s22+$0xFFFFFFB0] =	vst v2  }
0x2ec: {  	s0 =	sshll.u32 s0, $0x6;
	[tilespmem:s22+$0xFFFFFFC0] =	vst v4;
	v2 =	vshll.u32 v3, $0x10  }
0x2ed: {  	p2 =	por $0x1, $0x1;
	s0 =	sadd.s32 $0x0, s0;
	v3 =	vand.u32 $0xFFFF0000, v3;
	[tilespmem:s22+$0xFFFFFFD0] =	vst v2  }
.Ltmp38:
0x2ee: {  	s29 =	sor.u32 $0x330, s0;
	[tilespmem:s22+$0xFFFFFFE0] =	vst v3;
	(pc) =	sbr.rel @!p2 .LBB2_68-.Ltmp38, $4  }
0x2ef: {  	v2 =	vld [tilespmem:s29+$0x4C00]  }
0x2f0: {  	s23 =	sor.u32 $0x300, s0;
	v4 =	vld [tilespmem:s29+$0x6C00]  }
0x2f1: {  	s20 =	simm.s32 $0x10F70;
	p0 =	por !p1, !p1;
	v3 =	vld [tilespmem:s23+$0x4C00]  }
0x2f2: {  	s31 =	sor.u32 $0x310, s0;
	s19 =	sor.u32 $0x320, s0;
	s22 =	simm.s32 $0x0;
	v5 =	vld [tilespmem:s23+$0x6C00]  }
0x2f3: {  	s0 =	simm.s32 $0x1  }
0x2f4: {  	v8 =	vld [tilespmem:s31+$0x4C00];
	s0 =	simm.s32 @!p0 $0x0  }
0x2f5: {  	v10 =	vld [tilespmem:s31+$0x6C00];
	s0 =	sshll.u32 s0, $0x6  }
0x2f6: {  	v6 =	vld [tilespmem:s19+$0x4C00];
	p5 =	por $0x1, $0x1;
	v4 =	vadd.bf16 v4, v2;
	s2 =	sadd.s32 $0x200, s0  }
.Ltmp39:
0x2f7: {  	v7 =	vld [tilespmem:s19+$0x6C00];
	s24 =	sor.u32 $0x330, s2;
	(pc) =	sbr.rel @!p5 .LBB2_70-.Ltmp39, $4  }
0x2f8: {  	v5 =	vadd.bf16 v5, v3;
	v3 =	vand.u32 $0xFFFF0000, v4;
	v2 =	vld [tilespmem:s24+$0x4C00]  }
0x2f9: {  	s23 =	simm.s32 $0x200;
	s25 =	sor.u32 $0x300, s2;
	v9 =	vshll.u32 v4, $0x10;
	v4 =	vld [tilespmem:s24+$0x6C00];
	[tilespmem:s20+$0x0] =	vst v3  }
0x2fa: {  	p4 =	por !p0, !p0;
	p3 =	por $0x1, $0x1;
	s0 =	simm.s32 $0x4;
	v3 =	vld [tilespmem:s25+$0x4C00];
	[tilespmem:s20+$0xFFFFFFF0] =	vst v9;
	v11 =	vshll.u32 v5, $0x10  }
0x2fb: {  	s31 =	sor.u32 $0x310, s2;
	s19 =	sor.u32 $0x320, s2;
	s2 =	simm.s32 $0x10F70;
	v8 =	vadd.bf16 v10, v8;
	v9 =	vand.u32 $0xFFFF0000, v5;
	v5 =	vld [tilespmem:s25+$0x6C00];
	[tilespmem:s20+$0xFFFFFF90] =	vst v11  }
.LBB2_71:
0x2fc: {  	s24 =	simm.s32 $0x1  }
0x2fd: {  	s24 =	simm.s32 @!p4 $0x0  }
0x2fe: {  	v10 =	vld [tilespmem:s31+$0x4C00];
	[tilespmem:s2+$0xFFFFFFA0] =	vst v9;
	v9 =	vshll.u32 v8, $0x10;
	v8 =	vand.u32 $0xFFFF0000, v8;
	v7 =	vadd.bf16 v7, v6;
	s23 =	sadd.s32 $0x200, s23;
	s24 =	sshll.u32 s24, $0x6  }
0x2ff: {  	s0 =	sadd.s32 $0x4, s0;
	v11 =	vld [tilespmem:s31+$0x6C00];
	[tilespmem:s2+$0xFFFFFFB0] =	vst v9;
	s24 =	sadd.s32 s24, s23  }
0x300: {  	p0 =	slt.u32 s0, $0x3C;
	v4 =	vadd.bf16 v4, v2;
	v2 =	vshll.u32 v7, $0x10;
	v6 =	vld [tilespmem:s19+$0x4C00];
	[tilespmem:s2+$0xFFFFFFC0] =	vst v8;
	v8 =	vand.u32 $0xFFFF0000, v7;
	s25 =	sor.u32 $0x300, s24  }
.Ltmp40:
0x301: {  	s31 =	sor.u32 $0x310, s24;
	s28 =	sor.u32 $0x330, s24;
	v7 =	vld [tilespmem:s19+$0x6C00];
	[tilespmem:s2+$0xFFFFFFD0] =	vst v2;
	(pc) =	sbr.rel @p0 .LBB2_71-.Ltmp40, $4  }
0x302: {  	s19 =	sor.u32 $0x320, s24;
	v5 =	vadd.bf16 v5, v3;
	v12 =	vshll.u32 v4, $0x10;
	v3 =	vand.u32 $0xFFFF0000, v4;
	v2 =	vld [tilespmem:s28+$0x4C00];
	[tilespmem:s2+$0xFFFFFFE0] =	vst v8;
	s2 =	sadd.s32 $0x400, s2  }
0x303: {  	v4 =	vld [tilespmem:s28+$0x6C00];
	[tilespmem:s2+$0x0] =	vst v3  }
0x304: {  	v13 =	vshll.u32 v5, $0x10;
	v9 =	vand.u32 $0xFFFF0000, v5;
	v3 =	vld [tilespmem:s25+$0x4C00];
	v8 =	vadd.bf16 v11, v10;
	[tilespmem:s2+$0xFFFFFFF0] =	vst v12  }
0x305: {  	p4 =	por !p4, !p4;
	v5 =	vld [tilespmem:s25+$0x6C00];
	[tilespmem:s2+$0xFFFFFF90] =	vst v13  }
.LBB2_72:
0x306: {  	v10 =	vld [tilespmem:s31+$0x4C00];
	[tilespmem:s2+$0xFFFFFFA0] =	vst @p3 v9;
	v9 =	vshll.u32 @p3 v8, $0x10;
	v6 =	vadd.bf16 @p3 v7, v6  }
0x307: {  	v7 =	vand.u32 @p3 $0xFFFF0000, v8;
	v8 =	vld [tilespmem:s31+$0x6C00];
	[tilespmem:s2+$0xFFFFFFB0] =	vst @p3 v9  }
0x308: {  	v63 =	vld [tilespmem:s19+$0x4C00];
	[tilespmem:s2+$0xFFFFFFC0] =	vst @p3 v7;
	v2 =	vadd.bf16 v4, v2;
	v4 =	vshll.u32 @p3 v6, $0x10  }
0x309: {  	s0 =	sadd.s32 @p3 $0x400, s2;
	v7 =	vld [tilespmem:s19+$0x6C00];
	v6 =	vand.u32 @p3 $0xFFFF0000, v6;
	[tilespmem:s2+$0xFFFFFFD0] =	vst @p3 v4  }
0x30a: {  	s20 =	smov.u32 @p3 s0;
	[tilespmem:s2+$0xFFFFFFE0] =	vst @p3 v6;
	v3 =	vadd.bf16 v5, v3;
	v4 =	vand.u32 $0xFFFF0000, v2  }
0x30b: {  	v2 =	vshll.u32 v2, $0x10;
	[tilespmem:s20+$0x0] =	vst v4  }
0x30c: {  	v5 =	vadd.bf16 v8, v10;
	[tilespmem:s20+$0xFFFFFFF0] =	vst v2;
	v4 =	vshll.u32 v3, $0x10  }
0x30d: {  	v2 =	vand.u32 $0xFFFF0000, v3;
	[tilespmem:s20+$0xFFFFFF90] =	vst v4  }
0x30e: {  	v3 =	vadd.bf16 v7, v63;
	[tilespmem:s20+$0xFFFFFFA0] =	vst v2;
	v2 =	vshll.u32 v5, $0x10  }
0x30f: {  	v4 =	vand.u32 $0xFFFF0000, v5;
	[tilespmem:s20+$0xFFFFFFB0] =	vst v2  }
0x310: {  	[tilespmem:s20+$0xFFFFFFC0] =	vst v4;
	v2 =	vshll.u32 v3, $0x10  }
0x311: {  	s28 =	sor.u32 s22, s22;
	v3 =	vand.u32 $0xFFFF0000, v3;
	[tilespmem:s20+$0xFFFFFFD0] =	vst v2  }
0x312: {  	s23 =	sor.u32 $0x3B0, s28;
	[tilespmem:s20+$0xFFFFFFE0] =	vst v3  }
0x313: {  	s29 =	sor.u32 $0x3A0, s28;
	v7 =	vld [tilespmem:s23+$0x4C00]  }
.Ltmp41:
0x314: {  	v13 =	vld [tilespmem:s29+$0x6C00];
	(pc) =	sbr.rel @!p2 .LBB2_73-.Ltmp41, $4  }
0x315: {  	s31 =	sor.u32 $0x380, s28;
	v14 =	vld [tilespmem:s29+$0x4C00]  }
0x316: {  	v2 =	vld [tilespmem:s31+$0x6C00]  }
0x317: {  	s22 =	sor.u32 $0x390, s28;
	v4 =	vld [tilespmem:s31+$0x4C00]  }
0x318: {  	s0 =	simm.s32 $0x40;
	s2 =	simm.s32 $0x200;
	s20 =	simm.s32 $0x10FF0;
	v3 =	vld [tilespmem:s22+$0x6C00]  }
0x319: {  	s0 =	sor.u32 s2, s0;
	v8 =	vld [tilespmem:s22+$0x4C00]  }
0x31a: {  	v15 =	vld [tilespmem:s23+$0x6C00];
	s2 =	sor.u32 $0x3B0, s0  }
0x31b: {  	p0 =	por $0x1, $0x1;
	s19 =	sor.u32 $0x3A0, s0;
	v5 =	vld [tilespmem:s2+$0x4C00]  }
.Ltmp42:
0x31c: {  	v9 =	vld [tilespmem:s19+$0x6C00];
	v4 =	vadd.bf16 v2, v4;
	(pc) =	sbr.rel @!p0 .LBB2_75-.Ltmp42, $4  }
0x31d: {  	s29 =	sor.u32 $0x380, s0;
	v6 =	vld [tilespmem:s19+$0x4C00]  }
0x31e: {  	s31 =	simm.s32 $0x4;
	v10 =	vadd.bf16 v13, v14;
	v2 =	vld [tilespmem:s29+$0x6C00];
	v11 =	vshll.u32 v4, $0x10;
	v12 =	vadd.bf16 v3, v8  }
0x31f: {  	s23 =	simm.s32 $0x80;
	s24 =	simm.s32 $0x400;
	s22 =	sor.u32 $0x390, s0;
	v13 =	vand.u32 $0xFFFF0000, v4;
	v4 =	vld [tilespmem:s29+$0x4C00];
	v8 =	vadd.bf16 v15, v7;
	[tilespmem:s20+$0xFFFFFF90] =	vst v11  }
0x320: {  	p1 =	por $0x1, $0x1;
	s0 =	simm.s32 $0x10FF0;
	s19 =	simm.s32 $0x10FF0;
	v3 =	vld [tilespmem:s22+$0x6C00];
	v11 =	vshll.u32 v10, $0x10;
	v10 =	vand.u32 $0xFFFF0000, v10;
	[tilespmem:s20+$0xFFFFFFA0] =	vst v13;
	v15 =	vshll.u32 v12, $0x10  }
.LBB2_76:
0x321: {  	s25 =	sor.u32 s24, s23;
	s31 =	sadd.s32 $0x4, s31;
	v7 =	vld [tilespmem:s22+$0x4C00];
	v12 =	vand.u32 $0xFFFF0000, v12;
	[tilespmem:s19+$0xFFFFFFB0] =	vst v15;
	s0 =	sadd.s32 $0x400, s0;
	v13 =	vmov v9  }
0x322: {  	v15 =	vshll.u32 v8, $0x10;
	s28 =	sor.u32 $0x380, s25;
	s29 =	sor.u32 $0x3A0, s25;
	v14 =	vld [tilespmem:s2+$0x6C00];
	s2 =	sor.u32 $0x3B0, s25;
	[tilespmem:s19+$0xFFFFFFC0] =	vst v12  }
0x323: {  	p0 =	slt.u32 s31, $0x3C;
	v16 =	vld [tilespmem:s2+$0x4C00];
	[tilespmem:s19+$0xFFFFFFD0] =	vst v11  }
.Ltmp43:
0x324: {  	s22 =	sor.u32 $0x390, s25;
	v9 =	vld [tilespmem:s29+$0x6C00];
	v4 =	vadd.bf16 v2, v4;
	[tilespmem:s19+$0xFFFFFFE0] =	vst v10;
	v2 =	vand.u32 $0xFFFF0000, v8;
	(pc) =	sbr.rel @p0 .LBB2_76-.Ltmp43, $4  }
0x325: {  	v8 =	vadd.bf16 v13, v6;
	v6 =	vld [tilespmem:s29+$0x4C00];
	[tilespmem:s19+$0x0] =	vst v2  }
0x326: {  	v2 =	vld [tilespmem:s28+$0x6C00];
	v10 =	vshll.u32 v4, $0x10;
	v13 =	vand.u32 $0xFFFF0000, v4;
	v12 =	vadd.bf16 v3, v7;
	[tilespmem:s19+$0xFFFFFFF0] =	vst v15;
	s19 =	smov.u32 s0  }
0x327: {  	v11 =	vshll.u32 v8, $0x10;
	v4 =	vld [tilespmem:s28+$0x4C00];
	[tilespmem:s0+$0xFFFFFF90] =	vst v10;
	v10 =	vand.u32 $0xFFFF0000, v8;
	v8 =	vadd.bf16 v14, v5  }
0x328: {  	s23 =	sadd.s32 $0x40, s23;
	s24 =	sadd.s32 $0x200, s24;
	v3 =	vld [tilespmem:s22+$0x6C00];
	[tilespmem:s0+$0xFFFFFFA0] =	vst v13;
	v15 =	vshll.u32 v12, $0x10;
	v5 =	vmov v16  }
0x329: {  	_ = 	snop  }
0x32a: {  	v13 =	vmov v9;
	s23 =	smov.u32 s2;
	v7 =	vmov v5;
	v14 =	vmov v6  }
.LBB2_78:
0x32b: {  	v5 =	vld [tilespmem:s22+$0x4C00];
	[tilespmem:s19+$0xFFFFFFB0] =	vst @p1 v15  }
0x32c: {  	[tilespmem:s19+$0xFFFFFFD0] =	vst @p1 v11  }
0x32d: {  	v6 =	vand.u32 @p1 $0xFFFF0000, v12;
	[tilespmem:s19+$0xFFFFFFE0] =	vst @p1 v10  }
0x32e: {  	[tilespmem:s19+$0xFFFFFFC0] =	vst @p1 v6;
	v2 =	vadd.bf16 v2, v4;
	v4 =	vand.u32 @p1 $0xFFFF0000, v8  }
0x32f: {  	s0 =	sadd.s32 @p1 $0x400, s0;
	v6 =	vld [tilespmem:s23+$0x6C00];
	v8 =	vshll.u32 @p1 v8, $0x10;
	[tilespmem:s19+$0x0] =	vst @p1 v4  }
0x330: {  	s20 =	smov.u32 @p1 s0;
	[tilespmem:s19+$0xFFFFFFF0] =	vst @p1 v8;
	v4 =	vshll.u32 v2, $0x10;
	v3 =	vadd.bf16 v3, v5  }
0x331: {  	v2 =	vand.u32 $0xFFFF0000, v2;
	[tilespmem:s20+$0xFFFFFF90] =	vst v4  }
0x332: {  	v4 =	vadd.bf16 v13, v14;
	[tilespmem:s20+$0xFFFFFFA0] =	vst v2;
	v2 =	vshll.u32 v3, $0x10  }
0x333: {  	v3 =	vand.u32 $0xFFFF0000, v3;
	[tilespmem:s20+$0xFFFFFFB0] =	vst v2  }
0x334: {  	v5 =	vadd.bf16 v6, v7;
	v2 =	vshll.u32 v4, $0x10;
	[tilespmem:s20+$0xFFFFFFC0] =	vst v3  }
0x335: {  	v3 =	vand.u32 $0xFFFF0000, v4;
	[tilespmem:s20+$0xFFFFFFD0] =	vst v2  }
0x336: {  	s24 =	sadd.s32 s26, s17;
	[tilespmem:s20+$0xFFFFFFE0] =	vst v3;
	v2 =	vand.u32 $0xFFFF0000, v5  }
0x337: {  	s0 =	sshll.u32 s24, $0xB;
	v3 =	vshll.u32 v5, $0x10;
	[tilespmem:s20+$0x0] =	vst v2  }
0x338: {  	s2 =	simm.s32 $0x10C00;
	s0 =	sadd.s32 s4, s0;
	p1 =	sgt.u32 s10, $0x13;
	[tilespmem:s20+$0xFFFFFFF0] =	vst v3  }
0x339: {  	[hbm4b:s0+s6] =	stream.linear.scatter [tilespmem:s2], [sflag:$0x5], $0x4000, $0x38;
	[tilespmem:$0x18C00] =	vst v63  }
0x33a: {  	v2 =	vld.msk @!p1 [tilespmem:s8+$0x820], $0xff;
	_ =	sdelay $0x4  }
0x33b: {  	v3 =	vshll.u32 @!p1 v2, $0x3  }
0x33c: {  	v4 =	vlaneseq.u32 @!p1;
	v2 =	vand.u32 @!p1 $0x7, v2;
	v3 =	vand.u32 @!p1 $0xFFFFFFC0, v3  }
0x33d: {  	v2 =	vor.u32 @!p1 v2, v3;
	v3 =	vand.u32 @!p1 $0x7, v4;
	v4 =	vshrl.u32 @!p1 v4, $0x3  }
0x33e: {  	v2 =	vperm.xlane @!p1 v2, v3;
	v4 =	vmul.u32 @!p1 $0x8, v4;
	_ =	sdelay $0x1  }
0x33f: {  	v2 =	vadd.s32 @!p1 v4, v2;
	_ =	sdelay $0x3  }
0x340: {  	vm1 =	vmmov @!p1 $0xffff;
	s0 =	simm.s32 @!p1 $0x0;
	s2 =	simm.s32 @!p1 $0x4C00  }
0x341: {  	[tilespmem:s2], [sflag:$0x2] =	stream.indirect_vreg.gather @!p1 [hbm4b:s1+s0], $0x80, v2, vm1, $0xb8;
	[tilespmem:$0x18C00] =	vst v63  }
0x342: {  	s2 =	simm.s32 @!p1 $0x5400  }
0x343: {  	[tilespmem:s2], [sflag:$0x2] =	stream.indirect_vreg.gather @!p1 [hbm4b:s11+s0], $0x80, v2, vm1, $0xb8;
	[tilespmem:$0x18C00] =	vst v63  }
0x344: {  	s2 =	simm.s32 @!p1 $0x5C00  }
0x345: {  	[tilespmem:s2], [sflag:$0x2] =	stream.indirect_vreg.gather @!p1 [hbm4b:s12+s0], $0x80, v2, vm1, $0xb8;
	[tilespmem:$0x18C00] =	vst v63  }
0x346: {  	s2 =	simm.s32 @!p1 $0x6400  }
0x347: {  	[tilespmem:s2], [sflag:$0x2] =	stream.indirect_vreg.gather @!p1 [hbm4b:s13+s0], $0x80, v2, vm1, $0xb8;
	[tilespmem:$0x18C00] =	vst v63  }
0x348: {  	v2 =	vld.msk @!p1 [tilespmem:s8+$0xA20], $0xff;
	_ =	sdelay $0x4  }
0x349: {  	v5 =	vshll.u32 @!p1 v2, $0x3  }
0x34a: {  	v2 =	vand.u32 @!p1 $0x7, v2;
	v5 =	vand.u32 @!p1 $0xFFFFFFC0, v5  }
0x34b: {  	v2 =	vor.u32 @!p1 v2, v5  }
0x34c: {  	v2 =	vperm.xlane @!p1 v2, v3;
	_ =	sdelay $0x1  }
0x34d: {  	v2 =	vadd.s32 @!p1 v4, v2;
	_ =	sdelay $0x3  }
0x34e: {  	s2 =	simm.s32 @!p1 $0x6C00  }
0x34f: {  	[tilespmem:s2], [sflag:$0x2] =	stream.indirect_vreg.gather @!p1 [hbm4b:s3+s0], $0x80, v2, vm1, $0xb8;
	[tilespmem:$0x18C00] =	vst v63  }
0x350: {  	s2 =	simm.s32 @!p1 $0x7400  }
0x351: {  	[tilespmem:s2], [sflag:$0x2] =	stream.indirect_vreg.gather @!p1 [hbm4b:s14+s0], $0x80, v2, vm1, $0xb8;
	[tilespmem:$0x18C00] =	vst v63  }
0x352: {  	s2 =	simm.s32 @!p1 $0x7C00  }
0x353: {  	[tilespmem:s2], [sflag:$0x2] =	stream.indirect_vreg.gather @!p1 [hbm4b:s15+s0], $0x80, v2, vm1, $0xb8;
	[tilespmem:$0x18C00] =	vst v63  }
0x354: {  	s2 =	simm.s32 @!p1 $0x8400  }
0x355: {  	[tilespmem:s2], [sflag:$0x2] =	stream.indirect_vreg.gather @!p1 [hbm4b:s16+s0], $0x80, v2, vm1, $0xb8;
	[tilespmem:$0x18C00] =	vst v63  }
0x356: {  	_ =	swait.ge [sflag:s21], $0x2000  }
0x357: {  	[sflag:s21] =	ssyncset.done $0x0  }
0x358: {  	[sflag:s21] =	ssyncadd.s32 $0xFFFFE000  }
0x359: {  	_ =	swait.ge [sflag:s21], $0x2000  }
0x35a: {  	s25 =	sld [smem:$0x7FD];
	_ =	sdelay $0x2  }
0x35b: {  	[sflag:s21] =	ssyncset.done $0x0;
	p0 =	seq.s32 s25, $0x1  }
0x35c: {  	[sflag:s21] =	ssyncadd.s32 $0xFFFFE000;
	s0 =	simm.s32 @!p0 $0x6  }
0x35d: {  	s28 =	simm.s32 $0x0;
	_ =	swait.ge @!p0 [sflag:s0], $0x4000  }
0x35e: {  	s19 =	sand.u32 $0x1C00, s28;
	s8 =	sand.u32 $0x40, s28;
	[sflag:s0] =	ssyncset.done @!p0 $0x0  }
0x35f: {  	s2 =	sor.u32 s8, s19;
	[sflag:s0] =	ssyncadd.s32 @!p0 $0xFFFFC000  }
0x360: {  	v2 =	vld [tilespmem:s2+$0x8C30]  }
0x361: {  	v3 =	vld [tilespmem:s2+$0xAC30]  }
0x362: {  	v5 =	vld [tilespmem:s2+$0x8C00]  }
0x363: {  	v6 =	vld [tilespmem:s2+$0xAC00]  }
0x364: {  	v8 =	vld [tilespmem:s2+$0x8C10]  }
0x365: {  	s29 =	simm.s32 $0x40;
	s31 =	simm.s32 $0x200;
	v9 =	vld [tilespmem:s2+$0xAC10]  }
0x366: {  	s22 =	sand.u32 $0x1C00, s31;
	s20 =	sand.u32 $0x40, s29;
	v10 =	vld [tilespmem:s2+$0x8C20];
	v2 =	vadd.bf16 v3, v2  }
0x367: {  	s0 =	sor.u32 s20, s22;
	v11 =	vld [tilespmem:s2+$0xAC20]  }
0x368: {  	s2 =	simm.s32 $0x14C40;
	v4 =	vld [tilespmem:s0+$0x8C30];
	v5 =	vadd.bf16 v6, v5;
	v3 =	vand.u32 $0xFFFF0000, v2  }
0x369: {  	v7 =	vld [tilespmem:s0+$0xAC30];
	v2 =	vshll.u32 v2, $0x10;
	[tilespmem:s2+$0x30] =	vst v3  }
0x36a: {  	v8 =	vadd.bf16 v9, v8;
	v6 =	vld [tilespmem:s0+$0xAC00];
	v62 =	vshll.u32 v5, $0x10;
	[tilespmem:s2+$0x20] =	vst v2  }
0x36b: {  	v5 =	vand.u32 $0xFFFF0000, v5;
	v3 =	vld [tilespmem:s0+$0x8C00];
	[tilespmem:s2+$0xFFFFFFC0] =	vst v62  }
0x36c: {  	v63 =	vshll.u32 v8, $0x10;
	v9 =	vand.u32 $0xFFFF0000, v8;
	v8 =	vadd.bf16 v11, v10;
	v2 =	vld [tilespmem:s0+$0x8C10];
	[tilespmem:s2+$0xFFFFFFD0] =	vst v5  }
0x36d: {  	s23 =	simm.s32 $0x4;
	s24 =	simm.s32 $0x80;
	s25 =	simm.s32 $0x400;
	v5 =	vld [tilespmem:s0+$0xAC10];
	[tilespmem:s2+$0xFFFFFFE0] =	vst v63  }
.LBB2_79:
0x36e: {  	s28 =	sand.u32 $0x40, s24;
	s29 =	sand.u32 $0x1C00, s25;
	v10 =	vld [tilespmem:s0+$0x8C20];
	v7 =	vadd.bf16 v7, v4;
	[tilespmem:s2+$0xFFFFFFF0] =	vst v9;
	v4 =	vshll.u32 v8, $0x10;
	v8 =	vand.u32 $0xFFFF0000, v8  }
0x36f: {  	s23 =	sadd.s32 $0x4, s23;
	v11 =	vld [tilespmem:s0+$0xAC20];
	s0 =	sor.u32 s28, s29;
	[tilespmem:s2+$0x0] =	vst v4  }
0x370: {  	p0 =	slt.u32 s23, $0x3C;
	v4 =	vld [tilespmem:s0+$0x8C30];
	v6 =	vadd.bf16 v6, v3;
	v9 =	vshll.u32 v7, $0x10;
	v3 =	vand.u32 $0xFFFF0000, v7;
	[tilespmem:s2+$0x10] =	vst v8;
	s2 =	sadd.s32 $0x400, s2  }
.Ltmp44:
0x371: {  	v7 =	vld [tilespmem:s0+$0xAC30];
	[tilespmem:s2+$0x30] =	vst v3;
	(pc) =	sbr.rel @p0 .LBB2_79-.Ltmp44, $4  }
0x372: {  	v3 =	vld [tilespmem:s0+$0x8C00];
	v8 =	vshll.u32 v6, $0x10;
	v12 =	vand.u32 $0xFFFF0000, v6;
	v5 =	vadd.bf16 v5, v2;
	[tilespmem:s2+$0x20] =	vst v9  }
0x373: {  	v6 =	vld [tilespmem:s0+$0xAC00];
	[tilespmem:s2+$0xFFFFFFC0] =	vst v8  }
0x374: {  	v2 =	vld [tilespmem:s0+$0x8C10];
	[tilespmem:s2+$0xFFFFFFD0] =	vst v12;
	v12 =	vshll.u32 v5, $0x10;
	v9 =	vand.u32 $0xFFFF0000, v5;
	v8 =	vadd.bf16 v11, v10  }
0x375: {  	s24 =	sadd.s32 $0x40, s24;
	s25 =	sadd.s32 $0x200, s25;
	v5 =	vld [tilespmem:s0+$0xAC10];
	[tilespmem:s2+$0xFFFFFFE0] =	vst v12  }
0x376: {  	v10 =	vld [tilespmem:s0+$0x8C20];
	v4 =	vadd.bf16 v7, v4;
	[tilespmem:s2+$0xFFFFFFF0] =	vst v9;
	v7 =	vshll.u32 v8, $0x10  }
0x377: {  	v8 =	vand.u32 $0xFFFF0000, v8;
	v9 =	vld [tilespmem:s0+$0xAC20];
	[tilespmem:s2+$0x0] =	vst v7  }
0x378: {  	s29 =	sadd.s32 $0x400, s2;
	[tilespmem:s2+$0x10] =	vst v8;
	v3 =	vadd.bf16 v6, v3;
	v6 =	vand.u32 $0xFFFF0000, v4  }
0x379: {  	v4 =	vshll.u32 v4, $0x10;
	[tilespmem:s29+$0x30] =	vst v6  }
0x37a: {  	[tilespmem:s29+$0x20] =	vst v4;
	v6 =	vshll.u32 v3, $0x10;
	v2 =	vadd.bf16 v5, v2  }
0x37b: {  	v3 =	vand.u32 $0xFFFF0000, v3;
	[tilespmem:s29+$0xFFFFFFC0] =	vst v6  }
0x37c: {  	[tilespmem:s29+$0xFFFFFFD0] =	vst v3;
	v4 =	vadd.bf16 v9, v10;
	v3 =	vshll.u32 v2, $0x10  }
0x37d: {  	v2 =	vand.u32 $0xFFFF0000, v2;
	[tilespmem:s29+$0xFFFFFFE0] =	vst v3  }
0x37e: {  	[tilespmem:s29+$0xFFFFFFF0] =	vst v2;
	v2 =	vshll.u32 v4, $0x10  }
0x37f: {  	v3 =	vand.u32 $0xFFFF0000, v4;
	[tilespmem:s29+$0x0] =	vst v2  }
0x380: {  	s31 =	sor.u32 s19, s8;
	[tilespmem:s29+$0x10] =	vst v3  }
0x381: {  	v2 =	vld [tilespmem:s31+$0x8CB0]  }
0x382: {  	v3 =	vld [tilespmem:s31+$0xACB0]  }
0x383: {  	v5 =	vld [tilespmem:s31+$0x8C80]  }
0x384: {  	v6 =	vld [tilespmem:s31+$0xAC80]  }
0x385: {  	v8 =	vld [tilespmem:s31+$0x8C90]  }
0x386: {  	v9 =	vld [tilespmem:s31+$0xAC90]  }
0x387: {  	v10 =	vld [tilespmem:s31+$0x8CA0];
	v2 =	vadd.bf16 v3, v2  }
0x388: {  	s0 =	sor.u32 s22, s20;
	v11 =	vld [tilespmem:s31+$0xACA0]  }
0x389: {  	s2 =	simm.s32 $0x14CF0;
	v4 =	vld [tilespmem:s0+$0x8CB0];
	v5 =	vadd.bf16 v6, v5;
	v3 =	vand.u32 $0xFFFF0000, v2  }
0x38a: {  	v7 =	vld [tilespmem:s0+$0xACB0];
	v2 =	vshll.u32 v2, $0x10;
	[tilespmem:s2+$0x0] =	vst v3  }
0x38b: {  	v8 =	vadd.bf16 v9, v8;
	v6 =	vld [tilespmem:s0+$0xAC80];
	v12 =	vshll.u32 v5, $0x10;
	[tilespmem:s2+$0xFFFFFFF0] =	vst v2  }
0x38c: {  	v5 =	vand.u32 $0xFFFF0000, v5;
	v3 =	vld [tilespmem:s0+$0x8C80];
	[tilespmem:s2+$0xFFFFFF90] =	vst v12  }
0x38d: {  	v63 =	vshll.u32 v8, $0x10;
	v9 =	vand.u32 $0xFFFF0000, v8;
	v8 =	vadd.bf16 v11, v10;
	v2 =	vld [tilespmem:s0+$0x8C90];
	[tilespmem:s2+$0xFFFFFFA0] =	vst v5  }
0x38e: {  	s8 =	simm.s32 $0x4;
	s19 =	simm.s32 $0x80;
	s20 =	simm.s32 $0x400;
	v5 =	vld [tilespmem:s0+$0xAC90];
	[tilespmem:s2+$0xFFFFFFB0] =	vst v63  }
.LBB2_81:
0x38f: {  	s22 =	sand.u32 $0x40, s19;
	s23 =	sand.u32 $0x1C00, s20;
	v10 =	vld [tilespmem:s0+$0x8CA0];
	v7 =	vadd.bf16 v7, v4;
	[tilespmem:s2+$0xFFFFFFC0] =	vst v9;
	v4 =	vshll.u32 v8, $0x10;
	v8 =	vand.u32 $0xFFFF0000, v8  }
0x390: {  	s8 =	sadd.s32 $0x4, s8;
	v11 =	vld [tilespmem:s0+$0xACA0];
	s0 =	sor.u32 s23, s22;
	[tilespmem:s2+$0xFFFFFFD0] =	vst v4  }
0x391: {  	p0 =	slt.u32 s8, $0x3C;
	v4 =	vld [tilespmem:s0+$0x8CB0];
	v6 =	vadd.bf16 v6, v3;
	v9 =	vshll.u32 v7, $0x10;
	v3 =	vand.u32 $0xFFFF0000, v7;
	[tilespmem:s2+$0xFFFFFFE0] =	vst v8;
	s2 =	sadd.s32 $0x400, s2  }
.Ltmp45:
0x392: {  	v7 =	vld [tilespmem:s0+$0xACB0];
	[tilespmem:s2+$0x0] =	vst v3;
	(pc) =	sbr.rel @p0 .LBB2_81-.Ltmp45, $4  }
0x393: {  	v3 =	vld [tilespmem:s0+$0x8C80];
	v8 =	vshll.u32 v6, $0x10;
	v12 =	vand.u32 $0xFFFF0000, v6;
	v5 =	vadd.bf16 v5, v2;
	[tilespmem:s2+$0xFFFFFFF0] =	vst v9  }
0x394: {  	v6 =	vld [tilespmem:s0+$0xAC80];
	[tilespmem:s2+$0xFFFFFF90] =	vst v8  }
0x395: {  	v2 =	vld [tilespmem:s0+$0x8C90];
	[tilespmem:s2+$0xFFFFFFA0] =	vst v12;
	v12 =	vshll.u32 v5, $0x10;
	v9 =	vand.u32 $0xFFFF0000, v5;
	v8 =	vadd.bf16 v11, v10  }
0x396: {  	s19 =	sadd.s32 $0x40, s19;
	s20 =	sadd.s32 $0x200, s20;
	v5 =	vld [tilespmem:s0+$0xAC90];
	[tilespmem:s2+$0xFFFFFFB0] =	vst v12  }
0x397: {  	v10 =	vld [tilespmem:s0+$0x8CA0];
	v4 =	vadd.bf16 v7, v4;
	[tilespmem:s2+$0xFFFFFFC0] =	vst v9;
	v7 =	vshll.u32 v8, $0x10  }
0x398: {  	v8 =	vand.u32 $0xFFFF0000, v8;
	v63 =	vld [tilespmem:s0+$0xACA0];
	[tilespmem:s2+$0xFFFFFFD0] =	vst v7  }
0x399: {  	s29 =	sadd.s32 $0x400, s2;
	[tilespmem:s2+$0xFFFFFFE0] =	vst v8;
	v3 =	vadd.bf16 v6, v3;
	v6 =	vand.u32 $0xFFFF0000, v4  }
0x39a: {  	v4 =	vshll.u32 v4, $0x10;
	[tilespmem:s29+$0x0] =	vst v6  }
0x39b: {  	[tilespmem:s29+$0xFFFFFFF0] =	vst v4;
	v6 =	vshll.u32 v3, $0x10;
	v2 =	vadd.bf16 v5, v2  }
0x39c: {  	v3 =	vand.u32 $0xFFFF0000, v3;
	[tilespmem:s29+$0xFFFFFF90] =	vst v6  }
0x39d: {  	[tilespmem:s29+$0xFFFFFFA0] =	vst v3;
	v4 =	vadd.bf16 v63, v10;
	v3 =	vshll.u32 v2, $0x10  }
0x39e: {  	v2 =	vand.u32 $0xFFFF0000, v2;
	[tilespmem:s29+$0xFFFFFFB0] =	vst v3  }
0x39f: {  	s31 =	simm.s32 $0x0;
	[tilespmem:s29+$0xFFFFFFC0] =	vst v2;
	v2 =	vshll.u32 v4, $0x10  }
0x3a0: {  	s8 =	sand.u32 $0x40, s31;
	s2 =	sand.u32 $0x1C00, s31;
	v3 =	vand.u32 $0xFFFF0000, v4;
	[tilespmem:s29+$0xFFFFFFD0] =	vst v2  }
0x3a1: {  	s8 =	sor.u32 s2, s8;
	[tilespmem:s29+$0xFFFFFFE0] =	vst v3  }
0x3a2: {  	p1 =	por $0x1, $0x1;
	v4 =	vld [tilespmem:s8+$0x8D30]  }
.Ltmp46:
0x3a3: {  	v7 =	vld [tilespmem:s8+$0xAD30];
	(pc) =	sbr.rel @!p1 .LBB2_83-.Ltmp46, $4  }
0x3a4: {  	v3 =	vld [tilespmem:s8+$0x8D00]  }
0x3a5: {  	v6 =	vld [tilespmem:s8+$0xAD00]  }
0x3a6: {  	s22 =	simm.s32 $0x14D70;
	v2 =	vld [tilespmem:s8+$0x8D10]  }
0x3a7: {  	s19 =	simm.s32 $0x40;
	s20 =	simm.s32 $0x200;
	p0 =	por $0x0, $0x0;
	v5 =	vld [tilespmem:s8+$0xAD10]  }
0x3a8: {  	s0 =	sand.u32 $0x40, s19;
	s2 =	sand.u32 $0x1C00, s20;
	v9 =	vld [tilespmem:s8+$0x8D20];
	v7 =	vadd.bf16 v7, v4  }
0x3a9: {  	v10 =	vld [tilespmem:s8+$0xAD20];
	s2 =	sor.u32 s2, s0  }
0x3aa: {  	p3 =	por $0x1, $0x1;
	v4 =	vld [tilespmem:s2+$0x8D30];
	v6 =	vadd.bf16 v6, v3;
	v3 =	vand.u32 $0xFFFF0000, v7  }
.Ltmp47:
0x3ab: {  	v8 =	vshll.u32 v7, $0x10;
	v7 =	vld [tilespmem:s2+$0xAD30];
	[tilespmem:s22+$0x0] =	vst v3;
	(pc) =	sbr.rel @!p3 .LBB2_85-.Ltmp47, $4  }
0x3ac: {  	v3 =	vld [tilespmem:s2+$0x8D00];
	[tilespmem:s22+$0xFFFFFFF0] =	vst v8;
	v11 =	vshll.u32 v6, $0x10;
	v5 =	vadd.bf16 v5, v2  }
0x3ad: {  	v8 =	vand.u32 $0xFFFF0000, v6;
	v6 =	vld [tilespmem:s2+$0xAD00];
	[tilespmem:s22+$0xFFFFFF90] =	vst v11  }
0x3ae: {  	s23 =	simm.s32 $0x4;
	s24 =	simm.s32 $0x80;
	v2 =	vld [tilespmem:s2+$0x8D10];
	[tilespmem:s22+$0xFFFFFFA0] =	vst v8;
	v9 =	vadd.bf16 v10, v9;
	v11 =	vshll.u32 v5, $0x10  }
0x3af: {  	s25 =	simm.s32 $0x400;
	p2 =	por $0x1, $0x1;
	s0 =	simm.s32 $0x14D70;
	v8 =	vand.u32 $0xFFFF0000, v5;
	v5 =	vld [tilespmem:s2+$0xAD10];
	[tilespmem:s22+$0xFFFFFFB0] =	vst v11  }
.LBB2_86:
0x3b0: {  	s28 =	sand.u32 $0x40, s24;
	s29 =	sand.u32 $0x1C00, s25;
	v10 =	vld [tilespmem:s2+$0x8D20];
	v7 =	vadd.bf16 v7, v4;
	[tilespmem:s0+$0xFFFFFFC0] =	vst v8;
	v4 =	vshll.u32 v9, $0x10;
	v8 =	vand.u32 $0xFFFF0000, v9  }
0x3b1: {  	s23 =	sadd.s32 $0x4, s23;
	v9 =	vld [tilespmem:s2+$0xAD20];
	s2 =	sor.u32 s29, s28;
	[tilespmem:s0+$0xFFFFFFD0] =	vst v4  }
0x3b2: {  	p3 =	slt.u32 s23, $0x3C;
	v4 =	vld [tilespmem:s2+$0x8D30];
	v6 =	vadd.bf16 v6, v3;
	v11 =	vshll.u32 v7, $0x10;
	v3 =	vand.u32 $0xFFFF0000, v7;
	[tilespmem:s0+$0xFFFFFFE0] =	vst v8;
	s0 =	sadd.s32 $0x400, s0  }
.Ltmp48:
0x3b3: {  	v7 =	vld [tilespmem:s2+$0xAD30];
	[tilespmem:s0+$0x0] =	vst v3;
	(pc) =	sbr.rel @p3 .LBB2_86-.Ltmp48, $4  }
0x3b4: {  	v3 =	vld [tilespmem:s2+$0x8D00];
	v8 =	vshll.u32 v6, $0x10;
	v12 =	vand.u32 $0xFFFF0000, v6;
	v5 =	vadd.bf16 v5, v2;
	[tilespmem:s0+$0xFFFFFFF0] =	vst v11  }
0x3b5: {  	v6 =	vld [tilespmem:s2+$0xAD00];
	[tilespmem:s0+$0xFFFFFF90] =	vst v8  }
0x3b6: {  	v2 =	vld [tilespmem:s2+$0x8D10];
	[tilespmem:s0+$0xFFFFFFA0] =	vst v12;
	v11 =	vshll.u32 v5, $0x10;
	v8 =	vand.u32 $0xFFFF0000, v5;
	v9 =	vadd.bf16 v9, v10  }
0x3b7: {  	s24 =	sadd.s32 $0x40, s24;
	s25 =	sadd.s32 $0x200, s25;
	v5 =	vld [tilespmem:s2+$0xAD10];
	[tilespmem:s0+$0xFFFFFFB0] =	vst v11  }
.LBB2_87:
0x3b8: {  	v10 =	vld [tilespmem:s2+$0x8D20];
	v4 =	vadd.bf16 v7, v4;
	[tilespmem:s0+$0xFFFFFFC0] =	vst @p2 v8;
	v7 =	vshll.u32 @p2 v9, $0x10  }
0x3b9: {  	v8 =	vand.u32 @p2 $0xFFFF0000, v9;
	v63 =	vld [tilespmem:s2+$0xAD20];
	s2 =	sadd.s32 @p2 $0x400, s0;
	[tilespmem:s0+$0xFFFFFFD0] =	vst @p2 v7  }
0x3ba: {  	[tilespmem:s0+$0xFFFFFFE0] =	vst @p2 v8;
	s22 =	smov.u32 @p2 s2;
	v3 =	vadd.bf16 v6, v3;
	v6 =	vand.u32 $0xFFFF0000, v4  }
0x3bb: {  	v4 =	vshll.u32 v4, $0x10;
	[tilespmem:s22+$0x0] =	vst v6  }
0x3bc: {  	[tilespmem:s22+$0xFFFFFFF0] =	vst v4;
	v6 =	vshll.u32 v3, $0x10;
	v2 =	vadd.bf16 v5, v2  }
0x3bd: {  	v3 =	vand.u32 $0xFFFF0000, v3;
	[tilespmem:s22+$0xFFFFFF90] =	vst v6  }
0x3be: {  	[tilespmem:s22+$0xFFFFFFA0] =	vst v3;
	v4 =	vadd.bf16 v63, v10;
	v3 =	vshll.u32 v2, $0x10  }
0x3bf: {  	v2 =	vand.u32 $0xFFFF0000, v2;
	[tilespmem:s22+$0xFFFFFFB0] =	vst v3  }
0x3c0: {  	[tilespmem:s22+$0xFFFFFFC0] =	vst v2;
	v2 =	vshll.u32 v4, $0x10  }
0x3c1: {  	v3 =	vand.u32 $0xFFFF0000, v4;
	[tilespmem:s22+$0xFFFFFFD0] =	vst v2  }
0x3c2: {  	[tilespmem:s22+$0xFFFFFFE0] =	vst v3  }
0x3c3: {  	v4 =	vld [tilespmem:s8+$0x8DB0]  }
.Ltmp49:
0x3c4: {  	v7 =	vld [tilespmem:s8+$0xADB0];
	(pc) =	sbr.rel @!p1 .LBB2_88-.Ltmp49, $4  }
0x3c5: {  	v3 =	vld [tilespmem:s8+$0x8D80]  }
0x3c6: {  	v6 =	vld [tilespmem:s8+$0xAD80]  }
0x3c7: {  	v2 =	vld [tilespmem:s8+$0x8D90]  }
0x3c8: {  	s22 =	simm.s32 $0x14DF0;
	v5 =	vld [tilespmem:s8+$0xAD90]  }
0x3c9: {  	s0 =	sand.u32 $0x40, s19;
	s2 =	sand.u32 $0x1C00, s20;
	v9 =	vld [tilespmem:s8+$0x8DA0];
	v7 =	vadd.bf16 v7, v4  }
0x3ca: {  	v10 =	vld [tilespmem:s8+$0xADA0];
	s0 =	sor.u32 s2, s0  }
0x3cb: {  	p1 =	por $0x1, $0x1;
	v4 =	vld [tilespmem:s0+$0x8DB0];
	v6 =	vadd.bf16 v6, v3;
	v3 =	vand.u32 $0xFFFF0000, v7  }
.Ltmp50:
0x3cc: {  	v8 =	vshll.u32 v7, $0x10;
	v7 =	vld [tilespmem:s0+$0xADB0];
	[tilespmem:s22+$0x0] =	vst v3;
	(pc) =	sbr.rel @!p1 .LBB2_90-.Ltmp50, $4  }
0x3cd: {  	v3 =	vld [tilespmem:s0+$0x8D80];
	[tilespmem:s22+$0xFFFFFFF0] =	vst v8;
	v11 =	vshll.u32 v6, $0x10;
	v5 =	vadd.bf16 v5, v2  }
0x3ce: {  	v8 =	vand.u32 $0xFFFF0000, v6;
	v6 =	vld [tilespmem:s0+$0xAD80];
	[tilespmem:s22+$0xFFFFFF90] =	vst v11  }
0x3cf: {  	s8 =	simm.s32 $0x4;
	s19 =	simm.s32 $0x80;
	v2 =	vld [tilespmem:s0+$0x8D90];
	[tilespmem:s22+$0xFFFFFFA0] =	vst v8;
	v9 =	vadd.bf16 v10, v9;
	v11 =	vshll.u32 v5, $0x10  }
0x3d0: {  	s20 =	simm.s32 $0x400;
	p0 =	por $0x1, $0x1;
	s2 =	simm.s32 $0x14DF0;
	v8 =	vand.u32 $0xFFFF0000, v5;
	v5 =	vld [tilespmem:s0+$0xAD90];
	[tilespmem:s22+$0xFFFFFFB0] =	vst v11  }
.LBB2_91:
0x3d1: {  	s23 =	sand.u32 $0x40, s19;
	s24 =	sand.u32 $0x1C00, s20;
	v10 =	vld [tilespmem:s0+$0x8DA0];
	v7 =	vadd.bf16 v7, v4;
	[tilespmem:s2+$0xFFFFFFC0] =	vst v8;
	v4 =	vshll.u32 v9, $0x10;
	v8 =	vand.u32 $0xFFFF0000, v9  }
0x3d2: {  	s8 =	sadd.s32 $0x4, s8;
	v9 =	vld [tilespmem:s0+$0xADA0];
	s0 =	sor.u32 s24, s23;
	[tilespmem:s2+$0xFFFFFFD0] =	vst v4  }
0x3d3: {  	p1 =	slt.u32 s8, $0x3C;
	v4 =	vld [tilespmem:s0+$0x8DB0];
	v6 =	vadd.bf16 v6, v3;
	v11 =	vshll.u32 v7, $0x10;
	v3 =	vand.u32 $0xFFFF0000, v7;
	[tilespmem:s2+$0xFFFFFFE0] =	vst v8;
	s2 =	sadd.s32 $0x400, s2  }
.Ltmp51:
0x3d4: {  	v7 =	vld [tilespmem:s0+$0xADB0];
	[tilespmem:s2+$0x0] =	vst v3;
	(pc) =	sbr.rel @p1 .LBB2_91-.Ltmp51, $4  }
0x3d5: {  	v3 =	vld [tilespmem:s0+$0x8D80];
	v8 =	vshll.u32 v6, $0x10;
	v12 =	vand.u32 $0xFFFF0000, v6;
	v5 =	vadd.bf16 v5, v2;
	[tilespmem:s2+$0xFFFFFFF0] =	vst v11  }
0x3d6: {  	v6 =	vld [tilespmem:s0+$0xAD80];
	[tilespmem:s2+$0xFFFFFF90] =	vst v8  }
0x3d7: {  	v2 =	vld [tilespmem:s0+$0x8D90];
	[tilespmem:s2+$0xFFFFFFA0] =	vst v12;
	v11 =	vshll.u32 v5, $0x10;
	v8 =	vand.u32 $0xFFFF0000, v5;
	v9 =	vadd.bf16 v9, v10  }
0x3d8: {  	s19 =	sadd.s32 $0x40, s19;
	s20 =	sadd.s32 $0x200, s20;
	v5 =	vld [tilespmem:s0+$0xAD90];
	[tilespmem:s2+$0xFFFFFFB0] =	vst v11  }
0x3d9: {  	s8 =	smov.u32 s0  }
.LBB2_93:
0x3da: {  	v10 =	vld [tilespmem:s8+$0x8DA0];
	v4 =	vadd.bf16 v7, v4;
	[tilespmem:s2+$0xFFFFFFC0] =	vst @p0 v8;
	v7 =	vshll.u32 @p0 v9, $0x10  }
0x3db: {  	v8 =	vand.u32 @p0 $0xFFFF0000, v9;
	v63 =	vld [tilespmem:s8+$0xADA0];
	s0 =	sadd.s32 @p0 $0x400, s2;
	[tilespmem:s2+$0xFFFFFFD0] =	vst @p0 v7  }
0x3dc: {  	v3 =	vadd.bf16 v6, v3;
	[tilespmem:s2+$0xFFFFFFE0] =	vst @p0 v8;
	s22 =	smov.u32 @p0 s0;
	v6 =	vand.u32 $0xFFFF0000, v4  }
0x3dd: {  	v4 =	vshll.u32 v4, $0x10;
	[tilespmem:s22+$0x0] =	vst v6  }
0x3de: {  	v6 =	vshll.u32 v3, $0x10;
	v2 =	vadd.bf16 v5, v2;
	[tilespmem:s22+$0xFFFFFFF0] =	vst v4  }
0x3df: {  	v3 =	vand.u32 $0xFFFF0000, v3;
	[tilespmem:s22+$0xFFFFFF90] =	vst v6  }
0x3e0: {  	p0 =	por $0x0, $0x0;
	s0 =	simm.s32 $0x1;
	[tilespmem:s22+$0xFFFFFFA0] =	vst v3;
	v3 =	vshll.u32 v2, $0x10;
	v4 =	vadd.bf16 v63, v10  }
0x3e1: {  	s0 =	simm.s32 @!p0 $0x0;
	v2 =	vand.u32 $0xFFFF0000, v2;
	[tilespmem:s22+$0xFFFFFFB0] =	vst v3  }
0x3e2: {  	s0 =	sshll.u32 s0, $0x6;
	[tilespmem:s22+$0xFFFFFFC0] =	vst v2;
	v2 =	vshll.u32 v4, $0x10  }
0x3e3: {  	p2 =	por $0x1, $0x1;
	s8 =	sadd.s32 $0x0, s0;
	v3 =	vand.u32 $0xFFFF0000, v4;
	[tilespmem:s22+$0xFFFFFFD0] =	vst v2  }
.Ltmp52:
0x3e4: {  	s0 =	sor.u32 $0x230, s8;
	[tilespmem:s22+$0xFFFFFFE0] =	vst v3;
	(pc) =	sbr.rel @!p2 .LBB2_94-.Ltmp52, $4  }
0x3e5: {  	v2 =	vld [tilespmem:s0+$0x8C00]  }
0x3e6: {  	s31 =	sor.u32 $0x200, s8;
	v4 =	vld [tilespmem:s0+$0xAC00]  }
0x3e7: {  	s20 =	simm.s32 $0x14E70;
	v3 =	vld [tilespmem:s31+$0x8C00]  }
0x3e8: {  	p1 =	por !p0, !p0;
	s19 =	sor.u32 $0x220, s8;
	s22 =	sor.u32 $0x210, s8;
	v5 =	vld [tilespmem:s31+$0xAC00]  }
0x3e9: {  	s0 =	simm.s32 $0x1  }
0x3ea: {  	v8 =	vld [tilespmem:s22+$0x8C00];
	s0 =	simm.s32 @!p1 $0x0  }
0x3eb: {  	v10 =	vld [tilespmem:s22+$0xAC00];
	s0 =	sshll.u32 s0, $0x6  }
0x3ec: {  	v6 =	vld [tilespmem:s19+$0x8C00];
	p5 =	por $0x1, $0x1;
	v4 =	vadd.bf16 v4, v2;
	s2 =	sadd.s32 $0x200, s0  }
.Ltmp53:
0x3ed: {  	v7 =	vld [tilespmem:s19+$0xAC00];
	s31 =	sor.u32 $0x230, s2;
	(pc) =	sbr.rel @!p5 .LBB2_96-.Ltmp53, $4  }
0x3ee: {  	v5 =	vadd.bf16 v5, v3;
	v3 =	vand.u32 $0xFFFF0000, v4;
	v2 =	vld [tilespmem:s31+$0x8C00]  }
0x3ef: {  	s23 =	simm.s32 $0x200;
	s24 =	sor.u32 $0x200, s2;
	v9 =	vshll.u32 v4, $0x10;
	v4 =	vld [tilespmem:s31+$0xAC00];
	[tilespmem:s20+$0x0] =	vst v3  }
0x3f0: {  	p4 =	por !p1, !p1;
	p3 =	por $0x1, $0x1;
	s0 =	simm.s32 $0x4;
	v3 =	vld [tilespmem:s24+$0x8C00];
	[tilespmem:s20+$0xFFFFFFF0] =	vst v9;
	v11 =	vshll.u32 v5, $0x10  }
0x3f1: {  	s22 =	sor.u32 $0x210, s2;
	s19 =	sor.u32 $0x220, s2;
	s2 =	simm.s32 $0x14E70;
	v8 =	vadd.bf16 v10, v8;
	v9 =	vand.u32 $0xFFFF0000, v5;
	v5 =	vld [tilespmem:s24+$0xAC00];
	[tilespmem:s20+$0xFFFFFF90] =	vst v11  }
.LBB2_97:
0x3f2: {  	s24 =	simm.s32 $0x1  }
0x3f3: {  	s24 =	simm.s32 @!p4 $0x0  }
0x3f4: {  	v10 =	vld [tilespmem:s22+$0x8C00];
	[tilespmem:s2+$0xFFFFFFA0] =	vst v9;
	v9 =	vshll.u32 v8, $0x10;
	v8 =	vand.u32 $0xFFFF0000, v8;
	v7 =	vadd.bf16 v7, v6;
	s23 =	sadd.s32 $0x200, s23;
	s24 =	sshll.u32 s24, $0x6  }
0x3f5: {  	s0 =	sadd.s32 $0x4, s0;
	v11 =	vld [tilespmem:s22+$0xAC00];
	[tilespmem:s2+$0xFFFFFFB0] =	vst v9;
	s24 =	sadd.s32 s24, s23  }
0x3f6: {  	p5 =	slt.u32 s0, $0x3C;
	v4 =	vadd.bf16 v4, v2;
	v2 =	vshll.u32 v7, $0x10;
	v6 =	vld [tilespmem:s19+$0x8C00];
	[tilespmem:s2+$0xFFFFFFC0] =	vst v8;
	v8 =	vand.u32 $0xFFFF0000, v7;
	s25 =	sor.u32 $0x200, s24  }
.Ltmp54:
0x3f7: {  	s22 =	sor.u32 $0x210, s24;
	s28 =	sor.u32 $0x230, s24;
	v7 =	vld [tilespmem:s19+$0xAC00];
	[tilespmem:s2+$0xFFFFFFD0] =	vst v2;
	(pc) =	sbr.rel @p5 .LBB2_97-.Ltmp54, $4  }
0x3f8: {  	s19 =	sor.u32 $0x220, s24;
	v5 =	vadd.bf16 v5, v3;
	v12 =	vshll.u32 v4, $0x10;
	v3 =	vand.u32 $0xFFFF0000, v4;
	v2 =	vld [tilespmem:s28+$0x8C00];
	[tilespmem:s2+$0xFFFFFFE0] =	vst v8;
	s2 =	sadd.s32 $0x400, s2  }
0x3f9: {  	v4 =	vld [tilespmem:s28+$0xAC00];
	[tilespmem:s2+$0x0] =	vst v3  }
0x3fa: {  	v13 =	vshll.u32 v5, $0x10;
	v9 =	vand.u32 $0xFFFF0000, v5;
	v3 =	vld [tilespmem:s25+$0x8C00];
	v8 =	vadd.bf16 v11, v10;
	[tilespmem:s2+$0xFFFFFFF0] =	vst v12  }
0x3fb: {  	p4 =	por !p4, !p4;
	v5 =	vld [tilespmem:s25+$0xAC00];
	[tilespmem:s2+$0xFFFFFF90] =	vst v13  }
.LBB2_98:
0x3fc: {  	v10 =	vld [tilespmem:s22+$0x8C00];
	[tilespmem:s2+$0xFFFFFFA0] =	vst @p3 v9;
	v9 =	vshll.u32 @p3 v8, $0x10;
	v6 =	vadd.bf16 @p3 v7, v6  }
0x3fd: {  	v7 =	vand.u32 @p3 $0xFFFF0000, v8;
	v62 =	vld [tilespmem:s22+$0xAC00];
	[tilespmem:s2+$0xFFFFFFB0] =	vst @p3 v9  }
0x3fe: {  	v63 =	vld [tilespmem:s19+$0x8C00];
	[tilespmem:s2+$0xFFFFFFC0] =	vst @p3 v7;
	v2 =	vadd.bf16 v4, v2;
	v4 =	vshll.u32 @p3 v6, $0x10  }
0x3ff: {  	s0 =	sadd.s32 @p3 $0x400, s2;
	v7 =	vld [tilespmem:s19+$0xAC00];
	v6 =	vand.u32 @p3 $0xFFFF0000, v6;
	[tilespmem:s2+$0xFFFFFFD0] =	vst @p3 v4  }
0x400: {  	s20 =	smov.u32 @p3 s0;
	[tilespmem:s2+$0xFFFFFFE0] =	vst @p3 v6;
	v3 =	vadd.bf16 v5, v3;
	v4 =	vand.u32 $0xFFFF0000, v2  }
0x401: {  	v2 =	vshll.u32 v2, $0x10;
	[tilespmem:s20+$0x0] =	vst v4  }
0x402: {  	v5 =	vadd.bf16 v62, v10;
	[tilespmem:s20+$0xFFFFFFF0] =	vst v2;
	v4 =	vshll.u32 v3, $0x10  }
0x403: {  	v2 =	vand.u32 $0xFFFF0000, v3;
	[tilespmem:s20+$0xFFFFFF90] =	vst v4  }
0x404: {  	v3 =	vadd.bf16 v7, v63;
	[tilespmem:s20+$0xFFFFFFA0] =	vst v2;
	v2 =	vshll.u32 v5, $0x10  }
0x405: {  	v4 =	vand.u32 $0xFFFF0000, v5;
	[tilespmem:s20+$0xFFFFFFB0] =	vst v2  }
0x406: {  	[tilespmem:s20+$0xFFFFFFC0] =	vst v4;
	v2 =	vshll.u32 v3, $0x10  }
0x407: {  	v3 =	vand.u32 $0xFFFF0000, v3;
	[tilespmem:s20+$0xFFFFFFD0] =	vst v2  }
.Ltmp55:
0x408: {  	s29 =	sor.u32 $0x2B0, s8;
	[tilespmem:s20+$0xFFFFFFE0] =	vst v3;
	(pc) =	sbr.rel @!p2 .LBB2_99-.Ltmp55, $4  }
0x409: {  	v2 =	vld [tilespmem:s29+$0x8C00]  }
0x40a: {  	s31 =	sor.u32 $0x280, s8;
	v4 =	vld [tilespmem:s29+$0xAC00]  }
0x40b: {  	v3 =	vld [tilespmem:s31+$0x8C00]  }
0x40c: {  	s0 =	sor.u32 $0x290, s8;
	s8 =	sor.u32 $0x2A0, s8;
	s20 =	simm.s32 $0x14EF0;
	v5 =	vld [tilespmem:s31+$0xAC00]  }
0x40d: {  	s2 =	simm.s32 $0x1  }
0x40e: {  	v8 =	vld [tilespmem:s0+$0x8C00];
	s2 =	simm.s32 @!p1 $0x0  }
0x40f: {  	v10 =	vld [tilespmem:s0+$0xAC00];
	s2 =	sshll.u32 s2, $0x6  }
0x410: {  	v6 =	vld [tilespmem:s8+$0x8C00];
	p2 =	por $0x1, $0x1;
	v4 =	vadd.bf16 v4, v2;
	s2 =	sadd.s32 $0x200, s2  }
.Ltmp56:
0x411: {  	v7 =	vld [tilespmem:s8+$0xAC00];
	s31 =	sor.u32 $0x2B0, s2;
	(pc) =	sbr.rel @!p2 .LBB2_101-.Ltmp56, $4  }
0x412: {  	v5 =	vadd.bf16 v5, v3;
	v3 =	vand.u32 $0xFFFF0000, v4;
	v2 =	vld [tilespmem:s31+$0x8C00]  }
0x413: {  	s19 =	simm.s32 $0x4;
	s23 =	sor.u32 $0x280, s2;
	v9 =	vshll.u32 v4, $0x10;
	v4 =	vld [tilespmem:s31+$0xAC00];
	[tilespmem:s20+$0x0] =	vst v3  }
0x414: {  	s22 =	simm.s32 $0x200;
	p0 =	por $0x1, $0x1;
	p1 =	por !p1, !p1;
	v3 =	vld [tilespmem:s23+$0x8C00];
	[tilespmem:s20+$0xFFFFFFF0] =	vst v9;
	v11 =	vshll.u32 v5, $0x10  }
0x415: {  	s0 =	sor.u32 $0x290, s2;
	s8 =	sor.u32 $0x2A0, s2;
	s2 =	simm.s32 $0x14EF0;
	v8 =	vadd.bf16 v10, v8;
	v9 =	vand.u32 $0xFFFF0000, v5;
	v5 =	vld [tilespmem:s23+$0xAC00];
	[tilespmem:s20+$0xFFFFFF90] =	vst v11  }
.LBB2_102:
0x416: {  	s23 =	simm.s32 $0x1  }
0x417: {  	s23 =	simm.s32 @!p1 $0x0  }
0x418: {  	v10 =	vld [tilespmem:s0+$0x8C00];
	[tilespmem:s2+$0xFFFFFFA0] =	vst v9;
	v9 =	vshll.u32 v8, $0x10;
	v8 =	vand.u32 $0xFFFF0000, v8;
	v7 =	vadd.bf16 v7, v6;
	s22 =	sadd.s32 $0x200, s22;
	s23 =	sshll.u32 s23, $0x6  }
0x419: {  	s19 =	sadd.s32 $0x4, s19;
	v11 =	vld [tilespmem:s0+$0xAC00];
	[tilespmem:s2+$0xFFFFFFB0] =	vst v9;
	s23 =	sadd.s32 s23, s22  }
0x41a: {  	p2 =	slt.u32 s19, $0x3C;
	v4 =	vadd.bf16 v4, v2;
	v2 =	vshll.u32 v7, $0x10;
	v6 =	vld [tilespmem:s8+$0x8C00];
	[tilespmem:s2+$0xFFFFFFC0] =	vst v8;
	v8 =	vand.u32 $0xFFFF0000, v7;
	s24 =	sor.u32 $0x280, s23  }
.Ltmp57:
0x41b: {  	s0 =	sor.u32 $0x290, s23;
	s25 =	sor.u32 $0x2B0, s23;
	v7 =	vld [tilespmem:s8+$0xAC00];
	[tilespmem:s2+$0xFFFFFFD0] =	vst v2;
	(pc) =	sbr.rel @p2 .LBB2_102-.Ltmp57, $4  }
0x41c: {  	s8 =	sor.u32 $0x2A0, s23;
	v5 =	vadd.bf16 v5, v3;
	v12 =	vshll.u32 v4, $0x10;
	v3 =	vand.u32 $0xFFFF0000, v4;
	v2 =	vld [tilespmem:s25+$0x8C00];
	[tilespmem:s2+$0xFFFFFFE0] =	vst v8;
	s2 =	sadd.s32 $0x400, s2  }
0x41d: {  	v4 =	vld [tilespmem:s25+$0xAC00];
	[tilespmem:s2+$0x0] =	vst v3  }
0x41e: {  	v13 =	vshll.u32 v5, $0x10;
	v9 =	vand.u32 $0xFFFF0000, v5;
	v3 =	vld [tilespmem:s24+$0x8C00];
	v8 =	vadd.bf16 v11, v10;
	[tilespmem:s2+$0xFFFFFFF0] =	vst v12  }
0x41f: {  	p1 =	por !p1, !p1;
	v5 =	vld [tilespmem:s24+$0xAC00];
	[tilespmem:s2+$0xFFFFFF90] =	vst v13  }
.LBB2_103:
0x420: {  	v10 =	vld [tilespmem:s0+$0x8C00];
	[tilespmem:s2+$0xFFFFFFA0] =	vst @p0 v9;
	v9 =	vshll.u32 @p0 v8, $0x10;
	v6 =	vadd.bf16 @p0 v7, v6  }
0x421: {  	v7 =	vand.u32 @p0 $0xFFFF0000, v8;
	v62 =	vld [tilespmem:s0+$0xAC00];
	[tilespmem:s2+$0xFFFFFFB0] =	vst @p0 v9  }
0x422: {  	v63 =	vld [tilespmem:s8+$0x8C00];
	[tilespmem:s2+$0xFFFFFFC0] =	vst @p0 v7;
	v2 =	vadd.bf16 v4, v2;
	v4 =	vshll.u32 @p0 v6, $0x10  }
0x423: {  	s0 =	sadd.s32 @p0 $0x400, s2;
	v7 =	vld [tilespmem:s8+$0xAC00];
	v6 =	vand.u32 @p0 $0xFFFF0000, v6;
	[tilespmem:s2+$0xFFFFFFD0] =	vst @p0 v4  }
0x424: {  	s20 =	smov.u32 @p0 s0;
	[tilespmem:s2+$0xFFFFFFE0] =	vst @p0 v6;
	v3 =	vadd.bf16 v5, v3;
	v4 =	vand.u32 $0xFFFF0000, v2  }
0x425: {  	v2 =	vshll.u32 v2, $0x10;
	[tilespmem:s20+$0x0] =	vst v4  }
0x426: {  	v5 =	vadd.bf16 v62, v10;
	[tilespmem:s20+$0xFFFFFFF0] =	vst v2;
	v4 =	vshll.u32 v3, $0x10  }
0x427: {  	v2 =	vand.u32 $0xFFFF0000, v3;
	[tilespmem:s20+$0xFFFFFF90] =	vst v4  }
0x428: {  	s0 =	simm.s32 $0x1;
	p0 =	por $0x0, $0x0;
	v3 =	vadd.bf16 v7, v63;
	[tilespmem:s20+$0xFFFFFFA0] =	vst v2;
	v2 =	vshll.u32 v5, $0x10  }
0x429: {  	s0 =	simm.s32 @!p0 $0x0;
	v4 =	vand.u32 $0xFFFF0000, v5;
	[tilespmem:s20+$0xFFFFFFB0] =	vst v2  }
0x42a: {  	s0 =	sshll.u32 s0, $0x6;
	[tilespmem:s20+$0xFFFFFFC0] =	vst v4;
	v2 =	vshll.u32 v3, $0x10  }
0x42b: {  	p1 =	por $0x1, $0x1;
	s0 =	sadd.s32 $0x0, s0;
	v3 =	vand.u32 $0xFFFF0000, v3;
	[tilespmem:s20+$0xFFFFFFD0] =	vst v2  }
.Ltmp58:
0x42c: {  	s31 =	sor.u32 $0x330, s0;
	[tilespmem:s20+$0xFFFFFFE0] =	vst v3;
	(pc) =	sbr.rel @!p1 .LBB2_104-.Ltmp58, $4  }
0x42d: {  	v2 =	vld [tilespmem:s31+$0x8C00]  }
0x42e: {  	s23 =	sor.u32 $0x300, s0;
	v4 =	vld [tilespmem:s31+$0xAC00]  }
0x42f: {  	s8 =	simm.s32 $0x14F70;
	p2 =	por !p0, !p0;
	v3 =	vld [tilespmem:s23+$0x8C00]  }
0x430: {  	s22 =	sor.u32 $0x310, s0;
	s19 =	sor.u32 $0x320, s0;
	s20 =	simm.s32 $0x0;
	v5 =	vld [tilespmem:s23+$0xAC00]  }
0x431: {  	s0 =	simm.s32 $0x1  }
0x432: {  	v8 =	vld [tilespmem:s22+$0x8C00];
	s0 =	simm.s32 @!p2 $0x0  }
0x433: {  	v10 =	vld [tilespmem:s22+$0xAC00];
	s0 =	sshll.u32 s0, $0x6  }
0x434: {  	v6 =	vld [tilespmem:s19+$0x8C00];
	p4 =	por $0x1, $0x1;
	v4 =	vadd.bf16 v4, v2;
	s2 =	sadd.s32 $0x200, s0  }
.Ltmp59:
0x435: {  	v7 =	vld [tilespmem:s19+$0xAC00];
	s31 =	sor.u32 $0x330, s2;
	(pc) =	sbr.rel @!p4 .LBB2_106-.Ltmp59, $4  }
0x436: {  	v5 =	vadd.bf16 v5, v3;
	v3 =	vand.u32 $0xFFFF0000, v4;
	v2 =	vld [tilespmem:s31+$0x8C00]  }
0x437: {  	s23 =	simm.s32 $0x200;
	s24 =	sor.u32 $0x300, s2;
	v9 =	vshll.u32 v4, $0x10;
	v4 =	vld [tilespmem:s31+$0xAC00];
	[tilespmem:s8+$0x0] =	vst v3  }
0x438: {  	p3 =	por !p2, !p2;
	p2 =	por $0x1, $0x1;
	s0 =	simm.s32 $0x4;
	v3 =	vld [tilespmem:s24+$0x8C00];
	[tilespmem:s8+$0xFFFFFFF0] =	vst v9;
	v11 =	vshll.u32 v5, $0x10  }
0x439: {  	s22 =	sor.u32 $0x310, s2;
	s19 =	sor.u32 $0x320, s2;
	s2 =	simm.s32 $0x14F70;
	v8 =	vadd.bf16 v10, v8;
	v9 =	vand.u32 $0xFFFF0000, v5;
	v5 =	vld [tilespmem:s24+$0xAC00];
	[tilespmem:s8+$0xFFFFFF90] =	vst v11  }
.LBB2_107:
0x43a: {  	s24 =	simm.s32 $0x1  }
0x43b: {  	s24 =	simm.s32 @!p3 $0x0  }
0x43c: {  	v10 =	vld [tilespmem:s22+$0x8C00];
	[tilespmem:s2+$0xFFFFFFA0] =	vst v9;
	v9 =	vshll.u32 v8, $0x10;
	v8 =	vand.u32 $0xFFFF0000, v8;
	v7 =	vadd.bf16 v7, v6;
	s23 =	sadd.s32 $0x200, s23;
	s24 =	sshll.u32 s24, $0x6  }
0x43d: {  	s0 =	sadd.s32 $0x4, s0;
	v11 =	vld [tilespmem:s22+$0xAC00];
	[tilespmem:s2+$0xFFFFFFB0] =	vst v9;
	s24 =	sadd.s32 s24, s23  }
0x43e: {  	p4 =	slt.u32 s0, $0x3C;
	v4 =	vadd.bf16 v4, v2;
	v2 =	vshll.u32 v7, $0x10;
	v6 =	vld [tilespmem:s19+$0x8C00];
	[tilespmem:s2+$0xFFFFFFC0] =	vst v8;
	v8 =	vand.u32 $0xFFFF0000, v7;
	s25 =	sor.u32 $0x300, s24  }
.Ltmp60:
0x43f: {  	s22 =	sor.u32 $0x310, s24;
	s28 =	sor.u32 $0x330, s24;
	v7 =	vld [tilespmem:s19+$0xAC00];
	[tilespmem:s2+$0xFFFFFFD0] =	vst v2;
	(pc) =	sbr.rel @p4 .LBB2_107-.Ltmp60, $4  }
0x440: {  	s19 =	sor.u32 $0x320, s24;
	v5 =	vadd.bf16 v5, v3;
	v12 =	vshll.u32 v4, $0x10;
	v3 =	vand.u32 $0xFFFF0000, v4;
	v2 =	vld [tilespmem:s28+$0x8C00];
	[tilespmem:s2+$0xFFFFFFE0] =	vst v8;
	s2 =	sadd.s32 $0x400, s2  }
0x441: {  	v4 =	vld [tilespmem:s28+$0xAC00];
	[tilespmem:s2+$0x0] =	vst v3  }
0x442: {  	v13 =	vshll.u32 v5, $0x10;
	v9 =	vand.u32 $0xFFFF0000, v5;
	v3 =	vld [tilespmem:s25+$0x8C00];
	v8 =	vadd.bf16 v11, v10;
	[tilespmem:s2+$0xFFFFFFF0] =	vst v12  }
0x443: {  	p3 =	por !p3, !p3;
	v5 =	vld [tilespmem:s25+$0xAC00];
	[tilespmem:s2+$0xFFFFFF90] =	vst v13  }
.LBB2_108:
0x444: {  	v10 =	vld [tilespmem:s22+$0x8C00];
	[tilespmem:s2+$0xFFFFFFA0] =	vst @p2 v9;
	v9 =	vshll.u32 @p2 v8, $0x10;
	v6 =	vadd.bf16 @p2 v7, v6  }
0x445: {  	v7 =	vand.u32 @p2 $0xFFFF0000, v8;
	v8 =	vld [tilespmem:s22+$0xAC00];
	[tilespmem:s2+$0xFFFFFFB0] =	vst @p2 v9  }
0x446: {  	v63 =	vld [tilespmem:s19+$0x8C00];
	[tilespmem:s2+$0xFFFFFFC0] =	vst @p2 v7;
	v2 =	vadd.bf16 v4, v2;
	v4 =	vshll.u32 @p2 v6, $0x10  }
0x447: {  	s0 =	sadd.s32 @p2 $0x400, s2;
	v7 =	vld [tilespmem:s19+$0xAC00];
	v6 =	vand.u32 @p2 $0xFFFF0000, v6;
	[tilespmem:s2+$0xFFFFFFD0] =	vst @p2 v4  }
0x448: {  	s8 =	smov.u32 @p2 s0;
	[tilespmem:s2+$0xFFFFFFE0] =	vst @p2 v6;
	v3 =	vadd.bf16 v5, v3;
	v4 =	vand.u32 $0xFFFF0000, v2  }
0x449: {  	v2 =	vshll.u32 v2, $0x10;
	[tilespmem:s8+$0x0] =	vst v4  }
0x44a: {  	v5 =	vadd.bf16 v8, v10;
	[tilespmem:s8+$0xFFFFFFF0] =	vst v2;
	v4 =	vshll.u32 v3, $0x10  }
0x44b: {  	v2 =	vand.u32 $0xFFFF0000, v3;
	[tilespmem:s8+$0xFFFFFF90] =	vst v4  }
0x44c: {  	v3 =	vadd.bf16 v7, v63;
	[tilespmem:s8+$0xFFFFFFA0] =	vst v2;
	v2 =	vshll.u32 v5, $0x10  }
0x44d: {  	v4 =	vand.u32 $0xFFFF0000, v5;
	[tilespmem:s8+$0xFFFFFFB0] =	vst v2  }
0x44e: {  	[tilespmem:s8+$0xFFFFFFC0] =	vst v4;
	v2 =	vshll.u32 v3, $0x10  }
0x44f: {  	s28 =	sor.u32 s20, s20;
	v3 =	vand.u32 $0xFFFF0000, v3;
	[tilespmem:s8+$0xFFFFFFD0] =	vst v2  }
0x450: {  	s22 =	sor.u32 $0x3B0, s28;
	[tilespmem:s8+$0xFFFFFFE0] =	vst v3  }
0x451: {  	s29 =	sor.u32 $0x3A0, s28;
	v7 =	vld [tilespmem:s22+$0x8C00]  }
.Ltmp61:
0x452: {  	v13 =	vld [tilespmem:s29+$0xAC00];
	(pc) =	sbr.rel @!p1 .LBB2_109-.Ltmp61, $4  }
0x453: {  	s31 =	sor.u32 $0x380, s28;
	v14 =	vld [tilespmem:s29+$0x8C00]  }
0x454: {  	v2 =	vld [tilespmem:s31+$0xAC00]  }
0x455: {  	s20 =	sor.u32 $0x390, s28;
	v4 =	vld [tilespmem:s31+$0x8C00]  }
0x456: {  	s0 =	simm.s32 $0x40;
	s2 =	simm.s32 $0x200;
	s8 =	simm.s32 $0x14FF0;
	v3 =	vld [tilespmem:s20+$0xAC00]  }
0x457: {  	s0 =	sor.u32 s2, s0;
	v8 =	vld [tilespmem:s20+$0x8C00]  }
0x458: {  	v15 =	vld [tilespmem:s22+$0xAC00];
	s2 =	sor.u32 $0x3B0, s0  }
0x459: {  	p1 =	por $0x1, $0x1;
	s19 =	sor.u32 $0x3A0, s0;
	v5 =	vld [tilespmem:s2+$0x8C00]  }
.Ltmp62:
0x45a: {  	v9 =	vld [tilespmem:s19+$0xAC00];
	v4 =	vadd.bf16 v2, v4;
	(pc) =	sbr.rel @!p1 .LBB2_111-.Ltmp62, $4  }
0x45b: {  	s23 =	sor.u32 $0x380, s0;
	v6 =	vld [tilespmem:s19+$0x8C00]  }
0x45c: {  	s22 =	simm.s32 $0x4;
	v10 =	vadd.bf16 v13, v14;
	v2 =	vld [tilespmem:s23+$0xAC00];
	v11 =	vshll.u32 v4, $0x10;
	v12 =	vadd.bf16 v3, v8  }
0x45d: {  	s24 =	simm.s32 $0x400;
	p0 =	por $0x1, $0x1;
	s20 =	sor.u32 $0x390, s0;
	v13 =	vand.u32 $0xFFFF0000, v4;
	v4 =	vld [tilespmem:s23+$0x8C00];
	v8 =	vadd.bf16 v15, v7;
	[tilespmem:s8+$0xFFFFFF90] =	vst v11  }
0x45e: {  	s0 =	simm.s32 $0x14FF0;
	s19 =	simm.s32 $0x14FF0;
	s23 =	simm.s32 $0x80;
	v3 =	vld [tilespmem:s20+$0xAC00];
	v11 =	vshll.u32 v10, $0x10;
	v10 =	vand.u32 $0xFFFF0000, v10;
	[tilespmem:s8+$0xFFFFFFA0] =	vst v13;
	v15 =	vshll.u32 v12, $0x10  }
.LBB2_112:
0x45f: {  	s25 =	sor.u32 s24, s23;
	s22 =	sadd.s32 $0x4, s22;
	v7 =	vld [tilespmem:s20+$0x8C00];
	v12 =	vand.u32 $0xFFFF0000, v12;
	[tilespmem:s19+$0xFFFFFFB0] =	vst v15;
	s0 =	sadd.s32 $0x400, s0;
	v13 =	vmov v9  }
0x460: {  	v15 =	vshll.u32 v8, $0x10;
	s28 =	sor.u32 $0x380, s25;
	s29 =	sor.u32 $0x3A0, s25;
	v14 =	vld [tilespmem:s2+$0xAC00];
	s2 =	sor.u32 $0x3B0, s25;
	[tilespmem:s19+$0xFFFFFFC0] =	vst v12  }
0x461: {  	p1 =	slt.u32 s22, $0x3C;
	v16 =	vld [tilespmem:s2+$0x8C00];
	[tilespmem:s19+$0xFFFFFFD0] =	vst v11  }
.Ltmp63:
0x462: {  	s20 =	sor.u32 $0x390, s25;
	v9 =	vld [tilespmem:s29+$0xAC00];
	v4 =	vadd.bf16 v2, v4;
	[tilespmem:s19+$0xFFFFFFE0] =	vst v10;
	v2 =	vand.u32 $0xFFFF0000, v8;
	(pc) =	sbr.rel @p1 .LBB2_112-.Ltmp63, $4  }
0x463: {  	v8 =	vadd.bf16 v13, v6;
	v6 =	vld [tilespmem:s29+$0x8C00];
	[tilespmem:s19+$0x0] =	vst v2  }
0x464: {  	v2 =	vld [tilespmem:s28+$0xAC00];
	v10 =	vshll.u32 v4, $0x10;
	v13 =	vand.u32 $0xFFFF0000, v4;
	v12 =	vadd.bf16 v3, v7;
	[tilespmem:s19+$0xFFFFFFF0] =	vst v15;
	s19 =	smov.u32 s0  }
0x465: {  	v11 =	vshll.u32 v8, $0x10;
	v4 =	vld [tilespmem:s28+$0x8C00];
	[tilespmem:s0+$0xFFFFFF90] =	vst v10;
	v10 =	vand.u32 $0xFFFF0000, v8;
	v8 =	vadd.bf16 v14, v5  }
0x466: {  	s23 =	sadd.s32 $0x40, s23;
	s24 =	sadd.s32 $0x200, s24;
	v3 =	vld [tilespmem:s20+$0xAC00];
	[tilespmem:s0+$0xFFFFFFA0] =	vst v13;
	v15 =	vshll.u32 v12, $0x10;
	v5 =	vmov v16  }
0x467: {  	_ = 	snop  }
0x468: {  	v13 =	vmov v9;
	s22 =	smov.u32 s2;
	v7 =	vmov v5;
	v14 =	vmov v6  }
.LBB2_114:
0x469: {  	v5 =	vld [tilespmem:s20+$0x8C00];
	[tilespmem:s19+$0xFFFFFFB0] =	vst @p0 v15  }
0x46a: {  	[tilespmem:s19+$0xFFFFFFD0] =	vst @p0 v11  }
0x46b: {  	v6 =	vand.u32 @p0 $0xFFFF0000, v12;
	[tilespmem:s19+$0xFFFFFFE0] =	vst @p0 v10  }
0x46c: {  	[tilespmem:s19+$0xFFFFFFC0] =	vst @p0 v6;
	v2 =	vadd.bf16 v2, v4;
	v4 =	vand.u32 @p0 $0xFFFF0000, v8  }
0x46d: {  	s0 =	sadd.s32 @p0 $0x400, s0;
	v60 =	vld [tilespmem:s22+$0xAC00];
	v8 =	vshll.u32 @p0 v8, $0x10;
	[tilespmem:s19+$0x0] =	vst @p0 v4  }
0x46e: {  	s8 =	smov.u32 @p0 s0;
	[tilespmem:s19+$0xFFFFFFF0] =	vst @p0 v8;
	v61 =	vshll.u32 v2, $0x10;
	v3 =	vadd.bf16 v3, v5  }
0x46f: {  	v2 =	vand.u32 $0xFFFF0000, v2;
	[tilespmem:s8+$0xFFFFFF90] =	vst v61  }
0x470: {  	v62 =	vadd.bf16 v13, v14;
	[tilespmem:s8+$0xFFFFFFA0] =	vst v2;
	v2 =	vshll.u32 v3, $0x10  }
0x471: {  	s10 =	sadd.s32 $0x1, s10;
	v3 =	vand.u32 $0xFFFF0000, v3;
	[tilespmem:s8+$0xFFFFFFB0] =	vst v2  }
0x472: {  	p0 =	sne.s32 s10, $0x16;
	v63 =	vadd.bf16 v60, v7;
	v2 =	vshll.u32 v62, $0x10;
	[tilespmem:s8+$0xFFFFFFC0] =	vst v3  }
.Ltmp64:
0x473: {  	v3 =	vand.u32 $0xFFFF0000, v62;
	[tilespmem:s8+$0xFFFFFFD0] =	vst v2;
	(pc) =	sbr.rel @p0 .LBB2_4-.Ltmp64, $4  }
.Ltmp65:
0x474: {  	s31 =	sadd.s32 s26, s18;
	[tilespmem:s8+$0xFFFFFFE0] =	vst v3;
	v2 =	vand.u32 $0xFFFF0000, v63;
	(pc) =	sbr.rel @!p0 .LBB2_115-.Ltmp65, $4  }
0x475: {  	s0 =	sshll.u32 s31, $0xB;
	v3 =	vshll.u32 v63, $0x10;
	[tilespmem:s8+$0x0] =	vst v2  }
0x476: {  	s2 =	simm.s32 $0x14C00;
	s0 =	sadd.s32 s4, s0;
	[tilespmem:s8+$0xFFFFFFF0] =	vst v3  }
0x477: {  	[hbm4b:s0+s6] =	stream.linear.scatter [tilespmem:s2], [sflag:$0x6], $0x4000, $0x38;
	[tilespmem:$0x18C00] =	vst v63  }
0x478: {  	_ = 	snop  }
.LBB2_9:
.Ltmp66:
0x479: {  	(pc) =	sbr.rel .LBB2_14-.Ltmp66, $2  }
0x47a: {  	_ =	sdelay $0x2  }
0x47b: {  	s2 =	simm.s32 $0xCD70;
	p4 =	por $0x0, $0x0  }
.LBB2_15:
.Ltmp67:
0x47c: {  	(pc) =	sbr.rel .LBB2_20-.Ltmp67, $2  }
0x47d: {  	_ =	sdelay $0x2  }
0x47e: {  	s2 =	simm.s32 $0xCDF0  }
.LBB2_21:
.Ltmp68:
0x47f: {  	(pc) =	sbr.rel .LBB2_25-.Ltmp68, $2  }
0x480: {  	_ =	sdelay $0x2  }
0x481: {  	s2 =	simm.s32 $0xCE70;
	p5 =	por $0x0, $0x0  }
.LBB2_26:
.Ltmp69:
0x482: {  	(pc) =	sbr.rel .LBB2_30-.Ltmp69, $2  }
0x483: {  	_ =	sdelay $0x2  }
0x484: {  	s2 =	simm.s32 $0xCEF0  }
.LBB2_31:
.Ltmp70:
0x485: {  	(pc) =	sbr.rel .LBB2_35-.Ltmp70, $2  }
0x486: {  	_ =	sdelay $0x2  }
0x487: {  	s2 =	simm.s32 $0xCF70;
	p4 =	por $0x0, $0x0  }
.LBB2_36:
.Ltmp71:
0x488: {  	(pc) =	sbr.rel .LBB2_41-.Ltmp71, $2  }
0x489: {  	_ =	sdelay $0x2  }
0x48a: {  	s0 =	simm.s32 $0xCFF0  }
.LBB2_11:
.Ltmp72:
0x48b: {  	(pc) =	sbr.rel .LBB2_14-.Ltmp72, $2  }
0x48c: {  	_ =	sdelay $0x2  }
0x48d: {  	s8 =	smov.u32 s0;
	s2 =	simm.s32 $0xCD70  }
.LBB2_17:
.Ltmp73:
0x48e: {  	(pc) =	sbr.rel .LBB2_20-.Ltmp73, $2  }
0x48f: {  	_ =	sdelay $0x2  }
0x490: {  	s20 =	smov.u32 s0;
	s2 =	simm.s32 $0xCDF0  }
.LBB2_23:
.Ltmp74:
0x491: {  	(pc) =	sbr.rel .LBB2_25-.Ltmp74, $2  }
0x492: {  	_ =	sdelay $0x2  }
0x493: {  	s2 =	simm.s32 $0xCE70  }
.LBB2_28:
.Ltmp75:
0x494: {  	(pc) =	sbr.rel .LBB2_30-.Ltmp75, $2  }
0x495: {  	_ =	sdelay $0x2  }
0x496: {  	s2 =	simm.s32 $0xCEF0  }
.LBB2_33:
.Ltmp76:
0x497: {  	(pc) =	sbr.rel .LBB2_35-.Ltmp76, $2  }
0x498: {  	_ =	sdelay $0x2  }
0x499: {  	s2 =	simm.s32 $0xCF70  }
.LBB2_38:
.Ltmp77:
0x49a: {  	(pc) =	sbr.rel .LBB2_41-.Ltmp77, $2  }
0x49b: {  	_ =	sdelay $0x2  }
0x49c: {  	s8 =	simm.s32 $0xCFF0;
	s0 =	simm.s32 $0xCFF0;
	v13 =	vmov v9;
	s22 =	smov.u32 s2;
	v7 =	vmov v5;
	v14 =	vmov v6  }
.LBB2_47:
.Ltmp78:
0x49d: {  	(pc) =	sbr.rel .LBB2_51-.Ltmp78, $2  }
0x49e: {  	_ =	sdelay $0x2  }
0x49f: {  	s20 =	smov.u32 s2;
	s0 =	simm.s32 $0x10D70;
	p3 =	por $0x0, $0x0  }
.LBB2_52:
.Ltmp79:
0x4a0: {  	(pc) =	sbr.rel .LBB2_57-.Ltmp79, $2  }
0x4a1: {  	_ =	sdelay $0x2  }
0x4a2: {  	s19 =	simm.s32 $0x10DF0  }
.LBB2_58:
.Ltmp80:
0x4a3: {  	(pc) =	sbr.rel .LBB2_62-.Ltmp80, $2  }
0x4a4: {  	_ =	sdelay $0x2  }
0x4a5: {  	s2 =	simm.s32 $0x10E70;
	p4 =	por $0x0, $0x0  }
.LBB2_63:
.Ltmp81:
0x4a6: {  	(pc) =	sbr.rel .LBB2_67-.Ltmp81, $2  }
0x4a7: {  	_ =	sdelay $0x2  }
0x4a8: {  	s2 =	simm.s32 $0x10EF0  }
.LBB2_68:
.Ltmp82:
0x4a9: {  	(pc) =	sbr.rel .LBB2_72-.Ltmp82, $2  }
0x4aa: {  	_ =	sdelay $0x2  }
0x4ab: {  	s2 =	simm.s32 $0x10F70;
	p3 =	por $0x0, $0x0  }
.LBB2_73:
.Ltmp83:
0x4ac: {  	(pc) =	sbr.rel .LBB2_78-.Ltmp83, $2  }
0x4ad: {  	_ =	sdelay $0x2  }
0x4ae: {  	s0 =	simm.s32 $0x10FF0  }
.LBB2_83:
.Ltmp84:
0x4af: {  	(pc) =	sbr.rel .LBB2_87-.Ltmp84, $2  }
0x4b0: {  	_ =	sdelay $0x2  }
0x4b1: {  	s2 =	smov.u32 s8;
	s0 =	simm.s32 $0x14D70;
	p2 =	por $0x0, $0x0  }
.LBB2_88:
.Ltmp85:
0x4b2: {  	(pc) =	sbr.rel .LBB2_93-.Ltmp85, $2  }
0x4b3: {  	_ =	sdelay $0x2  }
0x4b4: {  	s2 =	simm.s32 $0x14DF0  }
.LBB2_94:
.Ltmp86:
0x4b5: {  	(pc) =	sbr.rel .LBB2_98-.Ltmp86, $2  }
0x4b6: {  	_ =	sdelay $0x2  }
0x4b7: {  	s2 =	simm.s32 $0x14E70;
	p3 =	por $0x0, $0x0  }
.LBB2_99:
.Ltmp87:
0x4b8: {  	(pc) =	sbr.rel .LBB2_103-.Ltmp87, $2  }
0x4b9: {  	_ =	sdelay $0x2  }
0x4ba: {  	s2 =	simm.s32 $0x14EF0  }
.LBB2_104:
.Ltmp88:
0x4bb: {  	(pc) =	sbr.rel .LBB2_108-.Ltmp88, $2  }
0x4bc: {  	_ =	sdelay $0x2  }
0x4bd: {  	s2 =	simm.s32 $0x14F70;
	p2 =	por $0x0, $0x0  }
.LBB2_109:
.Ltmp89:
0x4be: {  	(pc) =	sbr.rel .LBB2_114-.Ltmp89, $2  }
0x4bf: {  	_ =	sdelay $0x2  }
0x4c0: {  	s0 =	simm.s32 $0x14FF0  }
.LBB2_49:
.Ltmp90:
0x4c1: {  	(pc) =	sbr.rel .LBB2_51-.Ltmp90, $2  }
0x4c2: {  	_ =	sdelay $0x2  }
0x4c3: {  	s0 =	simm.s32 $0x10D70  }
.LBB2_54:
.Ltmp91:
0x4c4: {  	(pc) =	sbr.rel .LBB2_57-.Ltmp91, $2  }
0x4c5: {  	_ =	sdelay $0x2  }
0x4c6: {  	s2 =	smov.u32 s0;
	s19 =	simm.s32 $0x10DF0  }
.LBB2_60:
.Ltmp92:
0x4c7: {  	(pc) =	sbr.rel .LBB2_62-.Ltmp92, $2  }
0x4c8: {  	_ =	sdelay $0x2  }
0x4c9: {  	s2 =	simm.s32 $0x10E70  }
.LBB2_65:
.Ltmp93:
0x4ca: {  	(pc) =	sbr.rel .LBB2_67-.Ltmp93, $2  }
0x4cb: {  	_ =	sdelay $0x2  }
0x4cc: {  	s2 =	simm.s32 $0x10EF0  }
.LBB2_70:
.Ltmp94:
0x4cd: {  	(pc) =	sbr.rel .LBB2_72-.Ltmp94, $2  }
0x4ce: {  	_ =	sdelay $0x2  }
0x4cf: {  	s2 =	simm.s32 $0x10F70  }
.LBB2_75:
.Ltmp95:
0x4d0: {  	(pc) =	sbr.rel .LBB2_78-.Ltmp95, $2  }
0x4d1: {  	_ =	sdelay $0x2  }
0x4d2: {  	s19 =	simm.s32 $0x10FF0;
	s0 =	simm.s32 $0x10FF0;
	v13 =	vmov v9;
	s23 =	smov.u32 s2;
	v7 =	vmov v5;
	v14 =	vmov v6  }
.LBB2_85:
.Ltmp96:
0x4d3: {  	(pc) =	sbr.rel .LBB2_87-.Ltmp96, $2  }
0x4d4: {  	_ =	sdelay $0x2  }
0x4d5: {  	s0 =	simm.s32 $0x14D70  }
.LBB2_90:
.Ltmp97:
0x4d6: {  	(pc) =	sbr.rel .LBB2_93-.Ltmp97, $2  }
0x4d7: {  	_ =	sdelay $0x2  }
0x4d8: {  	s8 =	smov.u32 s0;
	s2 =	simm.s32 $0x14DF0  }
.LBB2_96:
.Ltmp98:
0x4d9: {  	(pc) =	sbr.rel .LBB2_98-.Ltmp98, $2  }
0x4da: {  	_ =	sdelay $0x2  }
0x4db: {  	s2 =	simm.s32 $0x14E70  }
.LBB2_101:
.Ltmp99:
0x4dc: {  	(pc) =	sbr.rel .LBB2_103-.Ltmp99, $2  }
0x4dd: {  	_ =	sdelay $0x2  }
0x4de: {  	s2 =	simm.s32 $0x14EF0  }
.LBB2_106:
.Ltmp100:
0x4df: {  	(pc) =	sbr.rel .LBB2_108-.Ltmp100, $2  }
0x4e0: {  	_ =	sdelay $0x2  }
0x4e1: {  	s2 =	simm.s32 $0x14F70  }
.LBB2_111:
.Ltmp101:
0x4e2: {  	(pc) =	sbr.rel .LBB2_114-.Ltmp101, $2  }
0x4e3: {  	_ =	sdelay $0x2  }
0x4e4: {  	s19 =	simm.s32 $0x14FF0;
	s0 =	simm.s32 $0x14FF0;
	v13 =	vmov v9;
	s22 =	smov.u32 s2;
	v7 =	vmov v5;
	v14 =	vmov v6  }
.LBB2_116:
0x4e5: {  	_ =	sfence.sel $0x180000  }
0x4e6: {  	[bflag:$0x0] =	sbarrier.arrive $0xFFFF  }
0x4e7: {  	_ =	strace $0x90000047  }
0x4e8: {  	s0 =	stileid.u32;
	[bflag:$0x2] =	sbarrier.arrive $0xFFFF  }
0x4e9: {  	p0 =	sne.s32 s0, $0x0;
	s0 =	rddreg [dreg:$0x4]  }
0x4ea: {  	s0 =	sadd.s32 @!p0 $0x100000, s0  }
0x4eb: {  	[sflag:s0] =	ssyncadd.tile.s32 @!p0 $0x1;
	_ =	shalt  }
.Lfunc_end2:
_tile_overlayer_lowered:
.L_overlay_start_2:
0x4ec: {  	(tag) =	ssettag $0x2  }
0x4ed: {  	s0 =	rddreg [dreg:$0x0];
	s2 =	stileid.u32  }
0x4ee: {  	s1 =	rddreg [dreg:$0x1];
	p0 =	sne.s32 s2, $0x0  }
0x4ef: {  	s3 =	rddreg [dreg:$0x2];
	[bflag:$0x3] =	sbarrier.arrive $0xFFFF;
	s2 =	simm.s32 @!p0 $0x1C07  }
0x4f0: {  	[timem:s3], [sflag:s2] =	dma.local @!p0 [hbm:s0], s1  }
0x4f1: {  	s0 =	simm.s32 @!p0 $0x7  }
0x4f2: {  	_ =	swait.ge @!p0 [sflag:s0], s1  }
0x4f3: {  	s1 =	ssub.s32 @!p0 $0x0, s1;
	[sflag:s0] =	ssyncset.done @!p0 $0x0  }
0x4f4: {  	[sflag:s0] =	ssyncadd.s32 @!p0 s1  }
0x4f5: {  	[bflag:$0x3] =	sbarrier.arrive $0xFFFF  }
0x4f6: {  	_ =	shalt  }

</sc_bundles>
